<compile_context>
chip_gen: v7x
topology: tpu7x:2x2x1
jax: 0.10.2.dev20260603
libtpu: 0.0.44.dev20260713+nightly
codegen_flags: <defaults>
</compile_context>

<pallas_src>
import functools

import jax
import jax.numpy as jnp
from jax import lax
from jax.experimental import pallas as pl
from jax.experimental.pallas import tpu as pltpu
from jax.experimental.pallas import tpu_sc as plsc

N = 100000
D = 128
DW = D // 2
R1T = 506
R2T = 360
RT = R1T + R2T
C = 400
NCHUNK = N // C
NQ = 2
CQ = C // NQ
UNROLL = 4
L = 16

_info = plsc.get_sparse_core_info()
NC, NS = _info.num_cores, _info.num_subcores
NW = NC * NS
GMAX = -(-NCHUNK // NW)


def _featurize_sc(tblp, wp, i_at, i_dg, i_ch, i_hy, i_nh, i_cr, f0, f1, f2):
    mesh = plsc.VectorSubcoreMesh(core_axis_name="c", subcore_axis_name="s")

    @functools.partial(
        pl.kernel,
        mesh=mesh,
        compiler_params=pltpu.CompilerParams(needs_layout_passes=False),
        out_type=jax.ShapeDtypeStruct((N, D), jnp.float32),
        scratch_types=(
            [pltpu.VMEM((RT * DW,), jnp.int32),
             pltpu.VMEM((3, DW), jnp.int32)]
            + [pltpu.VMEM((C,), jnp.int32) for _ in range(6)]
            + [pltpu.VMEM((C,), jnp.float32) for _ in range(3)]
            + [pltpu.VMEM((C,), jnp.int32),
               pltpu.VMEM((C,), jnp.int32),
               pltpu.VMEM((C,), jnp.float32)]
            + [pltpu.VMEM((C, D), jnp.float32)]
            + [pltpu.SemaphoreType.DMA for _ in range(2)]
        ),
    )
    def k(tbl_h, w_h, at_h, dg_h, ch_h, hy_h, nh_h, cr_h, f0_h, f1_h, f2_h,
          out_h, tbl_v, w_v, i0_v, i1_v, i2_v, i3_v, i4_v, i5_v,
          rf0, rf1, rf2, cpk_v, f01_v, f2s_v, rows_v, sem_in, sem_out):
        wid = lax.axis_index("s") * NC + lax.axis_index("c")
        pltpu.sync_copy(tbl_h, tbl_v)
        pltpu.sync_copy(w_h, w_v)
        wrow = [[plsc.bitcast(w_v[j, pl.ds(L * w, L)], jnp.bfloat16)
                 for w in range(DW // L)] for j in range(3)]

        idx_in = (at_h, dg_h, ch_h, hy_h, nh_h, cr_h)
        idx_v = (i0_v, i1_v, i2_v, i3_v, i4_v, i5_v)
        f_in = (f0_h, f1_h, f2_h)
        f_v = (rf0, rf1, rf2)

        def issue_inputs(cid):
            base = cid * C
            for j in range(6):
                pltpu.async_copy(idx_in[j].at[pl.ds(base, C)], idx_v[j],
                                 sem_in)
            for j in range(3):
                pltpu.async_copy(f_in[j].at[pl.ds(base, C)], f_v[j], sem_in)

        def wait_inputs():
            for j in range(6):
                pltpu.make_async_copy(idx_in[j].at[pl.ds(0, C)], idx_v[j],
                                      sem_in).wait()
            for j in range(3):
                pltpu.make_async_copy(f_in[j].at[pl.ds(0, C)], f_v[j],
                                      sem_in).wait()

        def compute_chunk(cid, g):
            base = cid * C
            wait_inputs()

            for s in range(C // L):
                sl = pl.ds(s * L, L)
                c1 = i0_v[sl] * 11 + i2_v[sl]
                c2 = (i1_v[sl] * 60 + i3_v[sl] * 20 + i4_v[sl] * 4
                      + i5_v[sl] + R1T)
                cpk_v[sl] = c1 | (c2 << 10)
                f01_v[sl] = plsc.bitcast(
                    plsc.pack(rf0[sl], rf1[sl],
                              format=plsc.PackFormat.INTERLEAVED), jnp.int32)
                f2s_v[sl] = rf2[sl]

            @pl.when(cid + NW < NCHUNK)
            def _():
                issue_inputs(cid + NW)

            def atom_body(a):
                sp = jnp.full((L,), a, jnp.int32)
                cw = plsc.load_gather(cpk_v, [sp])
                a1 = (cw & 1023) * DW
                a2 = (cw >> 10) * DW
                b01 = plsc.bitcast(plsc.load_gather(f01_v, [sp]),
                                   jnp.bfloat16)
                s0f, s1f = plsc.unpack(b01, format=plsc.PackFormat.INTERLEAVED)
                s2f = plsc.load_gather(f2s_v, [sp])
                s0b = plsc.pack(s0f, s0f, format=plsc.PackFormat.INTERLEAVED)
                s1b = plsc.pack(s1f, s1f, format=plsc.PackFormat.INTERLEAVED)
                s2b = plsc.pack(s2f, s2f, format=plsc.PackFormat.INTERLEAVED)
                for w in range(DW // L):
                    col = lax.iota(jnp.int32, L) + (L * w)
                    g1 = plsc.bitcast(plsc.load_gather(tbl_v, [a1 + col]),
                                      jnp.bfloat16)
                    g2 = plsc.bitcast(plsc.load_gather(tbl_v, [a2 + col]),
                                      jnp.bfloat16)
                    acc = (g1 + g2 + s0b * wrow[0][w] + s1b * wrow[1][w]
                           + s2b * wrow[2][w])
                    lo, hi = plsc.unpack(acc, format=plsc.PackFormat.INTERLEAVED)
                    rows_v[a, pl.ds(L * w, L)] = lo
                    rows_v[a, pl.ds(DW + L * w, L)] = hi

            @pl.when(g > 0)
            def _():
                for q in range(NQ):
                    pltpu.make_async_copy(
                        rows_v.at[pl.ds(q * CQ, CQ)],
                        out_h.at[pl.ds(q * CQ, CQ)], sem_out).wait()

            for q in range(NQ):
                plsc.parallel_loop(q * CQ, (q + 1) * CQ, unroll=UNROLL)(
                    atom_body)
                pltpu.async_copy(
                    rows_v.at[pl.ds(q * CQ, CQ)],
                    out_h.at[pl.ds(base + q * CQ, CQ)], sem_out)

        issue_inputs(wid)

        def g_body(g, carry):
            cid = g * NW + wid

            @pl.when(cid < NCHUNK)
            def _():
                compute_chunk(cid, g)

            return carry

        lax.fori_loop(0, GMAX, g_body, 0)

        for q in range(NQ):
            pltpu.make_async_copy(
                rows_v.at[pl.ds(q * CQ, CQ)],
                out_h.at[pl.ds(q * CQ, CQ)], sem_out).wait()

    return k(tblp, wp, i_at, i_dg, i_ch, i_hy, i_nh, i_cr, f0, f1, f2)


def _pack_swizzled(x):
    xb = x.astype(jnp.bfloat16)
    pairs = jnp.stack([xb[:, :DW], xb[:, DW:]], axis=-1)
    return jax.lax.bitcast_convert_type(pairs, jnp.int32)


def kernel(atom_type, degree, charge, hybrid, num_h, chirality, scalar_feats,
           atom_table, degree_table, charge_table, hybrid_table, num_h_table,
           chirality_table, W, b):
    t1 = ((atom_table + b[None, :])[:, None, :]
          + charge_table[None, :, :]).reshape(R1T, D)
    t2 = (degree_table[:, None, None, None, :]
          + hybrid_table[None, :, None, None, :]
          + num_h_table[None, None, :, None, :]
          + chirality_table[None, None, None, :, :]).reshape(R2T, D)
    tbl = jnp.concatenate([t1, t2], axis=0)
    f0, f1, f2 = (scalar_feats[:, 0], scalar_feats[:, 1], scalar_feats[:, 2])
    return _featurize_sc(_pack_swizzled(tbl).reshape(-1), _pack_swizzled(W),
                         atom_type.astype(jnp.int32), degree.astype(jnp.int32),
                         charge.astype(jnp.int32), hybrid.astype(jnp.int32),
                         num_h.astype(jnp.int32), chirality.astype(jnp.int32),
                         f0, f1, f2)

# --- scband reference (transcript-rebuilt; emitter-appended) ---
"""Pipeline reference for scband-atom-featurizer-27616639713567 (READ-ONLY COPY).

The authoritative reference and input builder live on the scoring server;
editing this copy changes nothing except your own understanding.
"""

import jax, jax.numpy as jnp
import numpy as np

N = 100000
D = 128

def setup_inputs(seed: int = 0) -> dict:
    key = jax.random.key(seed)
    ks = jax.random.split(key, 16)
    atom_type = jax.random.randint(ks[0], (N,), 0, 46)
    degree = jax.random.randint(ks[1], (N,), 0, 6)
    charge = jax.random.randint(ks[2], (N,), 0, 11)
    hybrid = jax.random.randint(ks[3], (N,), 0, 3)
    num_h = jax.random.randint(ks[4], (N,), 0, 5)
    chirality = jax.random.randint(ks[5], (N,), 0, 4)
    scalar_feats = jax.random.uniform(ks[6], (N, 3), dtype=jnp.float32)
    atom_table = jax.random.normal(ks[7], (46, D), dtype=jnp.float32)
    degree_table = jax.random.normal(ks[8], (6, D), dtype=jnp.float32)
    charge_table = jax.random.normal(ks[9], (11, D), dtype=jnp.float32)
    hybrid_table = jax.random.normal(ks[10], (3, D), dtype=jnp.float32)
    num_h_table = jax.random.normal(ks[11], (5, D), dtype=jnp.float32)
    chirality_table = jax.random.normal(ks[12], (4, D), dtype=jnp.float32)
    W = jax.random.normal(ks[13], (3, D), dtype=jnp.float32) * (1.0 / np.sqrt(3.0))
    b = jax.random.normal(ks[14], (D,), dtype=jnp.float32) * 0.01
    return {
        'atom_type': atom_type, 'degree': degree, 'charge': charge,
        'hybrid': hybrid, 'num_h': num_h, 'chirality': chirality,
        'scalar_feats': scalar_feats,
        'atom_table': atom_table, 'degree_table': degree_table,
        'charge_table': charge_table, 'hybrid_table': hybrid_table,
        'num_h_table': num_h_table, 'chirality_table': chirality_table,
        'W': W, 'b': b,
    }

def reference(atom_type, degree, charge, hybrid, num_h, chirality,
              scalar_feats, atom_table, degree_table, charge_table,
              hybrid_table, num_h_table, chirality_table, W, b):
    # Batched, vectorized translation of the per-atom loop:
    # emb = sum of six embedding gathers + Linear(scalar_feats)
    emb = jnp.take(atom_table, atom_type, axis=0)
    emb = emb + jnp.take(degree_table, degree, axis=0)
    emb = emb + jnp.take(charge_table, charge, axis=0)
    emb = emb + jnp.take(hybrid_table, hybrid, axis=0)
    emb = emb + jnp.take(num_h_table, num_h, axis=0)
    emb = emb + jnp.take(chirality_table, chirality, axis=0)
    emb = emb + scalar_feats @ W + b
    return emb

if __name__ == "__main__":
    import jax
    _d = setup_inputs()
    print(jax.jit(kernel)(*tuple(_d.values())))

</pallas_src>

<mosaic_0001>
#map = affine_map<(d0, d1) -> (0)>
#map1 = affine_map<(d0, d1) -> (0, 0)>
module attributes {stable_mosaic.version = 14 : i64} {
  func.func @k(%arg0: i32, %arg1: i32, %arg2: memref<55424xi32, #tpu.memory_space<hbm>>, %arg3: memref<3x64xi32, #tpu.memory_space<hbm>>, %arg4: memref<100000xi32, #tpu.memory_space<hbm>>, %arg5: memref<100000xi32, #tpu.memory_space<hbm>>, %arg6: memref<100000xi32, #tpu.memory_space<hbm>>, %arg7: memref<100000xi32, #tpu.memory_space<hbm>>, %arg8: memref<100000xi32, #tpu.memory_space<hbm>>, %arg9: memref<100000xi32, #tpu.memory_space<hbm>>, %arg10: memref<100000xf32, #tpu.memory_space<hbm>>, %arg11: memref<100000xf32, #tpu.memory_space<hbm>>, %arg12: memref<100000xf32, #tpu.memory_space<hbm>>, %arg13: memref<100000x128xf32, #tpu.memory_space<hbm>>, %arg14: memref<55424xi32, #tpu.memory_space<vmem>>, %arg15: memref<3x64xi32, #tpu.memory_space<vmem>>, %arg16: memref<400xi32, #tpu.memory_space<vmem>>, %arg17: memref<400xi32, #tpu.memory_space<vmem>>, %arg18: memref<400xi32, #tpu.memory_space<vmem>>, %arg19: memref<400xi32, #tpu.memory_space<vmem>>, %arg20: memref<400xi32, #tpu.memory_space<vmem>>, %arg21: memref<400xi32, #tpu.memory_space<vmem>>, %arg22: memref<400xf32, #tpu.memory_space<vmem>>, %arg23: memref<400xf32, #tpu.memory_space<vmem>>, %arg24: memref<400xf32, #tpu.memory_space<vmem>>, %arg25: memref<400xi32, #tpu.memory_space<vmem>>, %arg26: memref<400xi32, #tpu.memory_space<vmem>>, %arg27: memref<400xf32, #tpu.memory_space<vmem>>, %arg28: memref<400x128xf32, #tpu.memory_space<vmem>>, %arg29: memref<!tpu.dma_semaphore, #tpu.memory_space<semaphore_mem>>, %arg30: memref<!tpu.dma_semaphore, #tpu.memory_space<semaphore_mem>>) attributes {dimension_semantics = [#tpu.dimension_semantics<core_parallel>, #tpu.dimension_semantics<subcore_parallel>], iteration_bounds = array<i64: 2, 16>, scalar_prefetch = 0 : i64, scratch_operands = 17 : i64, tpu.core_type = #tpu.core_type<sc_vector_subcore>, window_params = [{transform_indices = #map}, {transform_indices = #map1}, {transform_indices = #map}, {transform_indices = #map}, {transform_indices = #map}, {transform_indices = #map}, {transform_indices = #map}, {transform_indices = #map}, {transform_indices = #map}, {transform_indices = #map}, {transform_indices = #map}, {transform_indices = #map1}]} {
    %mul3A = arith.constant 2 : i32
    %mul3A_0 = arith.muli %arg1, %mul3A : i32
    %add3A = arith.addi %mul3A_0, %arg0 : i32
    "tpu.region"() ({
      %run_scoped3A = tpu.sem_alloc : memref<!tpu.dma_semaphore, #tpu.memory_space<semaphore_mem>>
      tpu.enqueue_dma source(%arg2 : memref<55424xi32, #tpu.memory_space<hbm>>) target(%arg14 : memref<55424xi32, #tpu.memory_space<vmem>>) target_semaphore(%run_scoped3A : memref<!tpu.dma_semaphore, #tpu.memory_space<semaphore_mem>>)
      tpu.wait_dma2 semaphore(%run_scoped3A : memref<!tpu.dma_semaphore, #tpu.memory_space<semaphore_mem>>) src(%arg2 : memref<55424xi32, #tpu.memory_space<hbm>>) dst(%arg14 : memref<55424xi32, #tpu.memory_space<vmem>>)
      tpu.yield
    }) : () -> ()
    "tpu.region"() ({
      %run_scoped3A = tpu.sem_alloc : memref<!tpu.dma_semaphore, #tpu.memory_space<semaphore_mem>>
      tpu.enqueue_dma source(%arg3 : memref<3x64xi32, #tpu.memory_space<hbm>>) target(%arg15 : memref<3x64xi32, #tpu.memory_space<vmem>>) target_semaphore(%run_scoped3A : memref<!tpu.dma_semaphore, #tpu.memory_space<semaphore_mem>>)
      tpu.wait_dma2 semaphore(%run_scoped3A : memref<!tpu.dma_semaphore, #tpu.memory_space<semaphore_mem>>) src(%arg3 : memref<3x64xi32, #tpu.memory_space<hbm>>) dst(%arg15 : memref<3x64xi32, #tpu.memory_space<vmem>>)
      tpu.yield
    }) : () -> ()
    %get3A = arith.constant 0 : i32
    %get3A_1 = arith.index_cast %get3A : i32 to index
    %get3A_2 = arith.constant 0 : index
    %get3A_3 = tpu.vector_load %arg15[%get3A_1, %get3A_2] {strides = array<i32>} : memref<3x64xi32, #tpu.memory_space<vmem>>, vector<16xi32>,
    %bitcast3A = vector.bitcast %get3A_3 : vector<16xi32> to vector<32xbf16>
    %get3A_4 = arith.constant 0 : i32
    %get3A_5 = arith.index_cast %get3A_4 : i32 to index
    %get3A_6 = arith.constant 16 : index
    %get3A_7 = tpu.vector_load %arg15[%get3A_5, %get3A_6] {strides = array<i32>} : memref<3x64xi32, #tpu.memory_space<vmem>>, vector<16xi32>,
    %bitcast3A_8 = vector.bitcast %get3A_7 : vector<16xi32> to vector<32xbf16>
    %get3A_9 = arith.constant 0 : i32
    %get3A_10 = arith.index_cast %get3A_9 : i32 to index
    %get3A_11 = arith.constant 32 : index
    %get3A_12 = tpu.vector_load %arg15[%get3A_10, %get3A_11] {strides = array<i32>} : memref<3x64xi32, #tpu.memory_space<vmem>>, vector<16xi32>,
    %bitcast3A_13 = vector.bitcast %get3A_12 : vector<16xi32> to vector<32xbf16>
    %get3A_14 = arith.constant 0 : i32
    %get3A_15 = arith.index_cast %get3A_14 : i32 to index
    %get3A_16 = arith.constant 48 : index
    %get3A_17 = tpu.vector_load %arg15[%get3A_15, %get3A_16] {strides = array<i32>} : memref<3x64xi32, #tpu.memory_space<vmem>>, vector<16xi32>,
    %bitcast3A_18 = vector.bitcast %get3A_17 : vector<16xi32> to vector<32xbf16>
    %get3A_19 = arith.constant 1 : i32
    %get3A_20 = arith.index_cast %get3A_19 : i32 to index
    %get3A_21 = arith.constant 0 : index
    %get3A_22 = tpu.vector_load %arg15[%get3A_20, %get3A_21] {strides = array<i32>} : memref<3x64xi32, #tpu.memory_space<vmem>>, vector<16xi32>,
    %bitcast3A_23 = vector.bitcast %get3A_22 : vector<16xi32> to vector<32xbf16>
    %get3A_24 = arith.constant 1 : i32
    %get3A_25 = arith.index_cast %get3A_24 : i32 to index
    %get3A_26 = arith.constant 16 : index
    %get3A_27 = tpu.vector_load %arg15[%get3A_25, %get3A_26] {strides = array<i32>} : memref<3x64xi32, #tpu.memory_space<vmem>>, vector<16xi32>,
    %bitcast3A_28 = vector.bitcast %get3A_27 : vector<16xi32> to vector<32xbf16>
    %get3A_29 = arith.constant 1 : i32
    %get3A_30 = arith.index_cast %get3A_29 : i32 to index
    %get3A_31 = arith.constant 32 : index
    %get3A_32 = tpu.vector_load %arg15[%get3A_30, %get3A_31] {strides = array<i32>} : memref<3x64xi32, #tpu.memory_space<vmem>>, vector<16xi32>,
    %bitcast3A_33 = vector.bitcast %get3A_32 : vector<16xi32> to vector<32xbf16>
    %get3A_34 = arith.constant 1 : i32
    %get3A_35 = arith.index_cast %get3A_34 : i32 to index
    %get3A_36 = arith.constant 48 : index
    %get3A_37 = tpu.vector_load %arg15[%get3A_35, %get3A_36] {strides = array<i32>} : memref<3x64xi32, #tpu.memory_space<vmem>>, vector<16xi32>,
    %bitcast3A_38 = vector.bitcast %get3A_37 : vector<16xi32> to vector<32xbf16>
    %get3A_39 = arith.constant 2 : i32
    %get3A_40 = arith.index_cast %get3A_39 : i32 to index
    %get3A_41 = arith.constant 0 : index
    %get3A_42 = tpu.vector_load %arg15[%get3A_40, %get3A_41] {strides = array<i32>} : memref<3x64xi32, #tpu.memory_space<vmem>>, vector<16xi32>,
    %bitcast3A_43 = vector.bitcast %get3A_42 : vector<16xi32> to vector<32xbf16>
    %get3A_44 = arith.constant 2 : i32
    %get3A_45 = arith.index_cast %get3A_44 : i32 to index
    %get3A_46 = arith.constant 16 : index
    %get3A_47 = tpu.vector_load %arg15[%get3A_45, %get3A_46] {strides = array<i32>} : memref<3x64xi32, #tpu.memory_space<vmem>>, vector<16xi32>,
    %bitcast3A_48 = vector.bitcast %get3A_47 : vector<16xi32> to vector<32xbf16>
    %get3A_49 = arith.constant 2 : i32
    %get3A_50 = arith.index_cast %get3A_49 : i32 to index
    %get3A_51 = arith.constant 32 : index
    %get3A_52 = tpu.vector_load %arg15[%get3A_50, %get3A_51] {strides = array<i32>} : memref<3x64xi32, #tpu.memory_space<vmem>>, vector<16xi32>,
    %bitcast3A_53 = vector.bitcast %get3A_52 : vector<16xi32> to vector<32xbf16>
    %get3A_54 = arith.constant 2 : i32
    %get3A_55 = arith.index_cast %get3A_54 : i32 to index
    %get3A_56 = arith.constant 48 : index
    %get3A_57 = tpu.vector_load %arg15[%get3A_55, %get3A_56] {strides = array<i32>} : memref<3x64xi32, #tpu.memory_space<vmem>>, vector<16xi32>,
    %bitcast3A_58 = vector.bitcast %get3A_57 : vector<16xi32> to vector<32xbf16>
    %mul3A_59 = arith.constant 400 : i32
    %mul3A_60 = arith.muli %add3A, %mul3A_59 : i32
    %dma_start3A = tpu.memref_slice %arg4[%mul3A_60] : memref<100000xi32, #tpu.memory_space<hbm>> -> memref<400xi32, #tpu.memory_space<hbm>>
    %dma_start3A_61 = tpu.memref_slice %arg4[%mul3A_60] : memref<100000xi32, #tpu.memory_space<hbm>> -> memref<400xi32, #tpu.memory_space<hbm>>
    tpu.enqueue_dma source(%dma_start3A_61 : memref<400xi32, #tpu.memory_space<hbm>>) target(%arg16 : memref<400xi32, #tpu.memory_space<vmem>>) target_semaphore(%arg29 : memref<!tpu.dma_semaphore, #tpu.memory_space<semaphore_mem>>)
    %dma_start3A_62 = tpu.memref_slice %arg5[%mul3A_60] : memref<100000xi32, #tpu.memory_space<hbm>> -> memref<400xi32, #tpu.memory_space<hbm>>
    %dma_start3A_63 = tpu.memref_slice %arg5[%mul3A_60] : memref<100000xi32, #tpu.memory_space<hbm>> -> memref<400xi32, #tpu.memory_space<hbm>>
    tpu.enqueue_dma source(%dma_start3A_63 : memref<400xi32, #tpu.memory_space<hbm>>) target(%arg17 : memref<400xi32, #tpu.memory_space<vmem>>) target_semaphore(%arg29 : memref<!tpu.dma_semaphore, #tpu.memory_space<semaphore_mem>>)
    %dma_start3A_64 = tpu.memref_slice %arg6[%mul3A_60] : memref<100000xi32, #tpu.memory_space<hbm>> -> memref<400xi32, #tpu.memory_space<hbm>>
    %dma_start3A_65 = tpu.memref_slice %arg6[%mul3A_60] : memref<100000xi32, #tpu.memory_space<hbm>> -> memref<400xi32, #tpu.memory_space<hbm>>
    tpu.enqueue_dma source(%dma_start3A_65 : memref<400xi32, #tpu.memory_space<hbm>>) target(%arg18 : memref<400xi32, #tpu.memory_space<vmem>>) target_semaphore(%arg29 : memref<!tpu.dma_semaphore, #tpu.memory_space<semaphore_mem>>)
    %dma_start3A_66 = tpu.memref_slice %arg7[%mul3A_60] : memref<100000xi32, #tpu.memory_space<hbm>> -> memref<400xi32, #tpu.memory_space<hbm>>
    %dma_start3A_67 = tpu.memref_slice %arg7[%mul3A_60] : memref<100000xi32, #tpu.memory_space<hbm>> -> memref<400xi32, #tpu.memory_space<hbm>>
    tpu.enqueue_dma source(%dma_start3A_67 : memref<400xi32, #tpu.memory_space<hbm>>) target(%arg19 : memref<400xi32, #tpu.memory_space<vmem>>) target_semaphore(%arg29 : memref<!tpu.dma_semaphore, #tpu.memory_space<semaphore_mem>>)
    %dma_start3A_68 = tpu.memref_slice %arg8[%mul3A_60] : memref<100000xi32, #tpu.memory_space<hbm>> -> memref<400xi32, #tpu.memory_space<hbm>>
    %dma_start3A_69 = tpu.memref_slice %arg8[%mul3A_60] : memref<100000xi32, #tpu.memory_space<hbm>> -> memref<400xi32, #tpu.memory_space<hbm>>
    tpu.enqueue_dma source(%dma_start3A_69 : memref<400xi32, #tpu.memory_space<hbm>>) target(%arg20 : memref<400xi32, #tpu.memory_space<vmem>>) target_semaphore(%arg29 : memref<!tpu.dma_semaphore, #tpu.memory_space<semaphore_mem>>)
    %dma_start3A_70 = tpu.memref_slice %arg9[%mul3A_60] : memref<100000xi32, #tpu.memory_space<hbm>> -> memref<400xi32, #tpu.memory_space<hbm>>
    %dma_start3A_71 = tpu.memref_slice %arg9[%mul3A_60] : memref<100000xi32, #tpu.memory_space<hbm>> -> memref<400xi32, #tpu.memory_space<hbm>>
    tpu.enqueue_dma source(%dma_start3A_71 : memref<400xi32, #tpu.memory_space<hbm>>) target(%arg21 : memref<400xi32, #tpu.memory_space<vmem>>) target_semaphore(%arg29 : memref<!tpu.dma_semaphore, #tpu.memory_space<semaphore_mem>>)
    %dma_start3A_72 = tpu.memref_slice %arg10[%mul3A_60] : memref<100000xf32, #tpu.memory_space<hbm>> -> memref<400xf32, #tpu.memory_space<hbm>>
    %dma_start3A_73 = tpu.memref_slice %arg10[%mul3A_60] : memref<100000xf32, #tpu.memory_space<hbm>> -> memref<400xf32, #tpu.memory_space<hbm>>
    tpu.enqueue_dma source(%dma_start3A_73 : memref<400xf32, #tpu.memory_space<hbm>>) target(%arg22 : memref<400xf32, #tpu.memory_space<vmem>>) target_semaphore(%arg29 : memref<!tpu.dma_semaphore, #tpu.memory_space<semaphore_mem>>)
    %dma_start3A_74 = tpu.memref_slice %arg11[%mul3A_60] : memref<100000xf32, #tpu.memory_space<hbm>> -> memref<400xf32, #tpu.memory_space<hbm>>
    %dma_start3A_75 = tpu.memref_slice %arg11[%mul3A_60] : memref<100000xf32, #tpu.memory_space<hbm>> -> memref<400xf32, #tpu.memory_space<hbm>>
    tpu.enqueue_dma source(%dma_start3A_75 : memref<400xf32, #tpu.memory_space<hbm>>) target(%arg23 : memref<400xf32, #tpu.memory_space<vmem>>) target_semaphore(%arg29 : memref<!tpu.dma_semaphore, #tpu.memory_space<semaphore_mem>>)
    %dma_start3A_76 = tpu.memref_slice %arg12[%mul3A_60] : memref<100000xf32, #tpu.memory_space<hbm>> -> memref<400xf32, #tpu.memory_space<hbm>>
    %dma_start3A_77 = tpu.memref_slice %arg12[%mul3A_60] : memref<100000xf32, #tpu.memory_space<hbm>> -> memref<400xf32, #tpu.memory_space<hbm>>
    tpu.enqueue_dma source(%dma_start3A_77 : memref<400xf32, #tpu.memory_space<hbm>>) target(%arg24 : memref<400xf32, #tpu.memory_space<vmem>>) target_semaphore(%arg29 : memref<!tpu.dma_semaphore, #tpu.memory_space<semaphore_mem>>)
    %scan3A = arith.constant 0 : i32
    %scan3A_78 = arith.constant 0 : i32
    %scan3A_79 = arith.constant 8 : i32
    %scan3A_80 = arith.addi %scan3A_78, %scan3A_79 : i32
    %scan3A_81 = arith.constant 1 : i32
    scf.for %scan3A_106 = %scan3A_78 to %scan3A_80 step %scan3A_81  : i32 {
      %mul3A_107 = arith.constant 32 : i32
      %mul3A_108 = arith.muli %scan3A_106, %mul3A_107 : i32
      %add3A_109 = arith.addi %mul3A_108, %add3A : i32
      %lt3A = arith.constant 250 : i32
      %lt3A_110 = arith.cmpi slt, %add3A_109, %lt3A : i32
      %convert_element_type3A = arith.extui %lt3A_110 : i1 to i32
      %cond3A = arith.constant 0 : i32
      %cond3A_111 = arith.cmpi ne, %convert_element_type3A, %cond3A : i32
      scf.if %cond3A_111 {
        %mul3A_112 = arith.constant 400 : i32
        %mul3A_113 = arith.muli %add3A_109, %mul3A_112 : i32
        %dma_wait3A_114 = arith.constant 0 : i32
        %dma_wait3A_115 = tpu.memref_slice %arg4[%dma_wait3A_114] : memref<100000xi32, #tpu.memory_space<hbm>> -> memref<400xi32, #tpu.memory_space<hbm>>
        %dma_wait3A_116 = arith.constant 0 : i32
        %dma_wait3A_117 = tpu.memref_slice %arg4[%dma_wait3A_116] : memref<100000xi32, #tpu.memory_space<hbm>> -> memref<400xi32, #tpu.memory_space<hbm>>
        tpu.wait_dma2 semaphore(%arg29 : memref<!tpu.dma_semaphore, #tpu.memory_space<semaphore_mem>>) src(%dma_wait3A_117 : memref<400xi32, #tpu.memory_space<hbm>>) dst(%arg16 : memref<400xi32, #tpu.memory_space<vmem>>)
        %dma_wait3A_118 = arith.constant 0 : i32
        %dma_wait3A_119 = tpu.memref_slice %arg5[%dma_wait3A_118] : memref<100000xi32, #tpu.memory_space<hbm>> -> memref<400xi32, #tpu.memory_space<hbm>>
        %dma_wait3A_120 = arith.constant 0 : i32
        %dma_wait3A_121 = tpu.memref_slice %arg5[%dma_wait3A_120] : memref<100000xi32, #tpu.memory_space<hbm>> -> memref<400xi32, #tpu.memory_space<hbm>>
        tpu.wait_dma2 semaphore(%arg29 : memref<!tpu.dma_semaphore, #tpu.memory_space<semaphore_mem>>) src(%dma_wait3A_121 : memref<400xi32, #tpu.memory_space<hbm>>) dst(%arg17 : memref<400xi32, #tpu.memory_space<vmem>>)
        %dma_wait3A_122 = arith.constant 0 : i32
        %dma_wait3A_123 = tpu.memref_slice %arg6[%dma_wait3A_122] : memref<100000xi32, #tpu.memory_space<hbm>> -> memref<400xi32, #tpu.memory_space<hbm>>
        %dma_wait3A_124 = arith.constant 0 : i32
        %dma_wait3A_125 = tpu.memref_slice %arg6[%dma_wait3A_124] : memref<100000xi32, #tpu.memory_space<hbm>> -> memref<400xi32, #tpu.memory_space<hbm>>
        tpu.wait_dma2 semaphore(%arg29 : memref<!tpu.dma_semaphore, #tpu.memory_space<semaphore_mem>>) src(%dma_wait3A_125 : memref<400xi32, #tpu.memory_space<hbm>>) dst(%arg18 : memref<400xi32, #tpu.memory_space<vmem>>)
        %dma_wait3A_126 = arith.constant 0 : i32
        %dma_wait3A_127 = tpu.memref_slice %arg7[%dma_wait3A_126] : memref<100000xi32, #tpu.memory_space<hbm>> -> memref<400xi32, #tpu.memory_space<hbm>>
        %dma_wait3A_128 = arith.constant 0 : i32
        %dma_wait3A_129 = tpu.memref_slice %arg7[%dma_wait3A_128] : memref<100000xi32, #tpu.memory_space<hbm>> -> memref<400xi32, #tpu.memory_space<hbm>>
        tpu.wait_dma2 semaphore(%arg29 : memref<!tpu.dma_semaphore, #tpu.memory_space<semaphore_mem>>) src(%dma_wait3A_129 : memref<400xi32, #tpu.memory_space<hbm>>) dst(%arg19 : memref<400xi32, #tpu.memory_space<vmem>>)
        %dma_wait3A_130 = arith.constant 0 : i32
        %dma_wait3A_131 = tpu.memref_slice %arg8[%dma_wait3A_130] : memref<100000xi32, #tpu.memory_space<hbm>> -> memref<400xi32, #tpu.memory_space<hbm>>
        %dma_wait3A_132 = arith.constant 0 : i32
        %dma_wait3A_133 = tpu.memref_slice %arg8[%dma_wait3A_132] : memref<100000xi32, #tpu.memory_space<hbm>> -> memref<400xi32, #tpu.memory_space<hbm>>
        tpu.wait_dma2 semaphore(%arg29 : memref<!tpu.dma_semaphore, #tpu.memory_space<semaphore_mem>>) src(%dma_wait3A_133 : memref<400xi32, #tpu.memory_space<hbm>>) dst(%arg20 : memref<400xi32, #tpu.memory_space<vmem>>)
        %dma_wait3A_134 = arith.constant 0 : i32
        %dma_wait3A_135 = tpu.memref_slice %arg9[%dma_wait3A_134] : memref<100000xi32, #tpu.memory_space<hbm>> -> memref<400xi32, #tpu.memory_space<hbm>>
        %dma_wait3A_136 = arith.constant 0 : i32
        %dma_wait3A_137 = tpu.memref_slice %arg9[%dma_wait3A_136] : memref<100000xi32, #tpu.memory_space<hbm>> -> memref<400xi32, #tpu.memory_space<hbm>>
        tpu.wait_dma2 semaphore(%arg29 : memref<!tpu.dma_semaphore, #tpu.memory_space<semaphore_mem>>) src(%dma_wait3A_137 : memref<400xi32, #tpu.memory_space<hbm>>) dst(%arg21 : memref<400xi32, #tpu.memory_space<vmem>>)
        %dma_wait3A_138 = arith.constant 0 : i32
        %dma_wait3A_139 = tpu.memref_slice %arg10[%dma_wait3A_138] : memref<100000xf32, #tpu.memory_space<hbm>> -> memref<400xf32, #tpu.memory_space<hbm>>
        %dma_wait3A_140 = arith.constant 0 : i32
        %dma_wait3A_141 = tpu.memref_slice %arg10[%dma_wait3A_140] : memref<100000xf32, #tpu.memory_space<hbm>> -> memref<400xf32, #tpu.memory_space<hbm>>
        tpu.wait_dma2 semaphore(%arg29 : memref<!tpu.dma_semaphore, #tpu.memory_space<semaphore_mem>>) src(%dma_wait3A_141 : memref<400xf32, #tpu.memory_space<hbm>>) dst(%arg22 : memref<400xf32, #tpu.memory_space<vmem>>)
        %dma_wait3A_142 = arith.constant 0 : i32
        %dma_wait3A_143 = tpu.memref_slice %arg11[%dma_wait3A_142] : memref<100000xf32, #tpu.memory_space<hbm>> -> memref<400xf32, #tpu.memory_space<hbm>>
        %dma_wait3A_144 = arith.constant 0 : i32
        %dma_wait3A_145 = tpu.memref_slice %arg11[%dma_wait3A_144] : memref<100000xf32, #tpu.memory_space<hbm>> -> memref<400xf32, #tpu.memory_space<hbm>>
        tpu.wait_dma2 semaphore(%arg29 : memref<!tpu.dma_semaphore, #tpu.memory_space<semaphore_mem>>) src(%dma_wait3A_145 : memref<400xf32, #tpu.memory_space<hbm>>) dst(%arg23 : memref<400xf32, #tpu.memory_space<vmem>>)
        %dma_wait3A_146 = arith.constant 0 : i32
        %dma_wait3A_147 = tpu.memref_slice %arg12[%dma_wait3A_146] : memref<100000xf32, #tpu.memory_space<hbm>> -> memref<400xf32, #tpu.memory_space<hbm>>
        %dma_wait3A_148 = arith.constant 0 : i32
        %dma_wait3A_149 = tpu.memref_slice %arg12[%dma_wait3A_148] : memref<100000xf32, #tpu.memory_space<hbm>> -> memref<400xf32, #tpu.memory_space<hbm>>
        tpu.wait_dma2 semaphore(%arg29 : memref<!tpu.dma_semaphore, #tpu.memory_space<semaphore_mem>>) src(%dma_wait3A_149 : memref<400xf32, #tpu.memory_space<hbm>>) dst(%arg24 : memref<400xf32, #tpu.memory_space<vmem>>)
        %get3A_150 = arith.constant 0 : index
        %get3A_151 = tpu.vector_load %arg16[%get3A_150] {strides = array<i32>} : memref<400xi32, #tpu.memory_space<vmem>>, vector<16xi32>,
        %mul3A_152 = arith.constant 11 : i32
        %mul3A_153 = vector.broadcast %mul3A_152 : i32 to vector<16xi32>
        %mul3A_154 = arith.muli %get3A_151, %mul3A_153 : vector<16xi32>
        %get3A_155 = arith.constant 0 : index
        %get3A_156 = tpu.vector_load %arg18[%get3A_155] {strides = array<i32>} : memref<400xi32, #tpu.memory_space<vmem>>, vector<16xi32>,
        %add3A_157 = arith.addi %mul3A_154, %get3A_156 : vector<16xi32>
        %get3A_158 = arith.constant 0 : index
        %get3A_159 = tpu.vector_load %arg17[%get3A_158] {strides = array<i32>} : memref<400xi32, #tpu.memory_space<vmem>>, vector<16xi32>,
        %mul3A_160 = arith.constant 60 : i32
        %mul3A_161 = vector.broadcast %mul3A_160 : i32 to vector<16xi32>
        %mul3A_162 = arith.muli %get3A_159, %mul3A_161 : vector<16xi32>
        %get3A_163 = arith.constant 0 : index
        %get3A_164 = tpu.vector_load %arg19[%get3A_163] {strides = array<i32>} : memref<400xi32, #tpu.memory_space<vmem>>, vector<16xi32>,
        %mul3A_165 = arith.constant 20 : i32
        %mul3A_166 = vector.broadcast %mul3A_165 : i32 to vector<16xi32>
        %mul3A_167 = arith.muli %get3A_164, %mul3A_166 : vector<16xi32>
        %add3A_168 = arith.addi %mul3A_162, %mul3A_167 : vector<16xi32>
        %get3A_169 = arith.constant 0 : index
        %get3A_170 = tpu.vector_load %arg20[%get3A_169] {strides = array<i32>} : memref<400xi32, #tpu.memory_space<vmem>>, vector<16xi32>,
        %mul3A_171 = arith.constant 4 : i32
        %mul3A_172 = vector.broadcast %mul3A_171 : i32 to vector<16xi32>
        %mul3A_173 = arith.muli %get3A_170, %mul3A_172 : vector<16xi32>
        %add3A_174 = arith.addi %add3A_168, %mul3A_173 : vector<16xi32>
        %get3A_175 = arith.constant 0 : index
        %get3A_176 = tpu.vector_load %arg21[%get3A_175] {strides = array<i32>} : memref<400xi32, #tpu.memory_space<vmem>>, vector<16xi32>,
        %add3A_177 = arith.addi %add3A_174, %get3A_176 : vector<16xi32>
        %add3A_178 = arith.constant 506 : i32
        %add3A_179 = vector.broadcast %add3A_178 : i32 to vector<16xi32>
        %add3A_180 = arith.addi %add3A_177, %add3A_179 : vector<16xi32>
        %shift_left3A = arith.constant 10 : i32
        %shift_left3A_181 = vector.broadcast %shift_left3A : i32 to vector<16xi32>
        %shift_left3A_182 = arith.shli %add3A_180, %shift_left3A_181 : vector<16xi32>
        %or3A = arith.ori %add3A_157, %shift_left3A_182 : vector<16xi32>
        %swap3A = arith.constant 0 : index
        %swap3A_183 = tpu.vector_load %arg25[%swap3A] {strides = array<i32>} : memref<400xi32, #tpu.memory_space<vmem>>, vector<16xi32>,
        tpu.vector_store %arg25[%swap3A], %or3A {strides = array<i32>} : memref<400xi32, #tpu.memory_space<vmem>>, vector<16xi32>,
        %get3A_184 = arith.constant 0 : index
        %get3A_185 = tpu.vector_load %arg22[%get3A_184] {strides = array<i32>} : memref<400xf32, #tpu.memory_space<vmem>>, vector<16xf32>,
        %get3A_186 = arith.constant 0 : index
        %get3A_187 = tpu.vector_load %arg23[%get3A_186] {strides = array<i32>} : memref<400xf32, #tpu.memory_space<vmem>>, vector<16xf32>,
        %pack3A = tpu.pack_subelements %get3A_185, %get3A_187 {pack_format = #tpu.pack_format<interleaved>, positions = array<i32: 0, 1>} : vector<16xf32>, vector<16xf32> -> vector<32xbf16>
        %bitcast3A_188 = vector.bitcast %pack3A : vector<32xbf16> to vector<16xi32>
        %swap3A_189 = arith.constant 0 : index
        %swap3A_190 = tpu.vector_load %arg26[%swap3A_189] {strides = array<i32>} : memref<400xi32, #tpu.memory_space<vmem>>, vector<16xi32>,
        tpu.vector_store %arg26[%swap3A_189], %bitcast3A_188 {strides = array<i32>} : memref<400xi32, #tpu.memory_space<vmem>>, vector<16xi32>,
        %get3A_191 = arith.constant 0 : index
        %get3A_192 = tpu.vector_load %arg24[%get3A_191] {strides = array<i32>} : memref<400xf32, #tpu.memory_space<vmem>>, vector<16xf32>,
        %swap3A_193 = arith.constant 0 : index
        %swap3A_194 = tpu.vector_load %arg27[%swap3A_193] {strides = array<i32>} : memref<400xf32, #tpu.memory_space<vmem>>, vector<16xf32>,
        tpu.vector_store %arg27[%swap3A_193], %get3A_192 {strides = array<i32>} : memref<400xf32, #tpu.memory_space<vmem>>, vector<16xf32>,
        %get3A_195 = arith.constant 16 : index
        %get3A_196 = tpu.vector_load %arg16[%get3A_195] {strides = array<i32>} : memref<400xi32, #tpu.memory_space<vmem>>, vector<16xi32>,
        %mul3A_197 = arith.constant 11 : i32
        %mul3A_198 = vector.broadcast %mul3A_197 : i32 to vector<16xi32>
        %mul3A_199 = arith.muli %get3A_196, %mul3A_198 : vector<16xi32>
        %get3A_200 = arith.constant 16 : index
        %get3A_201 = tpu.vector_load %arg18[%get3A_200] {strides = array<i32>} : memref<400xi32, #tpu.memory_space<vmem>>, vector<16xi32>,
        %add3A_202 = arith.addi %mul3A_199, %get3A_201 : vector<16xi32>
        %get3A_203 = arith.constant 16 : index
        %get3A_204 = tpu.vector_load %arg17[%get3A_203] {strides = array<i32>} : memref<400xi32, #tpu.memory_space<vmem>>, vector<16xi32>,
        %mul3A_205 = arith.constant 60 : i32
        %mul3A_206 = vector.broadcast %mul3A_205 : i32 to vector<16xi32>
        %mul3A_207 = arith.muli %get3A_204, %mul3A_206 : vector<16xi32>
        %get3A_208 = arith.constant 16 : index
        %get3A_209 = tpu.vector_load %arg19[%get3A_208] {strides = array<i32>} : memref<400xi32, #tpu.memory_space<vmem>>, vector<16xi32>,
        %mul3A_210 = arith.constant 20 : i32
        %mul3A_211 = vector.broadcast %mul3A_210 : i32 to vector<16xi32>
        %mul3A_212 = arith.muli %get3A_209, %mul3A_211 : vector<16xi32>
        %add3A_213 = arith.addi %mul3A_207, %mul3A_212 : vector<16xi32>
        %get3A_214 = arith.constant 16 : index
        %get3A_215 = tpu.vector_load %arg20[%get3A_214] {strides = array<i32>} : memref<400xi32, #tpu.memory_space<vmem>>, vector<16xi32>,
        %mul3A_216 = arith.constant 4 : i32
        %mul3A_217 = vector.broadcast %mul3A_216 : i32 to vector<16xi32>
        %mul3A_218 = arith.muli %get3A_215, %mul3A_217 : vector<16xi32>
        %add3A_219 = arith.addi %add3A_213, %mul3A_218 : vector<16xi32>
        %get3A_220 = arith.constant 16 : index
        %get3A_221 = tpu.vector_load %arg21[%get3A_220] {strides = array<i32>} : memref<400xi32, #tpu.memory_space<vmem>>, vector<16xi32>,
        %add3A_222 = arith.addi %add3A_219, %get3A_221 : vector<16xi32>
        %add3A_223 = arith.constant 506 : i32
        %add3A_224 = vector.broadcast %add3A_223 : i32 to vector<16xi32>
        %add3A_225 = arith.addi %add3A_222, %add3A_224 : vector<16xi32>
        %shift_left3A_226 = arith.constant 10 : i32
        %shift_left3A_227 = vector.broadcast %shift_left3A_226 : i32 to vector<16xi32>
        %shift_left3A_228 = arith.shli %add3A_225, %shift_left3A_227 : vector<16xi32>
        %or3A_229 = arith.ori %add3A_202, %shift_left3A_228 : vector<16xi32>
        %swap3A_230 = arith.constant 16 : index
        %swap3A_231 = tpu.vector_load %arg25[%swap3A_230] {strides = array<i32>} : memref<400xi32, #tpu.memory_space<vmem>>, vector<16xi32>,
        tpu.vector_store %arg25[%swap3A_230], %or3A_229 {strides = array<i32>} : memref<400xi32, #tpu.memory_space<vmem>>, vector<16xi32>,
        %get3A_232 = arith.constant 16 : index
        %get3A_233 = tpu.vector_load %arg22[%get3A_232] {strides = array<i32>} : memref<400xf32, #tpu.memory_space<vmem>>, vector<16xf32>,
        %get3A_234 = arith.constant 16 : index
        %get3A_235 = tpu.vector_load %arg23[%get3A_234] {strides = array<i32>} : memref<400xf32, #tpu.memory_space<vmem>>, vector<16xf32>,
        %pack3A_236 = tpu.pack_subelements %get3A_233, %get3A_235 {pack_format = #tpu.pack_format<interleaved>, positions = array<i32: 0, 1>} : vector<16xf32>, vector<16xf32> -> vector<32xbf16>
        %bitcast3A_237 = vector.bitcast %pack3A_236 : vector<32xbf16> to vector<16xi32>
        %swap3A_238 = arith.constant 16 : index
        %swap3A_239 = tpu.vector_load %arg26[%swap3A_238] {strides = array<i32>} : memref<400xi32, #tpu.memory_space<vmem>>, vector<16xi32>,
        tpu.vector_store %arg26[%swap3A_238], %bitcast3A_237 {strides = array<i32>} : memref<400xi32, #tpu.memory_space<vmem>>, vector<16xi32>,
        %get3A_240 = arith.constant 16 : index
        %get3A_241 = tpu.vector_load %arg24[%get3A_240] {strides = array<i32>} : memref<400xf32, #tpu.memory_space<vmem>>, vector<16xf32>,
        %swap3A_242 = arith.constant 16 : index
        %swap3A_243 = tpu.vector_load %arg27[%swap3A_242] {strides = array<i32>} : memref<400xf32, #tpu.memory_space<vmem>>, vector<16xf32>,
        tpu.vector_store %arg27[%swap3A_242], %get3A_241 {strides = array<i32>} : memref<400xf32, #tpu.memory_space<vmem>>, vector<16xf32>,
        %get3A_244 = arith.constant 32 : index
        %get3A_245 = tpu.vector_load %arg16[%get3A_244] {strides = array<i32>} : memref<400xi32, #tpu.memory_space<vmem>>, vector<16xi32>,
        %mul3A_246 = arith.constant 11 : i32
        %mul3A_247 = vector.broadcast %mul3A_246 : i32 to vector<16xi32>
        %mul3A_248 = arith.muli %get3A_245, %mul3A_247 : vector<16xi32>
        %get3A_249 = arith.constant 32 : index
        %get3A_250 = tpu.vector_load %arg18[%get3A_249] {strides = array<i32>} : memref<400xi32, #tpu.memory_space<vmem>>, vector<16xi32>,
        %add3A_251 = arith.addi %mul3A_248, %get3A_250 : vector<16xi32>
        %get3A_252 = arith.constant 32 : index
        %get3A_253 = tpu.vector_load %arg17[%get3A_252] {strides = array<i32>} : memref<400xi32, #tpu.memory_space<vmem>>, vector<16xi32>,
        %mul3A_254 = arith.constant 60 : i32
        %mul3A_255 = vector.broadcast %mul3A_254 : i32 to vector<16xi32>
        %mul3A_256 = arith.muli %get3A_253, %mul3A_255 : vector<16xi32>
        %get3A_257 = arith.constant 32 : index
        %get3A_258 = tpu.vector_load %arg19[%get3A_257] {strides = array<i32>} : memref<400xi32, #tpu.memory_space<vmem>>, vector<16xi32>,
        %mul3A_259 = arith.constant 20 : i32
        %mul3A_260 = vector.broadcast %mul3A_259 : i32 to vector<16xi32>
        %mul3A_261 = arith.muli %get3A_258, %mul3A_260 : vector<16xi32>
        %add3A_262 = arith.addi %mul3A_256, %mul3A_261 : vector<16xi32>
        %get3A_263 = arith.constant 32 : index
        %get3A_264 = tpu.vector_load %arg20[%get3A_263] {strides = array<i32>} : memref<400xi32, #tpu.memory_space<vmem>>, vector<16xi32>,
        %mul3A_265 = arith.constant 4 : i32
        %mul3A_266 = vector.broadcast %mul3A_265 : i32 to vector<16xi32>
        %mul3A_267 = arith.muli %get3A_264, %mul3A_266 : vector<16xi32>
        %add3A_268 = arith.addi %add3A_262, %mul3A_267 : vector<16xi32>
        %get3A_269 = arith.constant 32 : index
        %get3A_270 = tpu.vector_load %arg21[%get3A_269] {strides = array<i32>} : memref<400xi32, #tpu.memory_space<vmem>>, vector<16xi32>,
        %add3A_271 = arith.addi %add3A_268, %get3A_270 : vector<16xi32>
        %add3A_272 = arith.constant 506 : i32
        %add3A_273 = vector.broadcast %add3A_272 : i32 to vector<16xi32>
        %add3A_274 = arith.addi %add3A_271, %add3A_273 : vector<16xi32>
        %shift_left3A_275 = arith.constant 10 : i32
        %shift_left3A_276 = vector.broadcast %shift_left3A_275 : i32 to vector<16xi32>
        %shift_left3A_277 = arith.shli %add3A_274, %shift_left3A_276 : vector<16xi32>
        %or3A_278 = arith.ori %add3A_251, %shift_left3A_277 : vector<16xi32>
        %swap3A_279 = arith.constant 32 : index
        %swap3A_280 = tpu.vector_load %arg25[%swap3A_279] {strides = array<i32>} : memref<400xi32, #tpu.memory_space<vmem>>, vector<16xi32>,
        tpu.vector_store %arg25[%swap3A_279], %or3A_278 {strides = array<i32>} : memref<400xi32, #tpu.memory_space<vmem>>, vector<16xi32>,
        %get3A_281 = arith.constant 32 : index
        %get3A_282 = tpu.vector_load %arg22[%get3A_281] {strides = array<i32>} : memref<400xf32, #tpu.memory_space<vmem>>, vector<16xf32>,
        %get3A_283 = arith.constant 32 : index
        %get3A_284 = tpu.vector_load %arg23[%get3A_283] {strides = array<i32>} : memref<400xf32, #tpu.memory_space<vmem>>, vector<16xf32>,
        %pack3A_285 = tpu.pack_subelements %get3A_282, %get3A_284 {pack_format = #tpu.pack_format<interleaved>, positions = array<i32: 0, 1>} : vector<16xf32>, vector<16xf32> -> vector<32xbf16>
        %bitcast3A_286 = vector.bitcast %pack3A_285 : vector<32xbf16> to vector<16xi32>
        %swap3A_287 = arith.constant 32 : index
        %swap3A_288 = tpu.vector_load %arg26[%swap3A_287] {strides = array<i32>} : memref<400xi32, #tpu.memory_space<vmem>>, vector<16xi32>,
        tpu.vector_store %arg26[%swap3A_287], %bitcast3A_286 {strides = array<i32>} : memref<400xi32, #tpu.memory_space<vmem>>, vector<16xi32>,
        %get3A_289 = arith.constant 32 : index
        %get3A_290 = tpu.vector_load %arg24[%get3A_289] {strides = array<i32>} : memref<400xf32, #tpu.memory_space<vmem>>, vector<16xf32>,
        %swap3A_291 = arith.constant 32 : index
        %swap3A_292 = tpu.vector_load %arg27[%swap3A_291] {strides = array<i32>} : memref<400xf32, #tpu.memory_space<vmem>>, vector<16xf32>,
        tpu.vector_store %arg27[%swap3A_291], %get3A_290 {strides = array<i32>} : memref<400xf32, #tpu.memory_space<vmem>>, vector<16xf32>,
        %get3A_293 = arith.constant 48 : index
        %get3A_294 = tpu.vector_load %arg16[%get3A_293] {strides = array<i32>} : memref<400xi32, #tpu.memory_space<vmem>>, vector<16xi32>,
        %mul3A_295 = arith.constant 11 : i32
        %mul3A_296 = vector.broadcast %mul3A_295 : i32 to vector<16xi32>
        %mul3A_297 = arith.muli %get3A_294, %mul3A_296 : vector<16xi32>
        %get3A_298 = arith.constant 48 : index
        %get3A_299 = tpu.vector_load %arg18[%get3A_298] {strides = array<i32>} : memref<400xi32, #tpu.memory_space<vmem>>, vector<16xi32>,
        %add3A_300 = arith.addi %mul3A_297, %get3A_299 : vector<16xi32>
        %get3A_301 = arith.constant 48 : index
        %get3A_302 = tpu.vector_load %arg17[%get3A_301] {strides = array<i32>} : memref<400xi32, #tpu.memory_space<vmem>>, vector<16xi32>,
        %mul3A_303 = arith.constant 60 : i32
        %mul3A_304 = vector.broadcast %mul3A_303 : i32 to vector<16xi32>
        %mul3A_305 = arith.muli %get3A_302, %mul3A_304 : vector<16xi32>
        %get3A_306 = arith.constant 48 : index
        %get3A_307 = tpu.vector_load %arg19[%get3A_306] {strides = array<i32>} : memref<400xi32, #tpu.memory_space<vmem>>, vector<16xi32>,
        %mul3A_308 = arith.constant 20 : i32
        %mul3A_309 = vector.broadcast %mul3A_308 : i32 to vector<16xi32>
        %mul3A_310 = arith.muli %get3A_307, %mul3A_309 : vector<16xi32>
        %add3A_311 = arith.addi %mul3A_305, %mul3A_310 : vector<16xi32>
        %get3A_312 = arith.constant 48 : index
        %get3A_313 = tpu.vector_load %arg20[%get3A_312] {strides = array<i32>} : memref<400xi32, #tpu.memory_space<vmem>>, vector<16xi32>,
        %mul3A_314 = arith.constant 4 : i32
        %mul3A_315 = vector.broadcast %mul3A_314 : i32 to vector<16xi32>
        %mul3A_316 = arith.muli %get3A_313, %mul3A_315 : vector<16xi32>
        %add3A_317 = arith.addi %add3A_311, %mul3A_316 : vector<16xi32>
        %get3A_318 = arith.constant 48 : index
        %get3A_319 = tpu.vector_load %arg21[%get3A_318] {strides = array<i32>} : memref<400xi32, #tpu.memory_space<vmem>>, vector<16xi32>,
        %add3A_320 = arith.addi %add3A_317, %get3A_319 : vector<16xi32>
        %add3A_321 = arith.constant 506 : i32
        %add3A_322 = vector.broadcast %add3A_321 : i32 to vector<16xi32>
        %add3A_323 = arith.addi %add3A_320, %add3A_322 : vector<16xi32>
        %shift_left3A_324 = arith.constant 10 : i32
        %shift_left3A_325 = vector.broadcast %shift_left3A_324 : i32 to vector<16xi32>
        %shift_left3A_326 = arith.shli %add3A_323, %shift_left3A_325 : vector<16xi32>
        %or3A_327 = arith.ori %add3A_300, %shift_left3A_326 : vector<16xi32>
        %swap3A_328 = arith.constant 48 : index
        %swap3A_329 = tpu.vector_load %arg25[%swap3A_328] {strides = array<i32>} : memref<400xi32, #tpu.memory_space<vmem>>, vector<16xi32>,
        tpu.vector_store %arg25[%swap3A_328], %or3A_327 {strides = array<i32>} : memref<400xi32, #tpu.memory_space<vmem>>, vector<16xi32>,
        %get3A_330 = arith.constant 48 : index
        %get3A_331 = tpu.vector_load %arg22[%get3A_330] {strides = array<i32>} : memref<400xf32, #tpu.memory_space<vmem>>, vector<16xf32>,
        %get3A_332 = arith.constant 48 : index
        %get3A_333 = tpu.vector_load %arg23[%get3A_332] {strides = array<i32>} : memref<400xf32, #tpu.memory_space<vmem>>, vector<16xf32>,
        %pack3A_334 = tpu.pack_subelements %get3A_331, %get3A_333 {pack_format = #tpu.pack_format<interleaved>, positions = array<i32: 0, 1>} : vector<16xf32>, vector<16xf32> -> vector<32xbf16>
        %bitcast3A_335 = vector.bitcast %pack3A_334 : vector<32xbf16> to vector<16xi32>
        %swap3A_336 = arith.constant 48 : index
        %swap3A_337 = tpu.vector_load %arg26[%swap3A_336] {strides = array<i32>} : memref<400xi32, #tpu.memory_space<vmem>>, vector<16xi32>,
        tpu.vector_store %arg26[%swap3A_336], %bitcast3A_335 {strides = array<i32>} : memref<400xi32, #tpu.memory_space<vmem>>, vector<16xi32>,
        %get3A_338 = arith.constant 48 : index
        %get3A_339 = tpu.vector_load %arg24[%get3A_338] {strides = array<i32>} : memref<400xf32, #tpu.memory_space<vmem>>, vector<16xf32>,
        %swap3A_340 = arith.constant 48 : index
        %swap3A_341 = tpu.vector_load %arg27[%swap3A_340] {strides = array<i32>} : memref<400xf32, #tpu.memory_space<vmem>>, vector<16xf32>,
        tpu.vector_store %arg27[%swap3A_340], %get3A_339 {strides = array<i32>} : memref<400xf32, #tpu.memory_space<vmem>>, vector<16xf32>,
        %get3A_342 = arith.constant 64 : index
        %get3A_343 = tpu.vector_load %arg16[%get3A_342] {strides = array<i32>} : memref<400xi32, #tpu.memory_space<vmem>>, vector<16xi32>,
        %mul3A_344 = arith.constant 11 : i32
        %mul3A_345 = vector.broadcast %mul3A_344 : i32 to vector<16xi32>
        %mul3A_346 = arith.muli %get3A_343, %mul3A_345 : vector<16xi32>
        %get3A_347 = arith.constant 64 : index
        %get3A_348 = tpu.vector_load %arg18[%get3A_347] {strides = array<i32>} : memref<400xi32, #tpu.memory_space<vmem>>, vector<16xi32>,
        %add3A_349 = arith.addi %mul3A_346, %get3A_348 : vector<16xi32>
        %get3A_350 = arith.constant 64 : index
        %get3A_351 = tpu.vector_load %arg17[%get3A_350] {strides = array<i32>} : memref<400xi32, #tpu.memory_space<vmem>>, vector<16xi32>,
        %mul3A_352 = arith.constant 60 : i32
        %mul3A_353 = vector.broadcast %mul3A_352 : i32 to vector<16xi32>
        %mul3A_354 = arith.muli %get3A_351, %mul3A_353 : vector<16xi32>
        %get3A_355 = arith.constant 64 : index
        %get3A_356 = tpu.vector_load %arg19[%get3A_355] {strides = array<i32>} : memref<400xi32, #tpu.memory_space<vmem>>, vector<16xi32>,
        %mul3A_357 = arith.constant 20 : i32
        %mul3A_358 = vector.broadcast %mul3A_357 : i32 to vector<16xi32>
        %mul3A_359 = arith.muli %get3A_356, %mul3A_358 : vector<16xi32>
        %add3A_360 = arith.addi %mul3A_354, %mul3A_359 : vector<16xi32>
        %get3A_361 = arith.constant 64 : index
        %get3A_362 = tpu.vector_load %arg20[%get3A_361] {strides = array<i32>} : memref<400xi32, #tpu.memory_space<vmem>>, vector<16xi32>,
        %mul3A_363 = arith.constant 4 : i32
        %mul3A_364 = vector.broadcast %mul3A_363 : i32 to vector<16xi32>
        %mul3A_365 = arith.muli %get3A_362, %mul3A_364 : vector<16xi32>
        %add3A_366 = arith.addi %add3A_360, %mul3A_365 : vector<16xi32>
        %get3A_367 = arith.constant 64 : index
        %get3A_368 = tpu.vector_load %arg21[%get3A_367] {strides = array<i32>} : memref<400xi32, #tpu.memory_space<vmem>>, vector<16xi32>,
        %add3A_369 = arith.addi %add3A_366, %get3A_368 : vector<16xi32>
        %add3A_370 = arith.constant 506 : i32
        %add3A_371 = vector.broadcast %add3A_370 : i32 to vector<16xi32>
        %add3A_372 = arith.addi %add3A_369, %add3A_371 : vector<16xi32>
        %shift_left3A_373 = arith.constant 10 : i32
        %shift_left3A_374 = vector.broadcast %shift_left3A_373 : i32 to vector<16xi32>
        %shift_left3A_375 = arith.shli %add3A_372, %shift_left3A_374 : vector<16xi32>
        %or3A_376 = arith.ori %add3A_349, %shift_left3A_375 : vector<16xi32>
        %swap3A_377 = arith.constant 64 : index
        %swap3A_378 = tpu.vector_load %arg25[%swap3A_377] {strides = array<i32>} : memref<400xi32, #tpu.memory_space<vmem>>, vector<16xi32>,
        tpu.vector_store %arg25[%swap3A_377], %or3A_376 {strides = array<i32>} : memref<400xi32, #tpu.memory_space<vmem>>, vector<16xi32>,
        %get3A_379 = arith.constant 64 : index
        %get3A_380 = tpu.vector_load %arg22[%get3A_379] {strides = array<i32>} : memref<400xf32, #tpu.memory_space<vmem>>, vector<16xf32>,
        %get3A_381 = arith.constant 64 : index
        %get3A_382 = tpu.vector_load %arg23[%get3A_381] {strides = array<i32>} : memref<400xf32, #tpu.memory_space<vmem>>, vector<16xf32>,
        %pack3A_383 = tpu.pack_subelements %get3A_380, %get3A_382 {pack_format = #tpu.pack_format<interleaved>, positions = array<i32: 0, 1>} : vector<16xf32>, vector<16xf32> -> vector<32xbf16>
        %bitcast3A_384 = vector.bitcast %pack3A_383 : vector<32xbf16> to vector<16xi32>
        %swap3A_385 = arith.constant 64 : index
        %swap3A_386 = tpu.vector_load %arg26[%swap3A_385] {strides = array<i32>} : memref<400xi32, #tpu.memory_space<vmem>>, vector<16xi32>,
        tpu.vector_store %arg26[%swap3A_385], %bitcast3A_384 {strides = array<i32>} : memref<400xi32, #tpu.memory_space<vmem>>, vector<16xi32>,
        %get3A_387 = arith.constant 64 : index
        %get3A_388 = tpu.vector_load %arg24[%get3A_387] {strides = array<i32>} : memref<400xf32, #tpu.memory_space<vmem>>, vector<16xf32>,
        %swap3A_389 = arith.constant 64 : index
        %swap3A_390 = tpu.vector_load %arg27[%swap3A_389] {strides = array<i32>} : memref<400xf32, #tpu.memory_space<vmem>>, vector<16xf32>,
        tpu.vector_store %arg27[%swap3A_389], %get3A_388 {strides = array<i32>} : memref<400xf32, #tpu.memory_space<vmem>>, vector<16xf32>,
        %get3A_391 = arith.constant 80 : index
        %get3A_392 = tpu.vector_load %arg16[%get3A_391] {strides = array<i32>} : memref<400xi32, #tpu.memory_space<vmem>>, vector<16xi32>,
        %mul3A_393 = arith.constant 11 : i32
        %mul3A_394 = vector.broadcast %mul3A_393 : i32 to vector<16xi32>
        %mul3A_395 = arith.muli %get3A_392, %mul3A_394 : vector<16xi32>
        %get3A_396 = arith.constant 80 : index
        %get3A_397 = tpu.vector_load %arg18[%get3A_396] {strides = array<i32>} : memref<400xi32, #tpu.memory_space<vmem>>, vector<16xi32>,
        %add3A_398 = arith.addi %mul3A_395, %get3A_397 : vector<16xi32>
        %get3A_399 = arith.constant 80 : index
        %get3A_400 = tpu.vector_load %arg17[%get3A_399] {strides = array<i32>} : memref<400xi32, #tpu.memory_space<vmem>>, vector<16xi32>,
        %mul3A_401 = arith.constant 60 : i32
        %mul3A_402 = vector.broadcast %mul3A_401 : i32 to vector<16xi32>
        %mul3A_403 = arith.muli %get3A_400, %mul3A_402 : vector<16xi32>
        %get3A_404 = arith.constant 80 : index
        %get3A_405 = tpu.vector_load %arg19[%get3A_404] {strides = array<i32>} : memref<400xi32, #tpu.memory_space<vmem>>, vector<16xi32>,
        %mul3A_406 = arith.constant 20 : i32
        %mul3A_407 = vector.broadcast %mul3A_406 : i32 to vector<16xi32>
        %mul3A_408 = arith.muli %get3A_405, %mul3A_407 : vector<16xi32>
        %add3A_409 = arith.addi %mul3A_403, %mul3A_408 : vector<16xi32>
        %get3A_410 = arith.constant 80 : index
        %get3A_411 = tpu.vector_load %arg20[%get3A_410] {strides = array<i32>} : memref<400xi32, #tpu.memory_space<vmem>>, vector<16xi32>,
        %mul3A_412 = arith.constant 4 : i32
        %mul3A_413 = vector.broadcast %mul3A_412 : i32 to vector<16xi32>
        %mul3A_414 = arith.muli %get3A_411, %mul3A_413 : vector<16xi32>
        %add3A_415 = arith.addi %add3A_409, %mul3A_414 : vector<16xi32>
        %get3A_416 = arith.constant 80 : index
        %get3A_417 = tpu.vector_load %arg21[%get3A_416] {strides = array<i32>} : memref<400xi32, #tpu.memory_space<vmem>>, vector<16xi32>,
        %add3A_418 = arith.addi %add3A_415, %get3A_417 : vector<16xi32>
        %add3A_419 = arith.constant 506 : i32
        %add3A_420 = vector.broadcast %add3A_419 : i32 to vector<16xi32>
        %add3A_421 = arith.addi %add3A_418, %add3A_420 : vector<16xi32>
        %shift_left3A_422 = arith.constant 10 : i32
        %shift_left3A_423 = vector.broadcast %shift_left3A_422 : i32 to vector<16xi32>
        %shift_left3A_424 = arith.shli %add3A_421, %shift_left3A_423 : vector<16xi32>
        %or3A_425 = arith.ori %add3A_398, %shift_left3A_424 : vector<16xi32>
        %swap3A_426 = arith.constant 80 : index
        %swap3A_427 = tpu.vector_load %arg25[%swap3A_426] {strides = array<i32>} : memref<400xi32, #tpu.memory_space<vmem>>, vector<16xi32>,
        tpu.vector_store %arg25[%swap3A_426], %or3A_425 {strides = array<i32>} : memref<400xi32, #tpu.memory_space<vmem>>, vector<16xi32>,
        %get3A_428 = arith.constant 80 : index
        %get3A_429 = tpu.vector_load %arg22[%get3A_428] {strides = array<i32>} : memref<400xf32, #tpu.memory_space<vmem>>, vector<16xf32>,
        %get3A_430 = arith.constant 80 : index
        %get3A_431 = tpu.vector_load %arg23[%get3A_430] {strides = array<i32>} : memref<400xf32, #tpu.memory_space<vmem>>, vector<16xf32>,
        %pack3A_432 = tpu.pack_subelements %get3A_429, %get3A_431 {pack_format = #tpu.pack_format<interleaved>, positions = array<i32: 0, 1>} : vector<16xf32>, vector<16xf32> -> vector<32xbf16>
        %bitcast3A_433 = vector.bitcast %pack3A_432 : vector<32xbf16> to vector<16xi32>
        %swap3A_434 = arith.constant 80 : index
        %swap3A_435 = tpu.vector_load %arg26[%swap3A_434] {strides = array<i32>} : memref<400xi32, #tpu.memory_space<vmem>>, vector<16xi32>,
        tpu.vector_store %arg26[%swap3A_434], %bitcast3A_433 {strides = array<i32>} : memref<400xi32, #tpu.memory_space<vmem>>, vector<16xi32>,
        %get3A_436 = arith.constant 80 : index
        %get3A_437 = tpu.vector_load %arg24[%get3A_436] {strides = array<i32>} : memref<400xf32, #tpu.memory_space<vmem>>, vector<16xf32>,
        %swap3A_438 = arith.constant 80 : index
        %swap3A_439 = tpu.vector_load %arg27[%swap3A_438] {strides = array<i32>} : memref<400xf32, #tpu.memory_space<vmem>>, vector<16xf32>,
        tpu.vector_store %arg27[%swap3A_438], %get3A_437 {strides = array<i32>} : memref<400xf32, #tpu.memory_space<vmem>>, vector<16xf32>,
        %get3A_440 = arith.constant 96 : index
        %get3A_441 = tpu.vector_load %arg16[%get3A_440] {strides = array<i32>} : memref<400xi32, #tpu.memory_space<vmem>>, vector<16xi32>,
        %mul3A_442 = arith.constant 11 : i32
        %mul3A_443 = vector.broadcast %mul3A_442 : i32 to vector<16xi32>
        %mul3A_444 = arith.muli %get3A_441, %mul3A_443 : vector<16xi32>
        %get3A_445 = arith.constant 96 : index
        %get3A_446 = tpu.vector_load %arg18[%get3A_445] {strides = array<i32>} : memref<400xi32, #tpu.memory_space<vmem>>, vector<16xi32>,
        %add3A_447 = arith.addi %mul3A_444, %get3A_446 : vector<16xi32>
        %get3A_448 = arith.constant 96 : index
        %get3A_449 = tpu.vector_load %arg17[%get3A_448] {strides = array<i32>} : memref<400xi32, #tpu.memory_space<vmem>>, vector<16xi32>,
        %mul3A_450 = arith.constant 60 : i32
        %mul3A_451 = vector.broadcast %mul3A_450 : i32 to vector<16xi32>
        %mul3A_452 = arith.muli %get3A_449, %mul3A_451 : vector<16xi32>
        %get3A_453 = arith.constant 96 : index
        %get3A_454 = tpu.vector_load %arg19[%get3A_453] {strides = array<i32>} : memref<400xi32, #tpu.memory_space<vmem>>, vector<16xi32>,
        %mul3A_455 = arith.constant 20 : i32
        %mul3A_456 = vector.broadcast %mul3A_455 : i32 to vector<16xi32>
        %mul3A_457 = arith.muli %get3A_454, %mul3A_456 : vector<16xi32>
        %add3A_458 = arith.addi %mul3A_452, %mul3A_457 : vector<16xi32>
        %get3A_459 = arith.constant 96 : index
        %get3A_460 = tpu.vector_load %arg20[%get3A_459] {strides = array<i32>} : memref<400xi32, #tpu.memory_space<vmem>>, vector<16xi32>,
        %mul3A_461 = arith.constant 4 : i32
        %mul3A_462 = vector.broadcast %mul3A_461 : i32 to vector<16xi32>
        %mul3A_463 = arith.muli %get3A_460, %mul3A_462 : vector<16xi32>
        %add3A_464 = arith.addi %add3A_458, %mul3A_463 : vector<16xi32>
        %get3A_465 = arith.constant 96 : index
        %get3A_466 = tpu.vector_load %arg21[%get3A_465] {strides = array<i32>} : memref<400xi32, #tpu.memory_space<vmem>>, vector<16xi32>,
        %add3A_467 = arith.addi %add3A_464, %get3A_466 : vector<16xi32>
        %add3A_468 = arith.constant 506 : i32
        %add3A_469 = vector.broadcast %add3A_468 : i32 to vector<16xi32>
        %add3A_470 = arith.addi %add3A_467, %add3A_469 : vector<16xi32>
        %shift_left3A_471 = arith.constant 10 : i32
        %shift_left3A_472 = vector.broadcast %shift_left3A_471 : i32 to vector<16xi32>
        %shift_left3A_473 = arith.shli %add3A_470, %shift_left3A_472 : vector<16xi32>
        %or3A_474 = arith.ori %add3A_447, %shift_left3A_473 : vector<16xi32>
        %swap3A_475 = arith.constant 96 : index
        %swap3A_476 = tpu.vector_load %arg25[%swap3A_475] {strides = array<i32>} : memref<400xi32, #tpu.memory_space<vmem>>, vector<16xi32>,
        tpu.vector_store %arg25[%swap3A_475], %or3A_474 {strides = array<i32>} : memref<400xi32, #tpu.memory_space<vmem>>, vector<16xi32>,
        %get3A_477 = arith.constant 96 : index
        %get3A_478 = tpu.vector_load %arg22[%get3A_477] {strides = array<i32>} : memref<400xf32, #tpu.memory_space<vmem>>, vector<16xf32>,
        %get3A_479 = arith.constant 96 : index
        %get3A_480 = tpu.vector_load %arg23[%get3A_479] {strides = array<i32>} : memref<400xf32, #tpu.memory_space<vmem>>, vector<16xf32>,
        %pack3A_481 = tpu.pack_subelements %get3A_478, %get3A_480 {pack_format = #tpu.pack_format<interleaved>, positions = array<i32: 0, 1>} : vector<16xf32>, vector<16xf32> -> vector<32xbf16>
        %bitcast3A_482 = vector.bitcast %pack3A_481 : vector<32xbf16> to vector<16xi32>
        %swap3A_483 = arith.constant 96 : index
        %swap3A_484 = tpu.vector_load %arg26[%swap3A_483] {strides = array<i32>} : memref<400xi32, #tpu.memory_space<vmem>>, vector<16xi32>,
        tpu.vector_store %arg26[%swap3A_483], %bitcast3A_482 {strides = array<i32>} : memref<400xi32, #tpu.memory_space<vmem>>, vector<16xi32>,
        %get3A_485 = arith.constant 96 : index
        %get3A_486 = tpu.vector_load %arg24[%get3A_485] {strides = array<i32>} : memref<400xf32, #tpu.memory_space<vmem>>, vector<16xf32>,
        %swap3A_487 = arith.constant 96 : index
        %swap3A_488 = tpu.vector_load %arg27[%swap3A_487] {strides = array<i32>} : memref<400xf32, #tpu.memory_space<vmem>>, vector<16xf32>,
        tpu.vector_store %arg27[%swap3A_487], %get3A_486 {strides = array<i32>} : memref<400xf32, #tpu.memory_space<vmem>>, vector<16xf32>,
        %get3A_489 = arith.constant 112 : index
        %get3A_490 = tpu.vector_load %arg16[%get3A_489] {strides = array<i32>} : memref<400xi32, #tpu.memory_space<vmem>>, vector<16xi32>,
        %mul3A_491 = arith.constant 11 : i32
        %mul3A_492 = vector.broadcast %mul3A_491 : i32 to vector<16xi32>
        %mul3A_493 = arith.muli %get3A_490, %mul3A_492 : vector<16xi32>
        %get3A_494 = arith.constant 112 : index
        %get3A_495 = tpu.vector_load %arg18[%get3A_494] {strides = array<i32>} : memref<400xi32, #tpu.memory_space<vmem>>, vector<16xi32>,
        %add3A_496 = arith.addi %mul3A_493, %get3A_495 : vector<16xi32>
        %get3A_497 = arith.constant 112 : index
        %get3A_498 = tpu.vector_load %arg17[%get3A_497] {strides = array<i32>} : memref<400xi32, #tpu.memory_space<vmem>>, vector<16xi32>,
        %mul3A_499 = arith.constant 60 : i32
        %mul3A_500 = vector.broadcast %mul3A_499 : i32 to vector<16xi32>
        %mul3A_501 = arith.muli %get3A_498, %mul3A_500 : vector<16xi32>
        %get3A_502 = arith.constant 112 : index
        %get3A_503 = tpu.vector_load %arg19[%get3A_502] {strides = array<i32>} : memref<400xi32, #tpu.memory_space<vmem>>, vector<16xi32>,
        %mul3A_504 = arith.constant 20 : i32
        %mul3A_505 = vector.broadcast %mul3A_504 : i32 to vector<16xi32>
        %mul3A_506 = arith.muli %get3A_503, %mul3A_505 : vector<16xi32>
        %add3A_507 = arith.addi %mul3A_501, %mul3A_506 : vector<16xi32>
        %get3A_508 = arith.constant 112 : index
        %get3A_509 = tpu.vector_load %arg20[%get3A_508] {strides = array<i32>} : memref<400xi32, #tpu.memory_space<vmem>>, vector<16xi32>,
        %mul3A_510 = arith.constant 4 : i32
        %mul3A_511 = vector.broadcast %mul3A_510 : i32 to vector<16xi32>
        %mul3A_512 = arith.muli %get3A_509, %mul3A_511 : vector<16xi32>
        %add3A_513 = arith.addi %add3A_507, %mul3A_512 : vector<16xi32>
        %get3A_514 = arith.constant 112 : index
        %get3A_515 = tpu.vector_load %arg21[%get3A_514] {strides = array<i32>} : memref<400xi32, #tpu.memory_space<vmem>>, vector<16xi32>,
        %add3A_516 = arith.addi %add3A_513, %get3A_515 : vector<16xi32>
        %add3A_517 = arith.constant 506 : i32
        %add3A_518 = vector.broadcast %add3A_517 : i32 to vector<16xi32>
        %add3A_519 = arith.addi %add3A_516, %add3A_518 : vector<16xi32>
        %shift_left3A_520 = arith.constant 10 : i32
        %shift_left3A_521 = vector.broadcast %shift_left3A_520 : i32 to vector<16xi32>
        %shift_left3A_522 = arith.shli %add3A_519, %shift_left3A_521 : vector<16xi32>
        %or3A_523 = arith.ori %add3A_496, %shift_left3A_522 : vector<16xi32>
        %swap3A_524 = arith.constant 112 : index
        %swap3A_525 = tpu.vector_load %arg25[%swap3A_524] {strides = array<i32>} : memref<400xi32, #tpu.memory_space<vmem>>, vector<16xi32>,
        tpu.vector_store %arg25[%swap3A_524], %or3A_523 {strides = array<i32>} : memref<400xi32, #tpu.memory_space<vmem>>, vector<16xi32>,
        %get3A_526 = arith.constant 112 : index
        %get3A_527 = tpu.vector_load %arg22[%get3A_526] {strides = array<i32>} : memref<400xf32, #tpu.memory_space<vmem>>, vector<16xf32>,
        %get3A_528 = arith.constant 112 : index
        %get3A_529 = tpu.vector_load %arg23[%get3A_528] {strides = array<i32>} : memref<400xf32, #tpu.memory_space<vmem>>, vector<16xf32>,
        %pack3A_530 = tpu.pack_subelements %get3A_527, %get3A_529 {pack_format = #tpu.pack_format<interleaved>, positions = array<i32: 0, 1>} : vector<16xf32>, vector<16xf32> -> vector<32xbf16>
        %bitcast3A_531 = vector.bitcast %pack3A_530 : vector<32xbf16> to vector<16xi32>
        %swap3A_532 = arith.constant 112 : index
        %swap3A_533 = tpu.vector_load %arg26[%swap3A_532] {strides = array<i32>} : memref<400xi32, #tpu.memory_space<vmem>>, vector<16xi32>,
        tpu.vector_store %arg26[%swap3A_532], %bitcast3A_531 {strides = array<i32>} : memref<400xi32, #tpu.memory_space<vmem>>, vector<16xi32>,
        %get3A_534 = arith.constant 112 : index
        %get3A_535 = tpu.vector_load %arg24[%get3A_534] {strides = array<i32>} : memref<400xf32, #tpu.memory_space<vmem>>, vector<16xf32>,
        %swap3A_536 = arith.constant 112 : index
        %swap3A_537 = tpu.vector_load %arg27[%swap3A_536] {strides = array<i32>} : memref<400xf32, #tpu.memory_space<vmem>>, vector<16xf32>,
        tpu.vector_store %arg27[%swap3A_536], %get3A_535 {strides = array<i32>} : memref<400xf32, #tpu.memory_space<vmem>>, vector<16xf32>,
        %get3A_538 = arith.constant 128 : index
        %get3A_539 = tpu.vector_load %arg16[%get3A_538] {strides = array<i32>} : memref<400xi32, #tpu.memory_space<vmem>>, vector<16xi32>,
        %mul3A_540 = arith.constant 11 : i32
        %mul3A_541 = vector.broadcast %mul3A_540 : i32 to vector<16xi32>
        %mul3A_542 = arith.muli %get3A_539, %mul3A_541 : vector<16xi32>
        %get3A_543 = arith.constant 128 : index
        %get3A_544 = tpu.vector_load %arg18[%get3A_543] {strides = array<i32>} : memref<400xi32, #tpu.memory_space<vmem>>, vector<16xi32>,
        %add3A_545 = arith.addi %mul3A_542, %get3A_544 : vector<16xi32>
        %get3A_546 = arith.constant 128 : index
        %get3A_547 = tpu.vector_load %arg17[%get3A_546] {strides = array<i32>} : memref<400xi32, #tpu.memory_space<vmem>>, vector<16xi32>,
        %mul3A_548 = arith.constant 60 : i32
        %mul3A_549 = vector.broadcast %mul3A_548 : i32 to vector<16xi32>
        %mul3A_550 = arith.muli %get3A_547, %mul3A_549 : vector<16xi32>
        %get3A_551 = arith.constant 128 : index
        %get3A_552 = tpu.vector_load %arg19[%get3A_551] {strides = array<i32>} : memref<400xi32, #tpu.memory_space<vmem>>, vector<16xi32>,
        %mul3A_553 = arith.constant 20 : i32
        %mul3A_554 = vector.broadcast %mul3A_553 : i32 to vector<16xi32>
        %mul3A_555 = arith.muli %get3A_552, %mul3A_554 : vector<16xi32>
        %add3A_556 = arith.addi %mul3A_550, %mul3A_555 : vector<16xi32>
        %get3A_557 = arith.constant 128 : index
        %get3A_558 = tpu.vector_load %arg20[%get3A_557] {strides = array<i32>} : memref<400xi32, #tpu.memory_space<vmem>>, vector<16xi32>,
        %mul3A_559 = arith.constant 4 : i32
        %mul3A_560 = vector.broadcast %mul3A_559 : i32 to vector<16xi32>
        %mul3A_561 = arith.muli %get3A_558, %mul3A_560 : vector<16xi32>
        %add3A_562 = arith.addi %add3A_556, %mul3A_561 : vector<16xi32>
        %get3A_563 = arith.constant 128 : index
        %get3A_564 = tpu.vector_load %arg21[%get3A_563] {strides = array<i32>} : memref<400xi32, #tpu.memory_space<vmem>>, vector<16xi32>,
        %add3A_565 = arith.addi %add3A_562, %get3A_564 : vector<16xi32>
        %add3A_566 = arith.constant 506 : i32
        %add3A_567 = vector.broadcast %add3A_566 : i32 to vector<16xi32>
        %add3A_568 = arith.addi %add3A_565, %add3A_567 : vector<16xi32>
        %shift_left3A_569 = arith.constant 10 : i32
        %shift_left3A_570 = vector.broadcast %shift_left3A_569 : i32 to vector<16xi32>
        %shift_left3A_571 = arith.shli %add3A_568, %shift_left3A_570 : vector<16xi32>
        %or3A_572 = arith.ori %add3A_545, %shift_left3A_571 : vector<16xi32>
        %swap3A_573 = arith.constant 128 : index
        %swap3A_574 = tpu.vector_load %arg25[%swap3A_573] {strides = array<i32>} : memref<400xi32, #tpu.memory_space<vmem>>, vector<16xi32>,
        tpu.vector_store %arg25[%swap3A_573], %or3A_572 {strides = array<i32>} : memref<400xi32, #tpu.memory_space<vmem>>, vector<16xi32>,
        %get3A_575 = arith.constant 128 : index
        %get3A_576 = tpu.vector_load %arg22[%get3A_575] {strides = array<i32>} : memref<400xf32, #tpu.memory_space<vmem>>, vector<16xf32>,
        %get3A_577 = arith.constant 128 : index
        %get3A_578 = tpu.vector_load %arg23[%get3A_577] {strides = array<i32>} : memref<400xf32, #tpu.memory_space<vmem>>, vector<16xf32>,
        %pack3A_579 = tpu.pack_subelements %get3A_576, %get3A_578 {pack_format = #tpu.pack_format<interleaved>, positions = array<i32: 0, 1>} : vector<16xf32>, vector<16xf32> -> vector<32xbf16>
        %bitcast3A_580 = vector.bitcast %pack3A_579 : vector<32xbf16> to vector<16xi32>
        %swap3A_581 = arith.constant 128 : index
        %swap3A_582 = tpu.vector_load %arg26[%swap3A_581] {strides = array<i32>} : memref<400xi32, #tpu.memory_space<vmem>>, vector<16xi32>,
        tpu.vector_store %arg26[%swap3A_581], %bitcast3A_580 {strides = array<i32>} : memref<400xi32, #tpu.memory_space<vmem>>, vector<16xi32>,
        %get3A_583 = arith.constant 128 : index
        %get3A_584 = tpu.vector_load %arg24[%get3A_583] {strides = array<i32>} : memref<400xf32, #tpu.memory_space<vmem>>, vector<16xf32>,
        %swap3A_585 = arith.constant 128 : index
        %swap3A_586 = tpu.vector_load %arg27[%swap3A_585] {strides = array<i32>} : memref<400xf32, #tpu.memory_space<vmem>>, vector<16xf32>,
        tpu.vector_store %arg27[%swap3A_585], %get3A_584 {strides = array<i32>} : memref<400xf32, #tpu.memory_space<vmem>>, vector<16xf32>,
        %get3A_587 = arith.constant 144 : index
        %get3A_588 = tpu.vector_load %arg16[%get3A_587] {strides = array<i32>} : memref<400xi32, #tpu.memory_space<vmem>>, vector<16xi32>,
        %mul3A_589 = arith.constant 11 : i32
        %mul3A_590 = vector.broadcast %mul3A_589 : i32 to vector<16xi32>
        %mul3A_591 = arith.muli %get3A_588, %mul3A_590 : vector<16xi32>
        %get3A_592 = arith.constant 144 : index
        %get3A_593 = tpu.vector_load %arg18[%get3A_592] {strides = array<i32>} : memref<400xi32, #tpu.memory_space<vmem>>, vector<16xi32>,
        %add3A_594 = arith.addi %mul3A_591, %get3A_593 : vector<16xi32>
        %get3A_595 = arith.constant 144 : index
        %get3A_596 = tpu.vector_load %arg17[%get3A_595] {strides = array<i32>} : memref<400xi32, #tpu.memory_space<vmem>>, vector<16xi32>,
        %mul3A_597 = arith.constant 60 : i32
        %mul3A_598 = vector.broadcast %mul3A_597 : i32 to vector<16xi32>
        %mul3A_599 = arith.muli %get3A_596, %mul3A_598 : vector<16xi32>
        %get3A_600 = arith.constant 144 : index
        %get3A_601 = tpu.vector_load %arg19[%get3A_600] {strides = array<i32>} : memref<400xi32, #tpu.memory_space<vmem>>, vector<16xi32>,
        %mul3A_602 = arith.constant 20 : i32
        %mul3A_603 = vector.broadcast %mul3A_602 : i32 to vector<16xi32>
        %mul3A_604 = arith.muli %get3A_601, %mul3A_603 : vector<16xi32>
        %add3A_605 = arith.addi %mul3A_599, %mul3A_604 : vector<16xi32>
        %get3A_606 = arith.constant 144 : index
        %get3A_607 = tpu.vector_load %arg20[%get3A_606] {strides = array<i32>} : memref<400xi32, #tpu.memory_space<vmem>>, vector<16xi32>,
        %mul3A_608 = arith.constant 4 : i32
        %mul3A_609 = vector.broadcast %mul3A_608 : i32 to vector<16xi32>
        %mul3A_610 = arith.muli %get3A_607, %mul3A_609 : vector<16xi32>
        %add3A_611 = arith.addi %add3A_605, %mul3A_610 : vector<16xi32>
        %get3A_612 = arith.constant 144 : index
        %get3A_613 = tpu.vector_load %arg21[%get3A_612] {strides = array<i32>} : memref<400xi32, #tpu.memory_space<vmem>>, vector<16xi32>,
        %add3A_614 = arith.addi %add3A_611, %get3A_613 : vector<16xi32>
        %add3A_615 = arith.constant 506 : i32
        %add3A_616 = vector.broadcast %add3A_615 : i32 to vector<16xi32>
        %add3A_617 = arith.addi %add3A_614, %add3A_616 : vector<16xi32>
        %shift_left3A_618 = arith.constant 10 : i32
        %shift_left3A_619 = vector.broadcast %shift_left3A_618 : i32 to vector<16xi32>
        %shift_left3A_620 = arith.shli %add3A_617, %shift_left3A_619 : vector<16xi32>
        %or3A_621 = arith.ori %add3A_594, %shift_left3A_620 : vector<16xi32>
        %swap3A_622 = arith.constant 144 : index
        %swap3A_623 = tpu.vector_load %arg25[%swap3A_622] {strides = array<i32>} : memref<400xi32, #tpu.memory_space<vmem>>, vector<16xi32>,
        tpu.vector_store %arg25[%swap3A_622], %or3A_621 {strides = array<i32>} : memref<400xi32, #tpu.memory_space<vmem>>, vector<16xi32>,
        %get3A_624 = arith.constant 144 : index
        %get3A_625 = tpu.vector_load %arg22[%get3A_624] {strides = array<i32>} : memref<400xf32, #tpu.memory_space<vmem>>, vector<16xf32>,
        %get3A_626 = arith.constant 144 : index
        %get3A_627 = tpu.vector_load %arg23[%get3A_626] {strides = array<i32>} : memref<400xf32, #tpu.memory_space<vmem>>, vector<16xf32>,
        %pack3A_628 = tpu.pack_subelements %get3A_625, %get3A_627 {pack_format = #tpu.pack_format<interleaved>, positions = array<i32: 0, 1>} : vector<16xf32>, vector<16xf32> -> vector<32xbf16>
        %bitcast3A_629 = vector.bitcast %pack3A_628 : vector<32xbf16> to vector<16xi32>
        %swap3A_630 = arith.constant 144 : index
        %swap3A_631 = tpu.vector_load %arg26[%swap3A_630] {strides = array<i32>} : memref<400xi32, #tpu.memory_space<vmem>>, vector<16xi32>,
        tpu.vector_store %arg26[%swap3A_630], %bitcast3A_629 {strides = array<i32>} : memref<400xi32, #tpu.memory_space<vmem>>, vector<16xi32>,
        %get3A_632 = arith.constant 144 : index
        %get3A_633 = tpu.vector_load %arg24[%get3A_632] {strides = array<i32>} : memref<400xf32, #tpu.memory_space<vmem>>, vector<16xf32>,
        %swap3A_634 = arith.constant 144 : index
        %swap3A_635 = tpu.vector_load %arg27[%swap3A_634] {strides = array<i32>} : memref<400xf32, #tpu.memory_space<vmem>>, vector<16xf32>,
        tpu.vector_store %arg27[%swap3A_634], %get3A_633 {strides = array<i32>} : memref<400xf32, #tpu.memory_space<vmem>>, vector<16xf32>,
        %get3A_636 = arith.constant 160 : index
        %get3A_637 = tpu.vector_load %arg16[%get3A_636] {strides = array<i32>} : memref<400xi32, #tpu.memory_space<vmem>>, vector<16xi32>,
        %mul3A_638 = arith.constant 11 : i32
        %mul3A_639 = vector.broadcast %mul3A_638 : i32 to vector<16xi32>
        %mul3A_640 = arith.muli %get3A_637, %mul3A_639 : vector<16xi32>
        %get3A_641 = arith.constant 160 : index
        %get3A_642 = tpu.vector_load %arg18[%get3A_641] {strides = array<i32>} : memref<400xi32, #tpu.memory_space<vmem>>, vector<16xi32>,
        %add3A_643 = arith.addi %mul3A_640, %get3A_642 : vector<16xi32>
        %get3A_644 = arith.constant 160 : index
        %get3A_645 = tpu.vector_load %arg17[%get3A_644] {strides = array<i32>} : memref<400xi32, #tpu.memory_space<vmem>>, vector<16xi32>,
        %mul3A_646 = arith.constant 60 : i32
        %mul3A_647 = vector.broadcast %mul3A_646 : i32 to vector<16xi32>
        %mul3A_648 = arith.muli %get3A_645, %mul3A_647 : vector<16xi32>
        %get3A_649 = arith.constant 160 : index
        %get3A_650 = tpu.vector_load %arg19[%get3A_649] {strides = array<i32>} : memref<400xi32, #tpu.memory_space<vmem>>, vector<16xi32>,
        %mul3A_651 = arith.constant 20 : i32
        %mul3A_652 = vector.broadcast %mul3A_651 : i32 to vector<16xi32>
        %mul3A_653 = arith.muli %get3A_650, %mul3A_652 : vector<16xi32>
        %add3A_654 = arith.addi %mul3A_648, %mul3A_653 : vector<16xi32>
        %get3A_655 = arith.constant 160 : index
        %get3A_656 = tpu.vector_load %arg20[%get3A_655] {strides = array<i32>} : memref<400xi32, #tpu.memory_space<vmem>>, vector<16xi32>,
        %mul3A_657 = arith.constant 4 : i32
        %mul3A_658 = vector.broadcast %mul3A_657 : i32 to vector<16xi32>
        %mul3A_659 = arith.muli %get3A_656, %mul3A_658 : vector<16xi32>
        %add3A_660 = arith.addi %add3A_654, %mul3A_659 : vector<16xi32>
        %get3A_661 = arith.constant 160 : index
        %get3A_662 = tpu.vector_load %arg21[%get3A_661] {strides = array<i32>} : memref<400xi32, #tpu.memory_space<vmem>>, vector<16xi32>,
        %add3A_663 = arith.addi %add3A_660, %get3A_662 : vector<16xi32>
        %add3A_664 = arith.constant 506 : i32
        %add3A_665 = vector.broadcast %add3A_664 : i32 to vector<16xi32>
        %add3A_666 = arith.addi %add3A_663, %add3A_665 : vector<16xi32>
        %shift_left3A_667 = arith.constant 10 : i32
        %shift_left3A_668 = vector.broadcast %shift_left3A_667 : i32 to vector<16xi32>
        %shift_left3A_669 = arith.shli %add3A_666, %shift_left3A_668 : vector<16xi32>
        %or3A_670 = arith.ori %add3A_643, %shift_left3A_669 : vector<16xi32>
        %swap3A_671 = arith.constant 160 : index
        %swap3A_672 = tpu.vector_load %arg25[%swap3A_671] {strides = array<i32>} : memref<400xi32, #tpu.memory_space<vmem>>, vector<16xi32>,
        tpu.vector_store %arg25[%swap3A_671], %or3A_670 {strides = array<i32>} : memref<400xi32, #tpu.memory_space<vmem>>, vector<16xi32>,
        %get3A_673 = arith.constant 160 : index
        %get3A_674 = tpu.vector_load %arg22[%get3A_673] {strides = array<i32>} : memref<400xf32, #tpu.memory_space<vmem>>, vector<16xf32>,
        %get3A_675 = arith.constant 160 : index
        %get3A_676 = tpu.vector_load %arg23[%get3A_675] {strides = array<i32>} : memref<400xf32, #tpu.memory_space<vmem>>, vector<16xf32>,
        %pack3A_677 = tpu.pack_subelements %get3A_674, %get3A_676 {pack_format = #tpu.pack_format<interleaved>, positions = array<i32: 0, 1>} : vector<16xf32>, vector<16xf32> -> vector<32xbf16>
        %bitcast3A_678 = vector.bitcast %pack3A_677 : vector<32xbf16> to vector<16xi32>
        %swap3A_679 = arith.constant 160 : index
        %swap3A_680 = tpu.vector_load %arg26[%swap3A_679] {strides = array<i32>} : memref<400xi32, #tpu.memory_space<vmem>>, vector<16xi32>,
        tpu.vector_store %arg26[%swap3A_679], %bitcast3A_678 {strides = array<i32>} : memref<400xi32, #tpu.memory_space<vmem>>, vector<16xi32>,
        %get3A_681 = arith.constant 160 : index
        %get3A_682 = tpu.vector_load %arg24[%get3A_681] {strides = array<i32>} : memref<400xf32, #tpu.memory_space<vmem>>, vector<16xf32>,
        %swap3A_683 = arith.constant 160 : index
        %swap3A_684 = tpu.vector_load %arg27[%swap3A_683] {strides = array<i32>} : memref<400xf32, #tpu.memory_space<vmem>>, vector<16xf32>,
        tpu.vector_store %arg27[%swap3A_683], %get3A_682 {strides = array<i32>} : memref<400xf32, #tpu.memory_space<vmem>>, vector<16xf32>,
        %get3A_685 = arith.constant 176 : index
        %get3A_686 = tpu.vector_load %arg16[%get3A_685] {strides = array<i32>} : memref<400xi32, #tpu.memory_space<vmem>>, vector<16xi32>,
        %mul3A_687 = arith.constant 11 : i32
        %mul3A_688 = vector.broadcast %mul3A_687 : i32 to vector<16xi32>
        %mul3A_689 = arith.muli %get3A_686, %mul3A_688 : vector<16xi32>
        %get3A_690 = arith.constant 176 : index
        %get3A_691 = tpu.vector_load %arg18[%get3A_690] {strides = array<i32>} : memref<400xi32, #tpu.memory_space<vmem>>, vector<16xi32>,
        %add3A_692 = arith.addi %mul3A_689, %get3A_691 : vector<16xi32>
        %get3A_693 = arith.constant 176 : index
        %get3A_694 = tpu.vector_load %arg17[%get3A_693] {strides = array<i32>} : memref<400xi32, #tpu.memory_space<vmem>>, vector<16xi32>,
        %mul3A_695 = arith.constant 60 : i32
        %mul3A_696 = vector.broadcast %mul3A_695 : i32 to vector<16xi32>
        %mul3A_697 = arith.muli %get3A_694, %mul3A_696 : vector<16xi32>
        %get3A_698 = arith.constant 176 : index
        %get3A_699 = tpu.vector_load %arg19[%get3A_698] {strides = array<i32>} : memref<400xi32, #tpu.memory_space<vmem>>, vector<16xi32>,
        %mul3A_700 = arith.constant 20 : i32
        %mul3A_701 = vector.broadcast %mul3A_700 : i32 to vector<16xi32>
        %mul3A_702 = arith.muli %get3A_699, %mul3A_701 : vector<16xi32>
        %add3A_703 = arith.addi %mul3A_697, %mul3A_702 : vector<16xi32>
        %get3A_704 = arith.constant 176 : index
        %get3A_705 = tpu.vector_load %arg20[%get3A_704] {strides = array<i32>} : memref<400xi32, #tpu.memory_space<vmem>>, vector<16xi32>,
        %mul3A_706 = arith.constant 4 : i32
        %mul3A_707 = vector.broadcast %mul3A_706 : i32 to vector<16xi32>
        %mul3A_708 = arith.muli %get3A_705, %mul3A_707 : vector<16xi32>
        %add3A_709 = arith.addi %add3A_703, %mul3A_708 : vector<16xi32>
        %get3A_710 = arith.constant 176 : index
        %get3A_711 = tpu.vector_load %arg21[%get3A_710] {strides = array<i32>} : memref<400xi32, #tpu.memory_space<vmem>>, vector<16xi32>,
        %add3A_712 = arith.addi %add3A_709, %get3A_711 : vector<16xi32>
        %add3A_713 = arith.constant 506 : i32
        %add3A_714 = vector.broadcast %add3A_713 : i32 to vector<16xi32>
        %add3A_715 = arith.addi %add3A_712, %add3A_714 : vector<16xi32>
        %shift_left3A_716 = arith.constant 10 : i32
        %shift_left3A_717 = vector.broadcast %shift_left3A_716 : i32 to vector<16xi32>
        %shift_left3A_718 = arith.shli %add3A_715, %shift_left3A_717 : vector<16xi32>
        %or3A_719 = arith.ori %add3A_692, %shift_left3A_718 : vector<16xi32>
        %swap3A_720 = arith.constant 176 : index
        %swap3A_721 = tpu.vector_load %arg25[%swap3A_720] {strides = array<i32>} : memref<400xi32, #tpu.memory_space<vmem>>, vector<16xi32>,
        tpu.vector_store %arg25[%swap3A_720], %or3A_719 {strides = array<i32>} : memref<400xi32, #tpu.memory_space<vmem>>, vector<16xi32>,
        %get3A_722 = arith.constant 176 : index
        %get3A_723 = tpu.vector_load %arg22[%get3A_722] {strides = array<i32>} : memref<400xf32, #tpu.memory_space<vmem>>, vector<16xf32>,
        %get3A_724 = arith.constant 176 : index
        %get3A_725 = tpu.vector_load %arg23[%get3A_724] {strides = array<i32>} : memref<400xf32, #tpu.memory_space<vmem>>, vector<16xf32>,
        %pack3A_726 = tpu.pack_subelements %get3A_723, %get3A_725 {pack_format = #tpu.pack_format<interleaved>, positions = array<i32: 0, 1>} : vector<16xf32>, vector<16xf32> -> vector<32xbf16>
        %bitcast3A_727 = vector.bitcast %pack3A_726 : vector<32xbf16> to vector<16xi32>
        %swap3A_728 = arith.constant 176 : index
        %swap3A_729 = tpu.vector_load %arg26[%swap3A_728] {strides = array<i32>} : memref<400xi32, #tpu.memory_space<vmem>>, vector<16xi32>,
        tpu.vector_store %arg26[%swap3A_728], %bitcast3A_727 {strides = array<i32>} : memref<400xi32, #tpu.memory_space<vmem>>, vector<16xi32>,
        %get3A_730 = arith.constant 176 : index
        %get3A_731 = tpu.vector_load %arg24[%get3A_730] {strides = array<i32>} : memref<400xf32, #tpu.memory_space<vmem>>, vector<16xf32>,
        %swap3A_732 = arith.constant 176 : index
        %swap3A_733 = tpu.vector_load %arg27[%swap3A_732] {strides = array<i32>} : memref<400xf32, #tpu.memory_space<vmem>>, vector<16xf32>,
        tpu.vector_store %arg27[%swap3A_732], %get3A_731 {strides = array<i32>} : memref<400xf32, #tpu.memory_space<vmem>>, vector<16xf32>,
        %get3A_734 = arith.constant 192 : index
        %get3A_735 = tpu.vector_load %arg16[%get3A_734] {strides = array<i32>} : memref<400xi32, #tpu.memory_space<vmem>>, vector<16xi32>,
        %mul3A_736 = arith.constant 11 : i32
        %mul3A_737 = vector.broadcast %mul3A_736 : i32 to vector<16xi32>
        %mul3A_738 = arith.muli %get3A_735, %mul3A_737 : vector<16xi32>
        %get3A_739 = arith.constant 192 : index
        %get3A_740 = tpu.vector_load %arg18[%get3A_739] {strides = array<i32>} : memref<400xi32, #tpu.memory_space<vmem>>, vector<16xi32>,
        %add3A_741 = arith.addi %mul3A_738, %get3A_740 : vector<16xi32>
        %get3A_742 = arith.constant 192 : index
        %get3A_743 = tpu.vector_load %arg17[%get3A_742] {strides = array<i32>} : memref<400xi32, #tpu.memory_space<vmem>>, vector<16xi32>,
        %mul3A_744 = arith.constant 60 : i32
        %mul3A_745 = vector.broadcast %mul3A_744 : i32 to vector<16xi32>
        %mul3A_746 = arith.muli %get3A_743, %mul3A_745 : vector<16xi32>
        %get3A_747 = arith.constant 192 : index
        %get3A_748 = tpu.vector_load %arg19[%get3A_747] {strides = array<i32>} : memref<400xi32, #tpu.memory_space<vmem>>, vector<16xi32>,
        %mul3A_749 = arith.constant 20 : i32
        %mul3A_750 = vector.broadcast %mul3A_749 : i32 to vector<16xi32>
        %mul3A_751 = arith.muli %get3A_748, %mul3A_750 : vector<16xi32>
        %add3A_752 = arith.addi %mul3A_746, %mul3A_751 : vector<16xi32>
        %get3A_753 = arith.constant 192 : index
        %get3A_754 = tpu.vector_load %arg20[%get3A_753] {strides = array<i32>} : memref<400xi32, #tpu.memory_space<vmem>>, vector<16xi32>,
        %mul3A_755 = arith.constant 4 : i32
        %mul3A_756 = vector.broadcast %mul3A_755 : i32 to vector<16xi32>
        %mul3A_757 = arith.muli %get3A_754, %mul3A_756 : vector<16xi32>
        %add3A_758 = arith.addi %add3A_752, %mul3A_757 : vector<16xi32>
        %get3A_759 = arith.constant 192 : index
        %get3A_760 = tpu.vector_load %arg21[%get3A_759] {strides = array<i32>} : memref<400xi32, #tpu.memory_space<vmem>>, vector<16xi32>,
        %add3A_761 = arith.addi %add3A_758, %get3A_760 : vector<16xi32>
        %add3A_762 = arith.constant 506 : i32
        %add3A_763 = vector.broadcast %add3A_762 : i32 to vector<16xi32>
        %add3A_764 = arith.addi %add3A_761, %add3A_763 : vector<16xi32>
        %shift_left3A_765 = arith.constant 10 : i32
        %shift_left3A_766 = vector.broadcast %shift_left3A_765 : i32 to vector<16xi32>
        %shift_left3A_767 = arith.shli %add3A_764, %shift_left3A_766 : vector<16xi32>
        %or3A_768 = arith.ori %add3A_741, %shift_left3A_767 : vector<16xi32>
        %swap3A_769 = arith.constant 192 : index
        %swap3A_770 = tpu.vector_load %arg25[%swap3A_769] {strides = array<i32>} : memref<400xi32, #tpu.memory_space<vmem>>, vector<16xi32>,
        tpu.vector_store %arg25[%swap3A_769], %or3A_768 {strides = array<i32>} : memref<400xi32, #tpu.memory_space<vmem>>, vector<16xi32>,
        %get3A_771 = arith.constant 192 : index
        %get3A_772 = tpu.vector_load %arg22[%get3A_771] {strides = array<i32>} : memref<400xf32, #tpu.memory_space<vmem>>, vector<16xf32>,
        %get3A_773 = arith.constant 192 : index
        %get3A_774 = tpu.vector_load %arg23[%get3A_773] {strides = array<i32>} : memref<400xf32, #tpu.memory_space<vmem>>, vector<16xf32>,
        %pack3A_775 = tpu.pack_subelements %get3A_772, %get3A_774 {pack_format = #tpu.pack_format<interleaved>, positions = array<i32: 0, 1>} : vector<16xf32>, vector<16xf32> -> vector<32xbf16>
        %bitcast3A_776 = vector.bitcast %pack3A_775 : vector<32xbf16> to vector<16xi32>
        %swap3A_777 = arith.constant 192 : index
        %swap3A_778 = tpu.vector_load %arg26[%swap3A_777] {strides = array<i32>} : memref<400xi32, #tpu.memory_space<vmem>>, vector<16xi32>,
        tpu.vector_store %arg26[%swap3A_777], %bitcast3A_776 {strides = array<i32>} : memref<400xi32, #tpu.memory_space<vmem>>, vector<16xi32>,
        %get3A_779 = arith.constant 192 : index
        %get3A_780 = tpu.vector_load %arg24[%get3A_779] {strides = array<i32>} : memref<400xf32, #tpu.memory_space<vmem>>, vector<16xf32>,
        %swap3A_781 = arith.constant 192 : index
        %swap3A_782 = tpu.vector_load %arg27[%swap3A_781] {strides = array<i32>} : memref<400xf32, #tpu.memory_space<vmem>>, vector<16xf32>,
        tpu.vector_store %arg27[%swap3A_781], %get3A_780 {strides = array<i32>} : memref<400xf32, #tpu.memory_space<vmem>>, vector<16xf32>,
        %get3A_783 = arith.constant 208 : index
        %get3A_784 = tpu.vector_load %arg16[%get3A_783] {strides = array<i32>} : memref<400xi32, #tpu.memory_space<vmem>>, vector<16xi32>,
        %mul3A_785 = arith.constant 11 : i32
        %mul3A_786 = vector.broadcast %mul3A_785 : i32 to vector<16xi32>
        %mul3A_787 = arith.muli %get3A_784, %mul3A_786 : vector<16xi32>
        %get3A_788 = arith.constant 208 : index
        %get3A_789 = tpu.vector_load %arg18[%get3A_788] {strides = array<i32>} : memref<400xi32, #tpu.memory_space<vmem>>, vector<16xi32>,
        %add3A_790 = arith.addi %mul3A_787, %get3A_789 : vector<16xi32>
        %get3A_791 = arith.constant 208 : index
        %get3A_792 = tpu.vector_load %arg17[%get3A_791] {strides = array<i32>} : memref<400xi32, #tpu.memory_space<vmem>>, vector<16xi32>,
        %mul3A_793 = arith.constant 60 : i32
        %mul3A_794 = vector.broadcast %mul3A_793 : i32 to vector<16xi32>
        %mul3A_795 = arith.muli %get3A_792, %mul3A_794 : vector<16xi32>
        %get3A_796 = arith.constant 208 : index
        %get3A_797 = tpu.vector_load %arg19[%get3A_796] {strides = array<i32>} : memref<400xi32, #tpu.memory_space<vmem>>, vector<16xi32>,
        %mul3A_798 = arith.constant 20 : i32
        %mul3A_799 = vector.broadcast %mul3A_798 : i32 to vector<16xi32>
        %mul3A_800 = arith.muli %get3A_797, %mul3A_799 : vector<16xi32>
        %add3A_801 = arith.addi %mul3A_795, %mul3A_800 : vector<16xi32>
        %get3A_802 = arith.constant 208 : index
        %get3A_803 = tpu.vector_load %arg20[%get3A_802] {strides = array<i32>} : memref<400xi32, #tpu.memory_space<vmem>>, vector<16xi32>,
        %mul3A_804 = arith.constant 4 : i32
        %mul3A_805 = vector.broadcast %mul3A_804 : i32 to vector<16xi32>
        %mul3A_806 = arith.muli %get3A_803, %mul3A_805 : vector<16xi32>
        %add3A_807 = arith.addi %add3A_801, %mul3A_806 : vector<16xi32>
        %get3A_808 = arith.constant 208 : index
        %get3A_809 = tpu.vector_load %arg21[%get3A_808] {strides = array<i32>} : memref<400xi32, #tpu.memory_space<vmem>>, vector<16xi32>,
        %add3A_810 = arith.addi %add3A_807, %get3A_809 : vector<16xi32>
        %add3A_811 = arith.constant 506 : i32
        %add3A_812 = vector.broadcast %add3A_811 : i32 to vector<16xi32>
        %add3A_813 = arith.addi %add3A_810, %add3A_812 : vector<16xi32>
        %shift_left3A_814 = arith.constant 10 : i32
        %shift_left3A_815 = vector.broadcast %shift_left3A_814 : i32 to vector<16xi32>
        %shift_left3A_816 = arith.shli %add3A_813, %shift_left3A_815 : vector<16xi32>
        %or3A_817 = arith.ori %add3A_790, %shift_left3A_816 : vector<16xi32>
        %swap3A_818 = arith.constant 208 : index
        %swap3A_819 = tpu.vector_load %arg25[%swap3A_818] {strides = array<i32>} : memref<400xi32, #tpu.memory_space<vmem>>, vector<16xi32>,
        tpu.vector_store %arg25[%swap3A_818], %or3A_817 {strides = array<i32>} : memref<400xi32, #tpu.memory_space<vmem>>, vector<16xi32>,
        %get3A_820 = arith.constant 208 : index
        %get3A_821 = tpu.vector_load %arg22[%get3A_820] {strides = array<i32>} : memref<400xf32, #tpu.memory_space<vmem>>, vector<16xf32>,
        %get3A_822 = arith.constant 208 : index
        %get3A_823 = tpu.vector_load %arg23[%get3A_822] {strides = array<i32>} : memref<400xf32, #tpu.memory_space<vmem>>, vector<16xf32>,
        %pack3A_824 = tpu.pack_subelements %get3A_821, %get3A_823 {pack_format = #tpu.pack_format<interleaved>, positions = array<i32: 0, 1>} : vector<16xf32>, vector<16xf32> -> vector<32xbf16>
        %bitcast3A_825 = vector.bitcast %pack3A_824 : vector<32xbf16> to vector<16xi32>
        %swap3A_826 = arith.constant 208 : index
        %swap3A_827 = tpu.vector_load %arg26[%swap3A_826] {strides = array<i32>} : memref<400xi32, #tpu.memory_space<vmem>>, vector<16xi32>,
        tpu.vector_store %arg26[%swap3A_826], %bitcast3A_825 {strides = array<i32>} : memref<400xi32, #tpu.memory_space<vmem>>, vector<16xi32>,
        %get3A_828 = arith.constant 208 : index
        %get3A_829 = tpu.vector_load %arg24[%get3A_828] {strides = array<i32>} : memref<400xf32, #tpu.memory_space<vmem>>, vector<16xf32>,
        %swap3A_830 = arith.constant 208 : index
        %swap3A_831 = tpu.vector_load %arg27[%swap3A_830] {strides = array<i32>} : memref<400xf32, #tpu.memory_space<vmem>>, vector<16xf32>,
        tpu.vector_store %arg27[%swap3A_830], %get3A_829 {strides = array<i32>} : memref<400xf32, #tpu.memory_space<vmem>>, vector<16xf32>,
        %get3A_832 = arith.constant 224 : index
        %get3A_833 = tpu.vector_load %arg16[%get3A_832] {strides = array<i32>} : memref<400xi32, #tpu.memory_space<vmem>>, vector<16xi32>,
        %mul3A_834 = arith.constant 11 : i32
        %mul3A_835 = vector.broadcast %mul3A_834 : i32 to vector<16xi32>
        %mul3A_836 = arith.muli %get3A_833, %mul3A_835 : vector<16xi32>
        %get3A_837 = arith.constant 224 : index
        %get3A_838 = tpu.vector_load %arg18[%get3A_837] {strides = array<i32>} : memref<400xi32, #tpu.memory_space<vmem>>, vector<16xi32>,
        %add3A_839 = arith.addi %mul3A_836, %get3A_838 : vector<16xi32>
        %get3A_840 = arith.constant 224 : index
        %get3A_841 = tpu.vector_load %arg17[%get3A_840] {strides = array<i32>} : memref<400xi32, #tpu.memory_space<vmem>>, vector<16xi32>,
        %mul3A_842 = arith.constant 60 : i32
        %mul3A_843 = vector.broadcast %mul3A_842 : i32 to vector<16xi32>
        %mul3A_844 = arith.muli %get3A_841, %mul3A_843 : vector<16xi32>
        %get3A_845 = arith.constant 224 : index
        %get3A_846 = tpu.vector_load %arg19[%get3A_845] {strides = array<i32>} : memref<400xi32, #tpu.memory_space<vmem>>, vector<16xi32>,
        %mul3A_847 = arith.constant 20 : i32
        %mul3A_848 = vector.broadcast %mul3A_847 : i32 to vector<16xi32>
        %mul3A_849 = arith.muli %get3A_846, %mul3A_848 : vector<16xi32>
        %add3A_850 = arith.addi %mul3A_844, %mul3A_849 : vector<16xi32>
        %get3A_851 = arith.constant 224 : index
        %get3A_852 = tpu.vector_load %arg20[%get3A_851] {strides = array<i32>} : memref<400xi32, #tpu.memory_space<vmem>>, vector<16xi32>,
        %mul3A_853 = arith.constant 4 : i32
        %mul3A_854 = vector.broadcast %mul3A_853 : i32 to vector<16xi32>
        %mul3A_855 = arith.muli %get3A_852, %mul3A_854 : vector<16xi32>
        %add3A_856 = arith.addi %add3A_850, %mul3A_855 : vector<16xi32>
        %get3A_857 = arith.constant 224 : index
        %get3A_858 = tpu.vector_load %arg21[%get3A_857] {strides = array<i32>} : memref<400xi32, #tpu.memory_space<vmem>>, vector<16xi32>,
        %add3A_859 = arith.addi %add3A_856, %get3A_858 : vector<16xi32>
        %add3A_860 = arith.constant 506 : i32
        %add3A_861 = vector.broadcast %add3A_860 : i32 to vector<16xi32>
        %add3A_862 = arith.addi %add3A_859, %add3A_861 : vector<16xi32>
        %shift_left3A_863 = arith.constant 10 : i32
        %shift_left3A_864 = vector.broadcast %shift_left3A_863 : i32 to vector<16xi32>
        %shift_left3A_865 = arith.shli %add3A_862, %shift_left3A_864 : vector<16xi32>
        %or3A_866 = arith.ori %add3A_839, %shift_left3A_865 : vector<16xi32>
        %swap3A_867 = arith.constant 224 : index
        %swap3A_868 = tpu.vector_load %arg25[%swap3A_867] {strides = array<i32>} : memref<400xi32, #tpu.memory_space<vmem>>, vector<16xi32>,
        tpu.vector_store %arg25[%swap3A_867], %or3A_866 {strides = array<i32>} : memref<400xi32, #tpu.memory_space<vmem>>, vector<16xi32>,
        %get3A_869 = arith.constant 224 : index
        %get3A_870 = tpu.vector_load %arg22[%get3A_869] {strides = array<i32>} : memref<400xf32, #tpu.memory_space<vmem>>, vector<16xf32>,
        %get3A_871 = arith.constant 224 : index
        %get3A_872 = tpu.vector_load %arg23[%get3A_871] {strides = array<i32>} : memref<400xf32, #tpu.memory_space<vmem>>, vector<16xf32>,
        %pack3A_873 = tpu.pack_subelements %get3A_870, %get3A_872 {pack_format = #tpu.pack_format<interleaved>, positions = array<i32: 0, 1>} : vector<16xf32>, vector<16xf32> -> vector<32xbf16>
        %bitcast3A_874 = vector.bitcast %pack3A_873 : vector<32xbf16> to vector<16xi32>
        %swap3A_875 = arith.constant 224 : index
        %swap3A_876 = tpu.vector_load %arg26[%swap3A_875] {strides = array<i32>} : memref<400xi32, #tpu.memory_space<vmem>>, vector<16xi32>,
        tpu.vector_store %arg26[%swap3A_875], %bitcast3A_874 {strides = array<i32>} : memref<400xi32, #tpu.memory_space<vmem>>, vector<16xi32>,
        %get3A_877 = arith.constant 224 : index
        %get3A_878 = tpu.vector_load %arg24[%get3A_877] {strides = array<i32>} : memref<400xf32, #tpu.memory_space<vmem>>, vector<16xf32>,
        %swap3A_879 = arith.constant 224 : index
        %swap3A_880 = tpu.vector_load %arg27[%swap3A_879] {strides = array<i32>} : memref<400xf32, #tpu.memory_space<vmem>>, vector<16xf32>,
        tpu.vector_store %arg27[%swap3A_879], %get3A_878 {strides = array<i32>} : memref<400xf32, #tpu.memory_space<vmem>>, vector<16xf32>,
        %get3A_881 = arith.constant 240 : index
        %get3A_882 = tpu.vector_load %arg16[%get3A_881] {strides = array<i32>} : memref<400xi32, #tpu.memory_space<vmem>>, vector<16xi32>,
        %mul3A_883 = arith.constant 11 : i32
        %mul3A_884 = vector.broadcast %mul3A_883 : i32 to vector<16xi32>
        %mul3A_885 = arith.muli %get3A_882, %mul3A_884 : vector<16xi32>
        %get3A_886 = arith.constant 240 : index
        %get3A_887 = tpu.vector_load %arg18[%get3A_886] {strides = array<i32>} : memref<400xi32, #tpu.memory_space<vmem>>, vector<16xi32>,
        %add3A_888 = arith.addi %mul3A_885, %get3A_887 : vector<16xi32>
        %get3A_889 = arith.constant 240 : index
        %get3A_890 = tpu.vector_load %arg17[%get3A_889] {strides = array<i32>} : memref<400xi32, #tpu.memory_space<vmem>>, vector<16xi32>,
        %mul3A_891 = arith.constant 60 : i32
        %mul3A_892 = vector.broadcast %mul3A_891 : i32 to vector<16xi32>
        %mul3A_893 = arith.muli %get3A_890, %mul3A_892 : vector<16xi32>
        %get3A_894 = arith.constant 240 : index
        %get3A_895 = tpu.vector_load %arg19[%get3A_894] {strides = array<i32>} : memref<400xi32, #tpu.memory_space<vmem>>, vector<16xi32>,
        %mul3A_896 = arith.constant 20 : i32
        %mul3A_897 = vector.broadcast %mul3A_896 : i32 to vector<16xi32>
        %mul3A_898 = arith.muli %get3A_895, %mul3A_897 : vector<16xi32>
        %add3A_899 = arith.addi %mul3A_893, %mul3A_898 : vector<16xi32>
        %get3A_900 = arith.constant 240 : index
        %get3A_901 = tpu.vector_load %arg20[%get3A_900] {strides = array<i32>} : memref<400xi32, #tpu.memory_space<vmem>>, vector<16xi32>,
        %mul3A_902 = arith.constant 4 : i32
        %mul3A_903 = vector.broadcast %mul3A_902 : i32 to vector<16xi32>
        %mul3A_904 = arith.muli %get3A_901, %mul3A_903 : vector<16xi32>
        %add3A_905 = arith.addi %add3A_899, %mul3A_904 : vector<16xi32>
        %get3A_906 = arith.constant 240 : index
        %get3A_907 = tpu.vector_load %arg21[%get3A_906] {strides = array<i32>} : memref<400xi32, #tpu.memory_space<vmem>>, vector<16xi32>,
        %add3A_908 = arith.addi %add3A_905, %get3A_907 : vector<16xi32>
        %add3A_909 = arith.constant 506 : i32
        %add3A_910 = vector.broadcast %add3A_909 : i32 to vector<16xi32>
        %add3A_911 = arith.addi %add3A_908, %add3A_910 : vector<16xi32>
        %shift_left3A_912 = arith.constant 10 : i32
        %shift_left3A_913 = vector.broadcast %shift_left3A_912 : i32 to vector<16xi32>
        %shift_left3A_914 = arith.shli %add3A_911, %shift_left3A_913 : vector<16xi32>
        %or3A_915 = arith.ori %add3A_888, %shift_left3A_914 : vector<16xi32>
        %swap3A_916 = arith.constant 240 : index
        %swap3A_917 = tpu.vector_load %arg25[%swap3A_916] {strides = array<i32>} : memref<400xi32, #tpu.memory_space<vmem>>, vector<16xi32>,
        tpu.vector_store %arg25[%swap3A_916], %or3A_915 {strides = array<i32>} : memref<400xi32, #tpu.memory_space<vmem>>, vector<16xi32>,
        %get3A_918 = arith.constant 240 : index
        %get3A_919 = tpu.vector_load %arg22[%get3A_918] {strides = array<i32>} : memref<400xf32, #tpu.memory_space<vmem>>, vector<16xf32>,
        %get3A_920 = arith.constant 240 : index
        %get3A_921 = tpu.vector_load %arg23[%get3A_920] {strides = array<i32>} : memref<400xf32, #tpu.memory_space<vmem>>, vector<16xf32>,
        %pack3A_922 = tpu.pack_subelements %get3A_919, %get3A_921 {pack_format = #tpu.pack_format<interleaved>, positions = array<i32: 0, 1>} : vector<16xf32>, vector<16xf32> -> vector<32xbf16>
        %bitcast3A_923 = vector.bitcast %pack3A_922 : vector<32xbf16> to vector<16xi32>
        %swap3A_924 = arith.constant 240 : index
        %swap3A_925 = tpu.vector_load %arg26[%swap3A_924] {strides = array<i32>} : memref<400xi32, #tpu.memory_space<vmem>>, vector<16xi32>,
        tpu.vector_store %arg26[%swap3A_924], %bitcast3A_923 {strides = array<i32>} : memref<400xi32, #tpu.memory_space<vmem>>, vector<16xi32>,
        %get3A_926 = arith.constant 240 : index
        %get3A_927 = tpu.vector_load %arg24[%get3A_926] {strides = array<i32>} : memref<400xf32, #tpu.memory_space<vmem>>, vector<16xf32>,
        %swap3A_928 = arith.constant 240 : index
        %swap3A_929 = tpu.vector_load %arg27[%swap3A_928] {strides = array<i32>} : memref<400xf32, #tpu.memory_space<vmem>>, vector<16xf32>,
        tpu.vector_store %arg27[%swap3A_928], %get3A_927 {strides = array<i32>} : memref<400xf32, #tpu.memory_space<vmem>>, vector<16xf32>,
        %get3A_930 = arith.constant 256 : index
        %get3A_931 = tpu.vector_load %arg16[%get3A_930] {strides = array<i32>} : memref<400xi32, #tpu.memory_space<vmem>>, vector<16xi32>,
        %mul3A_932 = arith.constant 11 : i32
        %mul3A_933 = vector.broadcast %mul3A_932 : i32 to vector<16xi32>
        %mul3A_934 = arith.muli %get3A_931, %mul3A_933 : vector<16xi32>
        %get3A_935 = arith.constant 256 : index
        %get3A_936 = tpu.vector_load %arg18[%get3A_935] {strides = array<i32>} : memref<400xi32, #tpu.memory_space<vmem>>, vector<16xi32>,
        %add3A_937 = arith.addi %mul3A_934, %get3A_936 : vector<16xi32>
        %get3A_938 = arith.constant 256 : index
        %get3A_939 = tpu.vector_load %arg17[%get3A_938] {strides = array<i32>} : memref<400xi32, #tpu.memory_space<vmem>>, vector<16xi32>,
        %mul3A_940 = arith.constant 60 : i32
        %mul3A_941 = vector.broadcast %mul3A_940 : i32 to vector<16xi32>
        %mul3A_942 = arith.muli %get3A_939, %mul3A_941 : vector<16xi32>
        %get3A_943 = arith.constant 256 : index
        %get3A_944 = tpu.vector_load %arg19[%get3A_943] {strides = array<i32>} : memref<400xi32, #tpu.memory_space<vmem>>, vector<16xi32>,
        %mul3A_945 = arith.constant 20 : i32
        %mul3A_946 = vector.broadcast %mul3A_945 : i32 to vector<16xi32>
        %mul3A_947 = arith.muli %get3A_944, %mul3A_946 : vector<16xi32>
        %add3A_948 = arith.addi %mul3A_942, %mul3A_947 : vector<16xi32>
        %get3A_949 = arith.constant 256 : index
        %get3A_950 = tpu.vector_load %arg20[%get3A_949] {strides = array<i32>} : memref<400xi32, #tpu.memory_space<vmem>>, vector<16xi32>,
        %mul3A_951 = arith.constant 4 : i32
        %mul3A_952 = vector.broadcast %mul3A_951 : i32 to vector<16xi32>
        %mul3A_953 = arith.muli %get3A_950, %mul3A_952 : vector<16xi32>
        %add3A_954 = arith.addi %add3A_948, %mul3A_953 : vector<16xi32>
        %get3A_955 = arith.constant 256 : index
        %get3A_956 = tpu.vector_load %arg21[%get3A_955] {strides = array<i32>} : memref<400xi32, #tpu.memory_space<vmem>>, vector<16xi32>,
        %add3A_957 = arith.addi %add3A_954, %get3A_956 : vector<16xi32>
        %add3A_958 = arith.constant 506 : i32
        %add3A_959 = vector.broadcast %add3A_958 : i32 to vector<16xi32>
        %add3A_960 = arith.addi %add3A_957, %add3A_959 : vector<16xi32>
        %shift_left3A_961 = arith.constant 10 : i32
        %shift_left3A_962 = vector.broadcast %shift_left3A_961 : i32 to vector<16xi32>
        %shift_left3A_963 = arith.shli %add3A_960, %shift_left3A_962 : vector<16xi32>
        %or3A_964 = arith.ori %add3A_937, %shift_left3A_963 : vector<16xi32>
        %swap3A_965 = arith.constant 256 : index
        %swap3A_966 = tpu.vector_load %arg25[%swap3A_965] {strides = array<i32>} : memref<400xi32, #tpu.memory_space<vmem>>, vector<16xi32>,
        tpu.vector_store %arg25[%swap3A_965], %or3A_964 {strides = array<i32>} : memref<400xi32, #tpu.memory_space<vmem>>, vector<16xi32>,
        %get3A_967 = arith.constant 256 : index
        %get3A_968 = tpu.vector_load %arg22[%get3A_967] {strides = array<i32>} : memref<400xf32, #tpu.memory_space<vmem>>, vector<16xf32>,
        %get3A_969 = arith.constant 256 : index
        %get3A_970 = tpu.vector_load %arg23[%get3A_969] {strides = array<i32>} : memref<400xf32, #tpu.memory_space<vmem>>, vector<16xf32>,
        %pack3A_971 = tpu.pack_subelements %get3A_968, %get3A_970 {pack_format = #tpu.pack_format<interleaved>, positions = array<i32: 0, 1>} : vector<16xf32>, vector<16xf32> -> vector<32xbf16>
        %bitcast3A_972 = vector.bitcast %pack3A_971 : vector<32xbf16> to vector<16xi32>
        %swap3A_973 = arith.constant 256 : index
        %swap3A_974 = tpu.vector_load %arg26[%swap3A_973] {strides = array<i32>} : memref<400xi32, #tpu.memory_space<vmem>>, vector<16xi32>,
        tpu.vector_store %arg26[%swap3A_973], %bitcast3A_972 {strides = array<i32>} : memref<400xi32, #tpu.memory_space<vmem>>, vector<16xi32>,
        %get3A_975 = arith.constant 256 : index
        %get3A_976 = tpu.vector_load %arg24[%get3A_975] {strides = array<i32>} : memref<400xf32, #tpu.memory_space<vmem>>, vector<16xf32>,
        %swap3A_977 = arith.constant 256 : index
        %swap3A_978 = tpu.vector_load %arg27[%swap3A_977] {strides = array<i32>} : memref<400xf32, #tpu.memory_space<vmem>>, vector<16xf32>,
        tpu.vector_store %arg27[%swap3A_977], %get3A_976 {strides = array<i32>} : memref<400xf32, #tpu.memory_space<vmem>>, vector<16xf32>,
        %get3A_979 = arith.constant 272 : index
        %get3A_980 = tpu.vector_load %arg16[%get3A_979] {strides = array<i32>} : memref<400xi32, #tpu.memory_space<vmem>>, vector<16xi32>,
        %mul3A_981 = arith.constant 11 : i32
        %mul3A_982 = vector.broadcast %mul3A_981 : i32 to vector<16xi32>
        %mul3A_983 = arith.muli %get3A_980, %mul3A_982 : vector<16xi32>
        %get3A_984 = arith.constant 272 : index
        %get3A_985 = tpu.vector_load %arg18[%get3A_984] {strides = array<i32>} : memref<400xi32, #tpu.memory_space<vmem>>, vector<16xi32>,
        %add3A_986 = arith.addi %mul3A_983, %get3A_985 : vector<16xi32>
        %get3A_987 = arith.constant 272 : index
        %get3A_988 = tpu.vector_load %arg17[%get3A_987] {strides = array<i32>} : memref<400xi32, #tpu.memory_space<vmem>>, vector<16xi32>,
        %mul3A_989 = arith.constant 60 : i32
        %mul3A_990 = vector.broadcast %mul3A_989 : i32 to vector<16xi32>
        %mul3A_991 = arith.muli %get3A_988, %mul3A_990 : vector<16xi32>
        %get3A_992 = arith.constant 272 : index
        %get3A_993 = tpu.vector_load %arg19[%get3A_992] {strides = array<i32>} : memref<400xi32, #tpu.memory_space<vmem>>, vector<16xi32>,
        %mul3A_994 = arith.constant 20 : i32
        %mul3A_995 = vector.broadcast %mul3A_994 : i32 to vector<16xi32>
        %mul3A_996 = arith.muli %get3A_993, %mul3A_995 : vector<16xi32>
        %add3A_997 = arith.addi %mul3A_991, %mul3A_996 : vector<16xi32>
        %get3A_998 = arith.constant 272 : index
        %get3A_999 = tpu.vector_load %arg20[%get3A_998] {strides = array<i32>} : memref<400xi32, #tpu.memory_space<vmem>>, vector<16xi32>,
        %mul3A_1000 = arith.constant 4 : i32
        %mul3A_1001 = vector.broadcast %mul3A_1000 : i32 to vector<16xi32>
        %mul3A_1002 = arith.muli %get3A_999, %mul3A_1001 : vector<16xi32>
        %add3A_1003 = arith.addi %add3A_997, %mul3A_1002 : vector<16xi32>
        %get3A_1004 = arith.constant 272 : index
        %get3A_1005 = tpu.vector_load %arg21[%get3A_1004] {strides = array<i32>} : memref<400xi32, #tpu.memory_space<vmem>>, vector<16xi32>,
        %add3A_1006 = arith.addi %add3A_1003, %get3A_1005 : vector<16xi32>
        %add3A_1007 = arith.constant 506 : i32
        %add3A_1008 = vector.broadcast %add3A_1007 : i32 to vector<16xi32>
        %add3A_1009 = arith.addi %add3A_1006, %add3A_1008 : vector<16xi32>
        %shift_left3A_1010 = arith.constant 10 : i32
        %shift_left3A_1011 = vector.broadcast %shift_left3A_1010 : i32 to vector<16xi32>
        %shift_left3A_1012 = arith.shli %add3A_1009, %shift_left3A_1011 : vector<16xi32>
        %or3A_1013 = arith.ori %add3A_986, %shift_left3A_1012 : vector<16xi32>
        %swap3A_1014 = arith.constant 272 : index
        %swap3A_1015 = tpu.vector_load %arg25[%swap3A_1014] {strides = array<i32>} : memref<400xi32, #tpu.memory_space<vmem>>, vector<16xi32>,
        tpu.vector_store %arg25[%swap3A_1014], %or3A_1013 {strides = array<i32>} : memref<400xi32, #tpu.memory_space<vmem>>, vector<16xi32>,
        %get3A_1016 = arith.constant 272 : index
        %get3A_1017 = tpu.vector_load %arg22[%get3A_1016] {strides = array<i32>} : memref<400xf32, #tpu.memory_space<vmem>>, vector<16xf32>,
        %get3A_1018 = arith.constant 272 : index
        %get3A_1019 = tpu.vector_load %arg23[%get3A_1018] {strides = array<i32>} : memref<400xf32, #tpu.memory_space<vmem>>, vector<16xf32>,
        %pack3A_1020 = tpu.pack_subelements %get3A_1017, %get3A_1019 {pack_format = #tpu.pack_format<interleaved>, positions = array<i32: 0, 1>} : vector<16xf32>, vector<16xf32> -> vector<32xbf16>
        %bitcast3A_1021 = vector.bitcast %pack3A_1020 : vector<32xbf16> to vector<16xi32>
        %swap3A_1022 = arith.constant 272 : index
        %swap3A_1023 = tpu.vector_load %arg26[%swap3A_1022] {strides = array<i32>} : memref<400xi32, #tpu.memory_space<vmem>>, vector<16xi32>,
        tpu.vector_store %arg26[%swap3A_1022], %bitcast3A_1021 {strides = array<i32>} : memref<400xi32, #tpu.memory_space<vmem>>, vector<16xi32>,
        %get3A_1024 = arith.constant 272 : index
        %get3A_1025 = tpu.vector_load %arg24[%get3A_1024] {strides = array<i32>} : memref<400xf32, #tpu.memory_space<vmem>>, vector<16xf32>,
        %swap3A_1026 = arith.constant 272 : index
        %swap3A_1027 = tpu.vector_load %arg27[%swap3A_1026] {strides = array<i32>} : memref<400xf32, #tpu.memory_space<vmem>>, vector<16xf32>,
        tpu.vector_store %arg27[%swap3A_1026], %get3A_1025 {strides = array<i32>} : memref<400xf32, #tpu.memory_space<vmem>>, vector<16xf32>,
        %get3A_1028 = arith.constant 288 : index
        %get3A_1029 = tpu.vector_load %arg16[%get3A_1028] {strides = array<i32>} : memref<400xi32, #tpu.memory_space<vmem>>, vector<16xi32>,
        %mul3A_1030 = arith.constant 11 : i32
        %mul3A_1031 = vector.broadcast %mul3A_1030 : i32 to vector<16xi32>
        %mul3A_1032 = arith.muli %get3A_1029, %mul3A_1031 : vector<16xi32>
        %get3A_1033 = arith.constant 288 : index
        %get3A_1034 = tpu.vector_load %arg18[%get3A_1033] {strides = array<i32>} : memref<400xi32, #tpu.memory_space<vmem>>, vector<16xi32>,
        %add3A_1035 = arith.addi %mul3A_1032, %get3A_1034 : vector<16xi32>
        %get3A_1036 = arith.constant 288 : index
        %get3A_1037 = tpu.vector_load %arg17[%get3A_1036] {strides = array<i32>} : memref<400xi32, #tpu.memory_space<vmem>>, vector<16xi32>,
        %mul3A_1038 = arith.constant 60 : i32
        %mul3A_1039 = vector.broadcast %mul3A_1038 : i32 to vector<16xi32>
        %mul3A_1040 = arith.muli %get3A_1037, %mul3A_1039 : vector<16xi32>
        %get3A_1041 = arith.constant 288 : index
        %get3A_1042 = tpu.vector_load %arg19[%get3A_1041] {strides = array<i32>} : memref<400xi32, #tpu.memory_space<vmem>>, vector<16xi32>,
        %mul3A_1043 = arith.constant 20 : i32
        %mul3A_1044 = vector.broadcast %mul3A_1043 : i32 to vector<16xi32>
        %mul3A_1045 = arith.muli %get3A_1042, %mul3A_1044 : vector<16xi32>
        %add3A_1046 = arith.addi %mul3A_1040, %mul3A_1045 : vector<16xi32>
        %get3A_1047 = arith.constant 288 : index
        %get3A_1048 = tpu.vector_load %arg20[%get3A_1047] {strides = array<i32>} : memref<400xi32, #tpu.memory_space<vmem>>, vector<16xi32>,
        %mul3A_1049 = arith.constant 4 : i32
        %mul3A_1050 = vector.broadcast %mul3A_1049 : i32 to vector<16xi32>
        %mul3A_1051 = arith.muli %get3A_1048, %mul3A_1050 : vector<16xi32>
        %add3A_1052 = arith.addi %add3A_1046, %mul3A_1051 : vector<16xi32>
        %get3A_1053 = arith.constant 288 : index
        %get3A_1054 = tpu.vector_load %arg21[%get3A_1053] {strides = array<i32>} : memref<400xi32, #tpu.memory_space<vmem>>, vector<16xi32>,
        %add3A_1055 = arith.addi %add3A_1052, %get3A_1054 : vector<16xi32>
        %add3A_1056 = arith.constant 506 : i32
        %add3A_1057 = vector.broadcast %add3A_1056 : i32 to vector<16xi32>
        %add3A_1058 = arith.addi %add3A_1055, %add3A_1057 : vector<16xi32>
        %shift_left3A_1059 = arith.constant 10 : i32
        %shift_left3A_1060 = vector.broadcast %shift_left3A_1059 : i32 to vector<16xi32>
        %shift_left3A_1061 = arith.shli %add3A_1058, %shift_left3A_1060 : vector<16xi32>
        %or3A_1062 = arith.ori %add3A_1035, %shift_left3A_1061 : vector<16xi32>
        %swap3A_1063 = arith.constant 288 : index
        %swap3A_1064 = tpu.vector_load %arg25[%swap3A_1063] {strides = array<i32>} : memref<400xi32, #tpu.memory_space<vmem>>, vector<16xi32>,
        tpu.vector_store %arg25[%swap3A_1063], %or3A_1062 {strides = array<i32>} : memref<400xi32, #tpu.memory_space<vmem>>, vector<16xi32>,
        %get3A_1065 = arith.constant 288 : index
        %get3A_1066 = tpu.vector_load %arg22[%get3A_1065] {strides = array<i32>} : memref<400xf32, #tpu.memory_space<vmem>>, vector<16xf32>,
        %get3A_1067 = arith.constant 288 : index
        %get3A_1068 = tpu.vector_load %arg23[%get3A_1067] {strides = array<i32>} : memref<400xf32, #tpu.memory_space<vmem>>, vector<16xf32>,
        %pack3A_1069 = tpu.pack_subelements %get3A_1066, %get3A_1068 {pack_format = #tpu.pack_format<interleaved>, positions = array<i32: 0, 1>} : vector<16xf32>, vector<16xf32> -> vector<32xbf16>
        %bitcast3A_1070 = vector.bitcast %pack3A_1069 : vector<32xbf16> to vector<16xi32>
        %swap3A_1071 = arith.constant 288 : index
        %swap3A_1072 = tpu.vector_load %arg26[%swap3A_1071] {strides = array<i32>} : memref<400xi32, #tpu.memory_space<vmem>>, vector<16xi32>,
        tpu.vector_store %arg26[%swap3A_1071], %bitcast3A_1070 {strides = array<i32>} : memref<400xi32, #tpu.memory_space<vmem>>, vector<16xi32>,
        %get3A_1073 = arith.constant 288 : index
        %get3A_1074 = tpu.vector_load %arg24[%get3A_1073] {strides = array<i32>} : memref<400xf32, #tpu.memory_space<vmem>>, vector<16xf32>,
        %swap3A_1075 = arith.constant 288 : index
        %swap3A_1076 = tpu.vector_load %arg27[%swap3A_1075] {strides = array<i32>} : memref<400xf32, #tpu.memory_space<vmem>>, vector<16xf32>,
        tpu.vector_store %arg27[%swap3A_1075], %get3A_1074 {strides = array<i32>} : memref<400xf32, #tpu.memory_space<vmem>>, vector<16xf32>,
        %get3A_1077 = arith.constant 304 : index
        %get3A_1078 = tpu.vector_load %arg16[%get3A_1077] {strides = array<i32>} : memref<400xi32, #tpu.memory_space<vmem>>, vector<16xi32>,
        %mul3A_1079 = arith.constant 11 : i32
        %mul3A_1080 = vector.broadcast %mul3A_1079 : i32 to vector<16xi32>
        %mul3A_1081 = arith.muli %get3A_1078, %mul3A_1080 : vector<16xi32>
        %get3A_1082 = arith.constant 304 : index
        %get3A_1083 = tpu.vector_load %arg18[%get3A_1082] {strides = array<i32>} : memref<400xi32, #tpu.memory_space<vmem>>, vector<16xi32>,
        %add3A_1084 = arith.addi %mul3A_1081, %get3A_1083 : vector<16xi32>
        %get3A_1085 = arith.constant 304 : index
        %get3A_1086 = tpu.vector_load %arg17[%get3A_1085] {strides = array<i32>} : memref<400xi32, #tpu.memory_space<vmem>>, vector<16xi32>,
        %mul3A_1087 = arith.constant 60 : i32
        %mul3A_1088 = vector.broadcast %mul3A_1087 : i32 to vector<16xi32>
        %mul3A_1089 = arith.muli %get3A_1086, %mul3A_1088 : vector<16xi32>
        %get3A_1090 = arith.constant 304 : index
        %get3A_1091 = tpu.vector_load %arg19[%get3A_1090] {strides = array<i32>} : memref<400xi32, #tpu.memory_space<vmem>>, vector<16xi32>,
        %mul3A_1092 = arith.constant 20 : i32
        %mul3A_1093 = vector.broadcast %mul3A_1092 : i32 to vector<16xi32>
        %mul3A_1094 = arith.muli %get3A_1091, %mul3A_1093 : vector<16xi32>
        %add3A_1095 = arith.addi %mul3A_1089, %mul3A_1094 : vector<16xi32>
        %get3A_1096 = arith.constant 304 : index
        %get3A_1097 = tpu.vector_load %arg20[%get3A_1096] {strides = array<i32>} : memref<400xi32, #tpu.memory_space<vmem>>, vector<16xi32>,
        %mul3A_1098 = arith.constant 4 : i32
        %mul3A_1099 = vector.broadcast %mul3A_1098 : i32 to vector<16xi32>
        %mul3A_1100 = arith.muli %get3A_1097, %mul3A_1099 : vector<16xi32>
        %add3A_1101 = arith.addi %add3A_1095, %mul3A_1100 : vector<16xi32>
        %get3A_1102 = arith.constant 304 : index
        %get3A_1103 = tpu.vector_load %arg21[%get3A_1102] {strides = array<i32>} : memref<400xi32, #tpu.memory_space<vmem>>, vector<16xi32>,
        %add3A_1104 = arith.addi %add3A_1101, %get3A_1103 : vector<16xi32>
        %add3A_1105 = arith.constant 506 : i32
        %add3A_1106 = vector.broadcast %add3A_1105 : i32 to vector<16xi32>
        %add3A_1107 = arith.addi %add3A_1104, %add3A_1106 : vector<16xi32>
        %shift_left3A_1108 = arith.constant 10 : i32
        %shift_left3A_1109 = vector.broadcast %shift_left3A_1108 : i32 to vector<16xi32>
        %shift_left3A_1110 = arith.shli %add3A_1107, %shift_left3A_1109 : vector<16xi32>
        %or3A_1111 = arith.ori %add3A_1084, %shift_left3A_1110 : vector<16xi32>
        %swap3A_1112 = arith.constant 304 : index
        %swap3A_1113 = tpu.vector_load %arg25[%swap3A_1112] {strides = array<i32>} : memref<400xi32, #tpu.memory_space<vmem>>, vector<16xi32>,
        tpu.vector_store %arg25[%swap3A_1112], %or3A_1111 {strides = array<i32>} : memref<400xi32, #tpu.memory_space<vmem>>, vector<16xi32>,
        %get3A_1114 = arith.constant 304 : index
        %get3A_1115 = tpu.vector_load %arg22[%get3A_1114] {strides = array<i32>} : memref<400xf32, #tpu.memory_space<vmem>>, vector<16xf32>,
        %get3A_1116 = arith.constant 304 : index
        %get3A_1117 = tpu.vector_load %arg23[%get3A_1116] {strides = array<i32>} : memref<400xf32, #tpu.memory_space<vmem>>, vector<16xf32>,
        %pack3A_1118 = tpu.pack_subelements %get3A_1115, %get3A_1117 {pack_format = #tpu.pack_format<interleaved>, positions = array<i32: 0, 1>} : vector<16xf32>, vector<16xf32> -> vector<32xbf16>
        %bitcast3A_1119 = vector.bitcast %pack3A_1118 : vector<32xbf16> to vector<16xi32>
        %swap3A_1120 = arith.constant 304 : index
        %swap3A_1121 = tpu.vector_load %arg26[%swap3A_1120] {strides = array<i32>} : memref<400xi32, #tpu.memory_space<vmem>>, vector<16xi32>,
        tpu.vector_store %arg26[%swap3A_1120], %bitcast3A_1119 {strides = array<i32>} : memref<400xi32, #tpu.memory_space<vmem>>, vector<16xi32>,
        %get3A_1122 = arith.constant 304 : index
        %get3A_1123 = tpu.vector_load %arg24[%get3A_1122] {strides = array<i32>} : memref<400xf32, #tpu.memory_space<vmem>>, vector<16xf32>,
        %swap3A_1124 = arith.constant 304 : index
        %swap3A_1125 = tpu.vector_load %arg27[%swap3A_1124] {strides = array<i32>} : memref<400xf32, #tpu.memory_space<vmem>>, vector<16xf32>,
        tpu.vector_store %arg27[%swap3A_1124], %get3A_1123 {strides = array<i32>} : memref<400xf32, #tpu.memory_space<vmem>>, vector<16xf32>,
        %get3A_1126 = arith.constant 320 : index
        %get3A_1127 = tpu.vector_load %arg16[%get3A_1126] {strides = array<i32>} : memref<400xi32, #tpu.memory_space<vmem>>, vector<16xi32>,
        %mul3A_1128 = arith.constant 11 : i32
        %mul3A_1129 = vector.broadcast %mul3A_1128 : i32 to vector<16xi32>
        %mul3A_1130 = arith.muli %get3A_1127, %mul3A_1129 : vector<16xi32>
        %get3A_1131 = arith.constant 320 : index
        %get3A_1132 = tpu.vector_load %arg18[%get3A_1131] {strides = array<i32>} : memref<400xi32, #tpu.memory_space<vmem>>, vector<16xi32>,
        %add3A_1133 = arith.addi %mul3A_1130, %get3A_1132 : vector<16xi32>
        %get3A_1134 = arith.constant 320 : index
        %get3A_1135 = tpu.vector_load %arg17[%get3A_1134] {strides = array<i32>} : memref<400xi32, #tpu.memory_space<vmem>>, vector<16xi32>,
        %mul3A_1136 = arith.constant 60 : i32
        %mul3A_1137 = vector.broadcast %mul3A_1136 : i32 to vector<16xi32>
        %mul3A_1138 = arith.muli %get3A_1135, %mul3A_1137 : vector<16xi32>
        %get3A_1139 = arith.constant 320 : index
        %get3A_1140 = tpu.vector_load %arg19[%get3A_1139] {strides = array<i32>} : memref<400xi32, #tpu.memory_space<vmem>>, vector<16xi32>,
        %mul3A_1141 = arith.constant 20 : i32
        %mul3A_1142 = vector.broadcast %mul3A_1141 : i32 to vector<16xi32>
        %mul3A_1143 = arith.muli %get3A_1140, %mul3A_1142 : vector<16xi32>
        %add3A_1144 = arith.addi %mul3A_1138, %mul3A_1143 : vector<16xi32>
        %get3A_1145 = arith.constant 320 : index
        %get3A_1146 = tpu.vector_load %arg20[%get3A_1145] {strides = array<i32>} : memref<400xi32, #tpu.memory_space<vmem>>, vector<16xi32>,
        %mul3A_1147 = arith.constant 4 : i32
        %mul3A_1148 = vector.broadcast %mul3A_1147 : i32 to vector<16xi32>
        %mul3A_1149 = arith.muli %get3A_1146, %mul3A_1148 : vector<16xi32>
        %add3A_1150 = arith.addi %add3A_1144, %mul3A_1149 : vector<16xi32>
        %get3A_1151 = arith.constant 320 : index
        %get3A_1152 = tpu.vector_load %arg21[%get3A_1151] {strides = array<i32>} : memref<400xi32, #tpu.memory_space<vmem>>, vector<16xi32>,
        %add3A_1153 = arith.addi %add3A_1150, %get3A_1152 : vector<16xi32>
        %add3A_1154 = arith.constant 506 : i32
        %add3A_1155 = vector.broadcast %add3A_1154 : i32 to vector<16xi32>
        %add3A_1156 = arith.addi %add3A_1153, %add3A_1155 : vector<16xi32>
        %shift_left3A_1157 = arith.constant 10 : i32
        %shift_left3A_1158 = vector.broadcast %shift_left3A_1157 : i32 to vector<16xi32>
        %shift_left3A_1159 = arith.shli %add3A_1156, %shift_left3A_1158 : vector<16xi32>
        %or3A_1160 = arith.ori %add3A_1133, %shift_left3A_1159 : vector<16xi32>
        %swap3A_1161 = arith.constant 320 : index
        %swap3A_1162 = tpu.vector_load %arg25[%swap3A_1161] {strides = array<i32>} : memref<400xi32, #tpu.memory_space<vmem>>, vector<16xi32>,
        tpu.vector_store %arg25[%swap3A_1161], %or3A_1160 {strides = array<i32>} : memref<400xi32, #tpu.memory_space<vmem>>, vector<16xi32>,
        %get3A_1163 = arith.constant 320 : index
        %get3A_1164 = tpu.vector_load %arg22[%get3A_1163] {strides = array<i32>} : memref<400xf32, #tpu.memory_space<vmem>>, vector<16xf32>,
        %get3A_1165 = arith.constant 320 : index
        %get3A_1166 = tpu.vector_load %arg23[%get3A_1165] {strides = array<i32>} : memref<400xf32, #tpu.memory_space<vmem>>, vector<16xf32>,
        %pack3A_1167 = tpu.pack_subelements %get3A_1164, %get3A_1166 {pack_format = #tpu.pack_format<interleaved>, positions = array<i32: 0, 1>} : vector<16xf32>, vector<16xf32> -> vector<32xbf16>
        %bitcast3A_1168 = vector.bitcast %pack3A_1167 : vector<32xbf16> to vector<16xi32>
        %swap3A_1169 = arith.constant 320 : index
        %swap3A_1170 = tpu.vector_load %arg26[%swap3A_1169] {strides = array<i32>} : memref<400xi32, #tpu.memory_space<vmem>>, vector<16xi32>,
        tpu.vector_store %arg26[%swap3A_1169], %bitcast3A_1168 {strides = array<i32>} : memref<400xi32, #tpu.memory_space<vmem>>, vector<16xi32>,
        %get3A_1171 = arith.constant 320 : index
        %get3A_1172 = tpu.vector_load %arg24[%get3A_1171] {strides = array<i32>} : memref<400xf32, #tpu.memory_space<vmem>>, vector<16xf32>,
        %swap3A_1173 = arith.constant 320 : index
        %swap3A_1174 = tpu.vector_load %arg27[%swap3A_1173] {strides = array<i32>} : memref<400xf32, #tpu.memory_space<vmem>>, vector<16xf32>,
        tpu.vector_store %arg27[%swap3A_1173], %get3A_1172 {strides = array<i32>} : memref<400xf32, #tpu.memory_space<vmem>>, vector<16xf32>,
        %get3A_1175 = arith.constant 336 : index
        %get3A_1176 = tpu.vector_load %arg16[%get3A_1175] {strides = array<i32>} : memref<400xi32, #tpu.memory_space<vmem>>, vector<16xi32>,
        %mul3A_1177 = arith.constant 11 : i32
        %mul3A_1178 = vector.broadcast %mul3A_1177 : i32 to vector<16xi32>
        %mul3A_1179 = arith.muli %get3A_1176, %mul3A_1178 : vector<16xi32>
        %get3A_1180 = arith.constant 336 : index
        %get3A_1181 = tpu.vector_load %arg18[%get3A_1180] {strides = array<i32>} : memref<400xi32, #tpu.memory_space<vmem>>, vector<16xi32>,
        %add3A_1182 = arith.addi %mul3A_1179, %get3A_1181 : vector<16xi32>
        %get3A_1183 = arith.constant 336 : index
        %get3A_1184 = tpu.vector_load %arg17[%get3A_1183] {strides = array<i32>} : memref<400xi32, #tpu.memory_space<vmem>>, vector<16xi32>,
        %mul3A_1185 = arith.constant 60 : i32
        %mul3A_1186 = vector.broadcast %mul3A_1185 : i32 to vector<16xi32>
        %mul3A_1187 = arith.muli %get3A_1184, %mul3A_1186 : vector<16xi32>
        %get3A_1188 = arith.constant 336 : index
        %get3A_1189 = tpu.vector_load %arg19[%get3A_1188] {strides = array<i32>} : memref<400xi32, #tpu.memory_space<vmem>>, vector<16xi32>,
        %mul3A_1190 = arith.constant 20 : i32
        %mul3A_1191 = vector.broadcast %mul3A_1190 : i32 to vector<16xi32>
        %mul3A_1192 = arith.muli %get3A_1189, %mul3A_1191 : vector<16xi32>
        %add3A_1193 = arith.addi %mul3A_1187, %mul3A_1192 : vector<16xi32>
        %get3A_1194 = arith.constant 336 : index
        %get3A_1195 = tpu.vector_load %arg20[%get3A_1194] {strides = array<i32>} : memref<400xi32, #tpu.memory_space<vmem>>, vector<16xi32>,
        %mul3A_1196 = arith.constant 4 : i32
        %mul3A_1197 = vector.broadcast %mul3A_1196 : i32 to vector<16xi32>
        %mul3A_1198 = arith.muli %get3A_1195, %mul3A_1197 : vector<16xi32>
        %add3A_1199 = arith.addi %add3A_1193, %mul3A_1198 : vector<16xi32>
        %get3A_1200 = arith.constant 336 : index
        %get3A_1201 = tpu.vector_load %arg21[%get3A_1200] {strides = array<i32>} : memref<400xi32, #tpu.memory_space<vmem>>, vector<16xi32>,
        %add3A_1202 = arith.addi %add3A_1199, %get3A_1201 : vector<16xi32>
        %add3A_1203 = arith.constant 506 : i32
        %add3A_1204 = vector.broadcast %add3A_1203 : i32 to vector<16xi32>
        %add3A_1205 = arith.addi %add3A_1202, %add3A_1204 : vector<16xi32>
        %shift_left3A_1206 = arith.constant 10 : i32
        %shift_left3A_1207 = vector.broadcast %shift_left3A_1206 : i32 to vector<16xi32>
        %shift_left3A_1208 = arith.shli %add3A_1205, %shift_left3A_1207 : vector<16xi32>
        %or3A_1209 = arith.ori %add3A_1182, %shift_left3A_1208 : vector<16xi32>
        %swap3A_1210 = arith.constant 336 : index
        %swap3A_1211 = tpu.vector_load %arg25[%swap3A_1210] {strides = array<i32>} : memref<400xi32, #tpu.memory_space<vmem>>, vector<16xi32>,
        tpu.vector_store %arg25[%swap3A_1210], %or3A_1209 {strides = array<i32>} : memref<400xi32, #tpu.memory_space<vmem>>, vector<16xi32>,
        %get3A_1212 = arith.constant 336 : index
        %get3A_1213 = tpu.vector_load %arg22[%get3A_1212] {strides = array<i32>} : memref<400xf32, #tpu.memory_space<vmem>>, vector<16xf32>,
        %get3A_1214 = arith.constant 336 : index
        %get3A_1215 = tpu.vector_load %arg23[%get3A_1214] {strides = array<i32>} : memref<400xf32, #tpu.memory_space<vmem>>, vector<16xf32>,
        %pack3A_1216 = tpu.pack_subelements %get3A_1213, %get3A_1215 {pack_format = #tpu.pack_format<interleaved>, positions = array<i32: 0, 1>} : vector<16xf32>, vector<16xf32> -> vector<32xbf16>
        %bitcast3A_1217 = vector.bitcast %pack3A_1216 : vector<32xbf16> to vector<16xi32>
        %swap3A_1218 = arith.constant 336 : index
        %swap3A_1219 = tpu.vector_load %arg26[%swap3A_1218] {strides = array<i32>} : memref<400xi32, #tpu.memory_space<vmem>>, vector<16xi32>,
        tpu.vector_store %arg26[%swap3A_1218], %bitcast3A_1217 {strides = array<i32>} : memref<400xi32, #tpu.memory_space<vmem>>, vector<16xi32>,
        %get3A_1220 = arith.constant 336 : index
        %get3A_1221 = tpu.vector_load %arg24[%get3A_1220] {strides = array<i32>} : memref<400xf32, #tpu.memory_space<vmem>>, vector<16xf32>,
        %swap3A_1222 = arith.constant 336 : index
        %swap3A_1223 = tpu.vector_load %arg27[%swap3A_1222] {strides = array<i32>} : memref<400xf32, #tpu.memory_space<vmem>>, vector<16xf32>,
        tpu.vector_store %arg27[%swap3A_1222], %get3A_1221 {strides = array<i32>} : memref<400xf32, #tpu.memory_space<vmem>>, vector<16xf32>,
        %get3A_1224 = arith.constant 352 : index
        %get3A_1225 = tpu.vector_load %arg16[%get3A_1224] {strides = array<i32>} : memref<400xi32, #tpu.memory_space<vmem>>, vector<16xi32>,
        %mul3A_1226 = arith.constant 11 : i32
        %mul3A_1227 = vector.broadcast %mul3A_1226 : i32 to vector<16xi32>
        %mul3A_1228 = arith.muli %get3A_1225, %mul3A_1227 : vector<16xi32>
        %get3A_1229 = arith.constant 352 : index
        %get3A_1230 = tpu.vector_load %arg18[%get3A_1229] {strides = array<i32>} : memref<400xi32, #tpu.memory_space<vmem>>, vector<16xi32>,
        %add3A_1231 = arith.addi %mul3A_1228, %get3A_1230 : vector<16xi32>
        %get3A_1232 = arith.constant 352 : index
        %get3A_1233 = tpu.vector_load %arg17[%get3A_1232] {strides = array<i32>} : memref<400xi32, #tpu.memory_space<vmem>>, vector<16xi32>,
        %mul3A_1234 = arith.constant 60 : i32
        %mul3A_1235 = vector.broadcast %mul3A_1234 : i32 to vector<16xi32>
        %mul3A_1236 = arith.muli %get3A_1233, %mul3A_1235 : vector<16xi32>
        %get3A_1237 = arith.constant 352 : index
        %get3A_1238 = tpu.vector_load %arg19[%get3A_1237] {strides = array<i32>} : memref<400xi32, #tpu.memory_space<vmem>>, vector<16xi32>,
        %mul3A_1239 = arith.constant 20 : i32
        %mul3A_1240 = vector.broadcast %mul3A_1239 : i32 to vector<16xi32>
        %mul3A_1241 = arith.muli %get3A_1238, %mul3A_1240 : vector<16xi32>
        %add3A_1242 = arith.addi %mul3A_1236, %mul3A_1241 : vector<16xi32>
        %get3A_1243 = arith.constant 352 : index
        %get3A_1244 = tpu.vector_load %arg20[%get3A_1243] {strides = array<i32>} : memref<400xi32, #tpu.memory_space<vmem>>, vector<16xi32>,
        %mul3A_1245 = arith.constant 4 : i32
        %mul3A_1246 = vector.broadcast %mul3A_1245 : i32 to vector<16xi32>
        %mul3A_1247 = arith.muli %get3A_1244, %mul3A_1246 : vector<16xi32>
        %add3A_1248 = arith.addi %add3A_1242, %mul3A_1247 : vector<16xi32>
        %get3A_1249 = arith.constant 352 : index
        %get3A_1250 = tpu.vector_load %arg21[%get3A_1249] {strides = array<i32>} : memref<400xi32, #tpu.memory_space<vmem>>, vector<16xi32>,
        %add3A_1251 = arith.addi %add3A_1248, %get3A_1250 : vector<16xi32>
        %add3A_1252 = arith.constant 506 : i32
        %add3A_1253 = vector.broadcast %add3A_1252 : i32 to vector<16xi32>
        %add3A_1254 = arith.addi %add3A_1251, %add3A_1253 : vector<16xi32>
        %shift_left3A_1255 = arith.constant 10 : i32
        %shift_left3A_1256 = vector.broadcast %shift_left3A_1255 : i32 to vector<16xi32>
        %shift_left3A_1257 = arith.shli %add3A_1254, %shift_left3A_1256 : vector<16xi32>
        %or3A_1258 = arith.ori %add3A_1231, %shift_left3A_1257 : vector<16xi32>
        %swap3A_1259 = arith.constant 352 : index
        %swap3A_1260 = tpu.vector_load %arg25[%swap3A_1259] {strides = array<i32>} : memref<400xi32, #tpu.memory_space<vmem>>, vector<16xi32>,
        tpu.vector_store %arg25[%swap3A_1259], %or3A_1258 {strides = array<i32>} : memref<400xi32, #tpu.memory_space<vmem>>, vector<16xi32>,
        %get3A_1261 = arith.constant 352 : index
        %get3A_1262 = tpu.vector_load %arg22[%get3A_1261] {strides = array<i32>} : memref<400xf32, #tpu.memory_space<vmem>>, vector<16xf32>,
        %get3A_1263 = arith.constant 352 : index
        %get3A_1264 = tpu.vector_load %arg23[%get3A_1263] {strides = array<i32>} : memref<400xf32, #tpu.memory_space<vmem>>, vector<16xf32>,
        %pack3A_1265 = tpu.pack_subelements %get3A_1262, %get3A_1264 {pack_format = #tpu.pack_format<interleaved>, positions = array<i32: 0, 1>} : vector<16xf32>, vector<16xf32> -> vector<32xbf16>
        %bitcast3A_1266 = vector.bitcast %pack3A_1265 : vector<32xbf16> to vector<16xi32>
        %swap3A_1267 = arith.constant 352 : index
        %swap3A_1268 = tpu.vector_load %arg26[%swap3A_1267] {strides = array<i32>} : memref<400xi32, #tpu.memory_space<vmem>>, vector<16xi32>,
        tpu.vector_store %arg26[%swap3A_1267], %bitcast3A_1266 {strides = array<i32>} : memref<400xi32, #tpu.memory_space<vmem>>, vector<16xi32>,
        %get3A_1269 = arith.constant 352 : index
        %get3A_1270 = tpu.vector_load %arg24[%get3A_1269] {strides = array<i32>} : memref<400xf32, #tpu.memory_space<vmem>>, vector<16xf32>,
        %swap3A_1271 = arith.constant 352 : index
        %swap3A_1272 = tpu.vector_load %arg27[%swap3A_1271] {strides = array<i32>} : memref<400xf32, #tpu.memory_space<vmem>>, vector<16xf32>,
        tpu.vector_store %arg27[%swap3A_1271], %get3A_1270 {strides = array<i32>} : memref<400xf32, #tpu.memory_space<vmem>>, vector<16xf32>,
        %get3A_1273 = arith.constant 368 : index
        %get3A_1274 = tpu.vector_load %arg16[%get3A_1273] {strides = array<i32>} : memref<400xi32, #tpu.memory_space<vmem>>, vector<16xi32>,
        %mul3A_1275 = arith.constant 11 : i32
        %mul3A_1276 = vector.broadcast %mul3A_1275 : i32 to vector<16xi32>
        %mul3A_1277 = arith.muli %get3A_1274, %mul3A_1276 : vector<16xi32>
        %get3A_1278 = arith.constant 368 : index
        %get3A_1279 = tpu.vector_load %arg18[%get3A_1278] {strides = array<i32>} : memref<400xi32, #tpu.memory_space<vmem>>, vector<16xi32>,
        %add3A_1280 = arith.addi %mul3A_1277, %get3A_1279 : vector<16xi32>
        %get3A_1281 = arith.constant 368 : index
        %get3A_1282 = tpu.vector_load %arg17[%get3A_1281] {strides = array<i32>} : memref<400xi32, #tpu.memory_space<vmem>>, vector<16xi32>,
        %mul3A_1283 = arith.constant 60 : i32
        %mul3A_1284 = vector.broadcast %mul3A_1283 : i32 to vector<16xi32>
        %mul3A_1285 = arith.muli %get3A_1282, %mul3A_1284 : vector<16xi32>
        %get3A_1286 = arith.constant 368 : index
        %get3A_1287 = tpu.vector_load %arg19[%get3A_1286] {strides = array<i32>} : memref<400xi32, #tpu.memory_space<vmem>>, vector<16xi32>,
        %mul3A_1288 = arith.constant 20 : i32
        %mul3A_1289 = vector.broadcast %mul3A_1288 : i32 to vector<16xi32>
        %mul3A_1290 = arith.muli %get3A_1287, %mul3A_1289 : vector<16xi32>
        %add3A_1291 = arith.addi %mul3A_1285, %mul3A_1290 : vector<16xi32>
        %get3A_1292 = arith.constant 368 : index
        %get3A_1293 = tpu.vector_load %arg20[%get3A_1292] {strides = array<i32>} : memref<400xi32, #tpu.memory_space<vmem>>, vector<16xi32>,
        %mul3A_1294 = arith.constant 4 : i32
        %mul3A_1295 = vector.broadcast %mul3A_1294 : i32 to vector<16xi32>
        %mul3A_1296 = arith.muli %get3A_1293, %mul3A_1295 : vector<16xi32>
        %add3A_1297 = arith.addi %add3A_1291, %mul3A_1296 : vector<16xi32>
        %get3A_1298 = arith.constant 368 : index
        %get3A_1299 = tpu.vector_load %arg21[%get3A_1298] {strides = array<i32>} : memref<400xi32, #tpu.memory_space<vmem>>, vector<16xi32>,
        %add3A_1300 = arith.addi %add3A_1297, %get3A_1299 : vector<16xi32>
        %add3A_1301 = arith.constant 506 : i32
        %add3A_1302 = vector.broadcast %add3A_1301 : i32 to vector<16xi32>
        %add3A_1303 = arith.addi %add3A_1300, %add3A_1302 : vector<16xi32>
        %shift_left3A_1304 = arith.constant 10 : i32
        %shift_left3A_1305 = vector.broadcast %shift_left3A_1304 : i32 to vector<16xi32>
        %shift_left3A_1306 = arith.shli %add3A_1303, %shift_left3A_1305 : vector<16xi32>
        %or3A_1307 = arith.ori %add3A_1280, %shift_left3A_1306 : vector<16xi32>
        %swap3A_1308 = arith.constant 368 : index
        %swap3A_1309 = tpu.vector_load %arg25[%swap3A_1308] {strides = array<i32>} : memref<400xi32, #tpu.memory_space<vmem>>, vector<16xi32>,
        tpu.vector_store %arg25[%swap3A_1308], %or3A_1307 {strides = array<i32>} : memref<400xi32, #tpu.memory_space<vmem>>, vector<16xi32>,
        %get3A_1310 = arith.constant 368 : index
        %get3A_1311 = tpu.vector_load %arg22[%get3A_1310] {strides = array<i32>} : memref<400xf32, #tpu.memory_space<vmem>>, vector<16xf32>,
        %get3A_1312 = arith.constant 368 : index
        %get3A_1313 = tpu.vector_load %arg23[%get3A_1312] {strides = array<i32>} : memref<400xf32, #tpu.memory_space<vmem>>, vector<16xf32>,
        %pack3A_1314 = tpu.pack_subelements %get3A_1311, %get3A_1313 {pack_format = #tpu.pack_format<interleaved>, positions = array<i32: 0, 1>} : vector<16xf32>, vector<16xf32> -> vector<32xbf16>
        %bitcast3A_1315 = vector.bitcast %pack3A_1314 : vector<32xbf16> to vector<16xi32>
        %swap3A_1316 = arith.constant 368 : index
        %swap3A_1317 = tpu.vector_load %arg26[%swap3A_1316] {strides = array<i32>} : memref<400xi32, #tpu.memory_space<vmem>>, vector<16xi32>,
        tpu.vector_store %arg26[%swap3A_1316], %bitcast3A_1315 {strides = array<i32>} : memref<400xi32, #tpu.memory_space<vmem>>, vector<16xi32>,
        %get3A_1318 = arith.constant 368 : index
        %get3A_1319 = tpu.vector_load %arg24[%get3A_1318] {strides = array<i32>} : memref<400xf32, #tpu.memory_space<vmem>>, vector<16xf32>,
        %swap3A_1320 = arith.constant 368 : index
        %swap3A_1321 = tpu.vector_load %arg27[%swap3A_1320] {strides = array<i32>} : memref<400xf32, #tpu.memory_space<vmem>>, vector<16xf32>,
        tpu.vector_store %arg27[%swap3A_1320], %get3A_1319 {strides = array<i32>} : memref<400xf32, #tpu.memory_space<vmem>>, vector<16xf32>,
        %get3A_1322 = arith.constant 384 : index
        %get3A_1323 = tpu.vector_load %arg16[%get3A_1322] {strides = array<i32>} : memref<400xi32, #tpu.memory_space<vmem>>, vector<16xi32>,
        %mul3A_1324 = arith.constant 11 : i32
        %mul3A_1325 = vector.broadcast %mul3A_1324 : i32 to vector<16xi32>
        %mul3A_1326 = arith.muli %get3A_1323, %mul3A_1325 : vector<16xi32>
        %get3A_1327 = arith.constant 384 : index
        %get3A_1328 = tpu.vector_load %arg18[%get3A_1327] {strides = array<i32>} : memref<400xi32, #tpu.memory_space<vmem>>, vector<16xi32>,
        %add3A_1329 = arith.addi %mul3A_1326, %get3A_1328 : vector<16xi32>
        %get3A_1330 = arith.constant 384 : index
        %get3A_1331 = tpu.vector_load %arg17[%get3A_1330] {strides = array<i32>} : memref<400xi32, #tpu.memory_space<vmem>>, vector<16xi32>,
        %mul3A_1332 = arith.constant 60 : i32
        %mul3A_1333 = vector.broadcast %mul3A_1332 : i32 to vector<16xi32>
        %mul3A_1334 = arith.muli %get3A_1331, %mul3A_1333 : vector<16xi32>
        %get3A_1335 = arith.constant 384 : index
        %get3A_1336 = tpu.vector_load %arg19[%get3A_1335] {strides = array<i32>} : memref<400xi32, #tpu.memory_space<vmem>>, vector<16xi32>,
        %mul3A_1337 = arith.constant 20 : i32
        %mul3A_1338 = vector.broadcast %mul3A_1337 : i32 to vector<16xi32>
        %mul3A_1339 = arith.muli %get3A_1336, %mul3A_1338 : vector<16xi32>
        %add3A_1340 = arith.addi %mul3A_1334, %mul3A_1339 : vector<16xi32>
        %get3A_1341 = arith.constant 384 : index
        %get3A_1342 = tpu.vector_load %arg20[%get3A_1341] {strides = array<i32>} : memref<400xi32, #tpu.memory_space<vmem>>, vector<16xi32>,
        %mul3A_1343 = arith.constant 4 : i32
        %mul3A_1344 = vector.broadcast %mul3A_1343 : i32 to vector<16xi32>
        %mul3A_1345 = arith.muli %get3A_1342, %mul3A_1344 : vector<16xi32>
        %add3A_1346 = arith.addi %add3A_1340, %mul3A_1345 : vector<16xi32>
        %get3A_1347 = arith.constant 384 : index
        %get3A_1348 = tpu.vector_load %arg21[%get3A_1347] {strides = array<i32>} : memref<400xi32, #tpu.memory_space<vmem>>, vector<16xi32>,
        %add3A_1349 = arith.addi %add3A_1346, %get3A_1348 : vector<16xi32>
        %add3A_1350 = arith.constant 506 : i32
        %add3A_1351 = vector.broadcast %add3A_1350 : i32 to vector<16xi32>
        %add3A_1352 = arith.addi %add3A_1349, %add3A_1351 : vector<16xi32>
        %shift_left3A_1353 = arith.constant 10 : i32
        %shift_left3A_1354 = vector.broadcast %shift_left3A_1353 : i32 to vector<16xi32>
        %shift_left3A_1355 = arith.shli %add3A_1352, %shift_left3A_1354 : vector<16xi32>
        %or3A_1356 = arith.ori %add3A_1329, %shift_left3A_1355 : vector<16xi32>
        %swap3A_1357 = arith.constant 384 : index
        %swap3A_1358 = tpu.vector_load %arg25[%swap3A_1357] {strides = array<i32>} : memref<400xi32, #tpu.memory_space<vmem>>, vector<16xi32>,
        tpu.vector_store %arg25[%swap3A_1357], %or3A_1356 {strides = array<i32>} : memref<400xi32, #tpu.memory_space<vmem>>, vector<16xi32>,
        %get3A_1359 = arith.constant 384 : index
        %get3A_1360 = tpu.vector_load %arg22[%get3A_1359] {strides = array<i32>} : memref<400xf32, #tpu.memory_space<vmem>>, vector<16xf32>,
        %get3A_1361 = arith.constant 384 : index
        %get3A_1362 = tpu.vector_load %arg23[%get3A_1361] {strides = array<i32>} : memref<400xf32, #tpu.memory_space<vmem>>, vector<16xf32>,
        %pack3A_1363 = tpu.pack_subelements %get3A_1360, %get3A_1362 {pack_format = #tpu.pack_format<interleaved>, positions = array<i32: 0, 1>} : vector<16xf32>, vector<16xf32> -> vector<32xbf16>
        %bitcast3A_1364 = vector.bitcast %pack3A_1363 : vector<32xbf16> to vector<16xi32>
        %swap3A_1365 = arith.constant 384 : index
        %swap3A_1366 = tpu.vector_load %arg26[%swap3A_1365] {strides = array<i32>} : memref<400xi32, #tpu.memory_space<vmem>>, vector<16xi32>,
        tpu.vector_store %arg26[%swap3A_1365], %bitcast3A_1364 {strides = array<i32>} : memref<400xi32, #tpu.memory_space<vmem>>, vector<16xi32>,
        %get3A_1367 = arith.constant 384 : index
        %get3A_1368 = tpu.vector_load %arg24[%get3A_1367] {strides = array<i32>} : memref<400xf32, #tpu.memory_space<vmem>>, vector<16xf32>,
        %swap3A_1369 = arith.constant 384 : index
        %swap3A_1370 = tpu.vector_load %arg27[%swap3A_1369] {strides = array<i32>} : memref<400xf32, #tpu.memory_space<vmem>>, vector<16xf32>,
        tpu.vector_store %arg27[%swap3A_1369], %get3A_1368 {strides = array<i32>} : memref<400xf32, #tpu.memory_space<vmem>>, vector<16xf32>,
        %add3A_1371 = arith.constant 32 : i32
        %add3A_1372 = arith.addi %add3A_109, %add3A_1371 : i32
        %lt3A_1373 = arith.constant 250 : i32
        %lt3A_1374 = arith.cmpi slt, %add3A_1372, %lt3A_1373 : i32
        %convert_element_type3A_1375 = arith.extui %lt3A_1374 : i1 to i32
        %cond3A_1376 = arith.constant 0 : i32
        %cond3A_1377 = arith.cmpi ne, %convert_element_type3A_1375, %cond3A_1376 : i32
        scf.if %cond3A_1377 {
          %add3A_1411 = arith.constant 32 : i32
          %add3A_1412 = arith.addi %add3A_109, %add3A_1411 : i32
          %mul3A_1413 = arith.constant 400 : i32
          %mul3A_1414 = arith.muli %add3A_1412, %mul3A_1413 : i32
          %dma_start3A_1415 = tpu.memref_slice %arg4[%mul3A_1414] : memref<100000xi32, #tpu.memory_space<hbm>> -> memref<400xi32, #tpu.memory_space<hbm>>
          %dma_start3A_1416 = tpu.memref_slice %arg4[%mul3A_1414] : memref<100000xi32, #tpu.memory_space<hbm>> -> memref<400xi32, #tpu.memory_space<hbm>>
          tpu.enqueue_dma source(%dma_start3A_1416 : memref<400xi32, #tpu.memory_space<hbm>>) target(%arg16 : memref<400xi32, #tpu.memory_space<vmem>>) target_semaphore(%arg29 : memref<!tpu.dma_semaphore, #tpu.memory_space<semaphore_mem>>)
          %dma_start3A_1417 = tpu.memref_slice %arg5[%mul3A_1414] : memref<100000xi32, #tpu.memory_space<hbm>> -> memref<400xi32, #tpu.memory_space<hbm>>
          %dma_start3A_1418 = tpu.memref_slice %arg5[%mul3A_1414] : memref<100000xi32, #tpu.memory_space<hbm>> -> memref<400xi32, #tpu.memory_space<hbm>>
          tpu.enqueue_dma source(%dma_start3A_1418 : memref<400xi32, #tpu.memory_space<hbm>>) target(%arg17 : memref<400xi32, #tpu.memory_space<vmem>>) target_semaphore(%arg29 : memref<!tpu.dma_semaphore, #tpu.memory_space<semaphore_mem>>)
          %dma_start3A_1419 = tpu.memref_slice %arg6[%mul3A_1414] : memref<100000xi32, #tpu.memory_space<hbm>> -> memref<400xi32, #tpu.memory_space<hbm>>
          %dma_start3A_1420 = tpu.memref_slice %arg6[%mul3A_1414] : memref<100000xi32, #tpu.memory_space<hbm>> -> memref<400xi32, #tpu.memory_space<hbm>>
          tpu.enqueue_dma source(%dma_start3A_1420 : memref<400xi32, #tpu.memory_space<hbm>>) target(%arg18 : memref<400xi32, #tpu.memory_space<vmem>>) target_semaphore(%arg29 : memref<!tpu.dma_semaphore, #tpu.memory_space<semaphore_mem>>)
          %dma_start3A_1421 = tpu.memref_slice %arg7[%mul3A_1414] : memref<100000xi32, #tpu.memory_space<hbm>> -> memref<400xi32, #tpu.memory_space<hbm>>
          %dma_start3A_1422 = tpu.memref_slice %arg7[%mul3A_1414] : memref<100000xi32, #tpu.memory_space<hbm>> -> memref<400xi32, #tpu.memory_space<hbm>>
          tpu.enqueue_dma source(%dma_start3A_1422 : memref<400xi32, #tpu.memory_space<hbm>>) target(%arg19 : memref<400xi32, #tpu.memory_space<vmem>>) target_semaphore(%arg29 : memref<!tpu.dma_semaphore, #tpu.memory_space<semaphore_mem>>)
          %dma_start3A_1423 = tpu.memref_slice %arg8[%mul3A_1414] : memref<100000xi32, #tpu.memory_space<hbm>> -> memref<400xi32, #tpu.memory_space<hbm>>
          %dma_start3A_1424 = tpu.memref_slice %arg8[%mul3A_1414] : memref<100000xi32, #tpu.memory_space<hbm>> -> memref<400xi32, #tpu.memory_space<hbm>>
          tpu.enqueue_dma source(%dma_start3A_1424 : memref<400xi32, #tpu.memory_space<hbm>>) target(%arg20 : memref<400xi32, #tpu.memory_space<vmem>>) target_semaphore(%arg29 : memref<!tpu.dma_semaphore, #tpu.memory_space<semaphore_mem>>)
          %dma_start3A_1425 = tpu.memref_slice %arg9[%mul3A_1414] : memref<100000xi32, #tpu.memory_space<hbm>> -> memref<400xi32, #tpu.memory_space<hbm>>
          %dma_start3A_1426 = tpu.memref_slice %arg9[%mul3A_1414] : memref<100000xi32, #tpu.memory_space<hbm>> -> memref<400xi32, #tpu.memory_space<hbm>>
          tpu.enqueue_dma source(%dma_start3A_1426 : memref<400xi32, #tpu.memory_space<hbm>>) target(%arg21 : memref<400xi32, #tpu.memory_space<vmem>>) target_semaphore(%arg29 : memref<!tpu.dma_semaphore, #tpu.memory_space<semaphore_mem>>)
          %dma_start3A_1427 = tpu.memref_slice %arg10[%mul3A_1414] : memref<100000xf32, #tpu.memory_space<hbm>> -> memref<400xf32, #tpu.memory_space<hbm>>
          %dma_start3A_1428 = tpu.memref_slice %arg10[%mul3A_1414] : memref<100000xf32, #tpu.memory_space<hbm>> -> memref<400xf32, #tpu.memory_space<hbm>>
          tpu.enqueue_dma source(%dma_start3A_1428 : memref<400xf32, #tpu.memory_space<hbm>>) target(%arg22 : memref<400xf32, #tpu.memory_space<vmem>>) target_semaphore(%arg29 : memref<!tpu.dma_semaphore, #tpu.memory_space<semaphore_mem>>)
          %dma_start3A_1429 = tpu.memref_slice %arg11[%mul3A_1414] : memref<100000xf32, #tpu.memory_space<hbm>> -> memref<400xf32, #tpu.memory_space<hbm>>
          %dma_start3A_1430 = tpu.memref_slice %arg11[%mul3A_1414] : memref<100000xf32, #tpu.memory_space<hbm>> -> memref<400xf32, #tpu.memory_space<hbm>>
          tpu.enqueue_dma source(%dma_start3A_1430 : memref<400xf32, #tpu.memory_space<hbm>>) target(%arg23 : memref<400xf32, #tpu.memory_space<vmem>>) target_semaphore(%arg29 : memref<!tpu.dma_semaphore, #tpu.memory_space<semaphore_mem>>)
          %dma_start3A_1431 = tpu.memref_slice %arg12[%mul3A_1414] : memref<100000xf32, #tpu.memory_space<hbm>> -> memref<400xf32, #tpu.memory_space<hbm>>
          %dma_start3A_1432 = tpu.memref_slice %arg12[%mul3A_1414] : memref<100000xf32, #tpu.memory_space<hbm>> -> memref<400xf32, #tpu.memory_space<hbm>>
          tpu.enqueue_dma source(%dma_start3A_1432 : memref<400xf32, #tpu.memory_space<hbm>>) target(%arg24 : memref<400xf32, #tpu.memory_space<vmem>>) target_semaphore(%arg29 : memref<!tpu.dma_semaphore, #tpu.memory_space<semaphore_mem>>)
        } else {
        }
        %gt3A = arith.constant 0 : i32
        %gt3A_1378 = arith.cmpi sgt, %scan3A_106, %gt3A : i32
        %convert_element_type3A_1379 = arith.extui %gt3A_1378 : i1 to i32
        %cond3A_1380 = arith.constant 0 : i32
        %cond3A_1381 = arith.cmpi ne, %convert_element_type3A_1379, %cond3A_1380 : i32
        scf.if %cond3A_1381 {
          %dma_wait3A_1411 = arith.constant 0 : i32
          %dma_wait3A_1412 = arith.constant 0 : i32
          %dma_wait3A_1413 = tpu.memref_slice %arg28[%dma_wait3A_1411, %dma_wait3A_1412] : memref<400x128xf32, #tpu.memory_space<vmem>> -> memref<200x128xf32, #tpu.memory_space<vmem>>
          %dma_wait3A_1414 = arith.constant 0 : i32
          %dma_wait3A_1415 = arith.constant 0 : i32
          %dma_wait3A_1416 = tpu.memref_slice %arg13[%dma_wait3A_1414, %dma_wait3A_1415] : memref<100000x128xf32, #tpu.memory_space<hbm>> -> memref<200x128xf32, #tpu.memory_space<hbm>>
          %dma_wait3A_1417 = arith.constant 0 : i32
          %dma_wait3A_1418 = arith.constant 0 : i32
          %dma_wait3A_1419 = tpu.memref_slice %arg13[%dma_wait3A_1417, %dma_wait3A_1418] : memref<100000x128xf32, #tpu.memory_space<hbm>> -> memref<200x128xf32, #tpu.memory_space<hbm>>
          %dma_wait3A_1420 = arith.constant 0 : i32
          %dma_wait3A_1421 = arith.constant 0 : i32
          %dma_wait3A_1422 = tpu.memref_slice %arg28[%dma_wait3A_1420, %dma_wait3A_1421] : memref<400x128xf32, #tpu.memory_space<vmem>> -> memref<200x128xf32, #tpu.memory_space<vmem>>
          tpu.wait_dma2 semaphore(%arg30 : memref<!tpu.dma_semaphore, #tpu.memory_space<semaphore_mem>>) src(%dma_wait3A_1422 : memref<200x128xf32, #tpu.memory_space<vmem>>) dst(%dma_wait3A_1419 : memref<200x128xf32, #tpu.memory_space<hbm>>)
          %dma_wait3A_1423 = arith.constant 200 : i32
          %dma_wait3A_1424 = arith.constant 0 : i32
          %dma_wait3A_1425 = tpu.memref_slice %arg28[%dma_wait3A_1423, %dma_wait3A_1424] : memref<400x128xf32, #tpu.memory_space<vmem>> -> memref<200x128xf32, #tpu.memory_space<vmem>>
          %dma_wait3A_1426 = arith.constant 200 : i32
          %dma_wait3A_1427 = arith.constant 0 : i32
          %dma_wait3A_1428 = tpu.memref_slice %arg13[%dma_wait3A_1426, %dma_wait3A_1427] : memref<100000x128xf32, #tpu.memory_space<hbm>> -> memref<200x128xf32, #tpu.memory_space<hbm>>
          %dma_wait3A_1429 = arith.constant 200 : i32
          %dma_wait3A_1430 = arith.constant 0 : i32
          %dma_wait3A_1431 = tpu.memref_slice %arg13[%dma_wait3A_1429, %dma_wait3A_1430] : memref<100000x128xf32, #tpu.memory_space<hbm>> -> memref<200x128xf32, #tpu.memory_space<hbm>>
          %dma_wait3A_1432 = arith.constant 200 : i32
          %dma_wait3A_1433 = arith.constant 0 : i32
          %dma_wait3A_1434 = tpu.memref_slice %arg28[%dma_wait3A_1432, %dma_wait3A_1433] : memref<400x128xf32, #tpu.memory_space<vmem>> -> memref<200x128xf32, #tpu.memory_space<vmem>>
          tpu.wait_dma2 semaphore(%arg30 : memref<!tpu.dma_semaphore, #tpu.memory_space<semaphore_mem>>) src(%dma_wait3A_1434 : memref<200x128xf32, #tpu.memory_space<vmem>>) dst(%dma_wait3A_1431 : memref<200x128xf32, #tpu.memory_space<hbm>>)
        } else {
        }
        %parallel_loop3A = arith.constant 0 : i32
        %parallel_loop3A_1382 = arith.constant 200 : i32
        %parallel_loop3A_1383 = arith.constant 1 : i32
        scf.for %parallel_loop3A_1411 = %parallel_loop3A to %parallel_loop3A_1382 step %parallel_loop3A_1383  : i32 {
          %parallel_loop3A_1412 = vector.broadcast %parallel_loop3A_1411 : i32 to vector<16xi32>
          %parallel_loop3A_1413 = tpu.vector_load_idx %arg25[%parallel_loop3A_1412] : memref<400xi32, #tpu.memory_space<vmem>>[vector<16xi32>], vector<16xi32>,
          %parallel_loop3A_1414 = arith.constant 1023 : i32
          %parallel_loop3A_1415 = vector.broadcast %parallel_loop3A_1414 : i32 to vector<16xi32>
          %parallel_loop3A_1416 = arith.andi %parallel_loop3A_1413, %parallel_loop3A_1415 : vector<16xi32>
          %parallel_loop3A_1417 = arith.constant 64 : i32
          %parallel_loop3A_1418 = vector.broadcast %parallel_loop3A_1417 : i32 to vector<16xi32>
          %parallel_loop3A_1419 = arith.muli %parallel_loop3A_1416, %parallel_loop3A_1418 : vector<16xi32>
          %parallel_loop3A_1420 = arith.constant 10 : i32
          %parallel_loop3A_1421 = vector.broadcast %parallel_loop3A_1420 : i32 to vector<16xi32>
          %parallel_loop3A_1422 = arith.shrsi %parallel_loop3A_1413, %parallel_loop3A_1421 : vector<16xi32>
          %parallel_loop3A_1423 = arith.constant 64 : i32
          %parallel_loop3A_1424 = vector.broadcast %parallel_loop3A_1423 : i32 to vector<16xi32>
          %parallel_loop3A_1425 = arith.muli %parallel_loop3A_1422, %parallel_loop3A_1424 : vector<16xi32>
          %parallel_loop3A_1426 = tpu.vector_load_idx %arg26[%parallel_loop3A_1412] : memref<400xi32, #tpu.memory_space<vmem>>[vector<16xi32>], vector<16xi32>,
          %parallel_loop3A_1427 = vector.bitcast %parallel_loop3A_1426 : vector<16xi32> to vector<32xbf16>
          %parallel_loop3A_1428 = tpu.unpack_subelements %parallel_loop3A_1427, 0 {pack_format = #tpu.pack_format<interleaved>} : vector<32xbf16> -> vector<16xf32>
          %parallel_loop3A_1429 = tpu.unpack_subelements %parallel_loop3A_1427, 1 {pack_format = #tpu.pack_format<interleaved>} : vector<32xbf16> -> vector<16xf32>
          %parallel_loop3A_1430 = tpu.vector_load_idx %arg27[%parallel_loop3A_1412] : memref<400xf32, #tpu.memory_space<vmem>>[vector<16xi32>], vector<16xf32>,
          %parallel_loop3A_1431 = tpu.pack_subelements %parallel_loop3A_1428, %parallel_loop3A_1428 {pack_format = #tpu.pack_format<interleaved>, positions = array<i32: 0, 1>} : vector<16xf32>, vector<16xf32> -> vector<32xbf16>
          %parallel_loop3A_1432 = tpu.pack_subelements %parallel_loop3A_1429, %parallel_loop3A_1429 {pack_format = #tpu.pack_format<interleaved>, positions = array<i32: 0, 1>} : vector<16xf32>, vector<16xf32> -> vector<32xbf16>
          %parallel_loop3A_1433 = tpu.pack_subelements %parallel_loop3A_1430, %parallel_loop3A_1430 {pack_format = #tpu.pack_format<interleaved>, positions = array<i32: 0, 1>} : vector<16xf32>, vector<16xf32> -> vector<32xbf16>
          %parallel_loop3A_1434 = tpu.iota {dimensions = array<i32: 0>} : vector<16xi32>
          %parallel_loop3A_1435 = arith.constant 0 : i32
          %parallel_loop3A_1436 = vector.broadcast %parallel_loop3A_1435 : i32 to vector<16xi32>
          %parallel_loop3A_1437 = arith.addi %parallel_loop3A_1434, %parallel_loop3A_1436 : vector<16xi32>
          %parallel_loop3A_1438 = arith.addi %parallel_loop3A_1419, %parallel_loop3A_1437 : vector<16xi32>
          %parallel_loop3A_1439 = tpu.vector_load_idx %arg14[%parallel_loop3A_1438] : memref<55424xi32, #tpu.memory_space<vmem>>[vector<16xi32>], vector<16xi32>,
          %parallel_loop3A_1440 = vector.bitcast %parallel_loop3A_1439 : vector<16xi32> to vector<32xbf16>
          %parallel_loop3A_1441 = arith.addi %parallel_loop3A_1425, %parallel_loop3A_1437 : vector<16xi32>
          %parallel_loop3A_1442 = tpu.vector_load_idx %arg14[%parallel_loop3A_1441] : memref<55424xi32, #tpu.memory_space<vmem>>[vector<16xi32>], vector<16xi32>,
          %parallel_loop3A_1443 = vector.bitcast %parallel_loop3A_1442 : vector<16xi32> to vector<32xbf16>
          %parallel_loop3A_1444 = arith.addf %parallel_loop3A_1440, %parallel_loop3A_1443 : vector<32xbf16>
          %parallel_loop3A_1445 = arith.mulf %parallel_loop3A_1431, %bitcast3A : vector<32xbf16>
          %parallel_loop3A_1446 = arith.addf %parallel_loop3A_1444, %parallel_loop3A_1445 : vector<32xbf16>
          %parallel_loop3A_1447 = arith.mulf %parallel_loop3A_1432, %bitcast3A_23 : vector<32xbf16>
          %parallel_loop3A_1448 = arith.addf %parallel_loop3A_1446, %parallel_loop3A_1447 : vector<32xbf16>
          %parallel_loop3A_1449 = arith.mulf %parallel_loop3A_1433, %bitcast3A_43 : vector<32xbf16>
          %parallel_loop3A_1450 = arith.addf %parallel_loop3A_1448, %parallel_loop3A_1449 : vector<32xbf16>
          %parallel_loop3A_1451 = tpu.unpack_subelements %parallel_loop3A_1450, 0 {pack_format = #tpu.pack_format<interleaved>} : vector<32xbf16> -> vector<16xf32>
          %parallel_loop3A_1452 = tpu.unpack_subelements %parallel_loop3A_1450, 1 {pack_format = #tpu.pack_format<interleaved>} : vector<32xbf16> -> vector<16xf32>
          %parallel_loop3A_1453 = arith.index_cast %parallel_loop3A_1411 : i32 to index
          %parallel_loop3A_1454 = arith.constant 0 : index
          %parallel_loop3A_1455 = tpu.vector_load %arg28[%parallel_loop3A_1453, %parallel_loop3A_1454] {strides = array<i32>} : memref<400x128xf32, #tpu.memory_space<vmem>>, vector<16xf32>,
          tpu.vector_store %arg28[%parallel_loop3A_1453, %parallel_loop3A_1454], %parallel_loop3A_1451 {strides = array<i32>} : memref<400x128xf32, #tpu.memory_space<vmem>>, vector<16xf32>,
          %parallel_loop3A_1456 = arith.index_cast %parallel_loop3A_1411 : i32 to index
          %parallel_loop3A_1457 = arith.constant 64 : index
          %parallel_loop3A_1458 = tpu.vector_load %arg28[%parallel_loop3A_1456, %parallel_loop3A_1457] {strides = array<i32>} : memref<400x128xf32, #tpu.memory_space<vmem>>, vector<16xf32>,
          tpu.vector_store %arg28[%parallel_loop3A_1456, %parallel_loop3A_1457], %parallel_loop3A_1452 {strides = array<i32>} : memref<400x128xf32, #tpu.memory_space<vmem>>, vector<16xf32>,
          %parallel_loop3A_1459 = tpu.iota {dimensions = array<i32: 0>} : vector<16xi32>
          %parallel_loop3A_1460 = arith.constant 16 : i32
          %parallel_loop3A_1461 = vector.broadcast %parallel_loop3A_1460 : i32 to vector<16xi32>
          %parallel_loop3A_1462 = arith.addi %parallel_loop3A_1459, %parallel_loop3A_1461 : vector<16xi32>
          %parallel_loop3A_1463 = arith.addi %parallel_loop3A_1419, %parallel_loop3A_1462 : vector<16xi32>
          %parallel_loop3A_1464 = tpu.vector_load_idx %arg14[%parallel_loop3A_1463] : memref<55424xi32, #tpu.memory_space<vmem>>[vector<16xi32>], vector<16xi32>,
          %parallel_loop3A_1465 = vector.bitcast %parallel_loop3A_1464 : vector<16xi32> to vector<32xbf16>
          %parallel_loop3A_1466 = arith.addi %parallel_loop3A_1425, %parallel_loop3A_1462 : vector<16xi32>
          %parallel_loop3A_1467 = tpu.vector_load_idx %arg14[%parallel_loop3A_1466] : memref<55424xi32, #tpu.memory_space<vmem>>[vector<16xi32>], vector<16xi32>,
          %parallel_loop3A_1468 = vector.bitcast %parallel_loop3A_1467 : vector<16xi32> to vector<32xbf16>
          %parallel_loop3A_1469 = arith.addf %parallel_loop3A_1465, %parallel_loop3A_1468 : vector<32xbf16>
          %parallel_loop3A_1470 = arith.mulf %parallel_loop3A_1431, %bitcast3A_8 : vector<32xbf16>
          %parallel_loop3A_1471 = arith.addf %parallel_loop3A_1469, %parallel_loop3A_1470 : vector<32xbf16>
          %parallel_loop3A_1472 = arith.mulf %parallel_loop3A_1432, %bitcast3A_28 : vector<32xbf16>
          %parallel_loop3A_1473 = arith.addf %parallel_loop3A_1471, %parallel_loop3A_1472 : vector<32xbf16>
          %parallel_loop3A_1474 = arith.mulf %parallel_loop3A_1433, %bitcast3A_48 : vector<32xbf16>
          %parallel_loop3A_1475 = arith.addf %parallel_loop3A_1473, %parallel_loop3A_1474 : vector<32xbf16>
          %parallel_loop3A_1476 = tpu.unpack_subelements %parallel_loop3A_1475, 0 {pack_format = #tpu.pack_format<interleaved>} : vector<32xbf16> -> vector<16xf32>
          %parallel_loop3A_1477 = tpu.unpack_subelements %parallel_loop3A_1475, 1 {pack_format = #tpu.pack_format<interleaved>} : vector<32xbf16> -> vector<16xf32>
          %parallel_loop3A_1478 = arith.index_cast %parallel_loop3A_1411 : i32 to index
          %parallel_loop3A_1479 = arith.constant 16 : index
          %parallel_loop3A_1480 = tpu.vector_load %arg28[%parallel_loop3A_1478, %parallel_loop3A_1479] {strides = array<i32>} : memref<400x128xf32, #tpu.memory_space<vmem>>, vector<16xf32>,
          tpu.vector_store %arg28[%parallel_loop3A_1478, %parallel_loop3A_1479], %parallel_loop3A_1476 {strides = array<i32>} : memref<400x128xf32, #tpu.memory_space<vmem>>, vector<16xf32>,
          %parallel_loop3A_1481 = arith.index_cast %parallel_loop3A_1411 : i32 to index
          %parallel_loop3A_1482 = arith.constant 80 : index
          %parallel_loop3A_1483 = tpu.vector_load %arg28[%parallel_loop3A_1481, %parallel_loop3A_1482] {strides = array<i32>} : memref<400x128xf32, #tpu.memory_space<vmem>>, vector<16xf32>,
          tpu.vector_store %arg28[%parallel_loop3A_1481, %parallel_loop3A_1482], %parallel_loop3A_1477 {strides = array<i32>} : memref<400x128xf32, #tpu.memory_space<vmem>>, vector<16xf32>,
          %parallel_loop3A_1484 = tpu.iota {dimensions = array<i32: 0>} : vector<16xi32>
          %parallel_loop3A_1485 = arith.constant 32 : i32
          %parallel_loop3A_1486 = vector.broadcast %parallel_loop3A_1485 : i32 to vector<16xi32>
          %parallel_loop3A_1487 = arith.addi %parallel_loop3A_1484, %parallel_loop3A_1486 : vector<16xi32>
          %parallel_loop3A_1488 = arith.addi %parallel_loop3A_1419, %parallel_loop3A_1487 : vector<16xi32>
          %parallel_loop3A_1489 = tpu.vector_load_idx %arg14[%parallel_loop3A_1488] : memref<55424xi32, #tpu.memory_space<vmem>>[vector<16xi32>], vector<16xi32>,
          %parallel_loop3A_1490 = vector.bitcast %parallel_loop3A_1489 : vector<16xi32> to vector<32xbf16>
          %parallel_loop3A_1491 = arith.addi %parallel_loop3A_1425, %parallel_loop3A_1487 : vector<16xi32>
          %parallel_loop3A_1492 = tpu.vector_load_idx %arg14[%parallel_loop3A_1491] : memref<55424xi32, #tpu.memory_space<vmem>>[vector<16xi32>], vector<16xi32>,
          %parallel_loop3A_1493 = vector.bitcast %parallel_loop3A_1492 : vector<16xi32> to vector<32xbf16>
          %parallel_loop3A_1494 = arith.addf %parallel_loop3A_1490, %parallel_loop3A_1493 : vector<32xbf16>
          %parallel_loop3A_1495 = arith.mulf %parallel_loop3A_1431, %bitcast3A_13 : vector<32xbf16>
          %parallel_loop3A_1496 = arith.addf %parallel_loop3A_1494, %parallel_loop3A_1495 : vector<32xbf16>
          %parallel_loop3A_1497 = arith.mulf %parallel_loop3A_1432, %bitcast3A_33 : vector<32xbf16>
          %parallel_loop3A_1498 = arith.addf %parallel_loop3A_1496, %parallel_loop3A_1497 : vector<32xbf16>
          %parallel_loop3A_1499 = arith.mulf %parallel_loop3A_1433, %bitcast3A_53 : vector<32xbf16>
          %parallel_loop3A_1500 = arith.addf %parallel_loop3A_1498, %parallel_loop3A_1499 : vector<32xbf16>
          %parallel_loop3A_1501 = tpu.unpack_subelements %parallel_loop3A_1500, 0 {pack_format = #tpu.pack_format<interleaved>} : vector<32xbf16> -> vector<16xf32>
          %parallel_loop3A_1502 = tpu.unpack_subelements %parallel_loop3A_1500, 1 {pack_format = #tpu.pack_format<interleaved>} : vector<32xbf16> -> vector<16xf32>
          %parallel_loop3A_1503 = arith.index_cast %parallel_loop3A_1411 : i32 to index
          %parallel_loop3A_1504 = arith.constant 32 : index
          %parallel_loop3A_1505 = tpu.vector_load %arg28[%parallel_loop3A_1503, %parallel_loop3A_1504] {strides = array<i32>} : memref<400x128xf32, #tpu.memory_space<vmem>>, vector<16xf32>,
          tpu.vector_store %arg28[%parallel_loop3A_1503, %parallel_loop3A_1504], %parallel_loop3A_1501 {strides = array<i32>} : memref<400x128xf32, #tpu.memory_space<vmem>>, vector<16xf32>,
          %parallel_loop3A_1506 = arith.index_cast %parallel_loop3A_1411 : i32 to index
          %parallel_loop3A_1507 = arith.constant 96 : index
          %parallel_loop3A_1508 = tpu.vector_load %arg28[%parallel_loop3A_1506, %parallel_loop3A_1507] {strides = array<i32>} : memref<400x128xf32, #tpu.memory_space<vmem>>, vector<16xf32>,
          tpu.vector_store %arg28[%parallel_loop3A_1506, %parallel_loop3A_1507], %parallel_loop3A_1502 {strides = array<i32>} : memref<400x128xf32, #tpu.memory_space<vmem>>, vector<16xf32>,
          %parallel_loop3A_1509 = tpu.iota {dimensions = array<i32: 0>} : vector<16xi32>
          %parallel_loop3A_1510 = arith.constant 48 : i32
          %parallel_loop3A_1511 = vector.broadcast %parallel_loop3A_1510 : i32 to vector<16xi32>
          %parallel_loop3A_1512 = arith.addi %parallel_loop3A_1509, %parallel_loop3A_1511 : vector<16xi32>
          %parallel_loop3A_1513 = arith.addi %parallel_loop3A_1419, %parallel_loop3A_1512 : vector<16xi32>
          %parallel_loop3A_1514 = tpu.vector_load_idx %arg14[%parallel_loop3A_1513] : memref<55424xi32, #tpu.memory_space<vmem>>[vector<16xi32>], vector<16xi32>,
          %parallel_loop3A_1515 = vector.bitcast %parallel_loop3A_1514 : vector<16xi32> to vector<32xbf16>
          %parallel_loop3A_1516 = arith.addi %parallel_loop3A_1425, %parallel_loop3A_1512 : vector<16xi32>
          %parallel_loop3A_1517 = tpu.vector_load_idx %arg14[%parallel_loop3A_1516] : memref<55424xi32, #tpu.memory_space<vmem>>[vector<16xi32>], vector<16xi32>,
          %parallel_loop3A_1518 = vector.bitcast %parallel_loop3A_1517 : vector<16xi32> to vector<32xbf16>
          %parallel_loop3A_1519 = arith.addf %parallel_loop3A_1515, %parallel_loop3A_1518 : vector<32xbf16>
          %parallel_loop3A_1520 = arith.mulf %parallel_loop3A_1431, %bitcast3A_18 : vector<32xbf16>
          %parallel_loop3A_1521 = arith.addf %parallel_loop3A_1519, %parallel_loop3A_1520 : vector<32xbf16>
          %parallel_loop3A_1522 = arith.mulf %parallel_loop3A_1432, %bitcast3A_38 : vector<32xbf16>
          %parallel_loop3A_1523 = arith.addf %parallel_loop3A_1521, %parallel_loop3A_1522 : vector<32xbf16>
          %parallel_loop3A_1524 = arith.mulf %parallel_loop3A_1433, %bitcast3A_58 : vector<32xbf16>
          %parallel_loop3A_1525 = arith.addf %parallel_loop3A_1523, %parallel_loop3A_1524 : vector<32xbf16>
          %parallel_loop3A_1526 = tpu.unpack_subelements %parallel_loop3A_1525, 0 {pack_format = #tpu.pack_format<interleaved>} : vector<32xbf16> -> vector<16xf32>
          %parallel_loop3A_1527 = tpu.unpack_subelements %parallel_loop3A_1525, 1 {pack_format = #tpu.pack_format<interleaved>} : vector<32xbf16> -> vector<16xf32>
          %parallel_loop3A_1528 = arith.index_cast %parallel_loop3A_1411 : i32 to index
          %parallel_loop3A_1529 = arith.constant 48 : index
          %parallel_loop3A_1530 = tpu.vector_load %arg28[%parallel_loop3A_1528, %parallel_loop3A_1529] {strides = array<i32>} : memref<400x128xf32, #tpu.memory_space<vmem>>, vector<16xf32>,
          tpu.vector_store %arg28[%parallel_loop3A_1528, %parallel_loop3A_1529], %parallel_loop3A_1526 {strides = array<i32>} : memref<400x128xf32, #tpu.memory_space<vmem>>, vector<16xf32>,
          %parallel_loop3A_1531 = arith.index_cast %parallel_loop3A_1411 : i32 to index
          %parallel_loop3A_1532 = arith.constant 112 : index
          %parallel_loop3A_1533 = tpu.vector_load %arg28[%parallel_loop3A_1531, %parallel_loop3A_1532] {strides = array<i32>} : memref<400x128xf32, #tpu.memory_space<vmem>>, vector<16xf32>,
          tpu.vector_store %arg28[%parallel_loop3A_1531, %parallel_loop3A_1532], %parallel_loop3A_1527 {strides = array<i32>} : memref<400x128xf32, #tpu.memory_space<vmem>>, vector<16xf32>,
        } {sc.loop_unroll_factor = 4 : i64, sc.parallel_access}
        %add3A_1384 = arith.constant 0 : i32
        %add3A_1385 = arith.addi %mul3A_113, %add3A_1384 : i32
        %dma_start3A_1386 = arith.constant 0 : i32
        %dma_start3A_1387 = arith.constant 0 : i32
        %dma_start3A_1388 = tpu.memref_slice %arg28[%dma_start3A_1386, %dma_start3A_1387] : memref<400x128xf32, #tpu.memory_space<vmem>> -> memref<200x128xf32, #tpu.memory_space<vmem>>
        %dma_start3A_1389 = arith.constant 0 : i32
        %dma_start3A_1390 = tpu.memref_slice %arg13[%add3A_1385, %dma_start3A_1389] : memref<100000x128xf32, #tpu.memory_space<hbm>> -> memref<200x128xf32, #tpu.memory_space<hbm>>
        %dma_start3A_1391 = arith.constant 0 : i32
        %dma_start3A_1392 = tpu.memref_slice %arg13[%add3A_1385, %dma_start3A_1391] : memref<100000x128xf32, #tpu.memory_space<hbm>> -> memref<200x128xf32, #tpu.memory_space<hbm>>
        %dma_start3A_1393 = arith.constant 0 : i32
        %dma_start3A_1394 = arith.constant 0 : i32
        %dma_start3A_1395 = tpu.memref_slice %arg28[%dma_start3A_1393, %dma_start3A_1394] : memref<400x128xf32, #tpu.memory_space<vmem>> -> memref<200x128xf32, #tpu.memory_space<vmem>>
        tpu.enqueue_dma source(%dma_start3A_1395 : memref<200x128xf32, #tpu.memory_space<vmem>>) target(%dma_start3A_1392 : memref<200x128xf32, #tpu.memory_space<hbm>>) target_semaphore(%arg30 : memref<!tpu.dma_semaphore, #tpu.memory_space<semaphore_mem>>)
        %parallel_loop3A_1396 = arith.constant 200 : i32
        %parallel_loop3A_1397 = arith.constant 400 : i32
        %parallel_loop3A_1398 = arith.constant 1 : i32
        scf.for %parallel_loop3A_1411 = %parallel_loop3A_1396 to %parallel_loop3A_1397 step %parallel_loop3A_1398  : i32 {
          %parallel_loop3A_1412 = vector.broadcast %parallel_loop3A_1411 : i32 to vector<16xi32>
          %parallel_loop3A_1413 = tpu.vector_load_idx %arg25[%parallel_loop3A_1412] : memref<400xi32, #tpu.memory_space<vmem>>[vector<16xi32>], vector<16xi32>,
          %parallel_loop3A_1414 = arith.constant 1023 : i32
          %parallel_loop3A_1415 = vector.broadcast %parallel_loop3A_1414 : i32 to vector<16xi32>
          %parallel_loop3A_1416 = arith.andi %parallel_loop3A_1413, %parallel_loop3A_1415 : vector<16xi32>
          %parallel_loop3A_1417 = arith.constant 64 : i32
          %parallel_loop3A_1418 = vector.broadcast %parallel_loop3A_1417 : i32 to vector<16xi32>
          %parallel_loop3A_1419 = arith.muli %parallel_loop3A_1416, %parallel_loop3A_1418 : vector<16xi32>
          %parallel_loop3A_1420 = arith.constant 10 : i32
          %parallel_loop3A_1421 = vector.broadcast %parallel_loop3A_1420 : i32 to vector<16xi32>
          %parallel_loop3A_1422 = arith.shrsi %parallel_loop3A_1413, %parallel_loop3A_1421 : vector<16xi32>
          %parallel_loop3A_1423 = arith.constant 64 : i32
          %parallel_loop3A_1424 = vector.broadcast %parallel_loop3A_1423 : i32 to vector<16xi32>
          %parallel_loop3A_1425 = arith.muli %parallel_loop3A_1422, %parallel_loop3A_1424 : vector<16xi32>
          %parallel_loop3A_1426 = tpu.vector_load_idx %arg26[%parallel_loop3A_1412] : memref<400xi32, #tpu.memory_space<vmem>>[vector<16xi32>], vector<16xi32>,
          %parallel_loop3A_1427 = vector.bitcast %parallel_loop3A_1426 : vector<16xi32> to vector<32xbf16>
          %parallel_loop3A_1428 = tpu.unpack_subelements %parallel_loop3A_1427, 0 {pack_format = #tpu.pack_format<interleaved>} : vector<32xbf16> -> vector<16xf32>
          %parallel_loop3A_1429 = tpu.unpack_subelements %parallel_loop3A_1427, 1 {pack_format = #tpu.pack_format<interleaved>} : vector<32xbf16> -> vector<16xf32>
          %parallel_loop3A_1430 = tpu.vector_load_idx %arg27[%parallel_loop3A_1412] : memref<400xf32, #tpu.memory_space<vmem>>[vector<16xi32>], vector<16xf32>,
          %parallel_loop3A_1431 = tpu.pack_subelements %parallel_loop3A_1428, %parallel_loop3A_1428 {pack_format = #tpu.pack_format<interleaved>, positions = array<i32: 0, 1>} : vector<16xf32>, vector<16xf32> -> vector<32xbf16>
          %parallel_loop3A_1432 = tpu.pack_subelements %parallel_loop3A_1429, %parallel_loop3A_1429 {pack_format = #tpu.pack_format<interleaved>, positions = array<i32: 0, 1>} : vector<16xf32>, vector<16xf32> -> vector<32xbf16>
          %parallel_loop3A_1433 = tpu.pack_subelements %parallel_loop3A_1430, %parallel_loop3A_1430 {pack_format = #tpu.pack_format<interleaved>, positions = array<i32: 0, 1>} : vector<16xf32>, vector<16xf32> -> vector<32xbf16>
          %parallel_loop3A_1434 = tpu.iota {dimensions = array<i32: 0>} : vector<16xi32>
          %parallel_loop3A_1435 = arith.constant 0 : i32
          %parallel_loop3A_1436 = vector.broadcast %parallel_loop3A_1435 : i32 to vector<16xi32>
          %parallel_loop3A_1437 = arith.addi %parallel_loop3A_1434, %parallel_loop3A_1436 : vector<16xi32>
          %parallel_loop3A_1438 = arith.addi %parallel_loop3A_1419, %parallel_loop3A_1437 : vector<16xi32>
          %parallel_loop3A_1439 = tpu.vector_load_idx %arg14[%parallel_loop3A_1438] : memref<55424xi32, #tpu.memory_space<vmem>>[vector<16xi32>], vector<16xi32>,
          %parallel_loop3A_1440 = vector.bitcast %parallel_loop3A_1439 : vector<16xi32> to vector<32xbf16>
          %parallel_loop3A_1441 = arith.addi %parallel_loop3A_1425, %parallel_loop3A_1437 : vector<16xi32>
          %parallel_loop3A_1442 = tpu.vector_load_idx %arg14[%parallel_loop3A_1441] : memref<55424xi32, #tpu.memory_space<vmem>>[vector<16xi32>], vector<16xi32>,
          %parallel_loop3A_1443 = vector.bitcast %parallel_loop3A_1442 : vector<16xi32> to vector<32xbf16>
          %parallel_loop3A_1444 = arith.addf %parallel_loop3A_1440, %parallel_loop3A_1443 : vector<32xbf16>
          %parallel_loop3A_1445 = arith.mulf %parallel_loop3A_1431, %bitcast3A : vector<32xbf16>
          %parallel_loop3A_1446 = arith.addf %parallel_loop3A_1444, %parallel_loop3A_1445 : vector<32xbf16>
          %parallel_loop3A_1447 = arith.mulf %parallel_loop3A_1432, %bitcast3A_23 : vector<32xbf16>
          %parallel_loop3A_1448 = arith.addf %parallel_loop3A_1446, %parallel_loop3A_1447 : vector<32xbf16>
          %parallel_loop3A_1449 = arith.mulf %parallel_loop3A_1433, %bitcast3A_43 : vector<32xbf16>
          %parallel_loop3A_1450 = arith.addf %parallel_loop3A_1448, %parallel_loop3A_1449 : vector<32xbf16>
          %parallel_loop3A_1451 = tpu.unpack_subelements %parallel_loop3A_1450, 0 {pack_format = #tpu.pack_format<interleaved>} : vector<32xbf16> -> vector<16xf32>
          %parallel_loop3A_1452 = tpu.unpack_subelements %parallel_loop3A_1450, 1 {pack_format = #tpu.pack_format<interleaved>} : vector<32xbf16> -> vector<16xf32>
          %parallel_loop3A_1453 = arith.index_cast %parallel_loop3A_1411 : i32 to index
          %parallel_loop3A_1454 = arith.constant 0 : index
          %parallel_loop3A_1455 = tpu.vector_load %arg28[%parallel_loop3A_1453, %parallel_loop3A_1454] {strides = array<i32>} : memref<400x128xf32, #tpu.memory_space<vmem>>, vector<16xf32>,
          tpu.vector_store %arg28[%parallel_loop3A_1453, %parallel_loop3A_1454], %parallel_loop3A_1451 {strides = array<i32>} : memref<400x128xf32, #tpu.memory_space<vmem>>, vector<16xf32>,
          %parallel_loop3A_1456 = arith.index_cast %parallel_loop3A_1411 : i32 to index
          %parallel_loop3A_1457 = arith.constant 64 : index
          %parallel_loop3A_1458 = tpu.vector_load %arg28[%parallel_loop3A_1456, %parallel_loop3A_1457] {strides = array<i32>} : memref<400x128xf32, #tpu.memory_space<vmem>>, vector<16xf32>,
          tpu.vector_store %arg28[%parallel_loop3A_1456, %parallel_loop3A_1457], %parallel_loop3A_1452 {strides = array<i32>} : memref<400x128xf32, #tpu.memory_space<vmem>>, vector<16xf32>,
          %parallel_loop3A_1459 = tpu.iota {dimensions = array<i32: 0>} : vector<16xi32>
          %parallel_loop3A_1460 = arith.constant 16 : i32
          %parallel_loop3A_1461 = vector.broadcast %parallel_loop3A_1460 : i32 to vector<16xi32>
          %parallel_loop3A_1462 = arith.addi %parallel_loop3A_1459, %parallel_loop3A_1461 : vector<16xi32>
          %parallel_loop3A_1463 = arith.addi %parallel_loop3A_1419, %parallel_loop3A_1462 : vector<16xi32>
          %parallel_loop3A_1464 = tpu.vector_load_idx %arg14[%parallel_loop3A_1463] : memref<55424xi32, #tpu.memory_space<vmem>>[vector<16xi32>], vector<16xi32>,
          %parallel_loop3A_1465 = vector.bitcast %parallel_loop3A_1464 : vector<16xi32> to vector<32xbf16>
          %parallel_loop3A_1466 = arith.addi %parallel_loop3A_1425, %parallel_loop3A_1462 : vector<16xi32>
          %parallel_loop3A_1467 = tpu.vector_load_idx %arg14[%parallel_loop3A_1466] : memref<55424xi32, #tpu.memory_space<vmem>>[vector<16xi32>], vector<16xi32>,
          %parallel_loop3A_1468 = vector.bitcast %parallel_loop3A_1467 : vector<16xi32> to vector<32xbf16>
          %parallel_loop3A_1469 = arith.addf %parallel_loop3A_1465, %parallel_loop3A_1468 : vector<32xbf16>
          %parallel_loop3A_1470 = arith.mulf %parallel_loop3A_1431, %bitcast3A_8 : vector<32xbf16>
          %parallel_loop3A_1471 = arith.addf %parallel_loop3A_1469, %parallel_loop3A_1470 : vector<32xbf16>
          %parallel_loop3A_1472 = arith.mulf %parallel_loop3A_1432, %bitcast3A_28 : vector<32xbf16>
          %parallel_loop3A_1473 = arith.addf %parallel_loop3A_1471, %parallel_loop3A_1472 : vector<32xbf16>
          %parallel_loop3A_1474 = arith.mulf %parallel_loop3A_1433, %bitcast3A_48 : vector<32xbf16>
          %parallel_loop3A_1475 = arith.addf %parallel_loop3A_1473, %parallel_loop3A_1474 : vector<32xbf16>
          %parallel_loop3A_1476 = tpu.unpack_subelements %parallel_loop3A_1475, 0 {pack_format = #tpu.pack_format<interleaved>} : vector<32xbf16> -> vector<16xf32>
          %parallel_loop3A_1477 = tpu.unpack_subelements %parallel_loop3A_1475, 1 {pack_format = #tpu.pack_format<interleaved>} : vector<32xbf16> -> vector<16xf32>
          %parallel_loop3A_1478 = arith.index_cast %parallel_loop3A_1411 : i32 to index
          %parallel_loop3A_1479 = arith.constant 16 : index
          %parallel_loop3A_1480 = tpu.vector_load %arg28[%parallel_loop3A_1478, %parallel_loop3A_1479] {strides = array<i32>} : memref<400x128xf32, #tpu.memory_space<vmem>>, vector<16xf32>,
          tpu.vector_store %arg28[%parallel_loop3A_1478, %parallel_loop3A_1479], %parallel_loop3A_1476 {strides = array<i32>} : memref<400x128xf32, #tpu.memory_space<vmem>>, vector<16xf32>,
          %parallel_loop3A_1481 = arith.index_cast %parallel_loop3A_1411 : i32 to index
          %parallel_loop3A_1482 = arith.constant 80 : index
          %parallel_loop3A_1483 = tpu.vector_load %arg28[%parallel_loop3A_1481, %parallel_loop3A_1482] {strides = array<i32>} : memref<400x128xf32, #tpu.memory_space<vmem>>, vector<16xf32>,
          tpu.vector_store %arg28[%parallel_loop3A_1481, %parallel_loop3A_1482], %parallel_loop3A_1477 {strides = array<i32>} : memref<400x128xf32, #tpu.memory_space<vmem>>, vector<16xf32>,
          %parallel_loop3A_1484 = tpu.iota {dimensions = array<i32: 0>} : vector<16xi32>
          %parallel_loop3A_1485 = arith.constant 32 : i32
          %parallel_loop3A_1486 = vector.broadcast %parallel_loop3A_1485 : i32 to vector<16xi32>
          %parallel_loop3A_1487 = arith.addi %parallel_loop3A_1484, %parallel_loop3A_1486 : vector<16xi32>
          %parallel_loop3A_1488 = arith.addi %parallel_loop3A_1419, %parallel_loop3A_1487 : vector<16xi32>
          %parallel_loop3A_1489 = tpu.vector_load_idx %arg14[%parallel_loop3A_1488] : memref<55424xi32, #tpu.memory_space<vmem>>[vector<16xi32>], vector<16xi32>,
          %parallel_loop3A_1490 = vector.bitcast %parallel_loop3A_1489 : vector<16xi32> to vector<32xbf16>
          %parallel_loop3A_1491 = arith.addi %parallel_loop3A_1425, %parallel_loop3A_1487 : vector<16xi32>
          %parallel_loop3A_1492 = tpu.vector_load_idx %arg14[%parallel_loop3A_1491] : memref<55424xi32, #tpu.memory_space<vmem>>[vector<16xi32>], vector<16xi32>,
          %parallel_loop3A_1493 = vector.bitcast %parallel_loop3A_1492 : vector<16xi32> to vector<32xbf16>
          %parallel_loop3A_1494 = arith.addf %parallel_loop3A_1490, %parallel_loop3A_1493 : vector<32xbf16>
          %parallel_loop3A_1495 = arith.mulf %parallel_loop3A_1431, %bitcast3A_13 : vector<32xbf16>
          %parallel_loop3A_1496 = arith.addf %parallel_loop3A_1494, %parallel_loop3A_1495 : vector<32xbf16>
          %parallel_loop3A_1497 = arith.mulf %parallel_loop3A_1432, %bitcast3A_33 : vector<32xbf16>
          %parallel_loop3A_1498 = arith.addf %parallel_loop3A_1496, %parallel_loop3A_1497 : vector<32xbf16>
          %parallel_loop3A_1499 = arith.mulf %parallel_loop3A_1433, %bitcast3A_53 : vector<32xbf16>
          %parallel_loop3A_1500 = arith.addf %parallel_loop3A_1498, %parallel_loop3A_1499 : vector<32xbf16>
          %parallel_loop3A_1501 = tpu.unpack_subelements %parallel_loop3A_1500, 0 {pack_format = #tpu.pack_format<interleaved>} : vector<32xbf16> -> vector<16xf32>
          %parallel_loop3A_1502 = tpu.unpack_subelements %parallel_loop3A_1500, 1 {pack_format = #tpu.pack_format<interleaved>} : vector<32xbf16> -> vector<16xf32>
          %parallel_loop3A_1503 = arith.index_cast %parallel_loop3A_1411 : i32 to index
          %parallel_loop3A_1504 = arith.constant 32 : index
          %parallel_loop3A_1505 = tpu.vector_load %arg28[%parallel_loop3A_1503, %parallel_loop3A_1504] {strides = array<i32>} : memref<400x128xf32, #tpu.memory_space<vmem>>, vector<16xf32>,
          tpu.vector_store %arg28[%parallel_loop3A_1503, %parallel_loop3A_1504], %parallel_loop3A_1501 {strides = array<i32>} : memref<400x128xf32, #tpu.memory_space<vmem>>, vector<16xf32>,
          %parallel_loop3A_1506 = arith.index_cast %parallel_loop3A_1411 : i32 to index
          %parallel_loop3A_1507 = arith.constant 96 : index
          %parallel_loop3A_1508 = tpu.vector_load %arg28[%parallel_loop3A_1506, %parallel_loop3A_1507] {strides = array<i32>} : memref<400x128xf32, #tpu.memory_space<vmem>>, vector<16xf32>,
          tpu.vector_store %arg28[%parallel_loop3A_1506, %parallel_loop3A_1507], %parallel_loop3A_1502 {strides = array<i32>} : memref<400x128xf32, #tpu.memory_space<vmem>>, vector<16xf32>,
          %parallel_loop3A_1509 = tpu.iota {dimensions = array<i32: 0>} : vector<16xi32>
          %parallel_loop3A_1510 = arith.constant 48 : i32
          %parallel_loop3A_1511 = vector.broadcast %parallel_loop3A_1510 : i32 to vector<16xi32>
          %parallel_loop3A_1512 = arith.addi %parallel_loop3A_1509, %parallel_loop3A_1511 : vector<16xi32>
          %parallel_loop3A_1513 = arith.addi %parallel_loop3A_1419, %parallel_loop3A_1512 : vector<16xi32>
          %parallel_loop3A_1514 = tpu.vector_load_idx %arg14[%parallel_loop3A_1513] : memref<55424xi32, #tpu.memory_space<vmem>>[vector<16xi32>], vector<16xi32>,
          %parallel_loop3A_1515 = vector.bitcast %parallel_loop3A_1514 : vector<16xi32> to vector<32xbf16>
          %parallel_loop3A_1516 = arith.addi %parallel_loop3A_1425, %parallel_loop3A_1512 : vector<16xi32>
          %parallel_loop3A_1517 = tpu.vector_load_idx %arg14[%parallel_loop3A_1516] : memref<55424xi32, #tpu.memory_space<vmem>>[vector<16xi32>], vector<16xi32>,
          %parallel_loop3A_1518 = vector.bitcast %parallel_loop3A_1517 : vector<16xi32> to vector<32xbf16>
          %parallel_loop3A_1519 = arith.addf %parallel_loop3A_1515, %parallel_loop3A_1518 : vector<32xbf16>
          %parallel_loop3A_1520 = arith.mulf %parallel_loop3A_1431, %bitcast3A_18 : vector<32xbf16>
          %parallel_loop3A_1521 = arith.addf %parallel_loop3A_1519, %parallel_loop3A_1520 : vector<32xbf16>
          %parallel_loop3A_1522 = arith.mulf %parallel_loop3A_1432, %bitcast3A_38 : vector<32xbf16>
          %parallel_loop3A_1523 = arith.addf %parallel_loop3A_1521, %parallel_loop3A_1522 : vector<32xbf16>
          %parallel_loop3A_1524 = arith.mulf %parallel_loop3A_1433, %bitcast3A_58 : vector<32xbf16>
          %parallel_loop3A_1525 = arith.addf %parallel_loop3A_1523, %parallel_loop3A_1524 : vector<32xbf16>
          %parallel_loop3A_1526 = tpu.unpack_subelements %parallel_loop3A_1525, 0 {pack_format = #tpu.pack_format<interleaved>} : vector<32xbf16> -> vector<16xf32>
          %parallel_loop3A_1527 = tpu.unpack_subelements %parallel_loop3A_1525, 1 {pack_format = #tpu.pack_format<interleaved>} : vector<32xbf16> -> vector<16xf32>
          %parallel_loop3A_1528 = arith.index_cast %parallel_loop3A_1411 : i32 to index
          %parallel_loop3A_1529 = arith.constant 48 : index
          %parallel_loop3A_1530 = tpu.vector_load %arg28[%parallel_loop3A_1528, %parallel_loop3A_1529] {strides = array<i32>} : memref<400x128xf32, #tpu.memory_space<vmem>>, vector<16xf32>,
          tpu.vector_store %arg28[%parallel_loop3A_1528, %parallel_loop3A_1529], %parallel_loop3A_1526 {strides = array<i32>} : memref<400x128xf32, #tpu.memory_space<vmem>>, vector<16xf32>,
          %parallel_loop3A_1531 = arith.index_cast %parallel_loop3A_1411 : i32 to index
          %parallel_loop3A_1532 = arith.constant 112 : index
          %parallel_loop3A_1533 = tpu.vector_load %arg28[%parallel_loop3A_1531, %parallel_loop3A_1532] {strides = array<i32>} : memref<400x128xf32, #tpu.memory_space<vmem>>, vector<16xf32>,
          tpu.vector_store %arg28[%parallel_loop3A_1531, %parallel_loop3A_1532], %parallel_loop3A_1527 {strides = array<i32>} : memref<400x128xf32, #tpu.memory_space<vmem>>, vector<16xf32>,
        } {sc.loop_unroll_factor = 4 : i64, sc.parallel_access}
        %add3A_1399 = arith.constant 200 : i32
        %add3A_1400 = arith.addi %mul3A_113, %add3A_1399 : i32
        %dma_start3A_1401 = arith.constant 200 : i32
        %dma_start3A_1402 = arith.constant 0 : i32
        %dma_start3A_1403 = tpu.memref_slice %arg28[%dma_start3A_1401, %dma_start3A_1402] : memref<400x128xf32, #tpu.memory_space<vmem>> -> memref<200x128xf32, #tpu.memory_space<vmem>>
        %dma_start3A_1404 = arith.constant 0 : i32
        %dma_start3A_1405 = tpu.memref_slice %arg13[%add3A_1400, %dma_start3A_1404] : memref<100000x128xf32, #tpu.memory_space<hbm>> -> memref<200x128xf32, #tpu.memory_space<hbm>>
        %dma_start3A_1406 = arith.constant 0 : i32
        %dma_start3A_1407 = tpu.memref_slice %arg13[%add3A_1400, %dma_start3A_1406] : memref<100000x128xf32, #tpu.memory_space<hbm>> -> memref<200x128xf32, #tpu.memory_space<hbm>>
        %dma_start3A_1408 = arith.constant 200 : i32
        %dma_start3A_1409 = arith.constant 0 : i32
        %dma_start3A_1410 = tpu.memref_slice %arg28[%dma_start3A_1408, %dma_start3A_1409] : memref<400x128xf32, #tpu.memory_space<vmem>> -> memref<200x128xf32, #tpu.memory_space<vmem>>
        tpu.enqueue_dma source(%dma_start3A_1410 : memref<200x128xf32, #tpu.memory_space<vmem>>) target(%dma_start3A_1407 : memref<200x128xf32, #tpu.memory_space<hbm>>) target_semaphore(%arg30 : memref<!tpu.dma_semaphore, #tpu.memory_space<semaphore_mem>>)
      } else {
      }
    }
    %scan3A_82 = arith.constant 8 : i32
    %dma_wait3A = arith.constant 0 : i32
    %dma_wait3A_83 = arith.constant 0 : i32
    %dma_wait3A_84 = tpu.memref_slice %arg28[%dma_wait3A, %dma_wait3A_83] : memref<400x128xf32, #tpu.memory_space<vmem>> -> memref<200x128xf32, #tpu.memory_space<vmem>>
    %dma_wait3A_85 = arith.constant 0 : i32
    %dma_wait3A_86 = arith.constant 0 : i32
    %dma_wait3A_87 = tpu.memref_slice %arg13[%dma_wait3A_85, %dma_wait3A_86] : memref<100000x128xf32, #tpu.memory_space<hbm>> -> memref<200x128xf32, #tpu.memory_space<hbm>>
    %dma_wait3A_88 = arith.constant 0 : i32
    %dma_wait3A_89 = arith.constant 0 : i32
    %dma_wait3A_90 = tpu.memref_slice %arg13[%dma_wait3A_88, %dma_wait3A_89] : memref<100000x128xf32, #tpu.memory_space<hbm>> -> memref<200x128xf32, #tpu.memory_space<hbm>>
    %dma_wait3A_91 = arith.constant 0 : i32
    %dma_wait3A_92 = arith.constant 0 : i32
    %dma_wait3A_93 = tpu.memref_slice %arg28[%dma_wait3A_91, %dma_wait3A_92] : memref<400x128xf32, #tpu.memory_space<vmem>> -> memref<200x128xf32, #tpu.memory_space<vmem>>
    tpu.wait_dma2 semaphore(%arg30 : memref<!tpu.dma_semaphore, #tpu.memory_space<semaphore_mem>>) src(%dma_wait3A_93 : memref<200x128xf32, #tpu.memory_space<vmem>>) dst(%dma_wait3A_90 : memref<200x128xf32, #tpu.memory_space<hbm>>)
    %dma_wait3A_94 = arith.constant 200 : i32
    %dma_wait3A_95 = arith.constant 0 : i32
    %dma_wait3A_96 = tpu.memref_slice %arg28[%dma_wait3A_94, %dma_wait3A_95] : memref<400x128xf32, #tpu.memory_space<vmem>> -> memref<200x128xf32, #tpu.memory_space<vmem>>
    %dma_wait3A_97 = arith.constant 200 : i32
    %dma_wait3A_98 = arith.constant 0 : i32
    %dma_wait3A_99 = tpu.memref_slice %arg13[%dma_wait3A_97, %dma_wait3A_98] : memref<100000x128xf32, #tpu.memory_space<hbm>> -> memref<200x128xf32, #tpu.memory_space<hbm>>
    %dma_wait3A_100 = arith.constant 200 : i32
    %dma_wait3A_101 = arith.constant 0 : i32
    %dma_wait3A_102 = tpu.memref_slice %arg13[%dma_wait3A_100, %dma_wait3A_101] : memref<100000x128xf32, #tpu.memory_space<hbm>> -> memref<200x128xf32, #tpu.memory_space<hbm>>
    %dma_wait3A_103 = arith.constant 200 : i32
    %dma_wait3A_104 = arith.constant 0 : i32
    %dma_wait3A_105 = tpu.memref_slice %arg28[%dma_wait3A_103, %dma_wait3A_104] : memref<400x128xf32, #tpu.memory_space<vmem>> -> memref<200x128xf32, #tpu.memory_space<vmem>>
    tpu.wait_dma2 semaphore(%arg30 : memref<!tpu.dma_semaphore, #tpu.memory_space<semaphore_mem>>) src(%dma_wait3A_105 : memref<200x128xf32, #tpu.memory_space<vmem>>) dst(%dma_wait3A_102 : memref<200x128xf32, #tpu.memory_space<hbm>>)
    return
  }
}

</mosaic_0001>

<sc_bundles>
// kernel: kernel.3.cloned.1.call-start
scs
__scs_entry_jumppad:
0x0: {  	(pc) =	sbr.rel $0x88, $3  }
0x1: {  	(tag) =	ssettag $0x0;
	lr =	simm.s32 $0x1  }
0x2: {  	[smem:$0x3F92] =	sst lr;
	_ =	strace $0xD0000000  }
0x3: {  	_ = 	snop  }
0x4: {  	_ = 	snop  }
0x5: {  	_ = 	snop  }
0x6: {  	_ = 	snop  }
0x7: {  	_ = 	snop  }
__scs_overlays_trampoline_lowered:
0x8: {  	[smem:$0x3FA1] =	sst s0  }
0x9: {  	[smem:$0x3FA2] =	sst s1  }
0xa: {  	[smem:$0x3FA3] =	sst s2  }
0xb: {  	[smem:$0x3FA4] =	sst s3  }
0xc: {  	[smem:$0x3FA5] =	sst s4  }
0xd: {  	[smem:$0x3FA6] =	sst s5  }
0xe: {  	[smem:$0x3FA7] =	sst s6  }
0xf: {  	[smem:$0x3FA8] =	sst s7  }
0x10: {  	[smem:$0x3FA9] =	sst s8  }
0x11: {  	[smem:$0x3FAA] =	sst s9;
	s0 =	simm.s32 @!p0 $0x0  }
0x12: {  	s1 =	sld [smem:$0x3F90];
	s0 =	simm.s32 @p0 $0x1  }
0x13: {  	[smem:$0x3FAB] =	sst s0;
	s0 =	simm.s32 @!p1 $0x0  }
0x14: {  	s2 =	sld [smem:$0x3F8F];
	s0 =	simm.s32 @p1 $0x1  }
0x15: {  	[smem:$0x3FAC] =	sst s0;
	s0 =	simm.s32 @!p2 $0x0  }
0x16: {  	s3 =	sld [smem:$0x3FDB];
	s0 =	simm.s32 @p2 $0x1  }
0x17: {  	s4 =	simm.s32 $0x1BF5;
	[smem:$0x3FAE] =	sst s0  }
0x18: {  	s0 =	sld [smem:$0x3F91];
	_ =	swait.ge [sflag:s4], $0x0  }
0x19: {  	s7 =	sld [smem:$0x3F92]  }
0x1a: {  	s8 =	sadd.s32 $0xFFFFE003, lr  }
0x1b: {  	s9 =	sadd.s32 $0xFFFFFEF7, lr;
	s5 =	simm.s32 $0xFFFFFFFF;
	p2 =	slt.u32 s8, $0xFFFFF086  }
0x1c: {  	p1 =	slt.u32 s9, $0xF7A;
	s5 =	simm.s32 @!p2 $0x0  }
0x1d: {  	s5 =	simm.s32 @p1 $0x1;
	p0 =	seq.s32 s7, s2  }
0x1e: {  	s7 =	smul.u32 @!p0 $0xF7A, s2;
	p2 =	seq.s32 @!p0 s5, $0x0  }
0x1f: {  	s9 =	smul.u32 $0xF7A, s1;
	s8 =	simm.s32 @!p0 $0x1BF5;
	p2 =	por !p2, p0  }
0x20: {  	[sflag:s8] =	ssyncset.s32 @!p0 $0xFFFFF086;
	s6 =	sadd.s32 @!p0 s3, s7;
	s7 =	simm.s32 @!p0 $0x108  }
0x21: {  	s3 =	sadd.s32 s3, s9;
	s6 =	sadd.s32 @!p0 $0x88, s6;
	s7 =	simm.s32 @p2 $0x1082  }
0x22: {  	[simem:s7], [sflag:s8] =	dma.local @!p0 [hbm:s6], $0xF7A  }
0x23: {  	s9 =	sor.u32 $0xD0000000, s2;
	s6 =	simm.s32 $0x108;
	_ =	swait.ge @!p0 [sflag:s8], $0x0  }
0x24: {  	s3 =	sadd.s32 $0x88, s3;
	s6 =	simm.s32 @!p1 $0x1082;
	[sflag:s4] =	ssyncset.s32 $0xFFFFF086  }
0x25: {  	[simem:s6], [sflag:s4] =	dma.local [hbm:s3], $0xF7A  }
0x26: {  	[smem:$0x3F92] =	sst s1;
	(tag) =	ssettag s2;
	_ =	strace s9  }
0x27: {  	s1 =	sld [smem:$0x3FA2]  }
0x28: {  	s2 =	sld [smem:$0x3FA3]  }
0x29: {  	s4 =	sld [smem:$0x3FA5]  }
0x2a: {  	p0 =	seq.s32 s5, $0x0;
	s5 =	sld [smem:$0x3FA6]  }
0x2b: {  	s6 =	sld [smem:$0x3FA7]  }
0x2c: {  	s7 =	sld [smem:$0x3FA8]  }
0x2d: {  	s3 =	simm.s32 $0x108;
	s8 =	sld [smem:$0x3FA9]  }
0x2e: {  	s3 =	simm.s32 @!p0 $0x1082;
	s9 =	sld [smem:$0x3FAA]  }
0x2f: {  	lr =	sadd.s32 s0, s3;
	s0 =	sld [smem:$0x3FA1]  }
0x30: {  	s3 =	sld [smem:$0x3FA4]  }
0x31: {  	[smem:$0x3FAD] =	sst s10  }
0x32: {  	s10 =	sld [smem:$0x3FAB];
	_ =	sdelay $0x3  }
0x33: {  	p0 =	seq.s32 s10, $0x1;
	s10 =	sld [smem:$0x3FAD];
	_ =	sdelay $0x3  }
0x34: {  	[smem:$0x3FAD] =	sst s10  }
0x35: {  	s10 =	sld [smem:$0x3FAC];
	_ =	sdelay $0x3  }
0x36: {  	p1 =	seq.s32 s10, $0x1;
	s10 =	sld [smem:$0x3FAD];
	_ =	sdelay $0x3  }
0x37: {  	[smem:$0x3FAD] =	sst s10  }
0x38: {  	s10 =	sld [smem:$0x3FAE]  }
0x39: {  	_ = 	snop;
	(pc) =	sbr.ind lr, $3  }
0x3a: {  	_ = 	snop  }
0x3b: {  	_ = 	snop  }
0x3c: {  	p2 =	seq.s32 s10, $0x1;
	s10 =	sld [smem:$0x3FAD]  }
0x3d: {  	_ =	shalt  }
0x3e: {  	_ =	shalt  }
0x3f: {  	_ =	shalt  }
0x40: {  	_ =	shalt  }
0x41: {  	_ =	shalt  }
0x42: {  	_ =	shalt  }
0x43: {  	_ =	shalt  }
0x44: {  	_ =	shalt  }
0x45: {  	_ =	shalt  }
0x46: {  	_ =	shalt  }
0x47: {  	_ =	shalt  }
0x48: {  	_ =	shalt  }
0x49: {  	_ =	shalt  }
0x4a: {  	_ =	shalt  }
0x4b: {  	_ =	shalt  }
0x4c: {  	_ =	shalt  }
0x4d: {  	_ =	shalt  }
0x4e: {  	_ =	shalt  }
0x4f: {  	_ =	shalt  }
0x50: {  	_ =	shalt  }
0x51: {  	_ =	shalt  }
0x52: {  	_ =	shalt  }
0x53: {  	_ =	shalt  }
0x54: {  	_ =	shalt  }
0x55: {  	_ =	shalt  }
0x56: {  	_ =	shalt  }
0x57: {  	_ =	shalt  }
0x58: {  	_ =	shalt  }
0x59: {  	_ =	shalt  }
0x5a: {  	_ =	shalt  }
0x5b: {  	_ =	shalt  }
0x5c: {  	_ =	shalt  }
0x5d: {  	_ =	shalt  }
0x5e: {  	_ =	shalt  }
0x5f: {  	_ =	shalt  }
0x60: {  	_ =	shalt  }
0x61: {  	_ =	shalt  }
0x62: {  	_ =	shalt  }
0x63: {  	_ =	shalt  }
0x64: {  	_ =	shalt  }
0x65: {  	_ =	shalt  }
0x66: {  	_ =	shalt  }
0x67: {  	_ =	shalt  }
0x68: {  	_ =	shalt  }
0x69: {  	_ =	shalt  }
0x6a: {  	_ =	shalt  }
0x6b: {  	_ =	shalt  }
0x6c: {  	_ =	shalt  }
0x6d: {  	_ =	shalt  }
0x6e: {  	_ =	shalt  }
0x6f: {  	_ =	shalt  }
0x70: {  	_ =	shalt  }
0x71: {  	_ =	shalt  }
0x72: {  	_ =	shalt  }
0x73: {  	_ =	shalt  }
0x74: {  	_ =	shalt  }
0x75: {  	_ =	shalt  }
0x76: {  	_ =	shalt  }
0x77: {  	_ =	shalt  }
0x78: {  	_ =	shalt  }
0x79: {  	_ =	shalt  }
0x7a: {  	_ =	shalt  }
0x7b: {  	_ =	shalt  }
0x7c: {  	_ =	shalt  }
0x7d: {  	_ =	shalt  }
0x7e: {  	_ =	shalt  }
0x7f: {  	_ =	shalt  }
0x80: {  	_ =	shalt  }
0x81: {  	_ =	shalt  }
0x82: {  	_ =	shalt  }
0x83: {  	_ =	shalt  }
0x84: {  	_ =	shalt  }
0x85: {  	_ =	shalt  }
0x86: {  	_ =	shalt  }
0x87: {  	_ =	shalt  }
.Lfunc_end0:
.L_simem_size_0:
called_computation_lowered:
.L_overlay_start_0:
0x88: {  	s2 =	sld [smem:$0x3FD9]  }
0x89: {  	s3 =	sld [smem:$0x3FFE];
	_ =	sdelay $0x1  }
0x8a: {  	s1 =	srdreg.scid  }
0x8b: {  	s0 =	sand.u32 $0x1, s1  }
0x8c: {  	s17 =	sshll.u32 s0, $0xA;
	s2 =	sadd.s32 s3, s2  }
0x8d: {  	s2 =	sadd.s32 s2, s17  }
0x8e: {  	[smem:$0x3FB9] =	sst s2  }
0x8f: {  	_ = 	snop  }
0x90: {  	s2 =	sld [smem:$0x3FC9]  }
0x91: {  	s18 =	sld [smem:$0x3FC8]  }
0x92: {  	s4 =	sld [smem:$0x3FC7]  }
0x93: {  	s5 =	sld [smem:$0x3FC6]  }
0x94: {  	s6 =	sld [smem:$0x3FC5]  }
0x95: {  	s7 =	sld [smem:$0x3FC4]  }
0x96: {  	s8 =	sld [smem:$0x3FD0];
	(tm) =	ssettm $0x1  }
0x97: {  	s9 =	sld [smem:$0x3FFB];
	_ =	sdelay $0x3  }
0x98: {  	_ =	strace s9  }
0x99: {  	s9 =	sld [smem:$0x3FFC];
	_ =	sdelay $0x3  }
0x9a: {  	_ =	strace s9  }
0x9b: {  	s9 =	sld [smem:$0x3FFD];
	_ =	sdelay $0x3  }
0x9c: {  	_ =	strace s9  }
0x9d: {  	_ =	strace $0x8FFFFFFF  }
0x9e: {  	s19 =	sld [smem:$0x3FDB];
	_ =	sdelay $0x1  }
0x9f: {  	s10 =	simm.s32 $_scs_section_size  }
0xa0: {  	s11 =	simm.s32 $_size__tile_overlayer_lowered;
	s12 =	simm.s32 $_tile_overlayer_lowered  }
0xa1: {  	s22 =	simm.s32 $0x1BFF;
	s21 =	sshll.u32 s12, $0x1;
	s9 =	sadd.s32 s10, s19  }
0xa2: {  	s13 =	simm.s32 $0x0;
	s20 =	sshll.u32 s11, $0x1;
	s11 =	sadd.s32 s21, s9  }
0xa3: {  	[timem:s13], [sflag:s22] =	dma.local [hbm:s11], s20  }
0xa4: {  	_ =	swait.ge [sflag:s22], s20  }
0xa5: {  	s10 =	ssub.s32 $0x0, s20;
	[sflag:s22] =	ssyncset.done $0x0  }
0xa6: {  	[sflag:s22] =	ssyncadd.s32 s10;
	_ =	sdelay $0x1  }
0xa7: {  	s23 =	simm.s32 $0x1B8B  }
0xa8: {  	_ =	swait.ge [sflag:s23], $0x1  }
0xa9: {  	[sflag:s23] =	ssyncset.done $0x0  }
0xaa: {  	s25 =	simm.s32 $0x1B8E;
	s24 =	sld [smem:$0x3FFE];
	[sflag:s23] =	ssyncadd.s32 $0xFFFFFFFF  }
0xab: {  	s26 =	simm.s32 $execute0_lowered;
	[smem:$0x3FD2] =	sst s25  }
0xac: {  	s11 =	sshll.u32 s26, $0x1;
	_ =	strace $0x80000046;
	[dreg:$0x1] =	wrdreg $0xFFFFFFFF  }
0xad: {  	s28 =	simm.s32 $_size_execute0_lowered;
	s9 =	sadd.s32 s9, s11;
	[dreg:$0x0] =	wrdreg $0x0  }
0xae: {  	s11 =	sshll.u32 s28, $0x1;
	[dreg:$0x2] =	wrdreg s9  }
0xaf: {  	[dreg:$0x3] =	wrdreg s11  }
0xb0: {  	[dreg:$0x4] =	wrdreg $0xC0  }
0xb1: {  	_ =	task [dreg:s13], $0x5FFFF  }
0xb2: {  	[dreg:$0x1] =	wrdreg $0xFFFFFFFF  }
0xb3: {  	[dreg:$0x0] =	wrdreg $0x60  }
0xb4: {  	[dreg:$0x2] =	wrdreg s24  }
0xb5: {  	[dreg:$0x3] =	wrdreg s2  }
0xb6: {  	[dreg:$0x4] =	wrdreg s18  }
0xb7: {  	[dreg:$0x5] =	wrdreg s4  }
0xb8: {  	[dreg:$0x6] =	wrdreg s5  }
0xb9: {  	[dreg:$0x7] =	wrdreg s6  }
0xba: {  	[dreg:$0x8] =	wrdreg s7  }
0xbb: {  	[dreg:$0x9] =	wrdreg s8  }
0xbc: {  	[dreg:$0xa] =	wrdreg $0x9  }
0xbd: {  	_ =	task.clear_ibuf [dreg:s13], $0xBFFFF;
	_ =	strace $0x90000046  }
0xbe: {  	s29 =	simm.s32 $0x9;
	_ =	strace $0x80000048  }
0xbf: {  	_ =	swait.ge [sflag:s29], $0x1  }
0xc0: {  	[sflag:s29] =	ssyncadd.s32 $0xFFFFFFFF  }
0xc1: {  	_ =	strace $0x90000048  }
0xc2: {  	_ =	sfence  }
0xc3: {  	s30 =	sld [smem:$0x0];
	_ =	sdelay $0x2  }
0xc4: {  	s31 =	sshll.u32 s1, $0xD;
	s1 =	sshrl.u32 s1, $0x2  }
0xc5: {  	s3 =	sand.u32 $0x4000, s31;
	s1 =	sadd.s32 s1, s30  }
0xc6: {  	s0 =	sor.u32 s3, s0;
	s1 =	sshll.u32 s1, $0x11  }
0xc7: {  	s0 =	sor.u32 s1, s0  }
0xc8: {  	s0 =	sadd.s32 $0x8F2B, s0  }
0xc9: {  	[sflag:s0] =	ssyncadd.remote.s32 $0x1  }
0xca: {  	_ =	sfence.sel $0xFFFF  }
0xcb: {  	[dreg:$0x0] =	wrdreg $0xFFFFFFFF;
	(pc) =	sbr.abs _section_cstart, $3  }
0xcc: {  	[dreg:$0x1] =	wrdreg $0xFFFFFFFF  }
0xcd: {  	_ =	task.clear_ibuf [dreg:s13], $0x2FFFF;
	_ =	strace $0x9FFFFFFF  }
0xce: {  	(tm) =	ssettm $0x7FFFFFFF  }
0xcf: {  	_ =	shalt  }
tec
execute0_lowered:
.L_overlay_start_1:
0x0: {  	(tag) =	ssettag $0x1  }
0x1: {  	s8 =	rddreg [dreg:$0x0]  }
0x2: {  	s1 =	rddreg [dreg:$0x1]  }
0x3: {  	s3 =	rddreg [dreg:$0x2]  }
0x4: {  	s4 =	rddreg [dreg:$0x3]  }
0x5: {  	s5 =	rddreg [dreg:$0x4]  }
0x6: {  	s6 =	rddreg [dreg:$0x5]  }
0x7: {  	s7 =	rddreg [dreg:$0x6]  }
0x8: {  	s9 =	rddreg [dreg:$0x7];
	s10 =	simm.s32 $0x0  }
0x9: {  	s0 =	srdreg.scid;
	s2 =	stileid.u32;
	s28 =	simm.s32 $0xEE80  }
0xa: {  	s29 =	simm.s32 $0xF080;
	s0 =	sand.u32 $0x1, s0;
	s2 =	sshll.u32 s2, $0x1  }
0xb: {  	s30 =	simm.s32 $0xF280;
	s31 =	simm.s32 $0x15680;
	s12 =	sor.u32 s0, s2  }
0xc: {  	[smem:$0x7FF] =	sst s10;
	s11 =	sadd.s32 $0x200, s8;
	s2 =	smul.u32 $0x32, s12  }
0xd: {  	s13 =	sadd.s32 $0x8200, s8;
	s14 =	sadd.s32 $0x5000, s8;
	s15 =	sadd.s32 $0x1E00, s8  }
0xe: {  	_ =	strace $0x80000047;
	[dreg:$0x9] =	wrdreg s11;
	s21 =	sadd.s32 s1, s2  }
0xf: {  	s8 =	simm.s32 $0xEC80;
	s22 =	sadd.s32 s3, s2;
	[dreg:$0xa] =	wrdreg s21  }
0x10: {  	s0 =	ssub.s32 $0x2, s0;
	s23 =	sadd.s32 s4, s2;
	[dreg:$0xb] =	wrdreg s22  }
0x11: {  	s11 =	simm.s32 $0x0;
	s24 =	sadd.s32 s5, s2;
	[dreg:$0xc] =	wrdreg s23  }
.Ltmp0:
0x12: {  	s25 =	sadd.s32 s6, s2;
	[dreg:$0xd] =	wrdreg s24;
	(pc) =	sbr.rel .LBB2_1-.Ltmp0, $4  }
0x13: {  	s20 =	sshrl.u32 s0, $0x1;
	s26 =	sadd.s32 s7, s2;
	[dreg:$0xe] =	wrdreg s25  }
0x14: {  	s0 =	ssub.s32 s0, s20;
	[dreg:$0xf] =	wrdreg s26;
	s22 =	sadd.s32 s13, s2  }
0x15: {  	v0 =	vlaneseq.u32;
	s23 =	sadd.s32 s14, s2;
	s24 =	sadd.s32 s15, s2;
	s25 =	smax.u32 s0, $0x1  }
0x16: {  	v1 =	vor.u32 $0x10, v0;
	v2 =	vor.u32 $0x20, v0;
	v3 =	vor.u32 $0x30, v0;
	s26 =	simm.s32 $0x3;
	s2 =	simm.s32 $0x1;
	s0 =	simm.s32 $0x2  }
.LBB2_9:
0x17: {  	s11 =	sadd.s32 $0x1, s11  }
0x18: {  	_ =	swait.ge [sflag:s0], $0x6400;
	p0 =	sne.s32 s11, s25  }
.Ltmp1:
0x19: {  	[sflag:s0] =	ssyncset.done $0x0;
	(pc) =	sbr.rel @!p0 .LBB2_10-.Ltmp1, $4  }
0x1a: {  	[sflag:s0] =	ssyncadd.s32 $0xFFFF9C00  }
0x1b: {  	_ =	swait.ge [sflag:s0], $0x6400  }
0x1c: {  	[sflag:s0] =	ssyncset.done $0x0  }
0x1d: {  	[sflag:s0] =	ssyncadd.s32 $0xFFFF9C00  }
.LBB2_1:
0x1e: {  	s16 =	rddreg [dreg:$0x9]  }
0x1f: {  	[tilespmem:s10], [sflag:$0x3] =	stream.linear.gather [hbm4b:s16+s10], $0xD880, $0x38;
	[tilespmem:$0x1BA80] =	vst v63  }
0x20: {  	_ =	swait.ge [sflag:s26], $0xD880  }
0x21: {  	[sflag:s26] =	ssyncset.done $0x0  }
0x22: {  	[sflag:s26] =	ssyncadd.s32 $0xFFFF2780  }
0x23: {  	s17 =	simm.s32 $0xD880;
	s19 =	rddreg [dreg:$0x0]  }
0x24: {  	[tilespmem:s17], [sflag:$0x3] =	stream.linear.gather [hbm4b:s19+s10], $0x180, $0x38;
	[tilespmem:$0x1BA80] =	vst v63  }
0x25: {  	_ =	swait.ge [sflag:s26], $0x180  }
0x26: {  	[sflag:s26] =	ssyncset.done $0x0  }
0x27: {  	[sflag:s26] =	ssyncadd.s32 $0xFFFFFE80  }
0x28: {  	v4 =	vld [tilespmem:$0xD880]  }
0x29: {  	v5 =	vld [tilespmem:$0xD890]  }
0x2a: {  	v6 =	vld [tilespmem:$0xD8A0]  }
0x2b: {  	v7 =	vld [tilespmem:$0xD8B0]  }
0x2c: {  	v8 =	vld [tilespmem:$0xD900]  }
0x2d: {  	v9 =	vld [tilespmem:$0xD910]  }
0x2e: {  	v10 =	vld [tilespmem:$0xD920]  }
0x2f: {  	v11 =	vld [tilespmem:$0xD930]  }
0x30: {  	v12 =	vld [tilespmem:$0xD980]  }
0x31: {  	v13 =	vld [tilespmem:$0xD990]  }
0x32: {  	s21 =	simm.s32 $0xDA80;
	s20 =	rddreg [dreg:$0xa];
	v14 =	vld [tilespmem:$0xD9A0]  }
0x33: {  	v15 =	vld [tilespmem:$0xD9B0];
	[tilespmem:s21], [sflag:$0x1] =	stream.linear.gather [hbm4b:s20+s10], $0x190, $0x38  }
0x34: {  	s19 =	simm.s32 $0xDC80;
	s18 =	rddreg [dreg:$0xb]  }
0x35: {  	[tilespmem:s19], [sflag:$0x1] =	stream.linear.gather [hbm4b:s18+s10], $0x190, $0x38;
	[tilespmem:$0x1BA80] =	vst v63  }
0x36: {  	s20 =	rddreg [dreg:$0xc];
	s21 =	simm.s32 $0xDE80  }
0x37: {  	[tilespmem:s21], [sflag:$0x1] =	stream.linear.gather [hbm4b:s20+s10], $0x190, $0x38;
	[tilespmem:$0x1BA80] =	vst v63  }
0x38: {  	s18 =	rddreg [dreg:$0xd];
	s19 =	simm.s32 $0xE080  }
0x39: {  	[tilespmem:s19], [sflag:$0x1] =	stream.linear.gather [hbm4b:s18+s10], $0x190, $0x38;
	[tilespmem:$0x1BA80] =	vst v63  }
0x3a: {  	s20 =	rddreg [dreg:$0xe];
	s21 =	simm.s32 $0xE280  }
0x3b: {  	[tilespmem:s21], [sflag:$0x1] =	stream.linear.gather [hbm4b:s20+s10], $0x190, $0x38;
	[tilespmem:$0x1BA80] =	vst v63  }
0x3c: {  	s17 =	rddreg [dreg:$0xf];
	s18 =	simm.s32 $0xE480  }
0x3d: {  	[tilespmem:s18], [sflag:$0x1] =	stream.linear.gather [hbm4b:s17+s10], $0x190, $0x38;
	[tilespmem:$0x1BA80] =	vst v63  }
0x3e: {  	s19 =	simm.s32 $0xE680  }
0x3f: {  	[tilespmem:s19], [sflag:$0x1] =	stream.linear.gather [hbm4b:s22+s10], $0x190, $0x38;
	[tilespmem:$0x1BA80] =	vst v63  }
.Ltmp2:
0x40: {  	_ = 	snop;
	(pc) =	sbr.rel .LBB2_2-.Ltmp2, $4  }
0x41: {  	s20 =	simm.s32 $0xE880  }
0x42: {  	[tilespmem:s20], [sflag:$0x1] =	stream.linear.gather [hbm4b:s23+s10], $0x190, $0x38;
	[tilespmem:$0x1BA80] =	vst v63  }
0x43: {  	s16 =	simm.s32 $0x0;
	s21 =	simm.s32 $0xEA80  }
0x44: {  	[tilespmem:s21], [sflag:$0x1] =	stream.linear.gather [hbm4b:s24+s10], $0x190, $0x38;
	[tilespmem:$0x1BA80] =	vst v63  }
.LBB2_8:
0x45: {  	s16 =	sadd.s32 $0x1, s16  }
0x46: {  	p0 =	sne.s32 s16, $0x8  }
.Ltmp3:
0x47: {  	_ = 	snop;
	(pc) =	sbr.rel @!p0 .LBB2_9-.Ltmp3, $1  }
0x48: {  	_ =	sdelay $0x3  }
.LBB2_2:
0x49: {  	s17 =	sshll.u32 s16, $0x5  }
0x4a: {  	s17 =	sor.u32 s12, s17  }
0x4b: {  	p0 =	sgt.u32 s17, $0xF9  }
.Ltmp4:
0x4c: {  	_ = 	snop;
	(pc) =	sbr.rel @p0 .LBB2_8-.Ltmp4, $1  }
0x4d: {  	_ =	sdelay $0x3  }
0x4e: {  	_ =	swait.ge [sflag:s2], $0x190  }
0x4f: {  	[sflag:s2] =	ssyncset.done $0x0  }
0x50: {  	[sflag:s2] =	ssyncadd.s32 $0xFFFFFE70  }
0x51: {  	_ =	swait.ge [sflag:s2], $0x190  }
0x52: {  	[sflag:s2] =	ssyncset.done $0x0  }
0x53: {  	[sflag:s2] =	ssyncadd.s32 $0xFFFFFE70  }
0x54: {  	_ =	swait.ge [sflag:s2], $0x190  }
0x55: {  	[sflag:s2] =	ssyncset.done $0x0  }
0x56: {  	[sflag:s2] =	ssyncadd.s32 $0xFFFFFE70  }
0x57: {  	_ =	swait.ge [sflag:s2], $0x190  }
0x58: {  	[sflag:s2] =	ssyncset.done $0x0  }
0x59: {  	[sflag:s2] =	ssyncadd.s32 $0xFFFFFE70  }
0x5a: {  	_ =	swait.ge [sflag:s2], $0x190  }
0x5b: {  	[sflag:s2] =	ssyncset.done $0x0  }
0x5c: {  	[sflag:s2] =	ssyncadd.s32 $0xFFFFFE70  }
0x5d: {  	_ =	swait.ge [sflag:s2], $0x190  }
0x5e: {  	[sflag:s2] =	ssyncset.done $0x0  }
0x5f: {  	[sflag:s2] =	ssyncadd.s32 $0xFFFFFE70  }
0x60: {  	_ =	swait.ge [sflag:s2], $0x190  }
0x61: {  	[sflag:s2] =	ssyncset.done $0x0  }
0x62: {  	[sflag:s2] =	ssyncadd.s32 $0xFFFFFE70  }
0x63: {  	_ =	swait.ge [sflag:s2], $0x190  }
0x64: {  	[sflag:s2] =	ssyncset.done $0x0  }
0x65: {  	[sflag:s2] =	ssyncadd.s32 $0xFFFFFE70  }
0x66: {  	_ =	swait.ge [sflag:s2], $0x190  }
0x67: {  	[sflag:s2] =	ssyncset.done $0x0  }
0x68: {  	[sflag:s2] =	ssyncadd.s32 $0xFFFFFE70  }
0x69: {  	v25 =	vld [tilespmem:$0xDA80]  }
0x6a: {  	v28 =	vld [tilespmem:$0xDE80]  }
0x6b: {  	v16 =	vld [tilespmem:$0xDC80]  }
0x6c: {  	v17 =	vld [tilespmem:$0xE080]  }
0x6d: {  	v18 =	vld [tilespmem:$0xE280]  }
0x6e: {  	v21 =	vld [tilespmem:$0xE480]  }
0x6f: {  	v36 =	vld [tilespmem:$0xE680]  }
0x70: {  	v34 =	vld [tilespmem:$0xE880]  }
0x71: {  	v19 =	vld [tilespmem:$0xEA80]  }
0x72: {  	v35 =	vld [tilespmem:$0xDA90]  }
0x73: {  	v40 =	vld [tilespmem:$0xDE90]  }
0x74: {  	v20 =	vld [tilespmem:$0xE090]  }
0x75: {  	v24 =	vld [tilespmem:$0xE290]  }
0x76: {  	v27 =	vld [tilespmem:$0xE490]  }
0x77: {  	v49 =	vld [tilespmem:$0xE690]  }
0x78: {  	v46 =	vld [tilespmem:$0xE890]  }
0x79: {  	v22 =	vld [tilespmem:$0xEA90]  }
0x7a: {  	v38 =	vld [tilespmem:$0xDAA0]  }
0x7b: {  	v43 =	vld [tilespmem:$0xDEA0]  }
0x7c: {  	v23 =	vld [tilespmem:$0xE0A0]  }
0x7d: {  	v26 =	vld [tilespmem:$0xE2A0]  }
0x7e: {  	v31 =	vld [tilespmem:$0xE4A0]  }
0x7f: {  	v52 =	vld [tilespmem:$0xE6A0]  }
0x80: {  	v50 =	vld [tilespmem:$0xE8A0]  }
0x81: {  	v29 =	vld [tilespmem:$0xEAA0]  }
0x82: {  	v51 =	vld [tilespmem:$0xDAB0]  }
0x83: {  	v56 =	vld [tilespmem:$0xDEB0]  }
0x84: {  	v30 =	vld [tilespmem:$0xE0B0]  }
0x85: {  	v37 =	vld [tilespmem:$0xE2B0]  }
0x86: {  	v41 =	vld [tilespmem:$0xE4B0]  }
0x87: {  	v32 =	vld [tilespmem:$0xE6B0]  }
0x88: {  	v61 =	vld [tilespmem:$0xE8B0]  }
0x89: {  	v55 =	vld [tilespmem:$0xEAB0]  }
0x8a: {  	v54 =	vld [tilespmem:$0xDAC0]  }
0x8b: {  	v59 =	vld [tilespmem:$0xDEC0]  }
0x8c: {  	v33 =	vld [tilespmem:$0xE0C0]  }
0x8d: {  	v39 =	vld [tilespmem:$0xE2C0]  }
0x8e: {  	v45 =	vld [tilespmem:$0xE4C0]  }
0x8f: {  	v42 =	vld [tilespmem:$0xE6C0]  }
0x90: {  	v63 =	vld [tilespmem:$0xE8D0]  }
0x91: {  	v57 =	vld [tilespmem:$0xE8C0]  }
0x92: {  	v58 =	vld [tilespmem:$0xEAC0]  }
0x93: {  	v60 =	vld [tilespmem:$0xDAD0]  }
0x94: {  	v62 =	vld [tilespmem:$0xDED0]  }
0x95: {  	[tilespmem:$0x1FA00] =	vst v63;
	v63 =	vld [tilespmem:$0xEAE0]  }
0x96: {  	v44 =	vld [tilespmem:$0xDCD0]  }
0x97: {  	v53 =	vld [tilespmem:$0xE2D0]  }
0x98: {  	v47 =	vld [tilespmem:$0xE6D0]  }
0x99: {  	v48 =	vld [tilespmem:$0xEAD0];
	[tilespmem:$0x1FA90] =	vst v19  }
0x9a: {  	[tilespmem:$0x1FD10] =	vst v63;
	v63 =	vld [tilespmem:$0xDEF0]  }
0x9b: {  	v19 =	vld [tilespmem:$0xDC90];
	[tilespmem:$0x1FAE0] =	vst v22  }
0x9c: {  	v22 =	vld [tilespmem:$0xDCA0];
	[tilespmem:$0x1FB50] =	vst v29  }
0x9d: {  	v29 =	vld [tilespmem:$0xDCB0];
	[tilespmem:$0x1F990] =	vst v32  }
0x9e: {  	[tilespmem:$0x1FBD0] =	vst v55;
	v32 =	vld [tilespmem:$0xDCC0]  }
0x9f: {  	[tilespmem:$0x1FAB0] =	vst v63;
	v63 =	vld [tilespmem:$0xE2F0]  }
0xa0: {  	[tilespmem:$0x1F9A0] =	vst v42;
	v42 =	vld [tilespmem:$0xE0D0]  }
0xa1: {  	[tilespmem:$0x1F9B0] =	vst v57;
	v57 =	vld [tilespmem:$0xE4D0]  }
0xa2: {  	[tilespmem:$0x1FC30] =	vst v58;
	v58 =	vld [tilespmem:$0xDEE0]  }
0xa3: {  	[tilespmem:$0x1F9C0] =	vst v60;
	v60 =	vld [tilespmem:$0xE8E0]  }
0xa4: {  	[tilespmem:$0x1FA20] =	vst v63;
	v63 =	vld [tilespmem:$0xE4F0]  }
0xa5: {  	[tilespmem:$0x1F9D0] =	vst v62;
	v55 =	vld [tilespmem:$0xDAE0]  }
0xa6: {  	[tilespmem:$0x1F9F0] =	vst v47;
	v47 =	vld [tilespmem:$0xDCE0]  }
0xa7: {  	[tilespmem:$0x1FA10] =	vst v58;
	v58 =	vld [tilespmem:$0xE6E0]  }
0xa8: {  	[tilespmem:$0x1FA60] =	vst v60;
	v60 =	vld [tilespmem:$0xDAF0]  }
0xa9: {  	[tilespmem:$0x1FA70] =	vst v63;
	v63 =	vld [tilespmem:$0xE6F0]  }
0xaa: {  	[tilespmem:$0x1FCA0] =	vst v48;
	v48 =	vld [tilespmem:$0xE0E0]  }
0xab: {  	v62 =	vld [tilespmem:$0xE4E0];
	[tilespmem:$0x1F9E0] =	vst v55  }
0xac: {  	v55 =	vld [tilespmem:$0xE2E0];
	[tilespmem:$0x1FA50] =	vst v58  }
0xad: {  	v16 =	vmul.u32 $0x3C, v16;
	v17 =	vmul.u32 $0x14, v17;
	[tilespmem:$0x1FA80] =	vst v60;
	v60 =	vld [tilespmem:$0xDCF0]  }
0xae: {  	v58 =	vld [tilespmem:$0xE0F0];
	[tilespmem:$0x1FB10] =	vst v63  }
0xaf: {  	v16 =	vadd.s32 v16, v17;
	v17 =	vshll.u32 v18, $0x2;
	v63 =	vld [tilespmem:$0xE8F0]  }
0xb0: {  	v16 =	vadd.s32 v17, v16;
	v17 =	vld [tilespmem:$0xDF60]  }
0xb1: {  	v18 =	vld [tilespmem:$0xDD60];
	_ =	sdelay $0x3  }
0xb2: {  	v16 =	vadd.s32 v21, v16;
	[tilespmem:$0x1FEA0] =	vst v17;
	v17 =	vmul.u32 $0xB, v25  }
0xb3: {  	v16 =	vshll.u32 v16, $0xA;
	[tilespmem:$0x1FDB0] =	vst v18;
	v18 =	vmul.u32 $0x3C, v19;
	v19 =	vmul.u32 $0x14, v20  }
0xb4: {  	v16 =	vadd.s32 $0x7E800, v16;
	v17 =	vadd.s32 v28, v17  }
0xb5: {  	v16 =	vor.u32 v17, v16;
	v17 =	vadd.s32 v18, v19;
	v19 =	vld [tilespmem:$0xE560];
	_ =	sdelay $0x3  }
0xb6: {  	v18 =	vshll.u32 v24, $0x2  }
0xb7: {  	v17 =	vadd.s32 v18, v17;
	v18 =	vmul.u32 $0x3C, v22;
	[tilespmem:$0x1FE40] =	vst v19;
	v19 =	vmul.u32 $0x14, v23;
	_ =	sdelay $0x1  }
0xb8: {  	v22 =	vld [tilespmem:$0xE960];
	v18 =	vadd.s32 v18, v19;
	v19 =	vshll.u32 v26, $0x2  }
0xb9: {  	v18 =	vadd.s32 v19, v18;
	v19 =	vld [tilespmem:$0xDB70];
	_ =	sdelay $0x3  }
0xba: {  	[tilespmem:$0x1FEE0] =	vst v22;
	v22 =	vld [tilespmem:$0xEB60]  }
0xbb: {  	[tilespmem:$0x1FEF0] =	vst v19;
	v19 =	vld [tilespmem:$0xDF70]  }
0xbc: {  	v21 =	vmul.u32 $0xB, v35;
	v17 =	vadd.s32 v27, v17  }
0xbd: {  	v17 =	vshll.u32 v17, $0xA  }
0xbe: {  	v21 =	vadd.s32 v40, v21;
	v24 =	vld [tilespmem:$0xE170];
	v17 =	vadd.s32 $0x7E800, v17  }
0xbf: {  	v20 =	vld [tilespmem:$0xE160];
	v21 =	vor.u32 v21, v17;
	v17 =	vadd.s32 v31, v18;
	v18 =	vmul.u32 $0xB, v38;
	[tilespmem:$0x1FFC0] =	vst v22  }
0xc0: {  	v27 =	vld [tilespmem:$0xDF80];
	v17 =	vshll.u32 v17, $0xA;
	v22 =	vmul.u32 $0x14, v30;
	[tilespmem:$0x1FF20] =	vst v19;
	v19 =	vmul.u32 $0x3C, v29  }
0xc1: {  	v26 =	vld [tilespmem:$0xE770];
	v18 =	vadd.s32 v43, v18;
	v17 =	vadd.s32 $0x7E800, v17  }
0xc2: {  	[tilespmem:$0x1FB20] =	vst v63;
	v18 =	vor.u32 v18, v17;
	v17 =	vadd.s32 v19, v22;
	v22 =	vld [tilespmem:$0xE370]  }
0xc3: {  	[tilespmem:$0x1FE70] =	vst v24;
	v24 =	vld [tilespmem:$0xE570]  }
0xc4: {  	[tilespmem:$0x1FDC0] =	vst v20  }
0xc5: {  	v63 =	vld [tilespmem:$0xEAF0];
	[tilespmem:$0x1FF70] =	vst v27  }
0xc6: {  	[tilespmem:$0x1FF50] =	vst v26;
	v26 =	vld [tilespmem:$0xE970];
	v19 =	vshll.u32 v37, $0x2  }
0xc7: {  	v20 =	vld [tilespmem:$0xE360];
	v17 =	vadd.s32 v19, v17;
	v19 =	vmul.u32 $0x3C, v32;
	[tilespmem:$0x1FEB0] =	vst v22;
	v22 =	vmul.u32 $0x14, v33  }
0xc8: {  	v27 =	vld [tilespmem:$0x1F990];
	[tilespmem:$0x1FF00] =	vst v24;
	v24 =	vmul.u32 $0xB, v51;
	v17 =	vadd.s32 v41, v17  }
0xc9: {  	v17 =	vshll.u32 v17, $0xA;
	v19 =	vadd.s32 v19, v22;
	v22 =	vshll.u32 v39, $0x2  }
0xca: {  	[tilespmem:$0x1FD90] =	vst v63;
	v24 =	vadd.s32 v56, v24;
	v17 =	vadd.s32 $0x7E800, v17;
	v19 =	vadd.s32 v22, v19  }
0xcb: {  	v63 =	vld [tilespmem:$0xDB00];
	[tilespmem:$0x1FF60] =	vst v26;
	v26 =	vor.u32 v24, v17;
	v17 =	vadd.s32 v45, v19;
	v19 =	vmul.u32 $0xB, v54  }
0xcc: {  	v28 =	vld [tilespmem:$0x1F9B0];
	v17 =	vshll.u32 v17, $0xA  }
0xcd: {  	[tilespmem:$0x1FE20] =	vst v20;
	v20 =	vld [tilespmem:$0xE760];
	v29 =	vpack.i.f32.bf16 v61, v27;
	v27 =	vadd.s32 v59, v19;
	v17 =	vadd.s32 $0x7E800, v17  }
0xce: {  	v56 =	vor.u32 v27, v17;
	v27 =	vld [tilespmem:$0x1F9A0]  }
0xcf: {  	v22 =	vld [tilespmem:$0xEB70]  }
0xd0: {  	[tilespmem:$0x1FAD0] =	vst v63;
	v63 =	vld [tilespmem:$0xDF00];
	_ =	sdelay $0x2  }
0xd1: {  	[tilespmem:$0x1FED0] =	vst v20;
	v20 =	vpack.i.f32.bf16 v34, v36;
	v34 =	vpack.i.f32.bf16 v28, v27;
	v28 =	vld [tilespmem:$0xE780]  }
0xd2: {  	[tilespmem:$0x1FFD0] =	vst v22;
	v22 =	vld [tilespmem:$0xDB80]  }
0xd3: {  	[tilespmem:$0x1FB30] =	vst v63;
	v63 =	vld [tilespmem:$0xDD00]  }
0xd4: {  	v27 =	vld [tilespmem:$0x1F9C0];
	_ =	sdelay $0x1  }
0xd5: {  	[tilespmem:$0x1FF90] =	vst v28;
	v28 =	vld [tilespmem:$0x1F9D0]  }
0xd6: {  	v24 =	vmul.u32 $0x14, v42;
	[tilespmem:$0x1FF30] =	vst v22;
	v22 =	vmul.u32 $0x3C, v44  }
0xd7: {  	[tilespmem:$0x1FA30] =	vst v63;
	v63 =	vld [tilespmem:$0xE100]  }
0xd8: {  	v17 =	vadd.s32 v22, v24;
	v22 =	vshll.u32 v53, $0x2;
	v27 =	vmul.u32 $0xB, v27  }
0xd9: {  	v61 =	vld [tilespmem:$0x1FA00];
	v24 =	vmul.u32 $0x14, v48;
	v17 =	vadd.s32 v22, v17;
	v22 =	vmul.u32 $0x3C, v47  }
0xda: {  	v17 =	vadd.s32 v57, v17;
	v27 =	vadd.s32 v28, v27;
	v28 =	vld [tilespmem:$0x1F9F0]  }
0xdb: {  	v22 =	vadd.s32 v22, v24;
	v17 =	vshll.u32 v17, $0xA;
	v24 =	vshll.u32 v55, $0x2  }
0xdc: {  	[tilespmem:$0x1FA40] =	vst v63;
	v63 =	vld [tilespmem:$0xE300];
	v22 =	vadd.s32 v24, v22;
	v17 =	vadd.s32 $0x7E800, v17  }
0xdd: {  	v57 =	vor.u32 v27, v17;
	v17 =	vadd.s32 v62, v22;
	v22 =	vld [tilespmem:$0x1F9E0]  }
0xde: {  	v24 =	vld [tilespmem:$0xE980]  }
0xdf: {  	v62 =	vpack.i.f32.bf16 v61, v28;
	v28 =	vld [tilespmem:$0x1FA10];
	_ =	sdelay $0x2  }
0xe0: {  	v22 =	vmul.u32 $0xB, v22  }
0xe1: {  	[tilespmem:$0x1FFA0] =	vst v24;
	v24 =	vld [tilespmem:$0xEB80];
	v17 =	vshll.u32 v17, $0xA  }
0xe2: {  	[tilespmem:$0x1FAA0] =	vst v63;
	v63 =	vld [tilespmem:$0xE500];
	v17 =	vadd.s32 $0x7E800, v17;
	v22 =	vadd.s32 v28, v22  }
0xe3: {  	v44 =	vor.u32 v22, v17;
	v17 =	vld [tilespmem:$0x1FA20]  }
0xe4: {  	[tilespmem:$0xEC80] =	vst v16;
	v16 =	vld [tilespmem:$0x1FA30];
	_ =	sdelay $0x1  }
0xe5: {  	v27 =	vmul.u32 $0x14, v58;
	[tilespmem:$0x1FFE0] =	vst v24;
	v24 =	vmul.u32 $0x3C, v60  }
0xe6: {  	[tilespmem:$0x1FAC0] =	vst v63;
	v63 =	vld [tilespmem:$0xE700]  }
0xe7: {  	v22 =	vadd.s32 v24, v27;
	v24 =	vshll.u32 v17, $0x2  }
0xe8: {  	v22 =	vadd.s32 v24, v22;
	v24 =	vmul.u32 $0x3C, v16;
	v16 =	vld [tilespmem:$0x1FA40];
	_ =	sdelay $0x1  }
0xe9: {  	v23 =	vld [tilespmem:$0xDD70]  }
0xea: {  	[tilespmem:$0x1FB80] =	vst v63;
	v63 =	vld [tilespmem:$0xE900]  }
0xeb: {  	v17 =	vld [tilespmem:$0x1FA60]  }
0xec: {  	v27 =	vmul.u32 $0x14, v16;
	v16 =	vld [tilespmem:$0x1FA50];
	_ =	sdelay $0x2  }
0xed: {  	[tilespmem:$0x1FB90] =	vst v63;
	v63 =	vld [tilespmem:$0xEB00];
	_ =	sdelay $0x1  }
0xee: {  	[tilespmem:$0x1FE60] =	vst v23;
	v23 =	vpack.i.f32.bf16 v46, v49;
	v46 =	vpack.i.f32.bf16 v17, v16;
	v16 =	vld [tilespmem:$0x1FA70];
	_ =	sdelay $0x2  }
0xef: {  	[tilespmem:$0x1FE10] =	vst v63;
	v63 =	vld [tilespmem:$0xDB10];
	_ =	sdelay $0x1  }
0xf0: {  	[tilespmem:$0xEE80] =	vst v20;
	v20 =	vadd.s32 v16, v22;
	v16 =	vld [tilespmem:$0x1FA80];
	_ =	sdelay $0x2  }
0xf1: {  	[tilespmem:$0x1FBB0] =	vst v63;
	v63 =	vld [tilespmem:$0xDF10];
	_ =	sdelay $0x1  }
0xf2: {  	v58 =	vmul.u32 $0xB, v16;
	v16 =	vld [tilespmem:$0x1FA90];
	_ =	sdelay $0x2  }
0xf3: {  	[tilespmem:$0x1FBE0] =	vst v63;
	v63 =	vld [tilespmem:$0xDD10];
	_ =	sdelay $0x1  }
0xf4: {  	[tilespmem:$0xF080] =	vst v16;
	v16 =	vld [tilespmem:$0x1FAA0];
	_ =	sdelay $0x2  }
0xf5: {  	[tilespmem:$0x1FAF0] =	vst v63;
	v63 =	vld [tilespmem:$0xE110];
	_ =	sdelay $0x1  }
0xf6: {  	v24 =	vadd.s32 v24, v27;
	v27 =	vshll.u32 v16, $0x2;
	v16 =	vld [tilespmem:$0x1FAB0];
	_ =	sdelay $0x2  }
0xf7: {  	[tilespmem:$0x1FB00] =	vst v63;
	v63 =	vld [tilespmem:$0xE310];
	_ =	sdelay $0x1  }
0xf8: {  	[tilespmem:$0xEC90] =	vst v21;
	v21 =	vadd.s32 v16, v58;
	v16 =	vld [tilespmem:$0x1FAC0];
	_ =	sdelay $0x2  }
0xf9: {  	[tilespmem:$0x1FB40] =	vst v63;
	v63 =	vld [tilespmem:$0xE510];
	v20 =	vshll.u32 v20, $0xA  }
0xfa: {  	v20 =	vadd.s32 $0x7E800, v20;
	v27 =	vadd.s32 v27, v24  }
0xfb: {  	v48 =	vor.u32 v21, v20;
	v20 =	vadd.s32 v16, v27;
	v16 =	vld [tilespmem:$0x1FAD0];
	_ =	sdelay $0x2  }
0xfc: {  	[tilespmem:$0x1FBA0] =	vst v63;
	v63 =	vld [tilespmem:$0xE710];
	_ =	sdelay $0x1  }
0xfd: {  	v21 =	vmul.u32 $0xB, v16;
	v16 =	vld [tilespmem:$0x1FAE0];
	_ =	sdelay $0x2  }
0xfe: {  	[tilespmem:$0x1FC40] =	vst v63;
	v63 =	vld [tilespmem:$0xE910];
	_ =	sdelay $0x1  }
0xff: {  	[tilespmem:$0xF090] =	vst v16;
	v16 =	vld [tilespmem:$0x1FAF0];
	_ =	sdelay $0x2  }
0x100: {  	[tilespmem:$0x1FC50] =	vst v63;
	v63 =	vld [tilespmem:$0xEB10];
	_ =	sdelay $0x1  }
0x101: {  	[tilespmem:$0xEE90] =	vst v23;
	v23 =	vmul.u32 $0x3C, v16;
	v16 =	vld [tilespmem:$0x1FB00];
	_ =	sdelay $0x2  }
0x102: {  	[tilespmem:$0x1FE50] =	vst v63;
	v63 =	vld [tilespmem:$0xDB20];
	_ =	sdelay $0x1  }
0x103: {  	v59 =	vmul.u32 $0x14, v16;
	v16 =	vld [tilespmem:$0xEB90];
	_ =	sdelay $0x2  }
0x104: {  	[tilespmem:$0x1FC00] =	vst v63;
	v63 =	vld [tilespmem:$0xDF20]  }
0x105: {  	v17 =	vld [tilespmem:$0x1FB20]  }
0x106: {  	[tilespmem:$0x1FFF0] =	vst v16;
	v16 =	vld [tilespmem:$0x1FB10];
	_ =	sdelay $0x2  }
0x107: {  	[tilespmem:$0x1FC60] =	vst v63;
	v63 =	vld [tilespmem:$0xDD20];
	_ =	sdelay $0x1  }
0x108: {  	v51 =	vpack.i.f32.bf16 v17, v16;
	v16 =	vld [tilespmem:$0x1FB30];
	_ =	sdelay $0x2  }
0x109: {  	[tilespmem:$0x1FB60] =	vst v63;
	v63 =	vld [tilespmem:$0xE120];
	_ =	sdelay $0x1  }
0x10a: {  	[tilespmem:$0xECA0] =	vst v18;
	v18 =	vadd.s32 v16, v21;
	v16 =	vld [tilespmem:$0x1FB40];
	_ =	sdelay $0x2  }
0x10b: {  	[tilespmem:$0x1FB70] =	vst v63;
	v63 =	vld [tilespmem:$0xE320];
	_ =	sdelay $0x1  }
0x10c: {  	v21 =	vshll.u32 v16, $0x2;
	v16 =	vld [tilespmem:$0x1FB50];
	_ =	sdelay $0x2  }
0x10d: {  	[tilespmem:$0x1FBC0] =	vst v63;
	v63 =	vld [tilespmem:$0xE520];
	_ =	sdelay $0x1  }
0x10e: {  	[tilespmem:$0xF0A0] =	vst v16;
	v16 =	vld [tilespmem:$0x1FB60];
	_ =	sdelay $0x1  }
0x10f: {  	v20 =	vshll.u32 v20, $0xA  }
0x110: {  	v20 =	vadd.s32 $0x7E800, v20;
	[tilespmem:$0x1FBF0] =	vst v63;
	v63 =	vld [tilespmem:$0xE720]  }
0x111: {  	v25 =	vpack.i.f32.bf16 v50, v52;
	v52 =	vor.u32 v18, v20;
	v20 =	vadd.s32 v23, v59  }
0x112: {  	v20 =	vadd.s32 v21, v20;
	v21 =	vmul.u32 $0x3C, v16;
	v16 =	vld [tilespmem:$0x1FB70];
	_ =	sdelay $0x2  }
0x113: {  	[tilespmem:$0x1FCB0] =	vst v63;
	v63 =	vld [tilespmem:$0xE920]  }
0x114: {  	v17 =	vld [tilespmem:$0x1FB90]  }
0x115: {  	v23 =	vmul.u32 $0x14, v16;
	v16 =	vld [tilespmem:$0x1FB80];
	_ =	sdelay $0x3  }
0x116: {  	[tilespmem:$0x1FCC0] =	vst v63;
	v63 =	vld [tilespmem:$0xEB20]  }
0x117: {  	v53 =	vpack.i.f32.bf16 v17, v16;
	v16 =	vld [tilespmem:$0x1FBA0];
	_ =	sdelay $0x3  }
0x118: {  	[tilespmem:$0x1FEC0] =	vst v63;
	v63 =	vld [tilespmem:$0xDB30]  }
0x119: {  	v20 =	vadd.s32 v16, v20;
	v16 =	vld [tilespmem:$0x1FBB0];
	_ =	sdelay $0x3  }
0x11a: {  	[tilespmem:$0x1FCE0] =	vst v63;
	v63 =	vld [tilespmem:$0xDF30]  }
0x11b: {  	[tilespmem:$0xEEA0] =	vst v25;
	v25 =	vmul.u32 $0xB, v16;
	v16 =	vld [tilespmem:$0x1FBC0];
	_ =	sdelay $0x3  }
0x11c: {  	[tilespmem:$0x1FD00] =	vst v63;
	v63 =	vld [tilespmem:$0xDD30]  }
0x11d: {  	v21 =	vadd.s32 v21, v23;
	v23 =	vshll.u32 v16, $0x2;
	v16 =	vld [tilespmem:$0x1FBD0];
	_ =	sdelay $0x3  }
0x11e: {  	[tilespmem:$0x1FC10] =	vst v63;
	v63 =	vld [tilespmem:$0xE130]  }
0x11f: {  	[tilespmem:$0xF0B0] =	vst v16;
	v16 =	vld [tilespmem:$0x1FBE0];
	_ =	sdelay $0x3  }
0x120: {  	[tilespmem:$0x1FC20] =	vst v63;
	v63 =	vld [tilespmem:$0xE330]  }
0x121: {  	v25 =	vadd.s32 v16, v25;
	v16 =	vld [tilespmem:$0x1FBF0];
	_ =	sdelay $0x3  }
0x122: {  	[tilespmem:$0x1FC70] =	vst v63;
	v63 =	vld [tilespmem:$0xE530];
	v21 =	vadd.s32 v23, v21  }
0x123: {  	v21 =	vadd.s32 v16, v21;
	v16 =	vld [tilespmem:$0x1FC00];
	_ =	sdelay $0x3  }
0x124: {  	[tilespmem:$0x1FCD0] =	vst v63;
	v63 =	vld [tilespmem:$0xE730]  }
0x125: {  	v23 =	vmul.u32 $0xB, v16;
	v16 =	vld [tilespmem:$0x1FC10];
	_ =	sdelay $0x3  }
0x126: {  	[tilespmem:$0x1FD60] =	vst v63;
	v63 =	vld [tilespmem:$0xE930]  }
0x127: {  	[tilespmem:$0xECB0] =	vst v26;
	v26 =	vmul.u32 $0x3C, v16;
	v16 =	vld [tilespmem:$0x1FC20];
	_ =	sdelay $0x3  }
0x128: {  	[tilespmem:$0x1FD70] =	vst v63;
	v63 =	vld [tilespmem:$0xEB30]  }
0x129: {  	v60 =	vmul.u32 $0x14, v16;
	v16 =	vld [tilespmem:$0x1FC30];
	_ =	sdelay $0x2  }
0x12a: {  	v17 =	vld [tilespmem:$0x1FC50]  }
0x12b: {  	[tilespmem:$0x1FF10] =	vst v63;
	v63 =	vld [tilespmem:$0xDB40]  }
0x12c: {  	[tilespmem:$0xF0C0] =	vst v16;
	v16 =	vld [tilespmem:$0x1FC40];
	_ =	sdelay $0x3  }
0x12d: {  	[tilespmem:$0x1FD30] =	vst v63;
	v63 =	vld [tilespmem:$0xDF40]  }
0x12e: {  	v55 =	vpack.i.f32.bf16 v17, v16;
	v16 =	vld [tilespmem:$0x1FC60];
	_ =	sdelay $0x3  }
0x12f: {  	[tilespmem:$0x1FD80] =	vst v63;
	v63 =	vld [tilespmem:$0xDD40]  }
0x130: {  	v23 =	vadd.s32 v16, v23;
	v16 =	vld [tilespmem:$0x1FC70]  }
0x131: {  	v20 =	vshll.u32 v20, $0xA  }
0x132: {  	v20 =	vadd.s32 $0x7E800, v20  }
0x133: {  	v54 =	vor.u32 v25, v20;
	v25 =	vshll.u32 v21, $0xA  }
0x134: {  	v25 =	vadd.s32 $0x7E800, v25;
	[tilespmem:$0x1FC80] =	vst v63;
	v63 =	vld [tilespmem:$0xE140]  }
0x135: {  	[tilespmem:$0xECC0] =	vst v56;
	v56 =	vor.u32 v23, v25;
	v25 =	vshll.u32 v16, $0x2;
	v16 =	vld [tilespmem:$0x1FC80];
	_ =	sdelay $0x3  }
0x136: {  	[tilespmem:$0x1FC90] =	vst v63  }
0x137: {  	v61 =	vmul.u32 $0x3C, v16;
	v16 =	vld [tilespmem:$0x1FC90];
	_ =	sdelay $0x4  }
0x138: {  	[tilespmem:$0xEED0] =	vst v62;
	v62 =	vmul.u32 $0x14, v16;
	v16 =	vld [tilespmem:$0x1FCA0];
	_ =	sdelay $0x2  }
0x139: {  	v63 =	vld [tilespmem:$0xE340]  }
0x13a: {  	v17 =	vld [tilespmem:$0x1FCC0]  }
0x13b: {  	[tilespmem:$0xF0D0] =	vst v16;
	v16 =	vld [tilespmem:$0x1FCB0];
	_ =	sdelay $0x3  }
0x13c: {  	[tilespmem:$0x1FCF0] =	vst v63;
	v63 =	vld [tilespmem:$0xE540]  }
0x13d: {  	[tilespmem:$0xECD0] =	vst v57;
	v57 =	vpack.i.f32.bf16 v17, v16;
	v16 =	vld [tilespmem:$0x1FCD0];
	_ =	sdelay $0x2  }
0x13e: {  	v23 =	vadd.s32 v26, v60  }
0x13f: {  	[tilespmem:$0x1FD20] =	vst v63;
	v63 =	vld [tilespmem:$0xE740];
	v25 =	vadd.s32 v25, v23  }
0x140: {  	v25 =	vadd.s32 v16, v25;
	v16 =	vld [tilespmem:$0x1FCE0];
	_ =	sdelay $0x3  }
0x141: {  	[tilespmem:$0x1FDD0] =	vst v63;
	v63 =	vld [tilespmem:$0xE940]  }
0x142: {  	v59 =	vmul.u32 $0xB, v16;
	v16 =	vld [tilespmem:$0x1FCF0];
	_ =	sdelay $0x3  }
0x143: {  	[tilespmem:$0x1FDE0] =	vst v63;
	v63 =	vld [tilespmem:$0xEB40]  }
0x144: {  	v60 =	vshll.u32 v16, $0x2;
	v16 =	vld [tilespmem:$0x1FD00];
	_ =	sdelay $0x3  }
0x145: {  	[tilespmem:$0x1FF40] =	vst v63;
	v63 =	vld [tilespmem:$0xDB50]  }
0x146: {  	v42 =	vadd.s32 v16, v59;
	v16 =	vld [tilespmem:$0x1FD10];
	_ =	sdelay $0x3  }
0x147: {  	[tilespmem:$0x1FE00] =	vst v63;
	v63 =	vld [tilespmem:$0xDF50]  }
0x148: {  	[tilespmem:$0xF0E0] =	vst v16;
	v16 =	vld [tilespmem:$0x1FD20];
	_ =	sdelay $0x2  }
0x149: {  	v31 =	vadd.s32 v61, v62;
	v25 =	vshll.u32 v25, $0xA  }
0x14a: {  	[tilespmem:$0x1FE30] =	vst v63;
	v63 =	vld [tilespmem:$0xDD50];
	v25 =	vadd.s32 $0x7E800, v25;
	v31 =	vadd.s32 v60, v31  }
0x14b: {  	v58 =	vor.u32 v42, v25;
	v25 =	vadd.s32 v16, v31;
	v16 =	vld [tilespmem:$0x1FD30];
	_ =	sdelay $0x3  }
0x14c: {  	[tilespmem:$0x1FD40] =	vst v63;
	v63 =	vld [tilespmem:$0xE150]  }
0x14d: {  	v61 =	vmul.u32 $0xB, v16;
	v16 =	vld [tilespmem:$0x1FD40];
	_ =	sdelay $0x3  }
0x14e: {  	[tilespmem:$0x1FD50] =	vst v63  }
0x14f: {  	v62 =	vmul.u32 $0x3C, v16;
	v16 =	vld [tilespmem:$0x1FD50];
	_ =	sdelay $0x3  }
0x150: {  	v17 =	vld [tilespmem:$0x1FD70]  }
0x151: {  	v60 =	vmul.u32 $0x14, v16;
	v16 =	vld [tilespmem:$0x1FD60];
	_ =	sdelay $0x4  }
0x152: {  	[tilespmem:$0xEEF0] =	vst v51;
	v51 =	vpack.i.f32.bf16 v17, v16;
	v16 =	vld [tilespmem:$0x1FD80];
	_ =	sdelay $0x3  }
0x153: {  	v63 =	vld [tilespmem:$0xE350]  }
0x154: {  	v61 =	vadd.s32 v16, v61;
	v16 =	vld [tilespmem:$0x1FD90];
	_ =	sdelay $0x3  }
0x155: {  	[tilespmem:$0x1FDA0] =	vst v63  }
0x156: {  	[tilespmem:$0xF0F0] =	vst v16;
	v16 =	vld [tilespmem:$0x1FDA0];
	_ =	sdelay $0x4  }
0x157: {  	[tilespmem:$0xECE0] =	vst v44;
	v44 =	vadd.s32 v62, v60;
	v62 =	vshll.u32 v16, $0x2;
	v16 =	vld [tilespmem:$0x1FDB0];
	_ =	sdelay $0x4  }
0x158: {  	[tilespmem:$0xECF0] =	vst v48;
	v48 =	vmul.u32 $0x3C, v16;
	v16 =	vld [tilespmem:$0x1FDC0];
	_ =	sdelay $0x2  }
0x159: {  	v63 =	vld [tilespmem:$0xE550]  }
0x15a: {  	v17 =	vld [tilespmem:$0x1FDE0]  }
0x15b: {  	[tilespmem:$0xED00] =	vst v52;
	v52 =	vmul.u32 $0x14, v16;
	v16 =	vld [tilespmem:$0x1FDD0];
	_ =	sdelay $0x3  }
0x15c: {  	[tilespmem:$0x1FDF0] =	vst v63  }
0x15d: {  	[tilespmem:$0xEF00] =	vst v53;
	v53 =	vpack.i.f32.bf16 v17, v16;
	v16 =	vld [tilespmem:$0x1FDF0];
	_ =	sdelay $0x3  }
0x15e: {  	v44 =	vadd.s32 v62, v44  }
0x15f: {  	v60 =	vadd.s32 v16, v44;
	v16 =	vld [tilespmem:$0x1FE00];
	_ =	sdelay $0x2  }
0x160: {  	v25 =	vshll.u32 v25, $0xA  }
0x161: {  	v25 =	vadd.s32 $0x7E800, v25  }
0x162: {  	v59 =	vor.u32 v61, v25;
	v61 =	vmul.u32 $0xB, v16;
	v16 =	vld [tilespmem:$0x1FE10];
	_ =	sdelay $0x3  }
0x163: {  	v35 =	vld [tilespmem:$0xE590]  }
0x164: {  	[tilespmem:$0xF100] =	vst v16;
	v16 =	vld [tilespmem:$0x1FE20]  }
0x165: {  	v40 =	vld [tilespmem:$0xE990]  }
0x166: {  	v50 =	vld [tilespmem:$0xE580]  }
0x167: {  	v38 =	vld [tilespmem:$0xEBA0]  }
0x168: {  	v49 =	vld [tilespmem:$0xDB90]  }
0x169: {  	v48 =	vadd.s32 v48, v52;
	v52 =	vshll.u32 v60, $0xA;
	v60 =	vshll.u32 v16, $0x2;
	v16 =	vld [tilespmem:$0x1FE30]  }
0x16a: {  	v30 =	vld [tilespmem:$0xE3A0]  }
0x16b: {  	v43 =	vld [tilespmem:$0xE3B0]  }
0x16c: {  	v36 =	vld [tilespmem:$0xDD80]  }
0x16d: {  	v63 =	vld [tilespmem:$0xE750]  }
0x16e: {  	[tilespmem:$0xED10] =	vst v54;
	v54 =	vadd.s32 v16, v61;
	v16 =	vld [tilespmem:$0x1FE40]  }
0x16f: {  	[tilespmem:$0xEEB0] =	vst v29;
	v29 =	vld [tilespmem:$0xE5A0]  }
0x170: {  	v37 =	vld [tilespmem:$0xE380]  }
0x171: {  	v32 =	vld [tilespmem:$0xDDA0]  }
0x172: {  	[tilespmem:$0x1FE80] =	vst v63;
	v63 =	vld [tilespmem:$0xE950];
	v48 =	vadd.s32 v60, v48  }
0x173: {  	v48 =	vadd.s32 v16, v48;
	v16 =	vld [tilespmem:$0x1FE50]  }
0x174: {  	v41 =	vld [tilespmem:$0xE790]  }
0x175: {  	v33 =	vld [tilespmem:$0xDD90]  }
0x176: {  	v28 =	vld [tilespmem:$0xDF90]  }
0x177: {  	[tilespmem:$0x1FE90] =	vst v63;
	v63 =	vld [tilespmem:$0xEB50]  }
0x178: {  	[tilespmem:$0xF110] =	vst v16;
	v16 =	vld [tilespmem:$0x1FE60]  }
0x179: {  	v39 =	vld [tilespmem:$0xE1A0]  }
0x17a: {  	v40 =	vpack.i.f32.bf16 v40, v41;
	v41 =	vld [tilespmem:$0xE5E0]  }
0x17b: {  	[tilespmem:$0x1FFB0] =	vst v28;
	v28 =	vld [tilespmem:$0xE190]  }
0x17c: {  	[tilespmem:$0x1FF80] =	vst v63;
	v63 =	vld [tilespmem:$0xDB60]  }
0x17d: {  	v61 =	vmul.u32 $0x3C, v16;
	v16 =	vld [tilespmem:$0x1FE70]  }
0x17e: {  	v45 =	vld [tilespmem:$0xDDB0]  }
0x17f: {  	v19 =	vld [tilespmem:$0xE180]  }
0x180: {  	[tilespmem:$0xEEC0] =	vst v34;
	v34 =	vld [tilespmem:$0xE9B0]  }
0x181: {  	v33 =	vmul.u32 $0x3C, v33;
	v28 =	vmul.u32 $0x14, v28;
	v18 =	vld [tilespmem:$0x1FE90];
	v52 =	vadd.s32 $0x7E800, v52  }
0x182: {  	v52 =	vor.u32 v54, v52;
	v54 =	vmul.u32 $0xB, v63;
	v63 =	vmul.u32 $0x14, v16;
	v16 =	vld [tilespmem:$0x1FE80]  }
0x183: {  	v47 =	vld [tilespmem:$0xE1B0]  }
0x184: {  	v28 =	vadd.s32 v33, v28;
	v33 =	vld [tilespmem:$0xE7D0]  }
0x185: {  	v22 =	vld [tilespmem:$0xE390]  }
0x186: {  	v27 =	vld [tilespmem:$0xDBA0]  }
0x187: {  	[tilespmem:$0xED20] =	vst v56;
	v56 =	vpack.i.f32.bf16 v18, v16;
	v18 =	vld [tilespmem:$0x1FEB0]  }
0x188: {  	[tilespmem:$0xEEE0] =	vst v46;
	v46 =	vld [tilespmem:$0xDBC0]  }
0x189: {  	v24 =	vld [tilespmem:$0xDFA0]  }
0x18a: {  	v22 =	vshll.u32 v22, $0x2;
	v16 =	vld [tilespmem:$0x1FEA0]  }
0x18b: {  	v22 =	vadd.s32 v22, v28;
	v28 =	vmul.u32 $0x3C, v32;
	v32 =	vmul.u32 $0x14, v39;
	v39 =	vld [tilespmem:$0xE9D0]  }
0x18c: {  	v27 =	vmul.u32 $0xB, v27;
	[tilespmem:$0xEF20] =	vst v57;
	v57 =	vshll.u32 v18, $0x2;
	v18 =	vld [tilespmem:$0x1FEC0]  }
0x18d: {  	v22 =	vadd.s32 v35, v22;
	v35 =	vld [tilespmem:$0xEBD0]  }
0x18e: {  	v24 =	vadd.s32 v24, v27;
	v27 =	vld [tilespmem:$0xE3E0];
	v48 =	vshll.u32 v48, $0xA  }
0x18f: {  	[tilespmem:$0xEF90] =	vst v40;
	v40 =	vld [tilespmem:$0x1FFF0];
	v54 =	vadd.s32 v16, v54;
	v16 =	vadd.s32 $0x7E800, v48  }
0x190: {  	v16 =	vor.u32 v54, v16;
	v54 =	vadd.s32 v61, v63;
	v63 =	vld [tilespmem:$0x1FEE0]  }
0x191: {  	[tilespmem:$0xF120] =	vst v18;
	v18 =	vld [tilespmem:$0x1FED0]  }
0x192: {  	v36 =	vmul.u32 $0x3C, v36;
	v20 =	vld [tilespmem:$0xE7A0];
	v54 =	vadd.s32 v57, v54;
	v57 =	vmul.u32 $0x14, v19  }
0x193: {  	v21 =	vld [tilespmem:$0xE9A0]  }
0x194: {  	v36 =	vadd.s32 v36, v57;
	v57 =	vld [tilespmem:$0x1FF10]  }
0x195: {  	v26 =	vld [tilespmem:$0xDBB0]  }
0x196: {  	[tilespmem:$0xED30] =	vst v58;
	v58 =	vpack.i.f32.bf16 v63, v18;
	v18 =	vld [tilespmem:$0x1FEF0]  }
0x197: {  	[tilespmem:$0xEF10] =	vst v55;
	v55 =	vld [tilespmem:$0xE3C0]  }
0x198: {  	v23 =	vld [tilespmem:$0xDFB0]  }
0x199: {  	[tilespmem:$0xF130] =	vst v57;
	v57 =	vld [tilespmem:$0x1FF20]  }
0x19a: {  	v20 =	vpack.i.f32.bf16 v21, v20;
	v21 =	vmul.u32 $0xB, v26;
	v26 =	vld [tilespmem:$0xE9E0]  }
0x19b: {  	v63 =	vmul.u32 $0xB, v18;
	v18 =	vld [tilespmem:$0x1FF00]  }
0x19c: {  	v42 =	vld [tilespmem:$0xE5B0]  }
0x19d: {  	v31 =	vld [tilespmem:$0xE7B0]  }
0x19e: {  	v57 =	vadd.s32 v57, v63;
	v63 =	vld [tilespmem:$0x1FF30]  }
0x19f: {  	v25 =	vld [tilespmem:$0xEBB0]  }
0x1a0: {  	[tilespmem:$0xED40] =	vst v59;
	v59 =	vld [tilespmem:$0x1FF50];
	v54 =	vadd.s32 v18, v54  }
0x1a1: {  	[tilespmem:$0xEF30] =	vst v51;
	v62 =	vld [tilespmem:$0xDDC0];
	v51 =	vshll.u32 v54, $0xA  }
0x1a2: {  	v17 =	vld [tilespmem:$0xE5C0];
	v51 =	vadd.s32 $0x7E800, v51  }
0x1a3: {  	v51 =	vor.u32 v57, v51;
	v57 =	vmul.u32 $0xB, v63;
	v63 =	vld [tilespmem:$0x1FF40]  }
0x1a4: {  	[tilespmem:$0xEF40] =	vst v53;
	v53 =	vld [tilespmem:$0xE3D0]  }
0x1a5: {  	v44 =	vld [tilespmem:$0xDFC0]  }
0x1a6: {  	[tilespmem:$0xED50] =	vst v52;
	v52 =	vld [tilespmem:$0x1FF90]  }
0x1a7: {  	[tilespmem:$0xEF50] =	vst v56;
	v56 =	vld [tilespmem:$0x1FFA0]  }
0x1a8: {  	[tilespmem:$0xF140] =	vst v63;
	v63 =	vld [tilespmem:$0x1FF60]  }
0x1a9: {  	v60 =	vld [tilespmem:$0xE1C0]  }
0x1aa: {  	v48 =	vld [tilespmem:$0xE7C0]  }
0x1ab: {  	v61 =	vld [tilespmem:$0xE9C0]  }
0x1ac: {  	v52 =	vpack.i.f32.bf16 v56, v52;
	v56 =	vld [tilespmem:$0x1FFC0]  }
0x1ad: {  	v59 =	vpack.i.f32.bf16 v63, v59;
	v63 =	vld [tilespmem:$0x1FF70]  }
0x1ae: {  	v37 =	vshll.u32 v37, $0x2;
	v19 =	vld [tilespmem:$0xEBC0];
	[tilespmem:$0xED60] =	vst v16;
	v16 =	vshll.u32 v22, $0xA  }
0x1af: {  	v22 =	vadd.s32 v28, v32;
	v28 =	vshll.u32 v30, $0x2;
	v30 =	vld [tilespmem:$0xDBE0];
	v36 =	vadd.s32 v37, v36  }
0x1b0: {  	[tilespmem:$0xEF80] =	vst v52;
	v52 =	vld [tilespmem:$0xE5F0];
	v36 =	vadd.s32 v50, v36  }
0x1b1: {  	v22 =	vadd.s32 v28, v22;
	v28 =	vld [tilespmem:$0xDFE0];
	v36 =	vshll.u32 v36, $0xA  }
0x1b2: {  	v36 =	vadd.s32 $0x7E800, v36;
	[tilespmem:$0xEF60] =	vst v58;
	v58 =	vld [tilespmem:$0x1FFB0];
	v57 =	vadd.s32 v63, v57  }
0x1b3: {  	v22 =	vadd.s32 v29, v22;
	v36 =	vor.u32 v57, v36;
	v57 =	vld [tilespmem:$0x1FF80]  }
0x1b4: {  	v29 =	vld [tilespmem:$0xDDE0];
	v22 =	vshll.u32 v22, $0xA  }
0x1b5: {  	v37 =	vld [tilespmem:$0xDDD0];
	v22 =	vadd.s32 $0x7E800, v22  }
0x1b6: {  	v49 =	vmul.u32 $0xB, v49;
	v50 =	vld [tilespmem:$0xE1D0];
	[tilespmem:$0xF160] =	vst v56;
	v22 =	vor.u32 v24, v22  }
0x1b7: {  	v56 =	vmul.u32 $0x3C, v62;
	v62 =	vld [tilespmem:$0xEBE0];
	[tilespmem:$0xEDA0] =	vst v22;
	v22 =	vpack.i.f32.bf16 v34, v31  }
0x1b8: {  	v32 =	vadd.s32 v58, v49;
	v58 =	vmul.u32 $0x14, v47;
	v49 =	vld [tilespmem:$0x1FFD0];
	[tilespmem:$0xF150] =	vst v57;
	v57 =	vmul.u32 $0x3C, v45  }
0x1b9: {  	[tilespmem:$0xEFB0] =	vst v22;
	v22 =	vshll.u32 v27, $0x2;
	v27 =	vld [tilespmem:$0xDE00]  }
0x1ba: {  	v16 =	vadd.s32 $0x7E800, v16;
	v47 =	vld [tilespmem:$0xE1E0];
	[tilespmem:$0xED70] =	vst v51;
	v51 =	vshll.u32 v43, $0x2;
	v24 =	vadd.s32 v57, v58  }
0x1bb: {  	v16 =	vor.u32 v32, v16;
	v18 =	vld [tilespmem:$0xDBD0];
	v57 =	vmul.u32 $0x14, v60;
	v24 =	vadd.s32 v51, v24  }
0x1bc: {  	[tilespmem:$0xED90] =	vst v16;
	v54 =	vld [tilespmem:$0xDFD0];
	v24 =	vadd.s32 v42, v24  }
0x1bd: {  	[tilespmem:$0xF170] =	vst v49;
	v49 =	vld [tilespmem:$0xDDF0];
	v60 =	vshll.u32 v55, $0x2;
	v32 =	vadd.s32 v56, v57;
	v24 =	vshll.u32 v24, $0xA  }
0x1be: {  	v16 =	vadd.s32 v23, v21;
	[tilespmem:$0xEF70] =	vst v59;
	v59 =	vld [tilespmem:$0x1FFE0];
	v23 =	vadd.s32 v60, v32;
	v21 =	vadd.s32 $0x7E800, v24  }
0x1bf: {  	v63 =	vld [tilespmem:$0xE5D0];
	v17 =	vadd.s32 v17, v23;
	v16 =	vor.u32 v16, v21;
	v21 =	vmul.u32 $0xB, v46  }
0x1c0: {  	[tilespmem:$0xF1A0] =	vst v38;
	v45 =	vmul.u32 $0x3C, v37;
	v58 =	vld [tilespmem:$0xE7E0];
	v17 =	vshll.u32 v17, $0xA;
	v46 =	vmul.u32 $0x14, v50  }
0x1c1: {  	[tilespmem:$0xF1D0] =	vst v35;
	v18 =	vmul.u32 $0xB, v18;
	v51 =	vld [tilespmem:$0xE3F0];
	v17 =	vadd.s32 $0x7E800, v17;
	v21 =	vadd.s32 v44, v21  }
0x1c2: {  	[tilespmem:$0xEFA0] =	vst v20;
	v24 =	vld [tilespmem:$0xDBF0];
	v20 =	vadd.s32 v45, v46;
	v17 =	vor.u32 v21, v17;
	v21 =	vshll.u32 v53, $0x2  }
0x1c3: {  	[tilespmem:$0xF190] =	vst v40;
	v50 =	vld [tilespmem:$0xE1F0];
	v20 =	vadd.s32 v21, v20;
	v21 =	vmul.u32 $0x3C, v29;
	v29 =	vmul.u32 $0x14, v47  }
0x1c4: {  	[tilespmem:$0xF1C0] =	vst v19;
	v19 =	vpack.i.f32.bf16 v39, v33;
	v23 =	vld [tilespmem:$0xDFF0];
	v20 =	vadd.s32 v63, v20  }
0x1c5: {  	[tilespmem:$0xF1B0] =	vst v25;
	v18 =	vadd.s32 v54, v18;
	v53 =	vld [tilespmem:$0xE7F0];
	v20 =	vshll.u32 v20, $0xA;
	v21 =	vadd.s32 v21, v29  }
0x1c6: {  	[tilespmem:$0xEDB0] =	vst v16;
	v16 =	vpack.i.f32.bf16 v61, v48;
	v20 =	vadd.s32 $0x7E800, v20;
	v21 =	vadd.s32 v22, v21;
	v22 =	vld [tilespmem:$0xE200]  }
0x1c7: {  	[tilespmem:$0xEDC0] =	vst v17;
	v29 =	vld [tilespmem:$0xE400];
	v17 =	vor.u32 v18, v20;
	v18 =	vmul.u32 $0xB, v30;
	v20 =	vadd.s32 v41, v21  }
0x1c8: {  	[tilespmem:$0xEFC0] =	vst v16;
	v25 =	vmul.u32 $0x14, v50;
	v21 =	vld [tilespmem:$0xE9F0];
	v16 =	vshll.u32 v20, $0xA;
	v20 =	vmul.u32 $0x3C, v49  }
0x1c9: {  	[tilespmem:$0xEFD0] =	vst v19;
	v19 =	vmul.u32 $0x3C, v27;
	v18 =	vadd.s32 v28, v18;
	v16 =	vadd.s32 $0x7E800, v16;
	v28 =	vld [tilespmem:$0xDC00]  }
0x1ca: {  	[tilespmem:$0xEDD0] =	vst v17;
	v16 =	vor.u32 v18, v16;
	v17 =	vadd.s32 v20, v25;
	v18 =	vshll.u32 v51, $0x2;
	v20 =	vld [tilespmem:$0xE600]  }
0x1cb: {  	[tilespmem:$0xF1E0] =	vst v62;
	v25 =	vpack.i.f32.bf16 v26, v58;
	v26 =	vld [tilespmem:$0xE000];
	v17 =	vadd.s32 v18, v17;
	v22 =	vmul.u32 $0x14, v22  }
0x1cc: {  	[tilespmem:$0xF180] =	vst v59;
	v24 =	vmul.u32 $0xB, v24;
	v18 =	vld [tilespmem:$0xEBF0];
	v17 =	vadd.s32 v52, v17  }
0x1cd: {  	[tilespmem:$0xEDE0] =	vst v16;
	v16 =	vshll.u32 v17, $0xA;
	v17 =	vadd.s32 v19, v22;
	v19 =	vshll.u32 v29, $0x2;
	v22 =	vld [tilespmem:$0xE800]  }
0x1ce: {  	[tilespmem:$0xED80] =	vst v36;
	v23 =	vadd.s32 v23, v24;
	v16 =	vadd.s32 $0x7E800, v16;
	v17 =	vadd.s32 v19, v17;
	v19 =	vld [tilespmem:$0xEA00]  }
0x1cf: {  	[tilespmem:$0xEFE0] =	vst v25;
	v16 =	vor.u32 v23, v16;
	v23 =	vmul.u32 $0xB, v28;
	v17 =	vadd.s32 v20, v17  }
0x1d0: {  	p0 =	sgt.u32 s17, $0xD9;
	v20 =	vld [tilespmem:$0xEC00];
	[tilespmem:$0xEDF0] =	vst v16;
	v16 =	vpack.i.f32.bf16 v21, v53;
	v17 =	vshll.u32 v17, $0xA  }
0x1d1: {  	s18 =	smul.u32 @!p0 $0x190, s17;
	[tilespmem:$0xEFF0] =	vst v16;
	v16 =	vadd.s32 v26, v23;
	v17 =	vadd.s32 $0x7E800, v17  }
0x1d2: {  	[tilespmem:$0xF1F0] =	vst v18;
	v16 =	vor.u32 v16, v17  }
0x1d3: {  	s18 =	sshrl.u32 @!p0 s18, $0x3;
	[tilespmem:$0xEE00] =	vst v16;
	v16 =	vpack.i.f32.bf16 v19, v22  }
0x1d4: {  	s18 =	sadd.s32 @!p0 $0x640, s18;
	[tilespmem:$0xF000] =	vst v16  }
0x1d5: {  	s20 =	simm.s32 @!p0 $0x0;
	s21 =	simm.s32 @!p0 $0xDA80;
	s19 =	sadd.s32 @!p0 s1, s18;
	[tilespmem:$0xF200] =	vst v20  }
0x1d6: {  	[tilespmem:s21], [sflag:$0x1] =	stream.linear.gather @!p0 [hbm4b:s19+s20], $0x190, $0x38;
	[tilespmem:$0x1BA80] =	vst v63  }
0x1d7: {  	s19 =	sadd.s32 @!p0 s3, s18;
	s21 =	simm.s32 @!p0 $0xDC80  }
0x1d8: {  	[tilespmem:s21], [sflag:$0x1] =	stream.linear.gather @!p0 [hbm4b:s19+s20], $0x190, $0x38;
	[tilespmem:$0x1BA80] =	vst v63  }
0x1d9: {  	s19 =	sadd.s32 @!p0 s4, s18;
	s21 =	simm.s32 @!p0 $0xDE80  }
0x1da: {  	[tilespmem:s21], [sflag:$0x1] =	stream.linear.gather @!p0 [hbm4b:s19+s20], $0x190, $0x38;
	[tilespmem:$0x1BA80] =	vst v63  }
0x1db: {  	s19 =	sadd.s32 @!p0 s5, s18;
	s21 =	simm.s32 @!p0 $0xE080  }
0x1dc: {  	[tilespmem:s21], [sflag:$0x1] =	stream.linear.gather @!p0 [hbm4b:s19+s20], $0x190, $0x38;
	[tilespmem:$0x1BA80] =	vst v63  }
0x1dd: {  	s19 =	sadd.s32 @!p0 s6, s18;
	s21 =	simm.s32 @!p0 $0xE280  }
0x1de: {  	[tilespmem:s21], [sflag:$0x1] =	stream.linear.gather @!p0 [hbm4b:s19+s20], $0x190, $0x38;
	[tilespmem:$0x1BA80] =	vst v63  }
0x1df: {  	s19 =	sadd.s32 @!p0 s7, s18;
	s21 =	simm.s32 @!p0 $0xE480  }
0x1e0: {  	[tilespmem:s21], [sflag:$0x1] =	stream.linear.gather @!p0 [hbm4b:s19+s20], $0x190, $0x38;
	[tilespmem:$0x1BA80] =	vst v63  }
0x1e1: {  	s19 =	sadd.s32 @!p0 s13, s18;
	s21 =	simm.s32 @!p0 $0xE680  }
0x1e2: {  	[tilespmem:s21], [sflag:$0x1] =	stream.linear.gather @!p0 [hbm4b:s19+s20], $0x190, $0x38;
	[tilespmem:$0x1BA80] =	vst v63  }
0x1e3: {  	s19 =	sadd.s32 @!p0 s14, s18;
	s21 =	simm.s32 @!p0 $0xE880  }
0x1e4: {  	[tilespmem:s21], [sflag:$0x1] =	stream.linear.gather @!p0 [hbm4b:s19+s20], $0x190, $0x38;
	[tilespmem:$0x1BA80] =	vst v63  }
0x1e5: {  	s18 =	sadd.s32 @!p0 s15, s18;
	s19 =	simm.s32 @!p0 $0xEA80  }
0x1e6: {  	[tilespmem:s19], [sflag:$0x1] =	stream.linear.gather @!p0 [hbm4b:s18+s20], $0x190, $0x38;
	[tilespmem:$0x1BA80] =	vst v63  }
0x1e7: {  	p0 =	seq.s32 s16, $0x0  }
0x1e8: {  	s21 =	simm.s32 $0x3;
	s18 =	simm.s32 @!p0 $0x2  }
0x1e9: {  	v16 =	vmov s21;
	s21 =	simm.s32 $0x1;
	_ =	swait.ge @!p0 [sflag:s18], $0x6400  }
0x1ea: {  	v18 =	vmov s21;
	[sflag:s18] =	ssyncset.done @!p0 $0x0  }
0x1eb: {  	v18 =	vand.u32 $0xFFFFFFFD, v18;
	[sflag:s18] =	ssyncadd.s32 @!p0 $0xFFFF9C00  }
0x1ec: {  	s20 =	simm.s32 $0x0;
	v24 =	vbroadcast v18, $0x0;
	_ =	swait.ge @!p0 [sflag:s18], $0x6400  }
0x1ed: {  	v17 =	vmov s20;
	[sflag:s18] =	ssyncset.done @!p0 $0x0  }
0x1ee: {  	v17 =	vand.u32 $0xFFFFFFFC, v17;
	[sflag:s18] =	ssyncadd.s32 @!p0 $0xFFFF9C00  }
0x1ef: {  	v23 =	vbroadcast v17, $0x0;
	v19 =	vld.idx.msk [tilespmem:v16+s29+$0x0], $0xffff  }
0x1f0: {  	s19 =	simm.s32 $0x2;
	v17 =	vld.idx.msk [tilespmem:v16+s28+$0x0], $0xffff  }
0x1f1: {  	v18 =	vmov s19;
	v16 =	vld.idx.msk [tilespmem:v16+s8+$0x0], $0xffff  }
0x1f2: {  	v18 =	vand.u32 $0xFFFFFFFE, v18;
	v25 =	vld.idx.msk [tilespmem:v24+s8+$0x0], $0xffff  }
0x1f3: {  	v28 =	vbroadcast v18, $0x0;
	_ =	sdelay $0x1  }
0x1f4: {  	v20 =	vld.idx.msk [tilespmem:v23+s8+$0x0], $0xffff;
	v18 =	vpack.i.f32.bf16 v19, v19  }
0x1f5: {  	v33 =	vshll.u32 v16, $0x6;
	v19 =	vunpack.i.u.bf16.f32 v17;
	v17 =	vunpack.i.l.bf16.f32 v17  }
0x1f6: {  	v21 =	vshra.s32 v16, $0x4;
	v35 =	vshll.u32 v25, $0x6;
	v25 =	vshra.s32 v25, $0x4  }
0x1f7: {  	v40 =	vmul.bf16 v18, v12;
	v26 =	vor.u32 v1, v33;
	v22 =	vpack.i.f32.bf16 v17, v17  }
0x1f8: {  	v29 =	vld.idx.msk [tilespmem:v28+s8+$0x0], $0xffff;
	v17 =	vpack.i.f32.bf16 v19, v19;
	v27 =	vor.u32 v0, v33;
	v16 =	vand.u32 $0xFFFFFF80, v21  }
0x1f9: {  	v19 =	vand.u32 $0xFFFFFFC0, v21;
	v39 =	vshll.u32 v20, $0x6;
	v54 =	vshra.s32 v20, $0x4  }
0x1fa: {  	v59 =	vor.u32 v0, v35;
	v27 =	vand.u32 $0xFFCF, v27;
	v21 =	vor.u32 v0, v19  }
0x1fb: {  	v20 =	vor.u32 v0, v39;
	v31 =	vand.u32 $0xFFFFFFC0, v54;
	v34 =	vand.u32 $0xFFCF, v59  }
0x1fc: {  	v63 =	vld.idx.msk [tilespmem:v24+s29+$0x0], $0xffff;
	v21 =	vand.u32 $0x4F, v21;
	v55 =	vand.u32 $0xFFCF, v20;
	v20 =	vand.u32 $0xFFFFFF80, v25  }
0x1fd: {  	v57 =	vld.idx.msk [tilespmem:v24+s28+$0x0], $0xffff;
	v60 =	vor.u32 v16, v21;
	v21 =	vand.u32 $0xFFFFFFC0, v25;
	v25 =	vshra.s32 v29, $0x4  }
0x1fe: {  	v62 =	vld.idx.msk [tilespmem:v23+s28+$0x0], $0xffff;
	v36 =	vshll.u32 v29, $0x6;
	v42 =	vand.u32 $0xFFDF, v26;
	v37 =	vand.u32 $0xFFFFFFC0, v25  }
0x1ff: {  	v61 =	vld.idx.msk [tilespmem:v23+s29+$0x0], $0xffff;
	v29 =	vor.u32 v0, v36;
	v23 =	vor.u32 v0, v21;
	v56 =	vor.u32 v0, v37  }
0x200: {  	v51 =	vld.idx.msk [tilespmem:v28+s28+$0x0], $0xffff;
	v24 =	vand.u32 $0xFFCF, v29;
	v38 =	vand.u32 $0xFFFFFF80, v25;
	v25 =	vand.u32 $0x4F, v56  }
0x201: {  	v23 =	vand.u32 $0x4F, v23;
	v45 =	vld.idx.msk [tilespmem:v27+s10+$0x0], $0xffff;
	v27 =	vor.u32 v0, v31;
	v58 =	vor.u32 v38, v25  }
0x202: {  	v53 =	vld.idx.msk [tilespmem:v28+s29+$0x0], $0xffff;
	v49 =	vmul.bf16 v22, v4;
	v25 =	vand.u32 $0x4F, v27;
	v27 =	vor.u32 v20, v23  }
0x203: {  	v50 =	vmul.bf16 v17, v8;
	v26 =	vunpack.i.l.bf16.f32 v62;
	v29 =	vand.u32 $0xFFFFFF80, v54;
	v32 =	vld.idx.msk [tilespmem:v34+s10+$0x0], $0xffff  }
0x204: {  	v59 =	vor.u32 v1, v39;
	v26 =	vpack.i.f32.bf16 v26, v26;
	v41 =	vld.idx.msk [tilespmem:v60+s10+$0x0], $0xffff;
	v30 =	vor.u32 v29, v25  }
0x205: {  	v47 =	vand.u32 $0xFFDF, v59;
	v34 =	vunpack.i.l.bf16.f32 v51;
	v51 =	vunpack.i.u.bf16.f32 v51;
	v52 =	vld.idx.msk [tilespmem:v24+s10+$0x0], $0xffff  }
0x206: {  	v23 =	vpack.i.f32.bf16 v61, v61;
	v61 =	vunpack.i.l.bf16.f32 v57;
	v34 =	vpack.i.f32.bf16 v34, v34;
	v44 =	vld.idx.msk [tilespmem:v58+s10+$0x0], $0xffff  }
0x207: {  	v25 =	vunpack.i.u.bf16.f32 v62;
	v43 =	vmul.bf16 v23, v12;
	v60 =	vunpack.i.u.bf16.f32 v57;
	v46 =	vld.idx.msk [tilespmem:v27+s10+$0x0], $0xffff  }
0x208: {  	v48 =	vld.idx.msk [tilespmem:v55+s10+$0x0], $0xffff;
	v62 =	vor.u32 v1, v35;
	v57 =	vmul.bf16 v26, v4;
	v28 =	vpack.i.f32.bf16 v61, v61  }
0x209: {  	v25 =	vpack.i.f32.bf16 v25, v25;
	v24 =	vpack.i.f32.bf16 v63, v63;
	v61 =	vmul.bf16 v28, v4;
	v30 =	vld.idx.msk [tilespmem:v30+s10+$0x0], $0xffff  }
0x20a: {  	v56 =	vand.u32 $0xFFDF, v62;
	v55 =	vmul.bf16 v24, v12;
	v58 =	vmul.bf16 v25, v8  }
0x20b: {  	v27 =	vpack.i.f32.bf16 v60, v60;
	v44 =	vadd.bf16 v44, v52;
	v52 =	vmul.bf16 v34, v4  }
0x20c: {  	v60 =	vor.u32 v1, v21;
	v46 =	vadd.bf16 v46, v32;
	v32 =	vpack.i.f32.bf16 v51, v51  }
0x20d: {  	v59 =	vmul.bf16 v27, v8;
	v51 =	vmul.bf16 v32, v8;
	v44 =	vadd.bf16 v44, v52  }
0x20e: {  	v41 =	vadd.bf16 v41, v45;
	v48 =	vadd.bf16 v30, v48;
	v30 =	vpack.i.f32.bf16 v53, v53  }
0x20f: {  	v46 =	vadd.bf16 v46, v61;
	v63 =	vmul.bf16 v30, v12;
	v44 =	vadd.bf16 v44, v51  }
0x210: {  	v41 =	vadd.bf16 v41, v49;
	v45 =	vadd.bf16 v48, v57;
	v57 =	vor.u32 v1, v36  }
0x211: {  	v46 =	vadd.bf16 v46, v59;
	v59 =	vor.u32 v1, v37;
	v44 =	vadd.bf16 v44, v63  }
0x212: {  	v41 =	vadd.bf16 v41, v50;
	v61 =	vand.u32 $0xFFDF, v57;
	v62 =	vand.u32 $0x5F, v59  }
0x213: {  	s18 =	simm.s32 $0xF380;
	v45 =	vadd.bf16 v45, v58;
	v46 =	vadd.bf16 v46, v55;
	v57 =	vunpack.i.l.bf16.f32 v44  }
0x214: {  	v63 =	vand.u32 $0x5F, v60;
	v51 =	vor.u32 v38, v62;
	v44 =	vunpack.i.u.bf16.f32 v44;
	[tilespmem:s18+$0x0] =	vst v57  }
0x215: {  	v40 =	vadd.bf16 v41, v40;
	v52 =	vor.u32 v20, v63;
	v59 =	vunpack.i.l.bf16.f32 v46;
	[tilespmem:s18+$0x40] =	vst v44  }
0x216: {  	v60 =	vor.u32 v1, v19;
	v43 =	vadd.bf16 v45, v43;
	v46 =	vunpack.i.u.bf16.f32 v46;
	[tilespmem:s18+$0xFFFFFF80] =	vst v59  }
0x217: {  	v54 =	vor.u32 v1, v31;
	v62 =	vand.u32 $0x5F, v60;
	v60 =	vunpack.i.l.bf16.f32 v40;
	[tilespmem:s18+$0xFFFFFFC0] =	vst v46;
	v45 =	vld.idx.msk [tilespmem:v61+s10+$0x0], $0xffff  }
0x218: {  	v58 =	vand.u32 $0x5F, v54;
	v41 =	vor.u32 v16, v62;
	[tilespmem:s18+$0x80] =	vst v60;
	v61 =	vunpack.i.l.bf16.f32 v43;
	v48 =	vld.idx.msk [tilespmem:v56+s10+$0x0], $0xffff  }
0x219: {  	v44 =	vor.u32 v29, v58;
	v43 =	vunpack.i.u.bf16.f32 v43;
	v63 =	vld.idx.msk [tilespmem:v51+s10+$0x0], $0xffff;
	[tilespmem:s18+$0xFFFFFF00] =	vst v61  }
0x21a: {  	s20 =	simm.s32 $0x4;
	v50 =	vmul.bf16 v23, v13;
	v53 =	vor.u32 v2, v33;
	[tilespmem:s18+$0xFFFFFF40] =	vst v43;
	v61 =	vunpack.i.u.bf16.f32 v40;
	v43 =	vld.idx.msk [tilespmem:v52+s10+$0x0], $0xffff  }
0x21b: {  	v49 =	vmov s20;
	v33 =	vor.u32 v3, v33;
	v54 =	vmul.bf16 v17, v9;
	v47 =	vld.idx.msk [tilespmem:v47+s10+$0x0], $0xffff;
	[tilespmem:s18+$0xC0] =	vst v61  }
0x21c: {  	v55 =	vor.u32 v2, v19;
	v19 =	vor.u32 v3, v19;
	v60 =	vmul.bf16 v25, v9;
	v42 =	vld.idx.msk [tilespmem:v42+s10+$0x0], $0xffff  }
0x21d: {  	v62 =	vor.u32 v2, v39;
	v57 =	vmul.bf16 v22, v5;
	v58 =	vmul.bf16 v24, v13;
	v41 =	vld.idx.msk [tilespmem:v41+s10+$0x0], $0xffff  }
0x21e: {  	v39 =	vor.u32 v3, v39;
	v46 =	vmul.bf16 v34, v5;
	v59 =	vmul.bf16 v26, v5;
	v44 =	vld.idx.msk [tilespmem:v44+s10+$0x0], $0xffff  }
0x21f: {  	v39 =	vand.u32 $0xFFFF, v39;
	v56 =	vand.u32 $0xFFEF, v62;
	v62 =	vmul.bf16 v27, v9  }
0x220: {  	v51 =	vmul.bf16 v18, v13;
	v52 =	vor.u32 v2, v35;
	v45 =	vadd.bf16 v63, v45  }
0x221: {  	v52 =	vand.u32 $0xFFEF, v52;
	v43 =	vadd.bf16 v43, v48;
	v48 =	vmul.bf16 v28, v5  }
0x222: {  	v45 =	vadd.bf16 v45, v46;
	v46 =	vmul.bf16 v32, v9;
	v41 =	vadd.bf16 v41, v42  }
0x223: {  	v63 =	vor.u32 v2, v37;
	v44 =	vadd.bf16 v44, v47;
	v43 =	vadd.bf16 v43, v48  }
0x224: {  	v47 =	vor.u32 v2, v36;
	v45 =	vadd.bf16 v45, v46;
	v46 =	vmul.bf16 v30, v13  }
0x225: {  	v48 =	vand.u32 $0x6F, v63;
	v41 =	vadd.bf16 v41, v57;
	v44 =	vadd.bf16 v44, v59  }
0x226: {  	v63 =	vor.u32 v2, v21;
	v62 =	vadd.bf16 v43, v62;
	v45 =	vadd.bf16 v45, v46  }
0x227: {  	v43 =	vand.u32 $0x6F, v63;
	v46 =	vand.u32 $0xFFEF, v47;
	v47 =	vor.u32 v38, v48  }
0x228: {  	v41 =	vadd.bf16 v41, v54;
	v42 =	vadd.bf16 v62, v58;
	v59 =	vunpack.i.l.bf16.f32 v45  }
0x229: {  	v43 =	vor.u32 v20, v43;
	v44 =	vadd.bf16 v44, v60;
	v45 =	vunpack.i.u.bf16.f32 v45;
	[tilespmem:s18+$0x10] =	vst v59  }
0x22a: {  	v41 =	vadd.bf16 v41, v51;
	[tilespmem:s18+$0x50] =	vst v45;
	v62 =	vunpack.i.u.bf16.f32 v42;
	v42 =	vunpack.i.l.bf16.f32 v42  }
0x22b: {  	v61 =	vor.u32 v2, v31;
	v57 =	vand.u32 $0x6F, v55;
	v63 =	vand.u32 $0xFFEF, v53;
	[tilespmem:s18+$0xFFFFFF90] =	vst v42  }
0x22c: {  	v44 =	vadd.bf16 v44, v50;
	[tilespmem:s18+$0xFFFFFFD0] =	vst v62;
	v58 =	vunpack.i.u.bf16.f32 v41;
	v41 =	vunpack.i.l.bf16.f32 v41;
	v45 =	vld.idx.msk [tilespmem:v46+s10+$0x0], $0xffff  }
0x22d: {  	v35 =	vor.u32 v3, v35;
	v60 =	vand.u32 $0x6F, v61;
	v51 =	vor.u32 v16, v57;
	v47 =	vld.idx.msk [tilespmem:v47+s10+$0x0], $0xffff;
	[tilespmem:s18+$0x90] =	vst v41  }
0x22e: {  	s21 =	simm.s32 $0x7;
	v61 =	vor.u32 v29, v60;
	v50 =	vunpack.i.u.bf16.f32 v44;
	v44 =	vunpack.i.l.bf16.f32 v44;
	v43 =	vld.idx.msk [tilespmem:v43+s10+$0x0], $0xffff;
	[tilespmem:s18+$0xD0] =	vst v58  }
0x22f: {  	v40 =	vmov s21;
	v31 =	vor.u32 v3, v31;
	v37 =	vor.u32 v3, v37;
	[tilespmem:s18+$0xFFFFFF10] =	vst v44;
	v44 =	vld.idx.msk [tilespmem:v52+s10+$0x0], $0xffff  }
0x230: {  	v35 =	vand.u32 $0xFFFF, v35;
	v31 =	vand.u32 $0x7F, v31;
	v37 =	vand.u32 $0x7F, v37;
	[tilespmem:s18+$0xFFFFFF50] =	vst v50;
	v42 =	vld.idx.msk [tilespmem:v63+s10+$0x0], $0xffff  }
0x231: {  	v37 =	vor.u32 v38, v37;
	v36 =	vor.u32 v3, v36;
	v21 =	vor.u32 v3, v21;
	v55 =	vld.idx.msk [tilespmem:v56+s10+$0x0], $0xffff  }
0x232: {  	v36 =	vand.u32 $0xFFFF, v36;
	v53 =	vmul.bf16 v18, v14;
	v54 =	vmul.bf16 v22, v6;
	v51 =	vld.idx.msk [tilespmem:v51+s10+$0x0], $0xffff  }
0x233: {  	v60 =	vmul.bf16 v34, v6;
	v59 =	vadd.bf16 v47, v45;
	v47 =	vand.u32 $0xFFFF, v33;
	v33 =	vld.idx.msk [tilespmem:v61+s10+$0x0], $0xffff  }
0x234: {  	v21 =	vand.u32 $0x7F, v21;
	v48 =	vmul.bf16 v24, v14;
	v61 =	vmul.bf16 v32, v10  }
0x235: {  	v43 =	vadd.bf16 v43, v44;
	v41 =	vadd.bf16 v59, v60;
	v60 =	vmul.bf16 v28, v6  }
0x236: {  	v20 =	vor.u32 v20, v21;
	v29 =	vor.u32 v29, v31;
	v63 =	vmul.bf16 v27, v10  }
0x237: {  	v59 =	vmul.bf16 v30, v14;
	v41 =	vadd.bf16 v41, v61;
	v43 =	vadd.bf16 v43, v60  }
0x238: {  	v62 =	vmul.bf16 v26, v6;
	v42 =	vadd.bf16 v51, v42;
	v33 =	vadd.bf16 v33, v55  }
0x239: {  	v34 =	vmul.bf16 v34, v7;
	v41 =	vadd.bf16 v41, v59;
	v43 =	vadd.bf16 v43, v63  }
0x23a: {  	v52 =	vmul.bf16 v17, v10;
	v61 =	vmul.bf16 v25, v10;
	v33 =	vadd.bf16 v33, v62  }
0x23b: {  	v42 =	vadd.bf16 v42, v54;
	v44 =	vunpack.i.l.bf16.f32 v41;
	v48 =	vadd.bf16 v43, v48  }
0x23c: {  	v46 =	vmul.bf16 v23, v14;
	v63 =	vld.idx.msk [tilespmem:v40+s28+$0x0], $0xffff;
	v41 =	vunpack.i.u.bf16.f32 v41;
	[tilespmem:s18+$0x20] =	vst v44;
	v33 =	vadd.bf16 v33, v61  }
0x23d: {  	v26 =	vmul.bf16 v26, v7;
	v21 =	vadd.bf16 v42, v52;
	v52 =	vld.idx.msk [tilespmem:v40+s8+$0x0], $0xffff;
	[tilespmem:s18+$0x60] =	vst v41;
	v38 =	vunpack.i.l.bf16.f32 v48  }
0x23e: {  	v30 =	vmul.bf16 v30, v15;
	v36 =	vld.idx.msk [tilespmem:v36+s10+$0x0], $0xffff;
	v51 =	vunpack.i.u.bf16.f32 v48;
	v33 =	vadd.bf16 v33, v46;
	[tilespmem:s18+$0xFFFFFFA0] =	vst v38  }
0x23f: {  	v19 =	vand.u32 $0x7F, v19;
	v28 =	vmul.bf16 v28, v7;
	v60 =	vmul.bf16 v22, v7;
	v37 =	vld.idx.msk [tilespmem:v37+s10+$0x0], $0xffff;
	[tilespmem:s18+$0xFFFFFFE0] =	vst v51  }
0x240: {  	s20 =	simm.s32 $0x5;
	v21 =	vadd.bf16 v21, v53;
	v35 =	vld.idx.msk [tilespmem:v35+s10+$0x0], $0xffff;
	v53 =	vunpack.i.u.bf16.f32 v33;
	v33 =	vunpack.i.l.bf16.f32 v33  }
0x241: {  	v50 =	vmov s20;
	v25 =	vmul.bf16 v25, v11;
	v55 =	vor.u32 v16, v19;
	v56 =	vld.idx.msk [tilespmem:v20+s10+$0x0], $0xffff;
	[tilespmem:s18+$0xFFFFFF20] =	vst v33  }
0x242: {  	v19 =	vand.u32 $0xFFFFFFFD, v50;
	v62 =	vld.idx.msk [tilespmem:v40+s29+$0x0], $0xffff;
	v54 =	vunpack.i.u.bf16.f32 v21;
	v21 =	vunpack.i.l.bf16.f32 v21;
	[tilespmem:s18+$0xFFFFFF60] =	vst v53  }
0x243: {  	v49 =	vand.u32 $0xFFFFFFFC, v49;
	v59 =	vmul.bf16 v32, v11;
	v40 =	vbroadcast v19, $0x0;
	[tilespmem:s18+$0xA0] =	vst v21;
	v57 =	vld.idx.msk [tilespmem:v39+s10+$0x0], $0xffff  }
0x244: {  	v61 =	vmul.bf16 v27, v11;
	v38 =	vbroadcast v49, $0x0;
	[tilespmem:s18+$0xE0] =	vst v54;
	v20 =	vadd.bf16 v37, v36;
	v29 =	vld.idx.msk [tilespmem:v29+s10+$0x0], $0xffff  }
0x245: {  	v19 =	vshll.u32 v52, $0x6;
	v58 =	vunpack.i.u.bf16.f32 v63;
	v44 =	vunpack.i.l.bf16.f32 v63;
	v41 =	vld.idx.msk [tilespmem:v47+s10+$0x0], $0xffff  }
0x246: {  	s21 =	simm.s32 $0x6;
	v34 =	vadd.bf16 v20, v34;
	v20 =	vmul.bf16 v18, v15;
	v18 =	vld.idx.msk [tilespmem:v55+s10+$0x0], $0xffff;
	v22 =	vadd.bf16 v56, v35  }
0x247: {  	v16 =	vpack.i.f32.bf16 v62, v62;
	v32 =	vor.u32 v1, v19;
	v62 =	vmov s21  }
0x248: {  	v21 =	vmul.bf16 v16, v12;
	v34 =	vadd.bf16 v34, v59;
	v22 =	vadd.bf16 v22, v28  }
0x249: {  	v33 =	vshra.s32 v52, $0x4;
	v28 =	vand.u32 $0xFFFFFFFE, v62;
	v29 =	vadd.bf16 v29, v57  }
0x24a: {  	v37 =	vbroadcast v28, $0x0;
	v27 =	vadd.bf16 v34, v30;
	v28 =	vadd.bf16 v22, v61  }
0x24b: {  	v22 =	vmul.bf16 v17, v11;
	v26 =	vadd.bf16 v29, v26;
	v18 =	vadd.bf16 v18, v41  }
0x24c: {  	v29 =	vmul.bf16 v24, v15;
	v63 =	vunpack.i.u.bf16.f32 v27;
	v34 =	vunpack.i.l.bf16.f32 v27;
	v27 =	vld.idx.msk [tilespmem:v38+s8+$0x0], $0xffff  }
0x24d: {  	[tilespmem:s18+$0x70] =	vst v63;
	v24 =	vadd.bf16 v26, v25;
	v25 =	vmul.bf16 v23, v15;
	v26 =	vadd.bf16 v18, v60  }
0x24e: {  	s19 =	simm.s32 $0x8;
	v17 =	vpack.i.f32.bf16 v58, v58;
	[tilespmem:s18+$0x30] =	vst v34;
	v18 =	vpack.i.f32.bf16 v44, v44;
	v23 =	vadd.bf16 v28, v29  }
.LBB2_4:
0x24f: {  	p0 =	slt.u32 s19, $0xC4;
	v28 =	vld.idx.msk [tilespmem:v40+s8+$0x0], $0xffff;
	v29 =	vor.u32 v0, v19;
	v24 =	vadd.bf16 v24, v25;
	v25 =	vadd.bf16 v26, v22  }
0x250: {  	v22 =	vand.u32 $0xFFFFFF80, v33;
	v26 =	vunpack.i.u.bf16.f32 v23;
	v23 =	vunpack.i.l.bf16.f32 v23  }
0x251: {  	v31 =	vld.idx.msk [tilespmem:v37+s8+$0x0], $0xffff;
	v30 =	vunpack.i.u.bf16.f32 v24;
	v24 =	vunpack.i.l.bf16.f32 v24;
	[tilespmem:s18+$0xFFFFFFB0] =	vst v23;
	v23 =	vadd.bf16 v25, v20  }
0x252: {  	v35 =	vshll.u32 v27, $0x6;
	v20 =	vand.u32 $0xFFFFFFC0, v33;
	v25 =	vand.u32 $0xFFCF, v29;
	[tilespmem:s18+$0xFFFFFFF0] =	vst v26  }
0x253: {  	v26 =	vor.u32 v0, v20;
	[tilespmem:s18+$0xFFFFFF30] =	vst v24;
	v24 =	vunpack.i.u.bf16.f32 v23;
	v23 =	vunpack.i.l.bf16.f32 v23  }
0x254: {  	v27 =	vshra.s32 v27, $0x4;
	v29 =	vor.u32 v0, v35;
	v26 =	vand.u32 $0x4F, v26;
	[tilespmem:s18+$0xFFFFFF70] =	vst v30  }
0x255: {  	v33 =	vand.u32 $0xFFFFFFC0, v27;
	v36 =	vshll.u32 v28, $0x6;
	v28 =	vshra.s32 v28, $0x4;
	[tilespmem:s18+$0xB0] =	vst v23  }
0x256: {  	v29 =	vand.u32 $0xFFCF, v29;
	v26 =	vor.u32 v22, v26;
	v34 =	vor.u32 v0, v36;
	v23 =	vld.idx.msk [tilespmem:v38+s29+$0x0], $0xffff;
	[tilespmem:s18+$0xF0] =	vst v24  }
0x257: {  	v30 =	vand.u32 $0xFFFFFFC0, v28;
	v28 =	vand.u32 $0xFFFFFF80, v28;
	v41 =	vshra.s32 v31, $0x4;
	v24 =	vld.idx.msk [tilespmem:v38+s28+$0x0], $0xffff  }
0x258: {  	v34 =	vand.u32 $0xFFCF, v34;
	v38 =	vshll.u32 v31, $0x6;
	v39 =	vand.u32 $0xFFFFFFC0, v41;
	v42 =	vld.idx.msk [tilespmem:v40+s29+$0x0], $0xffff  }
0x259: {  	v31 =	vor.u32 v0, v30;
	v44 =	vor.u32 v0, v39;
	v43 =	vld.idx.msk [tilespmem:v40+s28+$0x0], $0xffff;
	v40 =	vor.u32 v0, v38  }
0x25a: {  	v45 =	vand.u32 $0xFFCF, v40;
	v40 =	vand.u32 $0xFFFFFF80, v41;
	v41 =	vand.u32 $0x4F, v44;
	v44 =	vld.idx.msk [tilespmem:v25+s10+$0x0], $0xffff  }
0x25b: {  	v25 =	vor.u32 v0, v33;
	v46 =	vld.idx.msk [tilespmem:v29+s10+$0x0], $0xffff;
	v29 =	vand.u32 $0x4F, v31;
	v41 =	vor.u32 v40, v41  }
0x25c: {  	v31 =	vand.u32 $0xFFFFFF80, v27;
	v25 =	vand.u32 $0x4F, v25;
	v27 =	vor.u32 v28, v29;
	v47 =	vld.idx.msk [tilespmem:v26+s10+$0x0], $0xffff  }
0x25d: {  	v48 =	vand.u32 $0xFFDF, v32;
	v23 =	vpack.i.f32.bf16 v23, v23;
	v29 =	vor.u32 v31, v25;
	v34 =	vld.idx.msk [tilespmem:v34+s10+$0x0], $0xffff  }
0x25e: {  	v49 =	vmul.bf16 v18, v4;
	v50 =	vmul.bf16 v17, v8;
	v25 =	vunpack.i.u.bf16.f32 v24;
	v32 =	vld.idx.msk [tilespmem:v37+s28+$0x0], $0xffff  }
0x25f: {  	v53 =	vor.u32 v1, v35;
	v51 =	vunpack.i.l.bf16.f32 v24;
	v52 =	vmul.bf16 v23, v12;
	v45 =	vld.idx.msk [tilespmem:v45+s10+$0x0], $0xffff  }
0x260: {  	v26 =	vpack.i.f32.bf16 v25, v25;
	v24 =	vpack.i.f32.bf16 v42, v42;
	v54 =	vunpack.i.u.bf16.f32 v43;
	v41 =	vld.idx.msk [tilespmem:v41+s10+$0x0], $0xffff  }
0x261: {  	v25 =	vpack.i.f32.bf16 v51, v51;
	v42 =	vand.u32 $0xFFDF, v53;
	v43 =	vunpack.i.l.bf16.f32 v43;
	v51 =	vld.idx.msk [tilespmem:v27+s10+$0x0], $0xffff  }
0x262: {  	v55 =	vor.u32 v1, v33;
	v57 =	vor.u32 v1, v36;
	v56 =	vmul.bf16 v24, v12;
	v53 =	vld.idx.msk [tilespmem:v29+s10+$0x0], $0xffff  }
0x263: {  	v58 =	vmul.bf16 v25, v4;
	v59 =	vmul.bf16 v26, v8;
	v27 =	vpack.i.f32.bf16 v54, v54;
	v54 =	vld.idx.msk [tilespmem:v37+s29+$0x0], $0xffff  }
0x264: {  	v29 =	vpack.i.f32.bf16 v43, v43;
	v43 =	vand.u32 $0xFFDF, v57;
	v37 =	vunpack.i.l.bf16.f32 v32  }
0x265: {  	v60 =	vor.u32 v1, v30;
	v57 =	vmul.bf16 v27, v8;
	v37 =	vpack.i.f32.bf16 v37, v37  }
0x266: {  	v32 =	vunpack.i.u.bf16.f32 v32;
	v41 =	vadd.bf16 v41, v45;
	v45 =	vmul.bf16 v37, v4  }
0x267: {  	v32 =	vpack.i.f32.bf16 v32, v32;
	v34 =	vadd.bf16 v51, v34;
	v51 =	vmul.bf16 v29, v4  }
0x268: {  	v46 =	vadd.bf16 v53, v46;
	v41 =	vadd.bf16 v41, v45;
	v45 =	vmul.bf16 v32, v8  }
0x269: {  	v44 =	vadd.bf16 v47, v44;
	v51 =	vadd.bf16 v34, v51;
	v34 =	vpack.i.f32.bf16 v54, v54  }
0x26a: {  	v46 =	vadd.bf16 v46, v58;
	v41 =	vadd.bf16 v41, v45;
	v45 =	vmul.bf16 v34, v12  }
0x26b: {  	v53 =	vor.u32 v1, v39;
	v47 =	vadd.bf16 v51, v57;
	v51 =	vor.u32 v1, v38  }
0x26c: {  	v41 =	vadd.bf16 v41, v45;
	v45 =	vand.u32 $0xFFDF, v51;
	v51 =	vand.u32 $0x5F, v53  }
0x26d: {  	v44 =	vadd.bf16 v44, v49;
	v53 =	vand.u32 $0x5F, v60;
	v51 =	vor.u32 v40, v51  }
0x26e: {  	s18 =	sadd.s32 $0x200, s18;
	v46 =	vadd.bf16 v46, v59;
	v47 =	vadd.bf16 v47, v56;
	v49 =	vunpack.i.l.bf16.f32 v41  }
0x26f: {  	v54 =	vand.u32 $0x5F, v55;
	v53 =	vor.u32 v28, v53;
	v41 =	vunpack.i.u.bf16.f32 v41;
	[tilespmem:s18+$0x0] =	vst v49  }
0x270: {  	v46 =	vadd.bf16 v46, v52;
	v49 =	vunpack.i.l.bf16.f32 v47;
	[tilespmem:s18+$0x40] =	vst v41;
	v41 =	vadd.bf16 v44, v50  }
0x271: {  	v47 =	vunpack.i.u.bf16.f32 v47;
	v44 =	vor.u32 v31, v54;
	[tilespmem:s18+$0xFFFFFF80] =	vst v49;
	v45 =	vld.idx.msk [tilespmem:v45+s10+$0x0], $0xffff;
	v49 =	vor.u32 v1, v20  }
0x272: {  	v50 =	vunpack.i.l.bf16.f32 v46;
	[tilespmem:s18+$0xFFFFFFC0] =	vst v47;
	v47 =	vld.idx.msk [tilespmem:v51+s10+$0x0], $0xffff;
	v21 =	vadd.bf16 v41, v21;
	v41 =	vand.u32 $0x5F, v49  }
0x273: {  	v46 =	vunpack.i.u.bf16.f32 v46;
	v49 =	vmov s19;
	[tilespmem:s18+$0xFFFFFF00] =	vst v50;
	v43 =	vld.idx.msk [tilespmem:v43+s10+$0x0], $0xffff;
	v41 =	vor.u32 v22, v41  }
0x274: {  	v52 =	vor.u32 v2, v19;
	v51 =	vmul.bf16 v16, v13;
	[tilespmem:s18+$0xFFFFFF40] =	vst v46;
	v46 =	vld.idx.msk [tilespmem:v53+s10+$0x0], $0xffff;
	v50 =	vunpack.i.l.bf16.f32 v21  }
0x275: {  	s20 =	sadd.s32 $0x3, s19;
	v54 =	vor.u32 v2, v20;
	v53 =	vunpack.i.u.bf16.f32 v21;
	v42 =	vld.idx.msk [tilespmem:v42+s10+$0x0], $0xffff;
	[tilespmem:s18+$0x80] =	vst v50;
	v50 =	vmul.bf16 v17, v9  }
0x276: {  	v55 =	vor.u32 v2, v35;
	v21 =	vmov s20;
	v44 =	vld.idx.msk [tilespmem:v44+s10+$0x0], $0xffff;
	[tilespmem:s18+$0xC0] =	vst v53;
	v53 =	vmul.bf16 v18, v5  }
0x277: {  	v55 =	vand.u32 $0xFFEF, v55;
	v57 =	vmul.bf16 v24, v13;
	v56 =	vmul.bf16 v23, v13;
	v48 =	vld.idx.msk [tilespmem:v48+s10+$0x0], $0xffff  }
0x278: {  	v58 =	vor.u32 v2, v36;
	v45 =	vadd.bf16 v47, v45;
	v47 =	vmul.bf16 v37, v5;
	v41 =	vld.idx.msk [tilespmem:v41+s10+$0x0], $0xffff  }
0x279: {  	v61 =	vor.u32 v2, v33;
	v59 =	vmul.bf16 v25, v5;
	v60 =	vmul.bf16 v26, v9  }
0x27a: {  	v43 =	vadd.bf16 v46, v43;
	v45 =	vadd.bf16 v45, v47;
	v46 =	vmul.bf16 v32, v9  }
0x27b: {  	v62 =	vmul.bf16 v27, v9;
	v58 =	vand.u32 $0xFFEF, v58;
	v47 =	vmul.bf16 v29, v5  }
0x27c: {  	v42 =	vadd.bf16 v44, v42;
	v44 =	vadd.bf16 v45, v46;
	v45 =	vmul.bf16 v34, v13  }
0x27d: {  	v43 =	vadd.bf16 v43, v47;
	v46 =	vor.u32 v2, v38;
	v47 =	vor.u32 v2, v39  }
0x27e: {  	v44 =	vadd.bf16 v44, v45;
	v45 =	vand.u32 $0xFFEF, v46;
	v46 =	vand.u32 $0x6F, v47  }
0x27f: {  	v42 =	vadd.bf16 v42, v59;
	v41 =	vadd.bf16 v41, v48;
	v46 =	vor.u32 v40, v46  }
0x280: {  	v43 =	vadd.bf16 v43, v62;
	v47 =	vor.u32 v2, v30;
	v48 =	vunpack.i.l.bf16.f32 v44  }
0x281: {  	v42 =	vadd.bf16 v42, v60;
	v44 =	vunpack.i.u.bf16.f32 v44;
	v41 =	vadd.bf16 v41, v53;
	[tilespmem:s18+$0x10] =	vst v48  }
0x282: {  	v47 =	vand.u32 $0x6F, v47;
	v43 =	vadd.bf16 v43, v57;
	v48 =	vand.u32 $0x6F, v61;
	[tilespmem:s18+$0x50] =	vst v44  }
0x283: {  	v42 =	vadd.bf16 v42, v56;
	v41 =	vadd.bf16 v41, v50;
	v44 =	vor.u32 v28, v47;
	v45 =	vld.idx.msk [tilespmem:v45+s10+$0x0], $0xffff  }
0x284: {  	v47 =	vor.u32 v31, v48;
	v48 =	vunpack.i.u.bf16.f32 v43;
	v43 =	vunpack.i.l.bf16.f32 v43;
	v46 =	vld.idx.msk [tilespmem:v46+s10+$0x0], $0xffff  }
0x285: {  	v50 =	vunpack.i.u.bf16.f32 v42;
	v42 =	vunpack.i.l.bf16.f32 v42;
	v41 =	vadd.bf16 v41, v51;
	[tilespmem:s18+$0xFFFFFF90] =	vst v43  }
0x286: {  	v51 =	vmul.bf16 v16, v14;
	v43 =	vand.u32 $0xFFEF, v52;
	[tilespmem:s18+$0xFFFFFFD0] =	vst v48;
	v48 =	vand.u32 $0x6F, v54  }
0x287: {  	v52 =	vunpack.i.u.bf16.f32 v41;
	v41 =	vunpack.i.l.bf16.f32 v41;
	[tilespmem:s18+$0xFFFFFF10] =	vst v42;
	v42 =	vld.idx.msk [tilespmem:v58+s10+$0x0], $0xffff;
	v48 =	vor.u32 v22, v48  }
0x288: {  	v19 =	vor.u32 v3, v19;
	v49 =	vand.u32 $0xFFFFFFFC, v49;
	s20 =	sadd.s32 $0x1, s19;
	[tilespmem:s18+$0xFFFFFF50] =	vst v50;
	v44 =	vld.idx.msk [tilespmem:v44+s10+$0x0], $0xffff;
	v50 =	vmul.bf16 v17, v10  }
0x289: {  	v35 =	vor.u32 v3, v35;
	v53 =	vmov s20;
	v54 =	vld.idx.msk [tilespmem:v55+s10+$0x0], $0xffff;
	[tilespmem:s18+$0x90] =	vst v41;
	v41 =	vmul.bf16 v18, v6  }
0x28a: {  	v45 =	vadd.bf16 v46, v45;
	v46 =	vmul.bf16 v37, v6;
	v47 =	vld.idx.msk [tilespmem:v47+s10+$0x0], $0xffff;
	[tilespmem:s18+$0xD0] =	vst v52;
	v52 =	vand.u32 $0xFFFF, v19  }
0x28b: {  	v35 =	vand.u32 $0xFFFF, v35;
	v55 =	vmul.bf16 v24, v14;
	v19 =	vmul.bf16 v23, v14;
	v43 =	vld.idx.msk [tilespmem:v43+s10+$0x0], $0xffff  }
0x28c: {  	v36 =	vor.u32 v3, v36;
	v45 =	vadd.bf16 v45, v46;
	v46 =	vmul.bf16 v32, v10;
	v48 =	vld.idx.msk [tilespmem:v48+s10+$0x0], $0xffff  }
0x28d: {  	v33 =	vor.u32 v3, v33;
	v57 =	vmul.bf16 v27, v10;
	v56 =	vmul.bf16 v25, v6  }
0x28e: {  	v42 =	vadd.bf16 v44, v42;
	v44 =	vadd.bf16 v45, v46;
	v45 =	vmul.bf16 v34, v14  }
0x28f: {  	v38 =	vor.u32 v3, v38;
	v39 =	vor.u32 v3, v39;
	v46 =	vmul.bf16 v29, v6  }
0x290: {  	v38 =	vand.u32 $0xFFFF, v38;
	v39 =	vand.u32 $0x7F, v39;
	v44 =	vadd.bf16 v44, v45  }
0x291: {  	v39 =	vor.u32 v40, v39;
	v45 =	vadd.bf16 v47, v54;
	v42 =	vadd.bf16 v42, v46  }
0x292: {  	v40 =	vmul.bf16 v26, v10;
	v46 =	vunpack.i.l.bf16.f32 v44;
	v43 =	vadd.bf16 v48, v43  }
0x293: {  	v45 =	vadd.bf16 v45, v56;
	v42 =	vadd.bf16 v42, v57;
	v44 =	vunpack.i.u.bf16.f32 v44;
	v47 =	vld.idx.msk [tilespmem:v21+s29+$0x0], $0xffff;
	[tilespmem:s18+$0x20] =	vst v46  }
0x294: {  	v36 =	vand.u32 $0xFFFF, v36;
	v30 =	vor.u32 v3, v30;
	v41 =	vadd.bf16 v43, v41;
	v46 =	vld.idx.msk [tilespmem:v21+s28+$0x0], $0xffff;
	[tilespmem:s18+$0x60] =	vst v44  }
0x295: {  	v30 =	vand.u32 $0x7F, v30;
	v40 =	vadd.bf16 v45, v40;
	v42 =	vadd.bf16 v42, v55;
	v43 =	vld.idx.msk [tilespmem:v38+s10+$0x0], $0xffff  }
0x296: {  	v33 =	vand.u32 $0x7F, v33;
	v28 =	vor.u32 v28, v30;
	v38 =	vadd.bf16 v41, v50;
	v30 =	vld.idx.msk [tilespmem:v39+s10+$0x0], $0xffff  }
0x297: {  	v19 =	vadd.bf16 v40, v19;
	v40 =	vunpack.i.l.bf16.f32 v42;
	v39 =	vunpack.i.u.bf16.f32 v42;
	v21 =	vld.idx.msk [tilespmem:v21+s8+$0x0], $0xffff  }
0x298: {  	v20 =	vor.u32 v3, v20;
	v31 =	vor.u32 v31, v33;
	v33 =	vadd.bf16 v38, v51;
	[tilespmem:s18+$0xFFFFFFA0] =	vst v40  }
0x299: {  	v20 =	vand.u32 $0x7F, v20;
	v40 =	vunpack.i.u.bf16.f32 v19;
	v19 =	vunpack.i.l.bf16.f32 v19;
	[tilespmem:s18+$0xFFFFFFE0] =	vst v39  }
0x29a: {  	v20 =	vor.u32 v22, v20;
	v39 =	vunpack.i.u.bf16.f32 v33;
	[tilespmem:s18+$0xFFFFFF20] =	vst v19;
	v36 =	vld.idx.msk [tilespmem:v36+s10+$0x0], $0xffff;
	v19 =	vunpack.i.l.bf16.f32 v33  }
0x29b: {  	v22 =	vand.u32 $0xFFFFFFFD, v53;
	v38 =	vbroadcast v49, $0x0;
	v41 =	vpack.i.f32.bf16 v47, v47;
	[tilespmem:s18+$0xFFFFFF60] =	vst v40;
	v28 =	vld.idx.msk [tilespmem:v28+s10+$0x0], $0xffff  }
0x29c: {  	v40 =	vbroadcast v22, $0x0;
	v30 =	vadd.bf16 v30, v43;
	v22 =	vld.idx.msk [tilespmem:v35+s10+$0x0], $0xffff;
	v35 =	vmul.bf16 v37, v7;
	[tilespmem:s18+$0xA0] =	vst v19  }
0x29d: {  	v42 =	vunpack.i.u.bf16.f32 v46;
	v43 =	vunpack.i.l.bf16.f32 v46;
	v19 =	vshll.u32 v21, $0x6;
	v31 =	vld.idx.msk [tilespmem:v31+s10+$0x0], $0xffff;
	[tilespmem:s18+$0xE0] =	vst v39  }
0x29e: {  	v33 =	vshra.s32 v21, $0x4;
	v30 =	vadd.bf16 v30, v35;
	v35 =	vmul.bf16 v32, v11;
	v39 =	vld.idx.msk [tilespmem:v52+s10+$0x0], $0xffff  }
0x29f: {  	v21 =	vmul.bf16 v41, v12;
	v32 =	vor.u32 v1, v19;
	v44 =	vld.idx.msk [tilespmem:v20+s10+$0x0], $0xffff;
	v20 =	vmul.bf16 v16, v15  }
0x2a0: {  	v18 =	vmul.bf16 v18, v7;
	v34 =	vmul.bf16 v34, v15;
	v16 =	vmovc v41;
	v30 =	vadd.bf16 v30, v35  }
0x2a1: {  	v26 =	vmul.bf16 v26, v11;
	v29 =	vmul.bf16 v29, v7;
	v28 =	vadd.bf16 v28, v36  }
0x2a2: {  	s20 =	sadd.s32 $0x2, s19;
	v25 =	vmul.bf16 v25, v7;
	v35 =	vmul.bf16 v27, v11;
	v27 =	vadd.bf16 v30, v34  }
0x2a3: {  	v30 =	vmov s20;
	v22 =	vadd.bf16 v31, v22;
	v28 =	vadd.bf16 v28, v29  }
.Ltmp5:
0x2a4: {  	v29 =	vand.u32 $0xFFFFFFFE, v30;
	v30 =	vunpack.i.u.bf16.f32 v27;
	v31 =	vunpack.i.l.bf16.f32 v27;
	(pc) =	sbr.rel @p0 .LBB2_4-.Ltmp5, $4  }
0x2a5: {  	v37 =	vbroadcast v29, $0x0;
	v25 =	vadd.bf16 v22, v25;
	v29 =	vadd.bf16 v44, v39;
	v27 =	vld.idx.msk [tilespmem:v38+s8+$0x0], $0xffff;
	[tilespmem:s18+$0x70] =	vst v30  }
0x2a6: {  	v28 =	vadd.bf16 v28, v35;
	v22 =	vmul.bf16 v17, v11;
	v30 =	vmul.bf16 v24, v15;
	[tilespmem:s18+$0x30] =	vst v31  }
0x2a7: {  	v24 =	vadd.bf16 v25, v26;
	v25 =	vmul.bf16 v23, v15;
	v26 =	vadd.bf16 v29, v18  }
0x2a8: {  	s19 =	sadd.s32 $0x4, s19;
	v17 =	vpack.i.f32.bf16 v42, v42;
	v18 =	vpack.i.f32.bf16 v43, v43;
	v23 =	vadd.bf16 v28, v30  }
0x2a9: {  	_ =	sdelay $0x3  }
0x2aa: {  	v29 =	vld.idx.msk [tilespmem:v40+s8+$0x0], $0xffff  }
0x2ab: {  	v30 =	vld.idx.msk [tilespmem:v37+s8+$0x0], $0xffff;
	_ =	sdelay $0x1  }
0x2ac: {  	v47 =	vshll.u32 v27, $0x6;
	v27 =	vshra.s32 v27, $0x4  }
0x2ad: {  	v28 =	vand.u32 $0xFFFFFFC0, v33;
	v34 =	vor.u32 v0, v47;
	v31 =	vand.u32 $0xFFFFFFC0, v27  }
0x2ae: {  	v35 =	vand.u32 $0xFFCF, v34;
	v59 =	vor.u32 v0, v31;
	v42 =	vshll.u32 v29, $0x6  }
0x2af: {  	v29 =	vshra.s32 v29, $0x4;
	v44 =	vshll.u32 v30, $0x6;
	v39 =	vor.u32 v0, v42  }
0x2b0: {  	v41 =	vld.idx.msk [tilespmem:v38+s29+$0x0], $0xffff;
	v36 =	vand.u32 $0xFFFFFFC0, v29;
	v34 =	vand.u32 $0xFFFFFF80, v29;
	v29 =	vshra.s32 v30, $0x4  }
0x2b1: {  	v30 =	vld.idx.msk [tilespmem:v38+s28+$0x0], $0xffff;
	v43 =	vor.u32 v0, v44;
	v38 =	vand.u32 $0xFFFFFF80, v27;
	v27 =	vand.u32 $0x4F, v59  }
0x2b2: {  	v39 =	vand.u32 $0xFFCF, v39;
	v45 =	vand.u32 $0xFFFFFFC0, v29;
	v58 =	vor.u32 v0, v36  }
0x2b3: {  	v49 =	vld.idx.msk [tilespmem:v40+s29+$0x0], $0xffff;
	v43 =	vand.u32 $0xFFCF, v43;
	v48 =	vor.u32 v0, v45;
	v50 =	vand.u32 $0x4F, v58  }
0x2b4: {  	v40 =	vld.idx.msk [tilespmem:v40+s28+$0x0], $0xffff;
	v46 =	vand.u32 $0xFFFFFF80, v29;
	v29 =	vand.u32 $0x4F, v48;
	v60 =	vor.u32 v34, v50  }
0x2b5: {  	v52 =	vor.u32 v38, v27;
	v27 =	vor.u32 v0, v19;
	v51 =	vld.idx.msk [tilespmem:v35+s10+$0x0], $0xffff;
	v29 =	vor.u32 v46, v29  }
0x2b6: {  	v55 =	vmul.bf16 v18, v4;
	v53 =	vand.u32 $0xFFCF, v27;
	v27 =	vpack.i.f32.bf16 v41, v41;
	v50 =	vld.idx.msk [tilespmem:v37+s28+$0x0], $0xffff  }
0x2b7: {  	v56 =	vmul.bf16 v17, v8;
	v61 =	vor.u32 v0, v28;
	v39 =	vld.idx.msk [tilespmem:v39+s10+$0x0], $0xffff;
	[tilespmem:$0x1F980] =	vst v27  }
0x2b8: {  	v62 =	vand.u32 $0x4F, v61;
	v59 =	vor.u32 v1, v47;
	v35 =	vand.u32 $0xFFFFFF80, v33;
	v41 =	vld.idx.msk [tilespmem:v43+s10+$0x0], $0xffff  }
0x2b9: {  	v54 =	vor.u32 v35, v62;
	v58 =	vmul.bf16 v27, v12;
	v63 =	vunpack.i.u.bf16.f32 v30;
	v48 =	vld.idx.msk [tilespmem:v60+s10+$0x0], $0xffff  }
0x2ba: {  	v62 =	vor.u32 v1, v42;
	v43 =	vunpack.i.l.bf16.f32 v30;
	v30 =	vpack.i.f32.bf16 v63, v63;
	v57 =	vld.idx.msk [tilespmem:v29+s10+$0x0], $0xffff  }
0x2bb: {  	v60 =	vunpack.i.u.bf16.f32 v40;
	v33 =	vpack.i.f32.bf16 v43, v43;
	v29 =	vpack.i.f32.bf16 v49, v49;
	v49 =	vld.idx.msk [tilespmem:v52+s10+$0x0], $0xffff  }
0x2bc: {  	v63 =	vld.idx.msk [tilespmem:v37+s29+$0x0], $0xffff;
	v40 =	vunpack.i.l.bf16.f32 v40;
	v43 =	vunpack.i.l.bf16.f32 v50;
	v27 =	vmul.bf16 v30, v8  }
0x2bd: {  	v53 =	vld.idx.msk [tilespmem:v53+s10+$0x0], $0xffff;
	v52 =	vor.u32 v1, v31;
	v37 =	vpack.i.f32.bf16 v40, v40;
	v43 =	vpack.i.f32.bf16 v43, v43  }
0x2be: {  	v40 =	vunpack.i.u.bf16.f32 v50;
	v50 =	vld.idx.msk [tilespmem:v54+s10+$0x0], $0xffff;
	v61 =	vmul.bf16 v29, v12;
	v52 =	vand.u32 $0x5F, v52  }
0x2bf: {  	v39 =	vadd.bf16 v48, v39;
	v48 =	vmul.bf16 v37, v4;
	v54 =	vadd.bf16 v57, v41  }
0x2c0: {  	v57 =	vmul.bf16 v43, v4;
	v41 =	vpack.i.f32.bf16 v40, v40;
	v49 =	vadd.bf16 v49, v51  }
0x2c1: {  	v51 =	vmul.bf16 v33, v4;
	v40 =	vpack.i.f32.bf16 v63, v63;
	v48 =	vadd.bf16 v39, v48  }
0x2c2: {  	v39 =	vpack.i.f32.bf16 v60, v60;
	v54 =	vadd.bf16 v54, v57;
	v57 =	vmul.bf16 v41, v8  }
0x2c3: {  	v50 =	vadd.bf16 v50, v53;
	v60 =	vmul.bf16 v40, v12;
	v53 =	vmul.bf16 v39, v8  }
0x2c4: {  	v49 =	vadd.bf16 v49, v51;
	v51 =	vor.u32 v1, v44;
	v54 =	vadd.bf16 v54, v57  }
0x2c5: {  	v63 =	vor.u32 v1, v36;
	v51 =	vand.u32 $0xFFDF, v51;
	v57 =	vor.u32 v1, v45  }
0x2c6: {  	v48 =	vadd.bf16 v48, v53;
	v53 =	vand.u32 $0x5F, v63;
	v54 =	vadd.bf16 v54, v60  }
0x2c7: {  	v27 =	vadd.bf16 v49, v27;
	v57 =	vand.u32 $0x5F, v57;
	v53 =	vor.u32 v34, v53  }
0x2c8: {  	s19 =	sadd.s32 $0x200, s18;
	v60 =	vand.u32 $0xFFDF, v62;
	v48 =	vadd.bf16 v48, v61;
	v62 =	vunpack.i.l.bf16.f32 v54  }
0x2c9: {  	v50 =	vadd.bf16 v50, v55;
	v57 =	vor.u32 v46, v57;
	v63 =	vunpack.i.u.bf16.f32 v54;
	[tilespmem:s19+$0x0] =	vst v62  }
0x2ca: {  	v27 =	vadd.bf16 v27, v58;
	v54 =	vand.u32 $0xFFDF, v59;
	v59 =	vunpack.i.l.bf16.f32 v48;
	[tilespmem:s19+$0x40] =	vst v63  }
0x2cb: {  	v52 =	vor.u32 v38, v52;
	v50 =	vadd.bf16 v50, v56;
	v48 =	vunpack.i.u.bf16.f32 v48;
	[tilespmem:s19+$0xFFFFFF80] =	vst v59  }
0x2cc: {  	v63 =	vunpack.i.l.bf16.f32 v27;
	[tilespmem:s19+$0xFFFFFFC0] =	vst v48;
	v27 =	vunpack.i.u.bf16.f32 v27;
	v51 =	vld.idx.msk [tilespmem:v51+s10+$0x0], $0xffff  }
0x2cd: {  	v21 =	vadd.bf16 v50, v21;
	[tilespmem:s19+$0xFFFFFF40] =	vst v27;
	v27 =	vld.idx.msk [tilespmem:v53+s10+$0x0], $0xffff  }
0x2ce: {  	v61 =	vor.u32 v1, v28;
	v49 =	vld.idx.msk [tilespmem:v57+s10+$0x0], $0xffff  }
0x2cf: {  	v32 =	vand.u32 $0xFFDF, v32;
	v59 =	vand.u32 $0x5F, v61;
	[tilespmem:s19+$0xFFFFFF00] =	vst v63;
	v50 =	vld.idx.msk [tilespmem:v60+s10+$0x0], $0xffff;
	v60 =	vunpack.i.l.bf16.f32 v21  }
0x2d0: {  	v55 =	vmul.bf16 v16, v13;
	v48 =	vor.u32 v35, v59;
	v52 =	vld.idx.msk [tilespmem:v52+s10+$0x0], $0xffff;
	[tilespmem:s19+$0x80] =	vst v60  }
0x2d1: {  	v56 =	vor.u32 v2, v19;
	v19 =	vor.u32 v3, v19;
	v58 =	vmul.bf16 v18, v5;
	v62 =	vmovc v28;
	v28 =	vld [tilespmem:$0x1F980]  }
0x2d2: {  	v61 =	vmul.bf16 v43, v5;
	v53 =	vor.u32 v2, v47;
	v21 =	vunpack.i.u.bf16.f32 v21;
	v54 =	vld.idx.msk [tilespmem:v54+s10+$0x0], $0xffff  }
0x2d3: {  	v63 =	vmul.bf16 v40, v13;
	v47 =	vor.u32 v3, v47;
	v57 =	vmul.bf16 v17, v9;
	[tilespmem:s19+$0xC0] =	vst v21  }
0x2d4: {  	v47 =	vand.u32 $0xFFFF, v47;
	v60 =	vor.u32 v2, v42;
	v21 =	vmul.bf16 v29, v13;
	v32 =	vld.idx.msk [tilespmem:v32+s10+$0x0], $0xffff  }
0x2d5: {  	v60 =	vand.u32 $0xFFEF, v60;
	v48 =	vld.idx.msk [tilespmem:v48+s10+$0x0], $0xffff;
	v49 =	vadd.bf16 v49, v51;
	v51 =	vmul.bf16 v41, v9  }
0x2d6: {  	v27 =	vadd.bf16 v27, v50;
	v50 =	vmul.bf16 v37, v5;
	v59 =	vmul.bf16 v28, v13  }
0x2d7: {  	v49 =	vadd.bf16 v49, v61;
	v61 =	vmul.bf16 v33, v5;
	v52 =	vadd.bf16 v52, v54  }
0x2d8: {  	v54 =	vmul.bf16 v30, v9;
	v27 =	vadd.bf16 v27, v50;
	v50 =	vmul.bf16 v39, v9  }
0x2d9: {  	v49 =	vadd.bf16 v49, v51;
	v51 =	vor.u32 v2, v45;
	v52 =	vadd.bf16 v52, v61  }
0x2da: {  	v61 =	vor.u32 v2, v44;
	v32 =	vadd.bf16 v48, v32;
	v27 =	vadd.bf16 v27, v50  }
0x2db: {  	v51 =	vand.u32 $0x6F, v51;
	v61 =	vand.u32 $0xFFEF, v61;
	v49 =	vadd.bf16 v49, v63  }
0x2dc: {  	v48 =	vor.u32 v2, v36;
	v50 =	vor.u32 v2, v31;
	v51 =	vor.u32 v46, v51  }
0x2dd: {  	v52 =	vadd.bf16 v52, v54;
	v32 =	vadd.bf16 v32, v58;
	v63 =	vunpack.i.l.bf16.f32 v49  }
0x2de: {  	v21 =	vadd.bf16 v27, v21;
	v27 =	vand.u32 $0x6F, v48;
	v49 =	vunpack.i.u.bf16.f32 v49;
	[tilespmem:s19+$0x10] =	vst v63  }
0x2df: {  	v50 =	vand.u32 $0x6F, v50;
	v48 =	vand.u32 $0xFFEF, v53;
	v27 =	vor.u32 v34, v27;
	[tilespmem:s19+$0x50] =	vst v49  }
0x2e0: {  	v32 =	vadd.bf16 v32, v57;
	v57 =	vunpack.i.l.bf16.f32 v21;
	v49 =	vadd.bf16 v52, v59;
	v63 =	vld.idx.msk [tilespmem:v61+s10+$0x0], $0xffff  }
0x2e1: {  	v58 =	vor.u32 v2, v62;
	v50 =	vor.u32 v38, v50;
	v21 =	vunpack.i.u.bf16.f32 v21;
	[tilespmem:s19+$0xFFFFFF90] =	vst v57;
	v51 =	vld.idx.msk [tilespmem:v51+s10+$0x0], $0xffff  }
0x2e2: {  	v42 =	vor.u32 v3, v42;
	v54 =	vand.u32 $0x6F, v58;
	[tilespmem:s19+$0xFFFFFFD0] =	vst v21;
	v59 =	vunpack.i.l.bf16.f32 v49  }
0x2e3: {  	v54 =	vor.u32 v35, v54;
	v32 =	vadd.bf16 v32, v55;
	v53 =	vld.idx.msk [tilespmem:v60+s10+$0x0], $0xffff;
	v21 =	vunpack.i.u.bf16.f32 v49;
	[tilespmem:s19+$0xFFFFFF10] =	vst v59  }
0x2e4: {  	v42 =	vand.u32 $0xFFFF, v42;
	v44 =	vor.u32 v3, v44;
	v49 =	vand.u32 $0xFFEF, v56;
	[tilespmem:s19+$0xFFFFFF50] =	vst v21;
	v21 =	vld.idx.msk [tilespmem:v27+s10+$0x0], $0xffff  }
0x2e5: {  	v45 =	vor.u32 v3, v45;
	v36 =	vor.u32 v3, v36;
	v27 =	vunpack.i.l.bf16.f32 v32;
	v48 =	vld.idx.msk [tilespmem:v48+s10+$0x0], $0xffff  }
0x2e6: {  	v61 =	vunpack.i.u.bf16.f32 v32;
	[tilespmem:s19+$0x90] =	vst v27;
	v50 =	vld.idx.msk [tilespmem:v50+s10+$0x0], $0xffff;
	v27 =	vadd.bf16 v51, v63;
	v51 =	vmul.bf16 v43, v6  }
0x2e7: {  	v31 =	vor.u32 v3, v31;
	v44 =	vand.u32 $0xFFFF, v44;
	v45 =	vand.u32 $0x7F, v45;
	[tilespmem:s19+$0xD0] =	vst v61  }
0x2e8: {  	v36 =	vand.u32 $0x7F, v36;
	v54 =	vld.idx.msk [tilespmem:v54+s10+$0x0], $0xffff;
	v63 =	vmul.bf16 v41, v10;
	v27 =	vadd.bf16 v27, v51  }
0x2e9: {  	v31 =	vand.u32 $0x7F, v31;
	v45 =	vor.u32 v46, v45;
	v58 =	vmul.bf16 v33, v6;
	v49 =	vld.idx.msk [tilespmem:v49+s10+$0x0], $0xffff  }
0x2ea: {  	v21 =	vadd.bf16 v21, v53;
	v27 =	vadd.bf16 v27, v63;
	v63 =	vmul.bf16 v37, v6  }
0x2eb: {  	v52 =	vmul.bf16 v18, v6;
	v61 =	vmul.bf16 v40, v14;
	v48 =	vadd.bf16 v50, v48  }
0x2ec: {  	v57 =	vmul.bf16 v29, v14;
	v59 =	vmul.bf16 v39, v10;
	v21 =	vadd.bf16 v21, v63  }
0x2ed: {  	v48 =	vadd.bf16 v48, v58;
	v27 =	vadd.bf16 v27, v61;
	v61 =	vmul.bf16 v30, v10  }
0x2ee: {  	v56 =	vmul.bf16 v28, v14;
	v49 =	vadd.bf16 v54, v49;
	v21 =	vadd.bf16 v21, v59  }
0x2ef: {  	v63 =	vunpack.i.l.bf16.f32 v27;
	v27 =	vunpack.i.u.bf16.f32 v27;
	v46 =	vadd.bf16 v48, v61  }
0x2f0: {  	v32 =	vmul.bf16 v17, v10;
	[tilespmem:s19+$0x60] =	vst v27;
	v27 =	vadd.bf16 v49, v52;
	v21 =	vadd.bf16 v21, v57  }
0x2f1: {  	v31 =	vor.u32 v38, v31;
	v34 =	vor.u32 v34, v36;
	v55 =	vmul.bf16 v16, v14  }
0x2f2: {  	[tilespmem:s19+$0x20] =	vst v63;
	v52 =	vadd.bf16 v46, v56;
	v27 =	vadd.bf16 v27, v32;
	v53 =	vunpack.i.l.bf16.f32 v21  }
0x2f3: {  	v19 =	vand.u32 $0xFFFF, v19;
	v60 =	vmovc v28;
	v28 =	vor.u32 v3, v62;
	v51 =	vld.idx.msk [tilespmem:v44+s10+$0x0], $0xffff;
	v21 =	vunpack.i.u.bf16.f32 v21;
	[tilespmem:s19+$0xFFFFFFA0] =	vst v53  }
0x2f4: {  	v28 =	vand.u32 $0x7F, v28;
	v45 =	vld.idx.msk [tilespmem:v45+s10+$0x0], $0xffff;
	v54 =	vunpack.i.l.bf16.f32 v52;
	[tilespmem:s19+$0xFFFFFFE0] =	vst v21;
	v21 =	vadd.bf16 v27, v55  }
0x2f5: {  	v28 =	vor.u32 v35, v28;
	v27 =	vunpack.i.u.bf16.f32 v52;
	[tilespmem:s19+$0xFFFFFF20] =	vst v54;
	v55 =	vld.idx.msk [tilespmem:v42+s10+$0x0], $0xffff  }
0x2f6: {  	v24 =	vadd.bf16 v24, v25;
	v22 =	vadd.bf16 v26, v22;
	[tilespmem:s19+$0xFFFFFF60] =	vst v27;
	v27 =	vld.idx.msk [tilespmem:v34+s10+$0x0], $0xffff;
	v25 =	vunpack.i.l.bf16.f32 v21  }
0x2f7: {  	v26 =	vld.idx.msk [tilespmem:v47+s10+$0x0], $0xffff;
	v21 =	vunpack.i.u.bf16.f32 v21;
	[tilespmem:s19+$0xA0] =	vst v25  }
0x2f8: {  	v20 =	vadd.bf16 v22, v20;
	v33 =	vmul.bf16 v33, v7;
	v25 =	vld.idx.msk [tilespmem:v31+s10+$0x0], $0xffff;
	[tilespmem:s19+$0xE0] =	vst v21  }
0x2f9: {  	v18 =	vmul.bf16 v18, v7;
	v57 =	vmul.bf16 v43, v7;
	v56 =	vadd.bf16 v45, v51;
	v19 =	vld.idx.msk [tilespmem:v19+s10+$0x0], $0xffff  }
0x2fa: {  	v62 =	vmul.bf16 v37, v7;
	v58 =	vunpack.i.u.bf16.f32 v23;
	v23 =	vunpack.i.l.bf16.f32 v23;
	v28 =	vld.idx.msk [tilespmem:v28+s10+$0x0], $0xffff  }
0x2fb: {  	[tilespmem:s18+$0xFFFFFFB0] =	vst v23;
	v23 =	vmul.bf16 v40, v15;
	v59 =	vmul.bf16 v41, v11;
	v22 =	vadd.bf16 v56, v57  }
0x2fc: {  	v61 =	vunpack.i.u.bf16.f32 v20;
	v20 =	vunpack.i.l.bf16.f32 v20;
	v27 =	vadd.bf16 v27, v55  }
0x2fd: {  	v21 =	vunpack.i.u.bf16.f32 v24;
	v24 =	vunpack.i.l.bf16.f32 v24;
	v22 =	vadd.bf16 v22, v59  }
0x2fe: {  	[tilespmem:s18+$0xFFFFFFF0] =	vst v58;
	v25 =	vadd.bf16 v25, v26;
	v26 =	vmul.bf16 v39, v11;
	v27 =	vadd.bf16 v27, v62  }
0x2ff: {  	[tilespmem:s18+$0xFFFFFF30] =	vst v24;
	v24 =	vmul.bf16 v30, v11;
	v22 =	vadd.bf16 v22, v23;
	v19 =	vadd.bf16 v28, v19  }
0x300: {  	[tilespmem:s18+$0xFFFFFF70] =	vst v21;
	v23 =	vadd.bf16 v25, v33;
	v21 =	vadd.bf16 v27, v26;
	v25 =	vmul.bf16 v29, v15  }
0x301: {  	v17 =	vmul.bf16 v17, v11;
	[tilespmem:s18+$0xB0] =	vst v20;
	v20 =	vunpack.i.u.bf16.f32 v22;
	v18 =	vadd.bf16 v19, v18  }
0x302: {  	[tilespmem:s18+$0xF0] =	vst v61;
	v23 =	vadd.bf16 v23, v24;
	v24 =	vmul.bf16 v60, v15;
	v19 =	vadd.bf16 v21, v25  }
0x303: {  	v16 =	vmul.bf16 v16, v15;
	[tilespmem:s19+$0x70] =	vst v20;
	v21 =	vunpack.i.l.bf16.f32 v22  }
0x304: {  	[tilespmem:s19+$0x30] =	vst v21;
	v17 =	vadd.bf16 v18, v17;
	v20 =	vadd.bf16 v23, v24;
	v18 =	vunpack.i.l.bf16.f32 v19  }
0x305: {  	v19 =	vunpack.i.u.bf16.f32 v19;
	[tilespmem:s19+$0xFFFFFFB0] =	vst v18  }
0x306: {  	s20 =	simm.s32 $0xCB;
	v16 =	vadd.bf16 v17, v16;
	[tilespmem:s19+$0xFFFFFFF0] =	vst v19;
	v17 =	vunpack.i.u.bf16.f32 v20  }
0x307: {  	v18 =	vunpack.i.l.bf16.f32 v20;
	[tilespmem:s19+$0xFFFFFF70] =	vst v17;
	v17 =	vmov s20  }
0x308: {  	s21 =	smul.u32 $0x1900, s17;
	[tilespmem:s19+$0xFFFFFF30] =	vst v18;
	v18 =	vunpack.i.l.bf16.f32 v16  }
0x309: {  	v16 =	vunpack.i.u.bf16.f32 v16;
	s20 =	simm.s32 $0xC8;
	[tilespmem:s19+$0xB0] =	vst v18  }
0x30a: {  	s18 =	sadd.s32 s9, s21;
	s21 =	simm.s32 $0xC9;
	[tilespmem:s19+$0xF0] =	vst v16;
	v16 =	vmov s20  }
0x30b: {  	v18 =	vmov s21;
	[hbm4b:s18+s10] =	stream.linear.scatter [tilespmem:s30], [sflag:$0x2], $0x6400, $0x38;
	v16 =	vand.u32 $0xFFFFFFFC, v16;
	[tilespmem:$0x1BA80] =	vst v63  }
0x30c: {  	v18 =	vand.u32 $0xFFFFFFFD, v18;
	v23 =	vbroadcast v16, $0x0;
	v19 =	vld.idx.msk [tilespmem:v17+s29+$0x0], $0xffff  }
0x30d: {  	s19 =	simm.s32 $0xCA;
	v24 =	vbroadcast v18, $0x0;
	v16 =	vld.idx.msk [tilespmem:v17+s28+$0x0], $0xffff  }
0x30e: {  	v18 =	vmov s19;
	v17 =	vld.idx.msk [tilespmem:v17+s8+$0x0], $0xffff  }
0x30f: {  	v18 =	vand.u32 $0xFFFFFFFE, v18  }
0x310: {  	v28 =	vbroadcast v18, $0x0;
	_ =	sdelay $0x1  }
0x311: {  	v20 =	vld.idx.msk [tilespmem:v23+s8+$0x0], $0xffff;
	v18 =	vpack.i.f32.bf16 v19, v19  }
0x312: {  	v25 =	vld.idx.msk [tilespmem:v24+s8+$0x0], $0xffff;
	v33 =	vshll.u32 v17, $0x6;
	v19 =	vunpack.i.u.bf16.f32 v16;
	v16 =	vunpack.i.l.bf16.f32 v16  }
0x313: {  	v21 =	vshra.s32 v17, $0x4;
	v40 =	vmul.bf16 v18, v12;
	v26 =	vor.u32 v1, v33  }
0x314: {  	v22 =	vpack.i.f32.bf16 v16, v16;
	v17 =	vpack.i.f32.bf16 v19, v19;
	v19 =	vand.u32 $0xFFFFFFC0, v21  }
0x315: {  	v27 =	vor.u32 v0, v33;
	v16 =	vand.u32 $0xFFFFFF80, v21;
	v29 =	vld.idx.msk [tilespmem:v28+s8+$0x0], $0xffff;
	v21 =	vor.u32 v0, v19  }
0x316: {  	v27 =	vand.u32 $0xFFCF, v27;
	v42 =	vand.u32 $0xFFDF, v26;
	v21 =	vand.u32 $0x4F, v21  }
0x317: {  	v39 =	vshll.u32 v20, $0x6;
	v63 =	vshra.s32 v20, $0x4;
	v35 =	vshll.u32 v25, $0x6  }
0x318: {  	v54 =	vld.idx.msk [tilespmem:v23+s29+$0x0], $0xffff;
	v25 =	vshra.s32 v25, $0x4;
	v53 =	vor.u32 v16, v21;
	v20 =	vor.u32 v0, v39  }
0x319: {  	v55 =	vld.idx.msk [tilespmem:v23+s28+$0x0], $0xffff;
	v31 =	vand.u32 $0xFFFFFFC0, v63;
	v52 =	vor.u32 v0, v35;
	v21 =	vand.u32 $0xFFFFFFC0, v25  }
0x31a: {  	v56 =	vld.idx.msk [tilespmem:v24+s29+$0x0], $0xffff;
	v51 =	vand.u32 $0xFFCF, v20;
	v20 =	vand.u32 $0xFFFFFF80, v25;
	v25 =	vshra.s32 v29, $0x4  }
0x31b: {  	v46 =	vld.idx.msk [tilespmem:v24+s28+$0x0], $0xffff;
	v34 =	vand.u32 $0xFFCF, v52;
	v36 =	vshll.u32 v29, $0x6;
	v37 =	vand.u32 $0xFFFFFFC0, v25  }
0x31c: {  	v23 =	vor.u32 v0, v21;
	v29 =	vor.u32 v0, v36;
	v45 =	vld.idx.msk [tilespmem:v27+s10+$0x0], $0xffff;
	v57 =	vor.u32 v0, v37  }
0x31d: {  	v38 =	vand.u32 $0xFFFFFF80, v25;
	v24 =	vand.u32 $0xFFCF, v29;
	v25 =	vand.u32 $0x4F, v57;
	v41 =	vld.idx.msk [tilespmem:v53+s10+$0x0], $0xffff  }
0x31e: {  	v27 =	vor.u32 v0, v31;
	v23 =	vand.u32 $0x4F, v23;
	v53 =	vld.idx.msk [tilespmem:v28+s29+$0x0], $0xffff;
	v58 =	vor.u32 v38, v25  }
0x31f: {  	v49 =	vmul.bf16 v22, v4;
	v25 =	vand.u32 $0x4F, v27;
	v27 =	vor.u32 v20, v23;
	v48 =	vld.idx.msk [tilespmem:v51+s10+$0x0], $0xffff  }
0x320: {  	v50 =	vmul.bf16 v17, v8;
	v26 =	vunpack.i.l.bf16.f32 v55;
	v29 =	vand.u32 $0xFFFFFF80, v63;
	v32 =	vld.idx.msk [tilespmem:v34+s10+$0x0], $0xffff  }
0x321: {  	v60 =	vunpack.i.u.bf16.f32 v46;
	v61 =	vunpack.i.l.bf16.f32 v46;
	v30 =	vor.u32 v29, v25;
	v51 =	vld.idx.msk [tilespmem:v28+s28+$0x0], $0xffff  }
0x322: {  	v59 =	vor.u32 v1, v39;
	v26 =	vpack.i.f32.bf16 v26, v26;
	v62 =	vor.u32 v1, v35;
	v52 =	vld.idx.msk [tilespmem:v24+s10+$0x0], $0xffff  }
0x323: {  	v47 =	vand.u32 $0xFFDF, v59;
	v57 =	vmul.bf16 v26, v4;
	v23 =	vpack.i.f32.bf16 v54, v54;
	v44 =	vld.idx.msk [tilespmem:v58+s10+$0x0], $0xffff  }
0x324: {  	v25 =	vunpack.i.u.bf16.f32 v55;
	v43 =	vmul.bf16 v23, v12;
	v28 =	vpack.i.f32.bf16 v61, v61;
	v46 =	vld.idx.msk [tilespmem:v27+s10+$0x0], $0xffff  }
0x325: {  	v25 =	vpack.i.f32.bf16 v25, v25;
	v61 =	vmul.bf16 v28, v4;
	v24 =	vpack.i.f32.bf16 v56, v56  }
0x326: {  	v56 =	vand.u32 $0xFFDF, v62;
	v55 =	vmul.bf16 v24, v12;
	v30 =	vld.idx.msk [tilespmem:v30+s10+$0x0], $0xffff;
	v34 =	vunpack.i.l.bf16.f32 v51  }
0x327: {  	v41 =	vadd.bf16 v41, v45;
	v58 =	vmul.bf16 v25, v8;
	v34 =	vpack.i.f32.bf16 v34, v34  }
0x328: {  	v51 =	vunpack.i.u.bf16.f32 v51;
	v44 =	vadd.bf16 v44, v52;
	v52 =	vmul.bf16 v34, v4  }
0x329: {  	v27 =	vpack.i.f32.bf16 v60, v60;
	v46 =	vadd.bf16 v46, v32;
	v32 =	vpack.i.f32.bf16 v51, v51  }
0x32a: {  	v60 =	vor.u32 v1, v21;
	v51 =	vmul.bf16 v32, v8;
	v44 =	vadd.bf16 v44, v52  }
0x32b: {  	v59 =	vmul.bf16 v27, v8;
	v48 =	vadd.bf16 v30, v48;
	v30 =	vpack.i.f32.bf16 v53, v53  }
0x32c: {  	v46 =	vadd.bf16 v46, v61;
	v63 =	vmul.bf16 v30, v12;
	v44 =	vadd.bf16 v44, v51  }
0x32d: {  	v41 =	vadd.bf16 v41, v49;
	v45 =	vadd.bf16 v48, v57;
	v57 =	vor.u32 v1, v36  }
0x32e: {  	v46 =	vadd.bf16 v46, v59;
	v59 =	vor.u32 v1, v37;
	v44 =	vadd.bf16 v44, v63  }
0x32f: {  	v41 =	vadd.bf16 v41, v50;
	v61 =	vand.u32 $0xFFDF, v57;
	v62 =	vand.u32 $0x5F, v59  }
0x330: {  	s18 =	simm.s32 $0x15870;
	v45 =	vadd.bf16 v45, v58;
	v46 =	vadd.bf16 v46, v55;
	v57 =	vunpack.i.l.bf16.f32 v44  }
0x331: {  	v63 =	vand.u32 $0x5F, v60;
	v51 =	vor.u32 v38, v62;
	v44 =	vunpack.i.u.bf16.f32 v44;
	[tilespmem:s18+$0xFFFFFF10] =	vst v57  }
0x332: {  	v40 =	vadd.bf16 v41, v40;
	v52 =	vor.u32 v20, v63;
	v59 =	vunpack.i.l.bf16.f32 v46;
	[tilespmem:s18+$0xFFFFFF50] =	vst v44  }
0x333: {  	v60 =	vor.u32 v1, v19;
	v43 =	vadd.bf16 v45, v43;
	v46 =	vunpack.i.u.bf16.f32 v46;
	[tilespmem:s18+$0xFFFFFE90] =	vst v59  }
0x334: {  	v54 =	vor.u32 v1, v31;
	v62 =	vand.u32 $0x5F, v60;
	v60 =	vunpack.i.l.bf16.f32 v40;
	[tilespmem:s18+$0xFFFFFED0] =	vst v46;
	v45 =	vld.idx.msk [tilespmem:v61+s10+$0x0], $0xffff  }
0x335: {  	v58 =	vand.u32 $0x5F, v54;
	v41 =	vor.u32 v16, v62;
	[tilespmem:s18+$0xFFFFFF90] =	vst v60;
	v61 =	vunpack.i.l.bf16.f32 v43;
	v48 =	vld.idx.msk [tilespmem:v56+s10+$0x0], $0xffff  }
0x336: {  	s20 =	simm.s32 $0xCC;
	v44 =	vor.u32 v29, v58;
	v43 =	vunpack.i.u.bf16.f32 v43;
	v63 =	vld.idx.msk [tilespmem:v51+s10+$0x0], $0xffff;
	[tilespmem:s18+$0xFFFFFE10] =	vst v61  }
0x337: {  	v49 =	vmov s20;
	v50 =	vmul.bf16 v23, v13;
	[tilespmem:s18+$0xFFFFFE50] =	vst v43;
	v61 =	vunpack.i.u.bf16.f32 v40;
	v43 =	vld.idx.msk [tilespmem:v52+s10+$0x0], $0xffff  }
0x338: {  	v49 =	vand.u32 $0xFFFFFFFC, v49;
	v53 =	vor.u32 v2, v33;
	v33 =	vor.u32 v3, v33;
	v47 =	vld.idx.msk [tilespmem:v47+s10+$0x0], $0xffff;
	[tilespmem:s18+$0xFFFFFFD0] =	vst v61  }
0x339: {  	v54 =	vmul.bf16 v17, v9;
	v55 =	vor.u32 v2, v19;
	v60 =	vmul.bf16 v25, v9;
	v42 =	vld.idx.msk [tilespmem:v42+s10+$0x0], $0xffff  }
0x33a: {  	v19 =	vor.u32 v3, v19;
	v57 =	vmul.bf16 v22, v5;
	v58 =	vmul.bf16 v24, v13;
	v41 =	vld.idx.msk [tilespmem:v41+s10+$0x0], $0xffff  }
0x33b: {  	v62 =	vor.u32 v2, v39;
	v46 =	vmul.bf16 v34, v5;
	v59 =	vmul.bf16 v26, v5;
	v44 =	vld.idx.msk [tilespmem:v44+s10+$0x0], $0xffff  }
0x33c: {  	v56 =	vand.u32 $0xFFEF, v62;
	v62 =	vmul.bf16 v27, v9;
	v51 =	vmul.bf16 v18, v13  }
0x33d: {  	v52 =	vor.u32 v2, v35;
	v61 =	vor.u32 v2, v31;
	v45 =	vadd.bf16 v63, v45  }
0x33e: {  	v52 =	vand.u32 $0xFFEF, v52;
	v43 =	vadd.bf16 v43, v48;
	v48 =	vmul.bf16 v28, v5  }
0x33f: {  	v45 =	vadd.bf16 v45, v46;
	v46 =	vmul.bf16 v32, v9;
	v41 =	vadd.bf16 v41, v42  }
0x340: {  	v63 =	vor.u32 v2, v37;
	v44 =	vadd.bf16 v44, v47;
	v43 =	vadd.bf16 v43, v48  }
0x341: {  	v47 =	vor.u32 v2, v36;
	v45 =	vadd.bf16 v45, v46;
	v46 =	vmul.bf16 v30, v13  }
0x342: {  	v48 =	vand.u32 $0x6F, v63;
	v41 =	vadd.bf16 v41, v57;
	v44 =	vadd.bf16 v44, v59  }
0x343: {  	v42 =	vadd.bf16 v43, v62;
	v59 =	vor.u32 v2, v21;
	v45 =	vadd.bf16 v45, v46  }
0x344: {  	v46 =	vand.u32 $0xFFEF, v47;
	v47 =	vor.u32 v38, v48;
	v43 =	vand.u32 $0x6F, v59  }
0x345: {  	v41 =	vadd.bf16 v41, v54;
	v42 =	vadd.bf16 v42, v58;
	v62 =	vunpack.i.l.bf16.f32 v45  }
0x346: {  	v44 =	vadd.bf16 v44, v60;
	v43 =	vor.u32 v20, v43;
	v45 =	vunpack.i.u.bf16.f32 v45;
	[tilespmem:s18+$0xFFFFFF20] =	vst v62  }
0x347: {  	v41 =	vadd.bf16 v41, v51;
	[tilespmem:s18+$0xFFFFFF60] =	vst v45;
	v57 =	vunpack.i.u.bf16.f32 v42;
	v42 =	vunpack.i.l.bf16.f32 v42  }
0x348: {  	v63 =	vand.u32 $0x6F, v61;
	v61 =	vand.u32 $0x6F, v55;
	v58 =	vand.u32 $0xFFEF, v53;
	[tilespmem:s18+$0xFFFFFEA0] =	vst v42  }
0x349: {  	v44 =	vadd.bf16 v44, v50;
	[tilespmem:s18+$0xFFFFFEE0] =	vst v57;
	v62 =	vunpack.i.u.bf16.f32 v41;
	v41 =	vunpack.i.l.bf16.f32 v41;
	v45 =	vld.idx.msk [tilespmem:v46+s10+$0x0], $0xffff  }
0x34a: {  	v33 =	vand.u32 $0xFFFF, v33;
	v39 =	vor.u32 v3, v39;
	v51 =	vor.u32 v16, v61;
	v47 =	vld.idx.msk [tilespmem:v47+s10+$0x0], $0xffff;
	[tilespmem:s18+$0xFFFFFFA0] =	vst v41  }
0x34b: {  	s21 =	simm.s32 $0xCF;
	v46 =	vor.u32 v29, v63;
	v50 =	vunpack.i.u.bf16.f32 v44;
	v44 =	vunpack.i.l.bf16.f32 v44;
	v63 =	vld.idx.msk [tilespmem:v52+s10+$0x0], $0xffff;
	[tilespmem:s18+$0xFFFFFFE0] =	vst v62  }
0x34c: {  	v39 =	vand.u32 $0xFFFF, v39;
	v40 =	vmov s21;
	v35 =	vor.u32 v3, v35;
	[tilespmem:s18+$0xFFFFFE20] =	vst v44;
	v43 =	vld.idx.msk [tilespmem:v43+s10+$0x0], $0xffff  }
0x34d: {  	v31 =	vor.u32 v3, v31;
	v35 =	vand.u32 $0xFFFF, v35;
	v37 =	vor.u32 v3, v37;
	[tilespmem:s18+$0xFFFFFE60] =	vst v50;
	v42 =	vld.idx.msk [tilespmem:v58+s10+$0x0], $0xffff  }
0x34e: {  	v31 =	vand.u32 $0x7F, v31;
	v37 =	vand.u32 $0x7F, v37;
	v36 =	vor.u32 v3, v36;
	v55 =	vld.idx.msk [tilespmem:v56+s10+$0x0], $0xffff  }
0x34f: {  	v37 =	vor.u32 v38, v37;
	v36 =	vand.u32 $0xFFFF, v36;
	v21 =	vor.u32 v3, v21;
	v51 =	vld.idx.msk [tilespmem:v51+s10+$0x0], $0xffff  }
0x350: {  	v54 =	vmul.bf16 v22, v6;
	v60 =	vmul.bf16 v34, v6;
	v59 =	vadd.bf16 v47, v45;
	v46 =	vld.idx.msk [tilespmem:v46+s10+$0x0], $0xffff  }
0x351: {  	v48 =	vmul.bf16 v24, v14;
	v21 =	vand.u32 $0x7F, v21;
	v61 =	vmul.bf16 v32, v10  }
0x352: {  	v58 =	vmul.bf16 v28, v6;
	v43 =	vadd.bf16 v43, v63;
	v41 =	vadd.bf16 v59, v60  }
0x353: {  	v53 =	vmul.bf16 v18, v14;
	v20 =	vor.u32 v20, v21;
	v62 =	vmul.bf16 v27, v10  }
0x354: {  	v63 =	vmul.bf16 v30, v14;
	v43 =	vadd.bf16 v43, v58;
	v41 =	vadd.bf16 v41, v61  }
0x355: {  	v56 =	vmul.bf16 v26, v6;
	v42 =	vadd.bf16 v51, v42;
	v59 =	vadd.bf16 v46, v55  }
0x356: {  	v34 =	vmul.bf16 v34, v7;
	v43 =	vadd.bf16 v43, v62;
	v41 =	vadd.bf16 v41, v63  }
0x357: {  	v52 =	vmul.bf16 v17, v10;
	v60 =	vmul.bf16 v25, v10;
	v44 =	vadd.bf16 v59, v56  }
0x358: {  	v42 =	vadd.bf16 v42, v54;
	v48 =	vadd.bf16 v43, v48;
	v61 =	vunpack.i.l.bf16.f32 v41  }
0x359: {  	v47 =	vmul.bf16 v23, v14;
	v62 =	vld.idx.msk [tilespmem:v40+s29+$0x0], $0xffff;
	v41 =	vunpack.i.u.bf16.f32 v41;
	[tilespmem:s18+$0xFFFFFF30] =	vst v61;
	v38 =	vadd.bf16 v44, v60  }
0x35a: {  	v32 =	vmul.bf16 v32, v11;
	v21 =	vadd.bf16 v42, v52;
	v52 =	vld.idx.msk [tilespmem:v40+s8+$0x0], $0xffff;
	[tilespmem:s18+$0xFFFFFF70] =	vst v41;
	v41 =	vunpack.i.l.bf16.f32 v48  }
0x35b: {  	v29 =	vor.u32 v29, v31;
	v51 =	vunpack.i.u.bf16.f32 v48;
	v36 =	vld.idx.msk [tilespmem:v36+s10+$0x0], $0xffff;
	[tilespmem:s18+$0xFFFFFEB0] =	vst v41;
	v38 =	vadd.bf16 v38, v47  }
0x35c: {  	v19 =	vand.u32 $0x7F, v19;
	v28 =	vmul.bf16 v28, v7;
	v26 =	vmul.bf16 v26, v7;
	v37 =	vld.idx.msk [tilespmem:v37+s10+$0x0], $0xffff;
	[tilespmem:s18+$0xFFFFFEF0] =	vst v51  }
0x35d: {  	s20 =	simm.s32 $0xCD;
	v21 =	vadd.bf16 v21, v53;
	v35 =	vld.idx.msk [tilespmem:v35+s10+$0x0], $0xffff;
	v54 =	vunpack.i.u.bf16.f32 v38;
	v38 =	vunpack.i.l.bf16.f32 v38  }
0x35e: {  	v50 =	vmov s20;
	v30 =	vmul.bf16 v30, v15;
	v56 =	vor.u32 v16, v19;
	v57 =	vld.idx.msk [tilespmem:v20+s10+$0x0], $0xffff;
	[tilespmem:s18+$0xFFFFFE30] =	vst v38  }
0x35f: {  	v25 =	vmul.bf16 v25, v11;
	v63 =	vld.idx.msk [tilespmem:v40+s28+$0x0], $0xffff;
	v55 =	vunpack.i.u.bf16.f32 v21;
	v21 =	vunpack.i.l.bf16.f32 v21;
	[tilespmem:s18+$0xFFFFFE70] =	vst v54  }
0x360: {  	v19 =	vand.u32 $0xFFFFFFFD, v50;
	v60 =	vmul.bf16 v22, v7;
	v61 =	vmul.bf16 v27, v11;
	[tilespmem:s18+$0xFFFFFFB0] =	vst v21;
	v58 =	vld.idx.msk [tilespmem:v39+s10+$0x0], $0xffff  }
0x361: {  	s21 =	simm.s32 $0xCE;
	v40 =	vbroadcast v19, $0x0;
	v16 =	vpack.i.f32.bf16 v62, v62;
	[tilespmem:s18+$0xFFFFFFF0] =	vst v55;
	v20 =	vadd.bf16 v37, v36;
	v29 =	vld.idx.msk [tilespmem:v29+s10+$0x0], $0xffff  }
0x362: {  	v62 =	vmov s21;
	v19 =	vshll.u32 v52, $0x6;
	v41 =	vld.idx.msk [tilespmem:v33+s10+$0x0], $0xffff;
	v38 =	vbroadcast v49, $0x0  }
0x363: {  	v22 =	vadd.bf16 v57, v35;
	v34 =	vadd.bf16 v20, v34;
	v20 =	vmul.bf16 v18, v15;
	v18 =	vld.idx.msk [tilespmem:v56+s10+$0x0], $0xffff  }
0x364: {  	v59 =	vunpack.i.u.bf16.f32 v63;
	v45 =	vunpack.i.l.bf16.f32 v63;
	v21 =	vmul.bf16 v16, v12  }
0x365: {  	v33 =	vor.u32 v1, v19;
	v22 =	vadd.bf16 v22, v28;
	v32 =	vadd.bf16 v34, v32  }
0x366: {  	v39 =	vshra.s32 v52, $0x4;
	v28 =	vand.u32 $0xFFFFFFFE, v62;
	v29 =	vadd.bf16 v29, v58  }
0x367: {  	v37 =	vbroadcast v28, $0x0;
	v28 =	vadd.bf16 v22, v61;
	v27 =	vadd.bf16 v32, v30  }
0x368: {  	v22 =	vmul.bf16 v17, v11;
	v26 =	vadd.bf16 v29, v26;
	v18 =	vadd.bf16 v18, v41  }
0x369: {  	v29 =	vmul.bf16 v24, v15;
	v63 =	vunpack.i.u.bf16.f32 v27;
	v32 =	vunpack.i.l.bf16.f32 v27;
	v27 =	vld.idx.msk [tilespmem:v38+s8+$0x0], $0xffff  }
0x36a: {  	[tilespmem:s18+$0xFFFFFF80] =	vst v63;
	v24 =	vadd.bf16 v26, v25;
	v25 =	vmul.bf16 v23, v15;
	v26 =	vadd.bf16 v18, v60  }
0x36b: {  	s19 =	simm.s32 $0xD0;
	v17 =	vpack.i.f32.bf16 v59, v59;
	[tilespmem:s18+$0xFFFFFF40] =	vst v32;
	v18 =	vpack.i.f32.bf16 v45, v45;
	v23 =	vadd.bf16 v28, v29  }
.LBB2_6:
0x36c: {  	p0 =	slt.u32 s19, $0x18C;
	v28 =	vld.idx.msk [tilespmem:v40+s8+$0x0], $0xffff;
	v29 =	vor.u32 v0, v19;
	v24 =	vadd.bf16 v24, v25;
	v25 =	vadd.bf16 v26, v22  }
0x36d: {  	v22 =	vand.u32 $0xFFFFFF80, v39;
	v26 =	vunpack.i.u.bf16.f32 v23;
	v23 =	vunpack.i.l.bf16.f32 v23  }
0x36e: {  	v31 =	vld.idx.msk [tilespmem:v37+s8+$0x0], $0xffff;
	v30 =	vunpack.i.u.bf16.f32 v24;
	v24 =	vunpack.i.l.bf16.f32 v24;
	[tilespmem:s18+$0xFFFFFEC0] =	vst v23;
	v23 =	vadd.bf16 v25, v20  }
0x36f: {  	v35 =	vshll.u32 v27, $0x6;
	v20 =	vand.u32 $0xFFFFFFC0, v39;
	v25 =	vand.u32 $0xFFCF, v29;
	[tilespmem:s18+$0xFFFFFF00] =	vst v26  }
0x370: {  	v26 =	vor.u32 v0, v20;
	[tilespmem:s18+$0xFFFFFE40] =	vst v24;
	v24 =	vunpack.i.u.bf16.f32 v23;
	v23 =	vunpack.i.l.bf16.f32 v23  }
0x371: {  	v27 =	vshra.s32 v27, $0x4;
	v29 =	vor.u32 v0, v35;
	v26 =	vand.u32 $0x4F, v26;
	[tilespmem:s18+$0xFFFFFE80] =	vst v30  }
0x372: {  	v32 =	vand.u32 $0xFFFFFFC0, v27;
	v36 =	vshll.u32 v28, $0x6;
	v28 =	vshra.s32 v28, $0x4;
	[tilespmem:s18+$0xFFFFFFC0] =	vst v23  }
0x373: {  	v29 =	vand.u32 $0xFFCF, v29;
	v26 =	vor.u32 v22, v26;
	v34 =	vor.u32 v0, v36;
	v23 =	vld.idx.msk [tilespmem:v38+s29+$0x0], $0xffff;
	[tilespmem:s18+$0x0] =	vst v24  }
0x374: {  	v30 =	vand.u32 $0xFFFFFFC0, v28;
	v28 =	vand.u32 $0xFFFFFF80, v28;
	v41 =	vshra.s32 v31, $0x4;
	v24 =	vld.idx.msk [tilespmem:v38+s28+$0x0], $0xffff  }
0x375: {  	v34 =	vand.u32 $0xFFCF, v34;
	v38 =	vshll.u32 v31, $0x6;
	v39 =	vand.u32 $0xFFFFFFC0, v41;
	v42 =	vld.idx.msk [tilespmem:v40+s29+$0x0], $0xffff  }
0x376: {  	v31 =	vor.u32 v0, v30;
	v44 =	vor.u32 v0, v39;
	v43 =	vld.idx.msk [tilespmem:v40+s28+$0x0], $0xffff;
	v40 =	vor.u32 v0, v38  }
0x377: {  	v45 =	vand.u32 $0xFFCF, v40;
	v40 =	vand.u32 $0xFFFFFF80, v41;
	v41 =	vand.u32 $0x4F, v44;
	v44 =	vld.idx.msk [tilespmem:v25+s10+$0x0], $0xffff  }
0x378: {  	v25 =	vor.u32 v0, v32;
	v46 =	vld.idx.msk [tilespmem:v29+s10+$0x0], $0xffff;
	v29 =	vand.u32 $0x4F, v31;
	v41 =	vor.u32 v40, v41  }
0x379: {  	v31 =	vand.u32 $0xFFFFFF80, v27;
	v25 =	vand.u32 $0x4F, v25;
	v27 =	vor.u32 v28, v29;
	v47 =	vld.idx.msk [tilespmem:v26+s10+$0x0], $0xffff  }
0x37a: {  	v48 =	vand.u32 $0xFFDF, v33;
	v23 =	vpack.i.f32.bf16 v23, v23;
	v29 =	vor.u32 v31, v25;
	v34 =	vld.idx.msk [tilespmem:v34+s10+$0x0], $0xffff  }
0x37b: {  	v49 =	vmul.bf16 v18, v4;
	v50 =	vmul.bf16 v17, v8;
	v25 =	vunpack.i.u.bf16.f32 v24;
	v33 =	vld.idx.msk [tilespmem:v37+s28+$0x0], $0xffff  }
0x37c: {  	v53 =	vor.u32 v1, v35;
	v51 =	vunpack.i.l.bf16.f32 v24;
	v52 =	vmul.bf16 v23, v12;
	v45 =	vld.idx.msk [tilespmem:v45+s10+$0x0], $0xffff  }
0x37d: {  	v26 =	vpack.i.f32.bf16 v25, v25;
	v24 =	vpack.i.f32.bf16 v42, v42;
	v54 =	vunpack.i.u.bf16.f32 v43;
	v41 =	vld.idx.msk [tilespmem:v41+s10+$0x0], $0xffff  }
0x37e: {  	v25 =	vpack.i.f32.bf16 v51, v51;
	v42 =	vand.u32 $0xFFDF, v53;
	v43 =	vunpack.i.l.bf16.f32 v43;
	v51 =	vld.idx.msk [tilespmem:v27+s10+$0x0], $0xffff  }
0x37f: {  	v55 =	vor.u32 v1, v32;
	v57 =	vor.u32 v1, v36;
	v56 =	vmul.bf16 v24, v12;
	v53 =	vld.idx.msk [tilespmem:v29+s10+$0x0], $0xffff  }
0x380: {  	v58 =	vmul.bf16 v25, v4;
	v59 =	vmul.bf16 v26, v8;
	v27 =	vpack.i.f32.bf16 v54, v54;
	v54 =	vld.idx.msk [tilespmem:v37+s29+$0x0], $0xffff  }
0x381: {  	v29 =	vpack.i.f32.bf16 v43, v43;
	v43 =	vand.u32 $0xFFDF, v57;
	v37 =	vunpack.i.l.bf16.f32 v33  }
0x382: {  	v60 =	vor.u32 v1, v30;
	v57 =	vmul.bf16 v27, v8;
	v37 =	vpack.i.f32.bf16 v37, v37  }
0x383: {  	v33 =	vunpack.i.u.bf16.f32 v33;
	v41 =	vadd.bf16 v41, v45;
	v45 =	vmul.bf16 v37, v4  }
0x384: {  	v33 =	vpack.i.f32.bf16 v33, v33;
	v34 =	vadd.bf16 v51, v34;
	v51 =	vmul.bf16 v29, v4  }
0x385: {  	v46 =	vadd.bf16 v53, v46;
	v41 =	vadd.bf16 v41, v45;
	v45 =	vmul.bf16 v33, v8  }
0x386: {  	v44 =	vadd.bf16 v47, v44;
	v51 =	vadd.bf16 v34, v51;
	v34 =	vpack.i.f32.bf16 v54, v54  }
0x387: {  	v46 =	vadd.bf16 v46, v58;
	v41 =	vadd.bf16 v41, v45;
	v45 =	vmul.bf16 v34, v12  }
0x388: {  	v53 =	vor.u32 v1, v39;
	v47 =	vadd.bf16 v51, v57;
	v51 =	vor.u32 v1, v38  }
0x389: {  	v41 =	vadd.bf16 v41, v45;
	v45 =	vand.u32 $0xFFDF, v51;
	v51 =	vand.u32 $0x5F, v53  }
0x38a: {  	v44 =	vadd.bf16 v44, v49;
	v53 =	vand.u32 $0x5F, v60;
	v51 =	vor.u32 v40, v51  }
0x38b: {  	s18 =	sadd.s32 $0x200, s18;
	v46 =	vadd.bf16 v46, v59;
	v47 =	vadd.bf16 v47, v56;
	v49 =	vunpack.i.l.bf16.f32 v41  }
0x38c: {  	v54 =	vand.u32 $0x5F, v55;
	v53 =	vor.u32 v28, v53;
	v41 =	vunpack.i.u.bf16.f32 v41;
	[tilespmem:s18+$0xFFFFFF10] =	vst v49  }
0x38d: {  	v46 =	vadd.bf16 v46, v52;
	v49 =	vunpack.i.l.bf16.f32 v47;
	[tilespmem:s18+$0xFFFFFF50] =	vst v41;
	v41 =	vadd.bf16 v44, v50  }
0x38e: {  	v47 =	vunpack.i.u.bf16.f32 v47;
	v44 =	vor.u32 v31, v54;
	[tilespmem:s18+$0xFFFFFE90] =	vst v49;
	v45 =	vld.idx.msk [tilespmem:v45+s10+$0x0], $0xffff;
	v49 =	vor.u32 v1, v20  }
0x38f: {  	v50 =	vunpack.i.l.bf16.f32 v46;
	[tilespmem:s18+$0xFFFFFED0] =	vst v47;
	v47 =	vld.idx.msk [tilespmem:v51+s10+$0x0], $0xffff;
	v21 =	vadd.bf16 v41, v21;
	v41 =	vand.u32 $0x5F, v49  }
0x390: {  	v46 =	vunpack.i.u.bf16.f32 v46;
	v49 =	vmov s19;
	[tilespmem:s18+$0xFFFFFE10] =	vst v50;
	v43 =	vld.idx.msk [tilespmem:v43+s10+$0x0], $0xffff;
	v41 =	vor.u32 v22, v41  }
0x391: {  	v52 =	vor.u32 v2, v19;
	v51 =	vmul.bf16 v16, v13;
	[tilespmem:s18+$0xFFFFFE50] =	vst v46;
	v46 =	vld.idx.msk [tilespmem:v53+s10+$0x0], $0xffff;
	v50 =	vunpack.i.l.bf16.f32 v21  }
0x392: {  	s20 =	sadd.s32 $0x3, s19;
	v54 =	vor.u32 v2, v20;
	v53 =	vunpack.i.u.bf16.f32 v21;
	v42 =	vld.idx.msk [tilespmem:v42+s10+$0x0], $0xffff;
	[tilespmem:s18+$0xFFFFFF90] =	vst v50;
	v50 =	vmul.bf16 v17, v9  }
0x393: {  	v55 =	vor.u32 v2, v35;
	v21 =	vmov s20;
	v44 =	vld.idx.msk [tilespmem:v44+s10+$0x0], $0xffff;
	[tilespmem:s18+$0xFFFFFFD0] =	vst v53;
	v53 =	vmul.bf16 v18, v5  }
0x394: {  	v55 =	vand.u32 $0xFFEF, v55;
	v57 =	vmul.bf16 v24, v13;
	v56 =	vmul.bf16 v23, v13;
	v48 =	vld.idx.msk [tilespmem:v48+s10+$0x0], $0xffff  }
0x395: {  	v58 =	vor.u32 v2, v36;
	v45 =	vadd.bf16 v47, v45;
	v47 =	vmul.bf16 v37, v5;
	v41 =	vld.idx.msk [tilespmem:v41+s10+$0x0], $0xffff  }
0x396: {  	v61 =	vor.u32 v2, v32;
	v59 =	vmul.bf16 v25, v5;
	v60 =	vmul.bf16 v26, v9  }
0x397: {  	v43 =	vadd.bf16 v46, v43;
	v45 =	vadd.bf16 v45, v47;
	v46 =	vmul.bf16 v33, v9  }
0x398: {  	v62 =	vmul.bf16 v27, v9;
	v58 =	vand.u32 $0xFFEF, v58;
	v47 =	vmul.bf16 v29, v5  }
0x399: {  	v42 =	vadd.bf16 v44, v42;
	v44 =	vadd.bf16 v45, v46;
	v45 =	vmul.bf16 v34, v13  }
0x39a: {  	v43 =	vadd.bf16 v43, v47;
	v46 =	vor.u32 v2, v38;
	v47 =	vor.u32 v2, v39  }
0x39b: {  	v44 =	vadd.bf16 v44, v45;
	v45 =	vand.u32 $0xFFEF, v46;
	v46 =	vand.u32 $0x6F, v47  }
0x39c: {  	v42 =	vadd.bf16 v42, v59;
	v41 =	vadd.bf16 v41, v48;
	v46 =	vor.u32 v40, v46  }
0x39d: {  	v43 =	vadd.bf16 v43, v62;
	v47 =	vor.u32 v2, v30;
	v48 =	vunpack.i.l.bf16.f32 v44  }
0x39e: {  	v42 =	vadd.bf16 v42, v60;
	v44 =	vunpack.i.u.bf16.f32 v44;
	v41 =	vadd.bf16 v41, v53;
	[tilespmem:s18+$0xFFFFFF20] =	vst v48  }
0x39f: {  	v47 =	vand.u32 $0x6F, v47;
	v43 =	vadd.bf16 v43, v57;
	v48 =	vand.u32 $0x6F, v61;
	[tilespmem:s18+$0xFFFFFF60] =	vst v44  }
0x3a0: {  	v42 =	vadd.bf16 v42, v56;
	v41 =	vadd.bf16 v41, v50;
	v44 =	vor.u32 v28, v47;
	v45 =	vld.idx.msk [tilespmem:v45+s10+$0x0], $0xffff  }
0x3a1: {  	v47 =	vor.u32 v31, v48;
	v48 =	vunpack.i.u.bf16.f32 v43;
	v43 =	vunpack.i.l.bf16.f32 v43;
	v46 =	vld.idx.msk [tilespmem:v46+s10+$0x0], $0xffff  }
0x3a2: {  	v50 =	vunpack.i.u.bf16.f32 v42;
	v42 =	vunpack.i.l.bf16.f32 v42;
	v41 =	vadd.bf16 v41, v51;
	[tilespmem:s18+$0xFFFFFEA0] =	vst v43  }
0x3a3: {  	v51 =	vmul.bf16 v16, v14;
	v43 =	vand.u32 $0xFFEF, v52;
	[tilespmem:s18+$0xFFFFFEE0] =	vst v48;
	v48 =	vand.u32 $0x6F, v54  }
0x3a4: {  	v52 =	vunpack.i.u.bf16.f32 v41;
	v41 =	vunpack.i.l.bf16.f32 v41;
	[tilespmem:s18+$0xFFFFFE20] =	vst v42;
	v42 =	vld.idx.msk [tilespmem:v58+s10+$0x0], $0xffff;
	v48 =	vor.u32 v22, v48  }
0x3a5: {  	v19 =	vor.u32 v3, v19;
	v49 =	vand.u32 $0xFFFFFFFC, v49;
	s20 =	sadd.s32 $0x1, s19;
	[tilespmem:s18+$0xFFFFFE60] =	vst v50;
	v44 =	vld.idx.msk [tilespmem:v44+s10+$0x0], $0xffff;
	v50 =	vmul.bf16 v17, v10  }
0x3a6: {  	v35 =	vor.u32 v3, v35;
	v53 =	vmov s20;
	v54 =	vld.idx.msk [tilespmem:v55+s10+$0x0], $0xffff;
	[tilespmem:s18+$0xFFFFFFA0] =	vst v41;
	v41 =	vmul.bf16 v18, v6  }
0x3a7: {  	v45 =	vadd.bf16 v46, v45;
	v46 =	vmul.bf16 v37, v6;
	v47 =	vld.idx.msk [tilespmem:v47+s10+$0x0], $0xffff;
	[tilespmem:s18+$0xFFFFFFE0] =	vst v52;
	v52 =	vand.u32 $0xFFFF, v19  }
0x3a8: {  	v35 =	vand.u32 $0xFFFF, v35;
	v55 =	vmul.bf16 v24, v14;
	v19 =	vmul.bf16 v23, v14;
	v43 =	vld.idx.msk [tilespmem:v43+s10+$0x0], $0xffff  }
0x3a9: {  	v36 =	vor.u32 v3, v36;
	v45 =	vadd.bf16 v45, v46;
	v46 =	vmul.bf16 v33, v10;
	v48 =	vld.idx.msk [tilespmem:v48+s10+$0x0], $0xffff  }
0x3aa: {  	v32 =	vor.u32 v3, v32;
	v57 =	vmul.bf16 v27, v10;
	v56 =	vmul.bf16 v25, v6  }
0x3ab: {  	v42 =	vadd.bf16 v44, v42;
	v44 =	vadd.bf16 v45, v46;
	v45 =	vmul.bf16 v34, v14  }
0x3ac: {  	v38 =	vor.u32 v3, v38;
	v39 =	vor.u32 v3, v39;
	v46 =	vmul.bf16 v29, v6  }
0x3ad: {  	v38 =	vand.u32 $0xFFFF, v38;
	v39 =	vand.u32 $0x7F, v39;
	v44 =	vadd.bf16 v44, v45  }
0x3ae: {  	v39 =	vor.u32 v40, v39;
	v45 =	vadd.bf16 v47, v54;
	v42 =	vadd.bf16 v42, v46  }
0x3af: {  	v40 =	vmul.bf16 v26, v10;
	v46 =	vunpack.i.l.bf16.f32 v44;
	v43 =	vadd.bf16 v48, v43  }
0x3b0: {  	v45 =	vadd.bf16 v45, v56;
	v42 =	vadd.bf16 v42, v57;
	v44 =	vunpack.i.u.bf16.f32 v44;
	v47 =	vld.idx.msk [tilespmem:v21+s29+$0x0], $0xffff;
	[tilespmem:s18+$0xFFFFFF30] =	vst v46  }
0x3b1: {  	v36 =	vand.u32 $0xFFFF, v36;
	v30 =	vor.u32 v3, v30;
	v41 =	vadd.bf16 v43, v41;
	v46 =	vld.idx.msk [tilespmem:v21+s28+$0x0], $0xffff;
	[tilespmem:s18+$0xFFFFFF70] =	vst v44  }
0x3b2: {  	v30 =	vand.u32 $0x7F, v30;
	v40 =	vadd.bf16 v45, v40;
	v42 =	vadd.bf16 v42, v55;
	v43 =	vld.idx.msk [tilespmem:v38+s10+$0x0], $0xffff  }
0x3b3: {  	v32 =	vand.u32 $0x7F, v32;
	v28 =	vor.u32 v28, v30;
	v38 =	vadd.bf16 v41, v50;
	v30 =	vld.idx.msk [tilespmem:v39+s10+$0x0], $0xffff  }
0x3b4: {  	v19 =	vadd.bf16 v40, v19;
	v40 =	vunpack.i.l.bf16.f32 v42;
	v39 =	vunpack.i.u.bf16.f32 v42;
	v21 =	vld.idx.msk [tilespmem:v21+s8+$0x0], $0xffff  }
0x3b5: {  	v20 =	vor.u32 v3, v20;
	v31 =	vor.u32 v31, v32;
	v32 =	vadd.bf16 v38, v51;
	[tilespmem:s18+$0xFFFFFEB0] =	vst v40  }
0x3b6: {  	v20 =	vand.u32 $0x7F, v20;
	v40 =	vunpack.i.u.bf16.f32 v19;
	v19 =	vunpack.i.l.bf16.f32 v19;
	[tilespmem:s18+$0xFFFFFEF0] =	vst v39  }
0x3b7: {  	v20 =	vor.u32 v22, v20;
	v39 =	vunpack.i.u.bf16.f32 v32;
	[tilespmem:s18+$0xFFFFFE30] =	vst v19;
	v36 =	vld.idx.msk [tilespmem:v36+s10+$0x0], $0xffff;
	v19 =	vunpack.i.l.bf16.f32 v32  }
0x3b8: {  	v22 =	vand.u32 $0xFFFFFFFD, v53;
	v38 =	vbroadcast v49, $0x0;
	v32 =	vpack.i.f32.bf16 v47, v47;
	[tilespmem:s18+$0xFFFFFE70] =	vst v40;
	v28 =	vld.idx.msk [tilespmem:v28+s10+$0x0], $0xffff  }
0x3b9: {  	v40 =	vbroadcast v22, $0x0;
	v30 =	vadd.bf16 v30, v43;
	v22 =	vld.idx.msk [tilespmem:v35+s10+$0x0], $0xffff;
	v35 =	vmul.bf16 v37, v7;
	[tilespmem:s18+$0xFFFFFFB0] =	vst v19  }
0x3ba: {  	v41 =	vunpack.i.u.bf16.f32 v46;
	v42 =	vunpack.i.l.bf16.f32 v46;
	v19 =	vshll.u32 v21, $0x6;
	v31 =	vld.idx.msk [tilespmem:v31+s10+$0x0], $0xffff;
	[tilespmem:s18+$0xFFFFFFF0] =	vst v39  }
0x3bb: {  	v39 =	vshra.s32 v21, $0x4;
	v30 =	vadd.bf16 v30, v35;
	v35 =	vmul.bf16 v33, v11;
	v43 =	vld.idx.msk [tilespmem:v52+s10+$0x0], $0xffff  }
0x3bc: {  	v21 =	vmul.bf16 v32, v12;
	v33 =	vor.u32 v1, v19;
	v44 =	vld.idx.msk [tilespmem:v20+s10+$0x0], $0xffff;
	v20 =	vmul.bf16 v16, v15  }
0x3bd: {  	v18 =	vmul.bf16 v18, v7;
	v34 =	vmul.bf16 v34, v15;
	v16 =	vmovc v32;
	v30 =	vadd.bf16 v30, v35  }
0x3be: {  	v26 =	vmul.bf16 v26, v11;
	v29 =	vmul.bf16 v29, v7;
	v28 =	vadd.bf16 v28, v36  }
0x3bf: {  	s20 =	sadd.s32 $0x2, s19;
	v25 =	vmul.bf16 v25, v7;
	v32 =	vmul.bf16 v27, v11;
	v27 =	vadd.bf16 v30, v34  }
0x3c0: {  	v30 =	vmov s20;
	v22 =	vadd.bf16 v31, v22;
	v28 =	vadd.bf16 v28, v29  }
.Ltmp6:
0x3c1: {  	v29 =	vand.u32 $0xFFFFFFFE, v30;
	v30 =	vunpack.i.u.bf16.f32 v27;
	v31 =	vunpack.i.l.bf16.f32 v27;
	(pc) =	sbr.rel @p0 .LBB2_6-.Ltmp6, $4  }
0x3c2: {  	v37 =	vbroadcast v29, $0x0;
	v25 =	vadd.bf16 v22, v25;
	v29 =	vadd.bf16 v44, v43;
	v27 =	vld.idx.msk [tilespmem:v38+s8+$0x0], $0xffff;
	[tilespmem:s18+$0xFFFFFF80] =	vst v30  }
0x3c3: {  	v28 =	vadd.bf16 v28, v32;
	v22 =	vmul.bf16 v17, v11;
	v30 =	vmul.bf16 v24, v15;
	[tilespmem:s18+$0xFFFFFF40] =	vst v31  }
0x3c4: {  	v24 =	vadd.bf16 v25, v26;
	v25 =	vmul.bf16 v23, v15;
	v26 =	vadd.bf16 v29, v18  }
0x3c5: {  	s19 =	sadd.s32 $0x4, s19;
	v17 =	vpack.i.f32.bf16 v41, v41;
	v18 =	vpack.i.f32.bf16 v42, v42;
	v23 =	vadd.bf16 v28, v30  }
0x3c6: {  	_ =	sdelay $0x3  }
0x3c7: {  	v29 =	vld.idx.msk [tilespmem:v40+s8+$0x0], $0xffff  }
0x3c8: {  	v30 =	vld.idx.msk [tilespmem:v37+s8+$0x0], $0xffff  }
0x3c9: {  	v54 =	vshra.s32 v27, $0x4  }
0x3ca: {  	v28 =	vand.u32 $0xFFFFFFC0, v39;
	v47 =	vshll.u32 v27, $0x6;
	v31 =	vand.u32 $0xFFFFFFC0, v54  }
0x3cb: {  	v61 =	vor.u32 v0, v19;
	v32 =	vor.u32 v0, v47;
	v58 =	vor.u32 v0, v31  }
0x3cc: {  	v32 =	vand.u32 $0xFFCF, v32;
	v59 =	vand.u32 $0x4F, v58;
	v41 =	vshll.u32 v29, $0x6  }
0x3cd: {  	v44 =	vld.idx.msk [tilespmem:v38+s29+$0x0], $0xffff;
	v29 =	vshra.s32 v29, $0x4;
	v55 =	vshra.s32 v30, $0x4;
	v42 =	vshll.u32 v30, $0x6  }
0x3ce: {  	v30 =	vld.idx.msk [tilespmem:v38+s28+$0x0], $0xffff;
	v38 =	vand.u32 $0xFFFFFF80, v54;
	v35 =	vor.u32 v0, v41;
	v36 =	vand.u32 $0xFFFFFFC0, v29  }
0x3cf: {  	v43 =	vand.u32 $0xFFFFFFC0, v55;
	v45 =	vor.u32 v0, v42;
	v52 =	vor.u32 v38, v59  }
0x3d0: {  	v49 =	vld.idx.msk [tilespmem:v40+s29+$0x0], $0xffff;
	v46 =	vand.u32 $0xFFFFFF80, v55;
	v35 =	vand.u32 $0xFFCF, v35;
	v48 =	vor.u32 v0, v43  }
0x3d1: {  	v40 =	vld.idx.msk [tilespmem:v40+s28+$0x0], $0xffff;
	v56 =	vor.u32 v0, v36;
	v45 =	vand.u32 $0xFFCF, v45;
	v57 =	vand.u32 $0x4F, v48  }
0x3d2: {  	v34 =	vand.u32 $0xFFFFFF80, v29;
	v50 =	vand.u32 $0x4F, v56;
	v51 =	vld.idx.msk [tilespmem:v32+s10+$0x0], $0xffff;
	v29 =	vor.u32 v46, v57  }
0x3d3: {  	v62 =	vor.u32 v0, v28;
	v27 =	vpack.i.f32.bf16 v44, v44;
	v48 =	vld.idx.msk [tilespmem:v37+s28+$0x0], $0xffff;
	v60 =	vor.u32 v34, v50  }
0x3d4: {  	v63 =	vand.u32 $0x4F, v62;
	v54 =	vmul.bf16 v18, v4;
	v58 =	vmul.bf16 v27, v12;
	v52 =	vld.idx.msk [tilespmem:v52+s10+$0x0], $0xffff  }
0x3d5: {  	v44 =	vunpack.i.u.bf16.f32 v30;
	v53 =	vld.idx.msk [tilespmem:v35+s10+$0x0], $0xffff;
	v35 =	vand.u32 $0xFFFFFF80, v39;
	v39 =	vand.u32 $0xFFCF, v61  }
0x3d6: {  	v56 =	vmul.bf16 v17, v8;
	v57 =	vunpack.i.l.bf16.f32 v30;
	v30 =	vpack.i.f32.bf16 v44, v44;
	v45 =	vld.idx.msk [tilespmem:v45+s10+$0x0], $0xffff  }
0x3d7: {  	v32 =	vpack.i.f32.bf16 v57, v57;
	v57 =	vor.u32 v1, v31;
	v50 =	vor.u32 v35, v63;
	v55 =	vld.idx.msk [tilespmem:v29+s10+$0x0], $0xffff  }
0x3d8: {  	v61 =	vunpack.i.u.bf16.f32 v40;
	v44 =	vunpack.i.l.bf16.f32 v48;
	v59 =	vld.idx.msk [tilespmem:v60+s10+$0x0], $0xffff;
	v60 =	vor.u32 v1, v47  }
0x3d9: {  	v63 =	vld.idx.msk [tilespmem:v37+s29+$0x0], $0xffff;
	v29 =	vpack.i.f32.bf16 v49, v49;
	v44 =	vpack.i.f32.bf16 v44, v44;
	v49 =	vand.u32 $0xFFDF, v60  }
0x3da: {  	v51 =	vadd.bf16 v52, v51;
	v52 =	vmul.bf16 v32, v4;
	v62 =	vld.idx.msk [tilespmem:v39+s10+$0x0], $0xffff;
	v39 =	vunpack.i.l.bf16.f32 v40  }
0x3db: {  	v60 =	vmul.bf16 v29, v12;
	v40 =	vunpack.i.u.bf16.f32 v48;
	v37 =	vpack.i.f32.bf16 v39, v39  }
0x3dc: {  	v50 =	vld.idx.msk [tilespmem:v50+s10+$0x0], $0xffff;
	v39 =	vpack.i.f32.bf16 v61, v61;
	v61 =	vor.u32 v1, v41;
	v51 =	vadd.bf16 v51, v52  }
0x3dd: {  	v52 =	vmul.bf16 v30, v8;
	v48 =	vadd.bf16 v55, v45;
	v55 =	vmul.bf16 v44, v4  }
0x3de: {  	v53 =	vadd.bf16 v59, v53;
	v59 =	vmul.bf16 v37, v4;
	v45 =	vpack.i.f32.bf16 v40, v40  }
0x3df: {  	v40 =	vpack.i.f32.bf16 v63, v63;
	v48 =	vadd.bf16 v48, v55;
	v55 =	vmul.bf16 v45, v8  }
0x3e0: {  	v63 =	vor.u32 v1, v36;
	v53 =	vadd.bf16 v53, v59;
	v59 =	vmul.bf16 v39, v8  }
0x3e1: {  	v50 =	vadd.bf16 v50, v62;
	v48 =	vadd.bf16 v48, v55;
	v62 =	vmul.bf16 v40, v12  }
0x3e2: {  	v61 =	vand.u32 $0xFFDF, v61;
	v51 =	vadd.bf16 v51, v52;
	v52 =	vand.u32 $0x5F, v63  }
0x3e3: {  	v53 =	vadd.bf16 v53, v59;
	v59 =	vor.u32 v1, v42;
	v48 =	vadd.bf16 v48, v62  }
0x3e4: {  	v52 =	vor.u32 v34, v52;
	v55 =	vor.u32 v1, v43;
	v59 =	vand.u32 $0xFFDF, v59  }
0x3e5: {  	s19 =	sadd.s32 $0x200, s18;
	v55 =	vand.u32 $0x5F, v55;
	v53 =	vadd.bf16 v53, v60;
	v60 =	vunpack.i.l.bf16.f32 v48  }
0x3e6: {  	v55 =	vor.u32 v46, v55;
	v50 =	vadd.bf16 v50, v54;
	v48 =	vunpack.i.u.bf16.f32 v48;
	[tilespmem:s19+$0xFFFFFF10] =	vst v60  }
0x3e7: {  	v51 =	vadd.bf16 v51, v58;
	v62 =	vand.u32 $0x5F, v57;
	v63 =	vunpack.i.l.bf16.f32 v53;
	[tilespmem:s19+$0xFFFFFF50] =	vst v48  }
0x3e8: {  	v53 =	vunpack.i.u.bf16.f32 v53;
	v48 =	vadd.bf16 v50, v56;
	v50 =	vor.u32 v38, v62;
	[tilespmem:s19+$0xFFFFFE90] =	vst v63  }
0x3e9: {  	v60 =	vor.u32 v1, v28;
	v62 =	vunpack.i.l.bf16.f32 v51;
	[tilespmem:s19+$0xFFFFFED0] =	vst v53;
	v51 =	vunpack.i.u.bf16.f32 v51;
	v54 =	vld.idx.msk [tilespmem:v59+s10+$0x0], $0xffff  }
0x3ea: {  	v33 =	vand.u32 $0xFFDF, v33;
	v60 =	vand.u32 $0x5F, v60;
	[tilespmem:s19+$0xFFFFFE50] =	vst v51;
	v51 =	vld.idx.msk [tilespmem:v52+s10+$0x0], $0xffff;
	v21 =	vadd.bf16 v48, v21  }
0x3eb: {  	v63 =	vld.idx.msk [tilespmem:v55+s10+$0x0], $0xffff;
	v48 =	vor.u32 v35, v60  }
0x3ec: {  	v58 =	vmul.bf16 v18, v5;
	v57 =	vor.u32 v2, v19;
	[tilespmem:s19+$0xFFFFFE10] =	vst v62;
	v55 =	vld.idx.msk [tilespmem:v61+s10+$0x0], $0xffff;
	v61 =	vunpack.i.l.bf16.f32 v21  }
0x3ed: {  	v56 =	vmul.bf16 v16, v13;
	v53 =	vmul.bf16 v44, v5;
	v49 =	vld.idx.msk [tilespmem:v49+s10+$0x0], $0xffff;
	v21 =	vunpack.i.u.bf16.f32 v21;
	[tilespmem:s19+$0xFFFFFF90] =	vst v61  }
0x3ee: {  	v52 =	vmul.bf16 v17, v9;
	v59 =	vmul.bf16 v27, v13;
	v50 =	vld.idx.msk [tilespmem:v50+s10+$0x0], $0xffff;
	[tilespmem:s19+$0xFFFFFFD0] =	vst v21  }
0x3ef: {  	v19 =	vor.u32 v3, v19;
	v62 =	vmul.bf16 v37, v5;
	v60 =	vmul.bf16 v29, v13;
	v33 =	vld.idx.msk [tilespmem:v33+s10+$0x0], $0xffff  }
0x3f0: {  	v61 =	vmul.bf16 v32, v5;
	v21 =	vadd.bf16 v63, v54;
	v54 =	vor.u32 v2, v47;
	v48 =	vld.idx.msk [tilespmem:v48+s10+$0x0], $0xffff  }
0x3f1: {  	v51 =	vadd.bf16 v51, v55;
	v63 =	vmul.bf16 v40, v13;
	v55 =	vmul.bf16 v30, v9  }
0x3f2: {  	v54 =	vand.u32 $0xFFEF, v54;
	v21 =	vadd.bf16 v21, v53;
	v53 =	vmul.bf16 v45, v9  }
0x3f3: {  	v51 =	vadd.bf16 v51, v62;
	v62 =	vor.u32 v2, v36;
	v49 =	vadd.bf16 v50, v49  }
0x3f4: {  	v50 =	vmul.bf16 v39, v9;
	v21 =	vadd.bf16 v21, v53;
	v53 =	vor.u32 v2, v41  }
0x3f5: {  	v49 =	vadd.bf16 v49, v61;
	v61 =	vor.u32 v2, v42;
	v33 =	vadd.bf16 v48, v33  }
0x3f6: {  	v48 =	vor.u32 v2, v43;
	v53 =	vand.u32 $0xFFEF, v53;
	v50 =	vadd.bf16 v51, v50  }
0x3f7: {  	v51 =	vand.u32 $0x6F, v62;
	v21 =	vadd.bf16 v21, v63;
	v48 =	vand.u32 $0x6F, v48  }
0x3f8: {  	v62 =	vor.u32 v2, v31;
	v61 =	vand.u32 $0xFFEF, v61;
	v48 =	vor.u32 v46, v48  }
0x3f9: {  	v49 =	vadd.bf16 v49, v55;
	v50 =	vadd.bf16 v50, v60;
	v63 =	vunpack.i.l.bf16.f32 v21  }
0x3fa: {  	v33 =	vadd.bf16 v33, v58;
	v60 =	vor.u32 v2, v28;
	v21 =	vunpack.i.u.bf16.f32 v21;
	[tilespmem:s19+$0xFFFFFF20] =	vst v63  }
0x3fb: {  	v55 =	vand.u32 $0x6F, v62;
	[tilespmem:s19+$0xFFFFFF60] =	vst v21;
	v49 =	vadd.bf16 v49, v59;
	v63 =	vunpack.i.l.bf16.f32 v50  }
0x3fc: {  	v21 =	vor.u32 v34, v51;
	v33 =	vadd.bf16 v33, v52;
	v50 =	vunpack.i.u.bf16.f32 v50;
	[tilespmem:s19+$0xFFFFFEA0] =	vst v63  }
0x3fd: {  	v62 =	vand.u32 $0x6F, v60;
	v52 =	vor.u32 v38, v55;
	[tilespmem:s19+$0xFFFFFEE0] =	vst v50;
	v51 =	vld.idx.msk [tilespmem:v61+s10+$0x0], $0xffff;
	v61 =	vunpack.i.l.bf16.f32 v49  }
0x3fe: {  	v50 =	vand.u32 $0xFFEF, v57;
	v33 =	vadd.bf16 v33, v56;
	v49 =	vunpack.i.u.bf16.f32 v49;
	v53 =	vld.idx.msk [tilespmem:v53+s10+$0x0], $0xffff;
	[tilespmem:s19+$0xFFFFFE20] =	vst v61  }
0x3ff: {  	v19 =	vand.u32 $0xFFFF, v19;
	v47 =	vor.u32 v3, v47;
	v56 =	vor.u32 v35, v62;
	v48 =	vld.idx.msk [tilespmem:v48+s10+$0x0], $0xffff;
	[tilespmem:s19+$0xFFFFFE60] =	vst v49  }
0x400: {  	v36 =	vor.u32 v3, v36;
	v63 =	vunpack.i.u.bf16.f32 v33;
	v33 =	vunpack.i.l.bf16.f32 v33;
	v54 =	vld.idx.msk [tilespmem:v54+s10+$0x0], $0xffff  }
0x401: {  	v47 =	vand.u32 $0xFFFF, v47;
	v36 =	vand.u32 $0x7F, v36;
	v41 =	vor.u32 v3, v41;
	v21 =	vld.idx.msk [tilespmem:v21+s10+$0x0], $0xffff;
	[tilespmem:s19+$0xFFFFFFA0] =	vst v33  }
0x402: {  	v42 =	vor.u32 v3, v42;
	v43 =	vor.u32 v3, v43;
	v41 =	vand.u32 $0xFFFF, v41;
	v52 =	vld.idx.msk [tilespmem:v52+s10+$0x0], $0xffff;
	[tilespmem:s19+$0xFFFFFFE0] =	vst v63  }
0x403: {  	v31 =	vor.u32 v3, v31;
	v42 =	vand.u32 $0xFFFF, v42;
	v43 =	vand.u32 $0x7F, v43;
	v50 =	vld.idx.msk [tilespmem:v50+s10+$0x0], $0xffff  }
0x404: {  	v31 =	vand.u32 $0x7F, v31;
	v61 =	vmul.bf16 v44, v6;
	v56 =	vld.idx.msk [tilespmem:v56+s10+$0x0], $0xffff;
	v60 =	vadd.bf16 v48, v51  }
0x405: {  	v58 =	vmul.bf16 v29, v14;
	v43 =	vor.u32 v46, v43;
	v63 =	vmul.bf16 v37, v6  }
0x406: {  	v48 =	vmul.bf16 v45, v10;
	v33 =	vadd.bf16 v60, v61;
	v21 =	vadd.bf16 v21, v53  }
0x407: {  	v59 =	vmul.bf16 v32, v6;
	v62 =	vmul.bf16 v40, v14;
	v61 =	vadd.bf16 v52, v54  }
0x408: {  	v60 =	vmul.bf16 v39, v10;
	v33 =	vadd.bf16 v33, v48;
	v21 =	vadd.bf16 v21, v63  }
0x409: {  	v51 =	vmul.bf16 v18, v6;
	v50 =	vadd.bf16 v56, v50;
	v48 =	vadd.bf16 v61, v59  }
0x40a: {  	v33 =	vadd.bf16 v33, v62;
	v62 =	vmul.bf16 v30, v10;
	v21 =	vadd.bf16 v21, v60  }
0x40b: {  	v57 =	vmul.bf16 v27, v14;
	v49 =	vmul.bf16 v17, v10;
	v50 =	vadd.bf16 v50, v51  }
0x40c: {  	v63 =	vunpack.i.l.bf16.f32 v33;
	v46 =	vadd.bf16 v48, v62;
	v21 =	vadd.bf16 v21, v58  }
0x40d: {  	v55 =	vmul.bf16 v16, v14;
	v34 =	vor.u32 v34, v36;
	v33 =	vunpack.i.u.bf16.f32 v33;
	[tilespmem:s19+$0xFFFFFF30] =	vst v63  }
0x40e: {  	[tilespmem:s19+$0xFFFFFF70] =	vst v33;
	v33 =	vadd.bf16 v50, v49;
	v52 =	vadd.bf16 v46, v57;
	v53 =	vunpack.i.l.bf16.f32 v21  }
0x40f: {  	v31 =	vor.u32 v38, v31;
	v28 =	vor.u32 v3, v28;
	v51 =	vld.idx.msk [tilespmem:v42+s10+$0x0], $0xffff;
	v21 =	vunpack.i.u.bf16.f32 v21;
	[tilespmem:s19+$0xFFFFFEB0] =	vst v53  }
0x410: {  	v28 =	vand.u32 $0x7F, v28;
	v43 =	vld.idx.msk [tilespmem:v43+s10+$0x0], $0xffff;
	[tilespmem:s19+$0xFFFFFEF0] =	vst v21;
	v56 =	vadd.bf16 v33, v55;
	v54 =	vunpack.i.l.bf16.f32 v52  }
0x411: {  	v22 =	vadd.bf16 v26, v22;
	v28 =	vor.u32 v35, v28;
	v57 =	vunpack.i.u.bf16.f32 v52;
	v58 =	vld.idx.msk [tilespmem:v41+s10+$0x0], $0xffff;
	[tilespmem:s19+$0xFFFFFE30] =	vst v54  }
0x412: {  	v59 =	vld.idx.msk [tilespmem:v34+s10+$0x0], $0xffff;
	[tilespmem:s19+$0xFFFFFE70] =	vst v57;
	v60 =	vunpack.i.l.bf16.f32 v56  }
0x413: {  	v20 =	vadd.bf16 v22, v20;
	v21 =	vunpack.i.u.bf16.f32 v56;
	v61 =	vld.idx.msk [tilespmem:v47+s10+$0x0], $0xffff;
	[tilespmem:s19+$0xFFFFFFB0] =	vst v60  }
0x414: {  	v32 =	vmul.bf16 v32, v7;
	v45 =	vmul.bf16 v45, v11;
	v36 =	vld.idx.msk [tilespmem:v31+s10+$0x0], $0xffff;
	[tilespmem:s19+$0xFFFFFFF0] =	vst v21  }
0x415: {  	v48 =	vmul.bf16 v40, v15;
	v63 =	vmul.bf16 v44, v7;
	v62 =	vadd.bf16 v43, v51;
	v19 =	vld.idx.msk [tilespmem:v19+s10+$0x0], $0xffff  }
0x416: {  	v24 =	vadd.bf16 v24, v25;
	v49 =	vmul.bf16 v18, v7;
	v50 =	vmul.bf16 v39, v11;
	v28 =	vld.idx.msk [tilespmem:v28+s10+$0x0], $0xffff  }
0x417: {  	v42 =	vunpack.i.l.bf16.f32 v23;
	v46 =	vunpack.i.u.bf16.f32 v20;
	v44 =	vadd.bf16 v62, v63  }
0x418: {  	v20 =	vunpack.i.l.bf16.f32 v20;
	v47 =	vmul.bf16 v37, v7;
	v33 =	vadd.bf16 v59, v58  }
0x419: {  	[tilespmem:s18+$0xFFFFFEC0] =	vst v42;
	v55 =	vmul.bf16 v29, v15;
	v41 =	vunpack.i.u.bf16.f32 v23;
	v22 =	vadd.bf16 v44, v45  }
0x41a: {  	[tilespmem:s18+$0xFFFFFFC0] =	vst v20;
	v52 =	vmul.bf16 v30, v11;
	v25 =	vadd.bf16 v36, v61;
	v51 =	vadd.bf16 v33, v47  }
0x41b: {  	[tilespmem:s18+$0x0] =	vst v46;
	v43 =	vunpack.i.u.bf16.f32 v24;
	v19 =	vadd.bf16 v28, v19;
	v22 =	vadd.bf16 v22, v48  }
0x41c: {  	[tilespmem:s18+$0xFFFFFF00] =	vst v41;
	v24 =	vunpack.i.l.bf16.f32 v24;
	v53 =	vadd.bf16 v25, v32;
	v54 =	vadd.bf16 v51, v50  }
0x41d: {  	v17 =	vmul.bf16 v17, v11;
	v57 =	vmul.bf16 v27, v15;
	[tilespmem:s18+$0xFFFFFE40] =	vst v24;
	v18 =	vadd.bf16 v19, v49  }
0x41e: {  	[tilespmem:s18+$0xFFFFFE80] =	vst v43;
	v56 =	vunpack.i.u.bf16.f32 v22;
	v23 =	vadd.bf16 v53, v52;
	v58 =	vadd.bf16 v54, v55  }
0x41f: {  	v16 =	vmul.bf16 v16, v15;
	v59 =	vunpack.i.l.bf16.f32 v22;
	[tilespmem:s19+$0xFFFFFF80] =	vst v56  }
0x420: {  	[tilespmem:s19+$0xFFFFFF40] =	vst v59;
	v17 =	vadd.bf16 v18, v17;
	v60 =	vadd.bf16 v23, v57;
	v61 =	vunpack.i.l.bf16.f32 v58  }
0x421: {  	v19 =	vunpack.i.u.bf16.f32 v58;
	[tilespmem:s19+$0xFFFFFEC0] =	vst v61  }
0x422: {  	s17 =	smul.u32 $0xC800, s17;
	v16 =	vadd.bf16 v17, v16;
	[tilespmem:s19+$0xFFFFFF00] =	vst v19;
	v62 =	vunpack.i.l.bf16.f32 v60  }
.Ltmp7:
0x423: {  	v17 =	vunpack.i.u.bf16.f32 v60;
	[tilespmem:s19+$0xFFFFFE40] =	vst v62;
	(pc) =	sbr.rel .LBB2_8-.Ltmp7, $4  }
0x424: {  	s17 =	sshrl.u32 s17, $0x3;
	v63 =	vunpack.i.l.bf16.f32 v16;
	[tilespmem:s19+$0xFFFFFE80] =	vst v17  }
0x425: {  	s17 =	sadd.s32 s9, s17;
	v16 =	vunpack.i.u.bf16.f32 v16;
	[tilespmem:s19+$0xFFFFFFC0] =	vst v63  }
0x426: {  	s17 =	sadd.s32 $0xC80, s17;
	[tilespmem:s19+$0x0] =	vst v16  }
0x427: {  	[hbm4b:s17+s10] =	stream.linear.scatter [tilespmem:s31], [sflag:$0x2], $0x6400, $0x38;
	[tilespmem:$0x1BA80] =	vst v63  }
.LBB2_10:
0x428: {  	_ =	sfence.sel $0x180000  }
0x429: {  	[bflag:$0x0] =	sbarrier.arrive $0xFFFF  }
0x42a: {  	_ =	strace $0x90000047  }
0x42b: {  	s0 =	stileid.u32;
	[bflag:$0x2] =	sbarrier.arrive $0xFFFF  }
0x42c: {  	p0 =	sne.s32 s0, $0x0;
	s0 =	rddreg [dreg:$0x8]  }
0x42d: {  	s0 =	sadd.s32 @!p0 $0x100000, s0  }
0x42e: {  	[sflag:s0] =	ssyncadd.tile.s32 @!p0 $0x1;
	_ =	shalt  }
.Lfunc_end2:
_tile_overlayer_lowered:
.L_overlay_start_2:
0x42f: {  	(tag) =	ssettag $0x2  }
0x430: {  	s0 =	rddreg [dreg:$0x0];
	s2 =	stileid.u32  }
0x431: {  	s1 =	rddreg [dreg:$0x1];
	p0 =	sne.s32 s2, $0x0  }
0x432: {  	s3 =	rddreg [dreg:$0x2];
	[bflag:$0x3] =	sbarrier.arrive $0xFFFF;
	s2 =	simm.s32 @!p0 $0x1C03  }
0x433: {  	[timem:s3], [sflag:s2] =	dma.local @!p0 [hbm:s0], s1  }
0x434: {  	s0 =	simm.s32 @!p0 $0x3  }
0x435: {  	_ =	swait.ge @!p0 [sflag:s0], s1  }
0x436: {  	s1 =	ssub.s32 @!p0 $0x0, s1;
	[sflag:s0] =	ssyncset.done @!p0 $0x0  }
0x437: {  	[sflag:s0] =	ssyncadd.s32 @!p0 s1  }
0x438: {  	[bflag:$0x3] =	sbarrier.arrive $0xFFFF  }
0x439: {  	_ =	shalt  }

</sc_bundles>
